<compile_context>
chip_gen: v7x
topology: tpu7x:2x2x1
jax: 0.10.2.dev20260603
libtpu: 0.0.44.dev20260713+nightly
codegen_flags: <defaults>
</compile_context>

<pallas_src>
import jax
import jax.numpy as jnp
from jax import lax
from jax.experimental import pallas as pl
from jax.experimental.pallas import tpu as pltpu
from jax.experimental.pallas import tpu_sc as plsc

N_NODES = 10000
N_EDGES = 320000
D_H = 128
D_X = 16
D_PACK = 128

NC = 2
NS = 16
NW = NC * NS

IDX_W = 128
IDX_ROWS = 2560
E_PAD = IDX_ROWS * IDX_W
ROWS_PER_W = IDX_ROWS // NW
CH_ROWS = 8
HALF_ROWS = 4
HALF_E = HALF_ROWS * IDX_W
QTR_ROWS = 2
QTR_E = QTR_ROWS * IDX_W
N_CH = ROWS_PER_W // CH_ROWS
N_ACC = 10240
STRIPE = N_ACC // NS
ACC_ROWS = STRIPE // IDX_W

_mesh = plsc.VectorSubcoreMesh(core_axis_name="c", subcore_axis_name="s")



def _gather_body(hp_hbm, src2_hbm, dst2_hbm, gs_hbm, gd_hbm,
                 sidx_v, didx_v, buf0, buf1, buf2, buf3, buf4, buf5,
                 gsem, wsem):
    c = lax.axis_index("c")
    s = lax.axis_index("s")
    wid = c * NS + s
    row0 = wid * ROWS_PER_W
    bufs = (buf0, buf1, buf2, buf3, buf4, buf5)
    NBUF = len(bufs)
    GDEPTH = 4

    def chunk(i, carry):
        rb = row0 + i * CH_ROWS
        pltpu.sync_copy(src2_hbm.at[pl.ds(rb, CH_ROWS)], sidx_v)
        pltpu.sync_copy(dst2_hbm.at[pl.ds(rb, CH_ROWS)], didx_v)
        glist, wlist = [], []

        def unit(u):
            return ((sidx_v, gs_hbm) if u < CH_ROWS else (didx_v, gd_hbm),
                    u % CH_ROWS)

        def drain(u):
            (idx_v, out_hbm), j = unit(u)
            glist[u].wait()
            eb = (rb + j) * IDX_W
            wlist.append(pltpu.async_copy(bufs[u % NBUF],
                                          out_hbm.at[pl.ds(eb, IDX_W)], wsem))

        for u in range(2 * CH_ROWS):
            if u >= NBUF:
                wlist[u - NBUF].wait()
            (idx_v, out_hbm), j = unit(u)
            glist.append(pltpu.async_copy(hp_hbm.at[idx_v.at[j]],
                                          bufs[u % NBUF], gsem))
            if u >= GDEPTH:
                drain(u - GDEPTH)
        for u in range(2 * CH_ROWS - GDEPTH, 2 * CH_ROWS):
            drain(u)
        for w in wlist[-NBUF:]:
            w.wait()
        return carry

    lax.fori_loop(0, N_CH, chunk, 0)


def _sc_gather(hpack, src2, dst2):
    f = pl.kernel(
        _gather_body,
        out_type=[
            jax.ShapeDtypeStruct((E_PAD, D_PACK), jnp.float32),
            jax.ShapeDtypeStruct((E_PAD, D_PACK), jnp.float32),
        ],
        mesh=_mesh,
        scratch_types=[
            pltpu.VMEM((CH_ROWS, IDX_W), jnp.int32),
            pltpu.VMEM((CH_ROWS, IDX_W), jnp.int32),
            pltpu.VMEM((IDX_W, D_PACK), jnp.float32),
            pltpu.VMEM((IDX_W, D_PACK), jnp.float32),
            pltpu.VMEM((IDX_W, D_PACK), jnp.float32),
            pltpu.VMEM((IDX_W, D_PACK), jnp.float32),
            pltpu.VMEM((IDX_W, D_PACK), jnp.float32),
            pltpu.VMEM((IDX_W, D_PACK), jnp.float32),
            pltpu.SemaphoreType.DMA,
            pltpu.SemaphoreType.DMA,
        ],
    )
    return f(hpack, src2, dst2)



def _scatter_body(m_hbm, cu_hbm, dst2_hbm, aidx_hbm, zh_hbm,
                  ph_hbm, px_hbm,
                  acc, aidx_v, didx_v, mbuf, cubuf, sem):
    c = lax.axis_index("c")
    s = lax.axis_index("s")
    wid = c * NS + s
    row0 = wid * ROWS_PER_W

    pltpu.sync_copy(aidx_hbm.at[s], aidx_v)
    pltpu.sync_copy(zh_hbm, mbuf)

    def zero_acc():
        for g in range(ACC_ROWS):
            pltpu.sync_copy(mbuf, acc.at[aidx_v.at[g]])

    def readback(out_hbm):
        for g in range(ACC_ROWS):
            ob = s * STRIPE + g * IDX_W
            pltpu.async_copy(acc.at[aidx_v.at[g]], mbuf, sem).wait()
            pltpu.sync_copy(mbuf, out_hbm.at[c].at[pl.ds(ob, IDX_W)])

    zero_acc()
    plsc.subcore_barrier()

    def chunk_m(i, carry):
        rb = row0 + i * CH_ROWS
        pltpu.sync_copy(dst2_hbm.at[pl.ds(rb, CH_ROWS)], didx_v)
        for k in range(CH_ROWS):
            eb = (rb + k) * IDX_W
            pltpu.sync_copy(m_hbm.at[pl.ds(eb, IDX_W)], mbuf)
            pltpu.sync_copy(mbuf, acc.at[didx_v.at[k]], add=True)
        return carry

    lax.fori_loop(0, N_CH, chunk_m, 0)
    plsc.subcore_barrier()
    readback(ph_hbm)
    plsc.subcore_barrier()

    pltpu.sync_copy(zh_hbm, mbuf)
    zero_acc()
    plsc.subcore_barrier()

    def chunk_x(i, carry):
        rb = row0 + i * CH_ROWS
        pltpu.sync_copy(dst2_hbm.at[pl.ds(rb, CH_ROWS)], didx_v)
        for k in range(CH_ROWS):
            eb = (rb + k) * IDX_W
            pltpu.sync_copy(cu_hbm.at[pl.ds(eb, IDX_W)], cubuf)

            def expand(r, carry2):
                mbuf[r, pl.ds(0, D_X)] = cubuf[r, pl.ds(0, D_X)]
                return carry2

            lax.fori_loop(0, IDX_W, expand, 0)
            pltpu.sync_copy(mbuf, acc.at[didx_v.at[k]], add=True)
        return carry

    lax.fori_loop(0, N_CH, chunk_x, 0)
    plsc.subcore_barrier()
    readback(px_hbm)


def _sc_scatter(m, cu, dst2, aidx, zh):
    f = pl.kernel(
        _scatter_body,
        out_type=[
            jax.ShapeDtypeStruct((NC, N_ACC, D_H), jnp.float32),
            jax.ShapeDtypeStruct((NC, N_ACC, D_H), jnp.float32),
        ],
        mesh=_mesh,
        scratch_types=[
            pltpu.VMEM_SHARED((N_ACC, D_H), jnp.float32),
            pltpu.VMEM((8, IDX_W), jnp.int32),
            pltpu.VMEM((CH_ROWS, IDX_W), jnp.int32),
            pltpu.VMEM((IDX_W, D_H), jnp.float32),
            pltpu.VMEM((IDX_W, D_X), jnp.float32),
            pltpu.SemaphoreType.DMA,
        ],
    )
    return f(m, cu, dst2, aidx, zh)



EB = 2048


def _unpack_bf16(g):
    u = lax.bitcast_convert_type(g, jnp.int32)
    lo = lax.bitcast_convert_type(u << 16, jnp.float32)
    hi = lax.bitcast_convert_type(
        u & jnp.int32(-65536), jnp.float32)
    return lo.astype(jnp.bfloat16), hi.astype(jnp.bfloat16)


def _edge_body(gs_ref, gd_ref, d_ref,
               We1_ref, be1_ref, We2_ref, be2_ref,
               Wn1ae_ref, Wn1ao_ref, Wn1be_ref, Wn1bo_ref,
               Wn1c_ref, bn1_ref, Wn2_ref, bn2_ref,
               Wc1ae_ref, Wc1ao_ref, Wc1be_ref, Wc1bo_ref,
               Wc1c_ref, bc1_ref, Wc2_ref,
               m_ref, cu_ref):
    gs = gs_ref[...]
    gd = gd_ref[...]
    hse, hso = _unpack_bf16(gs[:, :D_H // 2])
    hde, hdo = _unpack_bf16(gd[:, :D_H // 2])
    xs = gs[:, D_H // 2:D_H // 2 + D_X]
    xd = gd[:, D_H // 2:D_H // 2 + D_X]
    d = d_ref[...]

    ea = jax.nn.silu(d * We1_ref[...] + be1_ref[...])
    ea = jnp.dot(ea, We2_ref[...], preferred_element_type=jnp.float32)
    ea = ea + be2_ref[...]

    f32 = jnp.float32
    pre_n = (jnp.dot(hse, Wn1ae_ref[...], preferred_element_type=f32)
             + jnp.dot(hso, Wn1ao_ref[...], preferred_element_type=f32)
             + jnp.dot(hde, Wn1be_ref[...], preferred_element_type=f32)
             + jnp.dot(hdo, Wn1bo_ref[...], preferred_element_type=f32)
             + jnp.dot(ea, Wn1c_ref[...], preferred_element_type=f32)
             + bn1_ref[...])
    m = jnp.dot(jax.nn.silu(pre_n).astype(jnp.bfloat16), Wn2_ref[...],
                preferred_element_type=f32) + bn2_ref[...]
    m_ref[...] = m

    pre_c = (jnp.dot(hse, Wc1ae_ref[...], preferred_element_type=f32)
             + jnp.dot(hso, Wc1ao_ref[...], preferred_element_type=f32)
             + jnp.dot(hde, Wc1be_ref[...], preferred_element_type=f32)
             + jnp.dot(hdo, Wc1bo_ref[...], preferred_element_type=f32)
             + jnp.dot(ea, Wc1c_ref[...], preferred_element_type=f32)
             + bc1_ref[...])
    w = jnp.dot(jax.nn.silu(pre_c), Wc2_ref[...],
                preferred_element_type=f32)

    dirv = xs - xd
    n2 = jnp.sum(dirv * dirv, axis=1, keepdims=True)
    dlen = jnp.maximum(jnp.sqrt(n2), 1e-8)
    cu_ref[...] = (w / dlen) * dirv


def _tc_edge(gs, gd, d2, wdict):
    nb = E_PAD // EB
    full = lambda shape: pl.BlockSpec(shape, lambda i: tuple(0 for _ in shape))
    in_specs = [
        pl.BlockSpec((EB, D_PACK), lambda i: (i, 0)),
        pl.BlockSpec((EB, D_PACK), lambda i: (i, 0)),
        pl.BlockSpec((EB, 1), lambda i: (i, 0)),
        full((1, 16)), full((1, 16)), full((16, 16)), full((1, 16)),
        full((D_H // 2, D_H)), full((D_H // 2, D_H)),
        full((D_H // 2, D_H)), full((D_H // 2, D_H)),
        full((16, D_H)), full((1, D_H)),
        full((D_H, D_H)), full((1, D_H)),
        full((D_H // 2, D_H)), full((D_H // 2, D_H)),
        full((D_H // 2, D_H)), full((D_H // 2, D_H)),
        full((16, D_H)), full((1, D_H)),
        full((D_H, 1)),
    ]
    return pl.pallas_call(
        _edge_body,
        grid=(nb,),
        in_specs=in_specs,
        out_specs=[
            pl.BlockSpec((EB, D_H), lambda i: (i, 0)),
            pl.BlockSpec((EB, D_X), lambda i: (i, 0)),
        ],
        out_shape=[
            jax.ShapeDtypeStruct((E_PAD, D_H), jnp.float32),
            jax.ShapeDtypeStruct((E_PAD, D_X), jnp.float32),
        ],
    )(gs, gd, d2, *wdict)



def _combine_body(h_ref, ph0_ref, ph1_ref, x_ref, px0_ref, px1_ref,
                  hout_ref, xout_ref):
    hout_ref[...] = h_ref[...] + ph0_ref[...] + ph1_ref[...]
    xs = px0_ref[...] + px1_ref[...]
    xout_ref[...] = x_ref[...] + xs[:, :3]


def _tc_combine(h, ph0, ph1, x, px0, px1):
    return pl.pallas_call(
        _combine_body,
        out_shape=[
            jax.ShapeDtypeStruct((N_NODES, D_H), jnp.float32),
            jax.ShapeDtypeStruct((N_NODES, 3), jnp.float32),
        ],
    )(h, ph0, ph1, x, px0, px1)



def kernel(h, x, edge_index, edge_dist,
           We1, be1, We2, be2, Wn1, bn1, Wn2, bn2, Wc1, bc1, Wc2):
    pad = E_PAD - N_EDGES
    h2 = jax.lax.bitcast_convert_type(
        h.astype(jnp.bfloat16).reshape(N_NODES, D_H // 2, 2), jnp.float32)
    hpack = jnp.concatenate(
        [h2, x, jnp.zeros((N_NODES, D_PACK - D_H // 2 - 3), jnp.float32)],
        axis=1)
    src2 = jnp.concatenate(
        [edge_index[0], jnp.zeros((pad,), jnp.int32)]).reshape(IDX_ROWS, IDX_W)
    dst2 = jnp.concatenate(
        [edge_index[1], jnp.full((pad,), N_NODES, jnp.int32)]
    ).reshape(IDX_ROWS, IDX_W)
    d2 = jnp.concatenate(
        [edge_dist, jnp.zeros((pad,), jnp.float32)]).reshape(E_PAD, 1)

    gs, gd = _sc_gather(hpack, src2, dst2)

    bf = jnp.bfloat16
    Wn1a, Wn1b = Wn1[:D_H].astype(bf), Wn1[D_H:2 * D_H].astype(bf)
    Wc1a, Wc1b = Wc1[:D_H].astype(bf), Wc1[D_H:2 * D_H].astype(bf)
    weights = (
        We1, be1.reshape(1, 16), We2, be2.reshape(1, 16),
        Wn1a[0::2], Wn1a[1::2], Wn1b[0::2], Wn1b[1::2],
        Wn1[2 * D_H:], bn1.reshape(1, D_H),
        Wn2.astype(bf), bn2.reshape(1, D_H),
        Wc1a[0::2], Wc1a[1::2], Wc1b[0::2], Wc1b[1::2],
        Wc1[2 * D_H:], bc1.reshape(1, D_H),
        Wc2,
    )
    m, cu = _tc_edge(gs, gd, d2, weights)

    aidx = jnp.arange(N_ACC, dtype=jnp.int32).reshape(NS, ACC_ROWS, IDX_W)
    aidx = jnp.concatenate(
        [aidx, jnp.zeros((NS, 8 - ACC_ROWS, IDX_W), jnp.int32)], axis=1)
    zh = jnp.zeros((IDX_W, D_H), jnp.float32)
    ph, px = _sc_scatter(m, cu, dst2, aidx, zh)

    return _tc_combine(h, ph[0, :N_NODES], ph[1, :N_NODES],
                       x, px[0, :N_NODES], px[1, :N_NODES])

# --- scband reference (transcript-rebuilt; emitter-appended) ---
"""Pipeline reference for scband-core-folding-v41-11287174054532 (READ-ONLY COPY).

The authoritative reference and input builder live on the scoring server;
editing this copy changes nothing except your own understanding.
"""

import jax, jax.numpy as jnp
import numpy as np

N_NODES = 10000
N_EDGES = 320000
NODE_DIM = 128
HIDDEN_DIM = 128
EDGE_DIM = 16


def setup_inputs(seed: int = 0) -> dict:
    key = jax.random.key(seed)
    ks = jax.random.split(key, 20)
    h = jax.random.normal(ks[0], (N_NODES, NODE_DIM), dtype=jnp.float32)
    x = jax.random.normal(ks[1], (N_NODES, 3), dtype=jnp.float32)
    edge_index = jax.random.randint(ks[2], (2, N_EDGES), 0, N_NODES, dtype=jnp.int32)
    edge_dist = jax.random.uniform(ks[3], (N_EDGES,), dtype=jnp.float32, minval=0.0, maxval=1.0)
    s = 0.02
    # edge_mlp: Linear(1->16), SiLU, Linear(16->16)
    We1 = jax.random.normal(ks[4], (1, EDGE_DIM), dtype=jnp.float32) * s
    be1 = jnp.zeros((EDGE_DIM,), dtype=jnp.float32)
    We2 = jax.random.normal(ks[5], (EDGE_DIM, EDGE_DIM), dtype=jnp.float32) * s
    be2 = jnp.zeros((EDGE_DIM,), dtype=jnp.float32)
    # node_mlp: Linear(2*node_dim+edge_dim -> hidden), SiLU, Linear(hidden -> node_dim)
    Wn1 = jax.random.normal(ks[6], (2 * NODE_DIM + EDGE_DIM, HIDDEN_DIM), dtype=jnp.float32) * s
    bn1 = jnp.zeros((HIDDEN_DIM,), dtype=jnp.float32)
    Wn2 = jax.random.normal(ks[7], (HIDDEN_DIM, NODE_DIM), dtype=jnp.float32) * s
    bn2 = jnp.zeros((NODE_DIM,), dtype=jnp.float32)
    # coord_mlp: Linear(2*node_dim+edge_dim -> hidden), SiLU, Linear(hidden -> 1, no bias)
    Wc1 = jax.random.normal(ks[8], (2 * NODE_DIM + EDGE_DIM, HIDDEN_DIM), dtype=jnp.float32) * s
    bc1 = jnp.zeros((HIDDEN_DIM,), dtype=jnp.float32)
    Wc2 = jax.random.normal(ks[9], (HIDDEN_DIM, 1), dtype=jnp.float32) * s
    return {
        'h': h, 'x': x, 'edge_index': edge_index, 'edge_dist': edge_dist,
        'We1': We1, 'be1': be1, 'We2': We2, 'be2': be2,
        'Wn1': Wn1, 'bn1': bn1, 'Wn2': Wn2, 'bn2': bn2,
        'Wc1': Wc1, 'bc1': bc1, 'Wc2': Wc2,
    }


def reference(h, x, edge_index, edge_dist, We1, be1, We2, be2, Wn1, bn1, Wn2, bn2, Wc1, bc1, Wc2):
    src = edge_index[0]
    dst = edge_index[1]
    # edge_mlp
    ea = edge_dist[:, None] @ We1 + be1
    ea = jax.nn.silu(ea)
    edge_attr = ea @ We2 + be2
    # gather node features along edges
    h_src = jnp.take(h, src, axis=0)
    h_dst = jnp.take(h, dst, axis=0)
    m_input = jnp.concatenate([h_src, h_dst, edge_attr], axis=-1)
    # node_mlp
    m = jax.nn.silu(m_input @ Wn1 + bn1) @ Wn2 + bn2
    h_agg = jax.ops.segment_sum(m, dst, num_segments=h.shape[0])
    # coord_mlp
    coord_weight = jax.nn.silu(m_input @ Wc1 + bc1) @ Wc2
    dir_vec = jnp.take(x, src, axis=0) - jnp.take(x, dst, axis=0)
    dir_len = jnp.maximum(jnp.linalg.norm(dir_vec, axis=-1, keepdims=True), 1e-08)
    dir_unit = dir_vec / dir_len
    coord_update = coord_weight * dir_unit
    x_agg = jax.ops.segment_sum(coord_update, dst, num_segments=x.shape[0])
    return (h + h_agg, x + x_agg)

if __name__ == "__main__":
    import jax
    _d = setup_inputs()
    print(jax.jit(kernel)(*tuple(_d.values())))

</pallas_src>

<mosaic_0001>
#map = affine_map<(d0, d1) -> (0, 0)>
module attributes {stable_mosaic.version = 14 : i64} {
  func.func @_gather_body(%arg0: i32, %arg1: i32, %arg2: memref<10000x128xf32, #tpu.memory_space<hbm>>, %arg3: memref<2560x128xi32, #tpu.memory_space<hbm>>, %arg4: memref<2560x128xi32, #tpu.memory_space<hbm>>, %arg5: memref<327680x128xf32, #tpu.memory_space<hbm>>, %arg6: memref<327680x128xf32, #tpu.memory_space<hbm>>, %arg7: memref<8x128xi32, #tpu.memory_space<vmem>>, %arg8: memref<8x128xi32, #tpu.memory_space<vmem>>, %arg9: memref<128x128xf32, #tpu.memory_space<vmem>>, %arg10: memref<128x128xf32, #tpu.memory_space<vmem>>, %arg11: memref<128x128xf32, #tpu.memory_space<vmem>>, %arg12: memref<128x128xf32, #tpu.memory_space<vmem>>, %arg13: memref<128x128xf32, #tpu.memory_space<vmem>>, %arg14: memref<128x128xf32, #tpu.memory_space<vmem>>, %arg15: memref<!tpu.dma_semaphore, #tpu.memory_space<semaphore_mem>>, %arg16: memref<!tpu.dma_semaphore, #tpu.memory_space<semaphore_mem>>) attributes {dimension_semantics = [#tpu.dimension_semantics<core_parallel>, #tpu.dimension_semantics<subcore_parallel>], iteration_bounds = array<i64: 2, 16>, scalar_prefetch = 0 : i64, scratch_operands = 10 : i64, tpu.core_type = #tpu.core_type<sc_vector_subcore>, window_params = [{transform_indices = #map}, {transform_indices = #map}, {transform_indices = #map}, {transform_indices = #map}, {transform_indices = #map}]} {
    %mul3A = arith.constant 16 : i32
    %mul3A_0 = arith.muli %arg0, %mul3A : i32
    %add3A = arith.addi %mul3A_0, %arg1 : i32
    %mul3A_1 = arith.constant 80 : i32
    %mul3A_2 = arith.muli %add3A, %mul3A_1 : i32
    %scan3A = arith.constant 0 : i32
    %scan3A_3 = arith.constant 0 : i32
    %scan3A_4 = arith.constant 10 : i32
    %scan3A_5 = arith.addi %scan3A_3, %scan3A_4 : i32
    %scan3A_6 = arith.constant 1 : i32
    scf.for %scan3A_8 = %scan3A_3 to %scan3A_5 step %scan3A_6  : i32 {
      %mul3A_9 = arith.constant 8 : i32
      %mul3A_10 = arith.muli %scan3A_8, %mul3A_9 : i32
      %add3A_11 = arith.addi %mul3A_2, %mul3A_10 : i32
      "tpu.region"() ({
        %run_scoped3A = tpu.sem_alloc : memref<!tpu.dma_semaphore, #tpu.memory_space<semaphore_mem>>
        %dma_start3A_426 = arith.constant 0 : i32
        %dma_start3A_427 = tpu.memref_slice %arg3[%add3A_11, %dma_start3A_426] : memref<2560x128xi32, #tpu.memory_space<hbm>> -> memref<8x128xi32, #tpu.memory_space<hbm>>
        %dma_start3A_428 = arith.constant 0 : i32
        %dma_start3A_429 = tpu.memref_slice %arg3[%add3A_11, %dma_start3A_428] : memref<2560x128xi32, #tpu.memory_space<hbm>> -> memref<8x128xi32, #tpu.memory_space<hbm>>
        tpu.enqueue_dma source(%dma_start3A_429 : memref<8x128xi32, #tpu.memory_space<hbm>>) target(%arg7 : memref<8x128xi32, #tpu.memory_space<vmem>>) target_semaphore(%run_scoped3A : memref<!tpu.dma_semaphore, #tpu.memory_space<semaphore_mem>>)
        %dma_wait3A_430 = arith.constant 0 : i32
        %dma_wait3A_431 = tpu.memref_slice %arg3[%add3A_11, %dma_wait3A_430] : memref<2560x128xi32, #tpu.memory_space<hbm>> -> memref<8x128xi32, #tpu.memory_space<hbm>>
        %dma_wait3A_432 = arith.constant 0 : i32
        %dma_wait3A_433 = tpu.memref_slice %arg3[%add3A_11, %dma_wait3A_432] : memref<2560x128xi32, #tpu.memory_space<hbm>> -> memref<8x128xi32, #tpu.memory_space<hbm>>
        tpu.wait_dma2 semaphore(%run_scoped3A : memref<!tpu.dma_semaphore, #tpu.memory_space<semaphore_mem>>) src(%dma_wait3A_433 : memref<8x128xi32, #tpu.memory_space<hbm>>) dst(%arg7 : memref<8x128xi32, #tpu.memory_space<vmem>>)
        tpu.yield
      }) : () -> ()
      "tpu.region"() ({
        %run_scoped3A = tpu.sem_alloc : memref<!tpu.dma_semaphore, #tpu.memory_space<semaphore_mem>>
        %dma_start3A_426 = arith.constant 0 : i32
        %dma_start3A_427 = tpu.memref_slice %arg4[%add3A_11, %dma_start3A_426] : memref<2560x128xi32, #tpu.memory_space<hbm>> -> memref<8x128xi32, #tpu.memory_space<hbm>>
        %dma_start3A_428 = arith.constant 0 : i32
        %dma_start3A_429 = tpu.memref_slice %arg4[%add3A_11, %dma_start3A_428] : memref<2560x128xi32, #tpu.memory_space<hbm>> -> memref<8x128xi32, #tpu.memory_space<hbm>>
        tpu.enqueue_dma source(%dma_start3A_429 : memref<8x128xi32, #tpu.memory_space<hbm>>) target(%arg8 : memref<8x128xi32, #tpu.memory_space<vmem>>) target_semaphore(%run_scoped3A : memref<!tpu.dma_semaphore, #tpu.memory_space<semaphore_mem>>)
        %dma_wait3A_430 = arith.constant 0 : i32
        %dma_wait3A_431 = tpu.memref_slice %arg4[%add3A_11, %dma_wait3A_430] : memref<2560x128xi32, #tpu.memory_space<hbm>> -> memref<8x128xi32, #tpu.memory_space<hbm>>
        %dma_wait3A_432 = arith.constant 0 : i32
        %dma_wait3A_433 = tpu.memref_slice %arg4[%add3A_11, %dma_wait3A_432] : memref<2560x128xi32, #tpu.memory_space<hbm>> -> memref<8x128xi32, #tpu.memory_space<hbm>>
        tpu.wait_dma2 semaphore(%run_scoped3A : memref<!tpu.dma_semaphore, #tpu.memory_space<semaphore_mem>>) src(%dma_wait3A_433 : memref<8x128xi32, #tpu.memory_space<hbm>>) dst(%arg8 : memref<8x128xi32, #tpu.memory_space<vmem>>)
        tpu.yield
      }) : () -> ()
      %dma_start3A = arith.constant 0 : i32
      %dma_start3A_12 = arith.constant 0 : i32
      %dma_start3A_13 = tpu.memref_slice %arg7[%dma_start3A, %dma_start3A_12] : memref<8x128xi32, #tpu.memory_space<vmem>> -> memref<1x128xi32, #tpu.memory_space<vmem>>
      %dma_start3A_14 = tpu.memref_squeeze %dma_start3A_13 : memref<1x128xi32, #tpu.memory_space<vmem>> -> memref<128xi32, #tpu.memory_space<vmem>>
      %dma_start3A_15 = arith.constant 0 : i32
      %dma_start3A_16 = arith.constant 0 : i32
      %dma_start3A_17 = tpu.memref_slice %arg2[%dma_start3A_15, %dma_start3A_16] : memref<10000x128xf32, #tpu.memory_space<hbm>> -> memref<10000x128xf32, #tpu.memory_space<hbm>>
      tpu.enqueue_indirect_dma source(%dma_start3A_17 : memref<10000x128xf32, #tpu.memory_space<hbm>>) target(%arg9 : memref<128x128xf32, #tpu.memory_space<vmem>>) offsets(%dma_start3A_14 : memref<128xi32, #tpu.memory_space<vmem>>) semaphore(%arg15 : memref<!tpu.dma_semaphore, #tpu.memory_space<semaphore_mem>>)
      %dma_start3A_18 = arith.constant 1 : i32
      %dma_start3A_19 = arith.constant 0 : i32
      %dma_start3A_20 = tpu.memref_slice %arg7[%dma_start3A_18, %dma_start3A_19] : memref<8x128xi32, #tpu.memory_space<vmem>> -> memref<1x128xi32, #tpu.memory_space<vmem>>
      %dma_start3A_21 = tpu.memref_squeeze %dma_start3A_20 : memref<1x128xi32, #tpu.memory_space<vmem>> -> memref<128xi32, #tpu.memory_space<vmem>>
      %dma_start3A_22 = arith.constant 0 : i32
      %dma_start3A_23 = arith.constant 0 : i32
      %dma_start3A_24 = tpu.memref_slice %arg2[%dma_start3A_22, %dma_start3A_23] : memref<10000x128xf32, #tpu.memory_space<hbm>> -> memref<10000x128xf32, #tpu.memory_space<hbm>>
      tpu.enqueue_indirect_dma source(%dma_start3A_24 : memref<10000x128xf32, #tpu.memory_space<hbm>>) target(%arg10 : memref<128x128xf32, #tpu.memory_space<vmem>>) offsets(%dma_start3A_21 : memref<128xi32, #tpu.memory_space<vmem>>) semaphore(%arg15 : memref<!tpu.dma_semaphore, #tpu.memory_space<semaphore_mem>>)
      %dma_start3A_25 = arith.constant 2 : i32
      %dma_start3A_26 = arith.constant 0 : i32
      %dma_start3A_27 = tpu.memref_slice %arg7[%dma_start3A_25, %dma_start3A_26] : memref<8x128xi32, #tpu.memory_space<vmem>> -> memref<1x128xi32, #tpu.memory_space<vmem>>
      %dma_start3A_28 = tpu.memref_squeeze %dma_start3A_27 : memref<1x128xi32, #tpu.memory_space<vmem>> -> memref<128xi32, #tpu.memory_space<vmem>>
      %dma_start3A_29 = arith.constant 0 : i32
      %dma_start3A_30 = arith.constant 0 : i32
      %dma_start3A_31 = tpu.memref_slice %arg2[%dma_start3A_29, %dma_start3A_30] : memref<10000x128xf32, #tpu.memory_space<hbm>> -> memref<10000x128xf32, #tpu.memory_space<hbm>>
      tpu.enqueue_indirect_dma source(%dma_start3A_31 : memref<10000x128xf32, #tpu.memory_space<hbm>>) target(%arg11 : memref<128x128xf32, #tpu.memory_space<vmem>>) offsets(%dma_start3A_28 : memref<128xi32, #tpu.memory_space<vmem>>) semaphore(%arg15 : memref<!tpu.dma_semaphore, #tpu.memory_space<semaphore_mem>>)
      %dma_start3A_32 = arith.constant 3 : i32
      %dma_start3A_33 = arith.constant 0 : i32
      %dma_start3A_34 = tpu.memref_slice %arg7[%dma_start3A_32, %dma_start3A_33] : memref<8x128xi32, #tpu.memory_space<vmem>> -> memref<1x128xi32, #tpu.memory_space<vmem>>
      %dma_start3A_35 = tpu.memref_squeeze %dma_start3A_34 : memref<1x128xi32, #tpu.memory_space<vmem>> -> memref<128xi32, #tpu.memory_space<vmem>>
      %dma_start3A_36 = arith.constant 0 : i32
      %dma_start3A_37 = arith.constant 0 : i32
      %dma_start3A_38 = tpu.memref_slice %arg2[%dma_start3A_36, %dma_start3A_37] : memref<10000x128xf32, #tpu.memory_space<hbm>> -> memref<10000x128xf32, #tpu.memory_space<hbm>>
      tpu.enqueue_indirect_dma source(%dma_start3A_38 : memref<10000x128xf32, #tpu.memory_space<hbm>>) target(%arg12 : memref<128x128xf32, #tpu.memory_space<vmem>>) offsets(%dma_start3A_35 : memref<128xi32, #tpu.memory_space<vmem>>) semaphore(%arg15 : memref<!tpu.dma_semaphore, #tpu.memory_space<semaphore_mem>>)
      %dma_start3A_39 = arith.constant 4 : i32
      %dma_start3A_40 = arith.constant 0 : i32
      %dma_start3A_41 = tpu.memref_slice %arg7[%dma_start3A_39, %dma_start3A_40] : memref<8x128xi32, #tpu.memory_space<vmem>> -> memref<1x128xi32, #tpu.memory_space<vmem>>
      %dma_start3A_42 = tpu.memref_squeeze %dma_start3A_41 : memref<1x128xi32, #tpu.memory_space<vmem>> -> memref<128xi32, #tpu.memory_space<vmem>>
      %dma_start3A_43 = arith.constant 0 : i32
      %dma_start3A_44 = arith.constant 0 : i32
      %dma_start3A_45 = tpu.memref_slice %arg2[%dma_start3A_43, %dma_start3A_44] : memref<10000x128xf32, #tpu.memory_space<hbm>> -> memref<10000x128xf32, #tpu.memory_space<hbm>>
      tpu.enqueue_indirect_dma source(%dma_start3A_45 : memref<10000x128xf32, #tpu.memory_space<hbm>>) target(%arg13 : memref<128x128xf32, #tpu.memory_space<vmem>>) offsets(%dma_start3A_42 : memref<128xi32, #tpu.memory_space<vmem>>) semaphore(%arg15 : memref<!tpu.dma_semaphore, #tpu.memory_space<semaphore_mem>>)
      %dma_wait3A = arith.constant 0 : i32
      %dma_wait3A_46 = arith.constant 0 : i32
      %dma_wait3A_47 = tpu.memref_slice %arg7[%dma_wait3A, %dma_wait3A_46] : memref<8x128xi32, #tpu.memory_space<vmem>> -> memref<1x128xi32, #tpu.memory_space<vmem>>
      %dma_wait3A_48 = tpu.memref_squeeze %dma_wait3A_47 : memref<1x128xi32, #tpu.memory_space<vmem>> -> memref<128xi32, #tpu.memory_space<vmem>>
      %dma_wait3A_49 = arith.constant 0 : i32
      %dma_wait3A_50 = arith.constant 0 : i32
      %dma_wait3A_51 = tpu.memref_slice %arg2[%dma_wait3A_49, %dma_wait3A_50] : memref<10000x128xf32, #tpu.memory_space<hbm>> -> memref<10000x128xf32, #tpu.memory_space<hbm>>
      tpu.wait_indirect_dma semaphore(%arg15 : memref<!tpu.dma_semaphore, #tpu.memory_space<semaphore_mem>>) src(%dma_wait3A_51 : memref<10000x128xf32, #tpu.memory_space<hbm>>) dst(%arg9 : memref<128x128xf32, #tpu.memory_space<vmem>>)
      %add3A_52 = arith.constant 0 : i32
      %add3A_53 = arith.addi %add3A_11, %add3A_52 : i32
      %mul3A_54 = arith.constant 128 : i32
      %mul3A_55 = arith.muli %add3A_53, %mul3A_54 : i32
      %dma_start3A_56 = arith.constant 0 : i32
      %dma_start3A_57 = tpu.memref_slice %arg5[%mul3A_55, %dma_start3A_56] : memref<327680x128xf32, #tpu.memory_space<hbm>> -> memref<128x128xf32, #tpu.memory_space<hbm>>
      %dma_start3A_58 = arith.constant 0 : i32
      %dma_start3A_59 = tpu.memref_slice %arg5[%mul3A_55, %dma_start3A_58] : memref<327680x128xf32, #tpu.memory_space<hbm>> -> memref<128x128xf32, #tpu.memory_space<hbm>>
      tpu.enqueue_dma source(%arg9 : memref<128x128xf32, #tpu.memory_space<vmem>>) target(%dma_start3A_59 : memref<128x128xf32, #tpu.memory_space<hbm>>) target_semaphore(%arg16 : memref<!tpu.dma_semaphore, #tpu.memory_space<semaphore_mem>>)
      %dma_start3A_60 = arith.constant 5 : i32
      %dma_start3A_61 = arith.constant 0 : i32
      %dma_start3A_62 = tpu.memref_slice %arg7[%dma_start3A_60, %dma_start3A_61] : memref<8x128xi32, #tpu.memory_space<vmem>> -> memref<1x128xi32, #tpu.memory_space<vmem>>
      %dma_start3A_63 = tpu.memref_squeeze %dma_start3A_62 : memref<1x128xi32, #tpu.memory_space<vmem>> -> memref<128xi32, #tpu.memory_space<vmem>>
      %dma_start3A_64 = arith.constant 0 : i32
      %dma_start3A_65 = arith.constant 0 : i32
      %dma_start3A_66 = tpu.memref_slice %arg2[%dma_start3A_64, %dma_start3A_65] : memref<10000x128xf32, #tpu.memory_space<hbm>> -> memref<10000x128xf32, #tpu.memory_space<hbm>>
      tpu.enqueue_indirect_dma source(%dma_start3A_66 : memref<10000x128xf32, #tpu.memory_space<hbm>>) target(%arg14 : memref<128x128xf32, #tpu.memory_space<vmem>>) offsets(%dma_start3A_63 : memref<128xi32, #tpu.memory_space<vmem>>) semaphore(%arg15 : memref<!tpu.dma_semaphore, #tpu.memory_space<semaphore_mem>>)
      %dma_wait3A_67 = arith.constant 1 : i32
      %dma_wait3A_68 = arith.constant 0 : i32
      %dma_wait3A_69 = tpu.memref_slice %arg7[%dma_wait3A_67, %dma_wait3A_68] : memref<8x128xi32, #tpu.memory_space<vmem>> -> memref<1x128xi32, #tpu.memory_space<vmem>>
      %dma_wait3A_70 = tpu.memref_squeeze %dma_wait3A_69 : memref<1x128xi32, #tpu.memory_space<vmem>> -> memref<128xi32, #tpu.memory_space<vmem>>
      %dma_wait3A_71 = arith.constant 0 : i32
      %dma_wait3A_72 = arith.constant 0 : i32
      %dma_wait3A_73 = tpu.memref_slice %arg2[%dma_wait3A_71, %dma_wait3A_72] : memref<10000x128xf32, #tpu.memory_space<hbm>> -> memref<10000x128xf32, #tpu.memory_space<hbm>>
      tpu.wait_indirect_dma semaphore(%arg15 : memref<!tpu.dma_semaphore, #tpu.memory_space<semaphore_mem>>) src(%dma_wait3A_73 : memref<10000x128xf32, #tpu.memory_space<hbm>>) dst(%arg10 : memref<128x128xf32, #tpu.memory_space<vmem>>)
      %add3A_74 = arith.constant 1 : i32
      %add3A_75 = arith.addi %add3A_11, %add3A_74 : i32
      %mul3A_76 = arith.constant 128 : i32
      %mul3A_77 = arith.muli %add3A_75, %mul3A_76 : i32
      %dma_start3A_78 = arith.constant 0 : i32
      %dma_start3A_79 = tpu.memref_slice %arg5[%mul3A_77, %dma_start3A_78] : memref<327680x128xf32, #tpu.memory_space<hbm>> -> memref<128x128xf32, #tpu.memory_space<hbm>>
      %dma_start3A_80 = arith.constant 0 : i32
      %dma_start3A_81 = tpu.memref_slice %arg5[%mul3A_77, %dma_start3A_80] : memref<327680x128xf32, #tpu.memory_space<hbm>> -> memref<128x128xf32, #tpu.memory_space<hbm>>
      tpu.enqueue_dma source(%arg10 : memref<128x128xf32, #tpu.memory_space<vmem>>) target(%dma_start3A_81 : memref<128x128xf32, #tpu.memory_space<hbm>>) target_semaphore(%arg16 : memref<!tpu.dma_semaphore, #tpu.memory_space<semaphore_mem>>)
      %dma_wait3A_82 = arith.constant 0 : i32
      %dma_wait3A_83 = tpu.memref_slice %arg5[%mul3A_55, %dma_wait3A_82] : memref<327680x128xf32, #tpu.memory_space<hbm>> -> memref<128x128xf32, #tpu.memory_space<hbm>>
      %dma_wait3A_84 = arith.constant 0 : i32
      %dma_wait3A_85 = tpu.memref_slice %arg5[%mul3A_55, %dma_wait3A_84] : memref<327680x128xf32, #tpu.memory_space<hbm>> -> memref<128x128xf32, #tpu.memory_space<hbm>>
      tpu.wait_dma2 semaphore(%arg16 : memref<!tpu.dma_semaphore, #tpu.memory_space<semaphore_mem>>) src(%arg9 : memref<128x128xf32, #tpu.memory_space<vmem>>) dst(%dma_wait3A_85 : memref<128x128xf32, #tpu.memory_space<hbm>>)
      %dma_start3A_86 = arith.constant 6 : i32
      %dma_start3A_87 = arith.constant 0 : i32
      %dma_start3A_88 = tpu.memref_slice %arg7[%dma_start3A_86, %dma_start3A_87] : memref<8x128xi32, #tpu.memory_space<vmem>> -> memref<1x128xi32, #tpu.memory_space<vmem>>
      %dma_start3A_89 = tpu.memref_squeeze %dma_start3A_88 : memref<1x128xi32, #tpu.memory_space<vmem>> -> memref<128xi32, #tpu.memory_space<vmem>>
      %dma_start3A_90 = arith.constant 0 : i32
      %dma_start3A_91 = arith.constant 0 : i32
      %dma_start3A_92 = tpu.memref_slice %arg2[%dma_start3A_90, %dma_start3A_91] : memref<10000x128xf32, #tpu.memory_space<hbm>> -> memref<10000x128xf32, #tpu.memory_space<hbm>>
      tpu.enqueue_indirect_dma source(%dma_start3A_92 : memref<10000x128xf32, #tpu.memory_space<hbm>>) target(%arg9 : memref<128x128xf32, #tpu.memory_space<vmem>>) offsets(%dma_start3A_89 : memref<128xi32, #tpu.memory_space<vmem>>) semaphore(%arg15 : memref<!tpu.dma_semaphore, #tpu.memory_space<semaphore_mem>>)
      %dma_wait3A_93 = arith.constant 2 : i32
      %dma_wait3A_94 = arith.constant 0 : i32
      %dma_wait3A_95 = tpu.memref_slice %arg7[%dma_wait3A_93, %dma_wait3A_94] : memref<8x128xi32, #tpu.memory_space<vmem>> -> memref<1x128xi32, #tpu.memory_space<vmem>>
      %dma_wait3A_96 = tpu.memref_squeeze %dma_wait3A_95 : memref<1x128xi32, #tpu.memory_space<vmem>> -> memref<128xi32, #tpu.memory_space<vmem>>
      %dma_wait3A_97 = arith.constant 0 : i32
      %dma_wait3A_98 = arith.constant 0 : i32
      %dma_wait3A_99 = tpu.memref_slice %arg2[%dma_wait3A_97, %dma_wait3A_98] : memref<10000x128xf32, #tpu.memory_space<hbm>> -> memref<10000x128xf32, #tpu.memory_space<hbm>>
      tpu.wait_indirect_dma semaphore(%arg15 : memref<!tpu.dma_semaphore, #tpu.memory_space<semaphore_mem>>) src(%dma_wait3A_99 : memref<10000x128xf32, #tpu.memory_space<hbm>>) dst(%arg11 : memref<128x128xf32, #tpu.memory_space<vmem>>)
      %add3A_100 = arith.constant 2 : i32
      %add3A_101 = arith.addi %add3A_11, %add3A_100 : i32
      %mul3A_102 = arith.constant 128 : i32
      %mul3A_103 = arith.muli %add3A_101, %mul3A_102 : i32
      %dma_start3A_104 = arith.constant 0 : i32
      %dma_start3A_105 = tpu.memref_slice %arg5[%mul3A_103, %dma_start3A_104] : memref<327680x128xf32, #tpu.memory_space<hbm>> -> memref<128x128xf32, #tpu.memory_space<hbm>>
      %dma_start3A_106 = arith.constant 0 : i32
      %dma_start3A_107 = tpu.memref_slice %arg5[%mul3A_103, %dma_start3A_106] : memref<327680x128xf32, #tpu.memory_space<hbm>> -> memref<128x128xf32, #tpu.memory_space<hbm>>
      tpu.enqueue_dma source(%arg11 : memref<128x128xf32, #tpu.memory_space<vmem>>) target(%dma_start3A_107 : memref<128x128xf32, #tpu.memory_space<hbm>>) target_semaphore(%arg16 : memref<!tpu.dma_semaphore, #tpu.memory_space<semaphore_mem>>)
      %dma_wait3A_108 = arith.constant 0 : i32
      %dma_wait3A_109 = tpu.memref_slice %arg5[%mul3A_77, %dma_wait3A_108] : memref<327680x128xf32, #tpu.memory_space<hbm>> -> memref<128x128xf32, #tpu.memory_space<hbm>>
      %dma_wait3A_110 = arith.constant 0 : i32
      %dma_wait3A_111 = tpu.memref_slice %arg5[%mul3A_77, %dma_wait3A_110] : memref<327680x128xf32, #tpu.memory_space<hbm>> -> memref<128x128xf32, #tpu.memory_space<hbm>>
      tpu.wait_dma2 semaphore(%arg16 : memref<!tpu.dma_semaphore, #tpu.memory_space<semaphore_mem>>) src(%arg10 : memref<128x128xf32, #tpu.memory_space<vmem>>) dst(%dma_wait3A_111 : memref<128x128xf32, #tpu.memory_space<hbm>>)
      %dma_start3A_112 = arith.constant 7 : i32
      %dma_start3A_113 = arith.constant 0 : i32
      %dma_start3A_114 = tpu.memref_slice %arg7[%dma_start3A_112, %dma_start3A_113] : memref<8x128xi32, #tpu.memory_space<vmem>> -> memref<1x128xi32, #tpu.memory_space<vmem>>
      %dma_start3A_115 = tpu.memref_squeeze %dma_start3A_114 : memref<1x128xi32, #tpu.memory_space<vmem>> -> memref<128xi32, #tpu.memory_space<vmem>>
      %dma_start3A_116 = arith.constant 0 : i32
      %dma_start3A_117 = arith.constant 0 : i32
      %dma_start3A_118 = tpu.memref_slice %arg2[%dma_start3A_116, %dma_start3A_117] : memref<10000x128xf32, #tpu.memory_space<hbm>> -> memref<10000x128xf32, #tpu.memory_space<hbm>>
      tpu.enqueue_indirect_dma source(%dma_start3A_118 : memref<10000x128xf32, #tpu.memory_space<hbm>>) target(%arg10 : memref<128x128xf32, #tpu.memory_space<vmem>>) offsets(%dma_start3A_115 : memref<128xi32, #tpu.memory_space<vmem>>) semaphore(%arg15 : memref<!tpu.dma_semaphore, #tpu.memory_space<semaphore_mem>>)
      %dma_wait3A_119 = arith.constant 3 : i32
      %dma_wait3A_120 = arith.constant 0 : i32
      %dma_wait3A_121 = tpu.memref_slice %arg7[%dma_wait3A_119, %dma_wait3A_120] : memref<8x128xi32, #tpu.memory_space<vmem>> -> memref<1x128xi32, #tpu.memory_space<vmem>>
      %dma_wait3A_122 = tpu.memref_squeeze %dma_wait3A_121 : memref<1x128xi32, #tpu.memory_space<vmem>> -> memref<128xi32, #tpu.memory_space<vmem>>
      %dma_wait3A_123 = arith.constant 0 : i32
      %dma_wait3A_124 = arith.constant 0 : i32
      %dma_wait3A_125 = tpu.memref_slice %arg2[%dma_wait3A_123, %dma_wait3A_124] : memref<10000x128xf32, #tpu.memory_space<hbm>> -> memref<10000x128xf32, #tpu.memory_space<hbm>>
      tpu.wait_indirect_dma semaphore(%arg15 : memref<!tpu.dma_semaphore, #tpu.memory_space<semaphore_mem>>) src(%dma_wait3A_125 : memref<10000x128xf32, #tpu.memory_space<hbm>>) dst(%arg12 : memref<128x128xf32, #tpu.memory_space<vmem>>)
      %add3A_126 = arith.constant 3 : i32
      %add3A_127 = arith.addi %add3A_11, %add3A_126 : i32
      %mul3A_128 = arith.constant 128 : i32
      %mul3A_129 = arith.muli %add3A_127, %mul3A_128 : i32
      %dma_start3A_130 = arith.constant 0 : i32
      %dma_start3A_131 = tpu.memref_slice %arg5[%mul3A_129, %dma_start3A_130] : memref<327680x128xf32, #tpu.memory_space<hbm>> -> memref<128x128xf32, #tpu.memory_space<hbm>>
      %dma_start3A_132 = arith.constant 0 : i32
      %dma_start3A_133 = tpu.memref_slice %arg5[%mul3A_129, %dma_start3A_132] : memref<327680x128xf32, #tpu.memory_space<hbm>> -> memref<128x128xf32, #tpu.memory_space<hbm>>
      tpu.enqueue_dma source(%arg12 : memref<128x128xf32, #tpu.memory_space<vmem>>) target(%dma_start3A_133 : memref<128x128xf32, #tpu.memory_space<hbm>>) target_semaphore(%arg16 : memref<!tpu.dma_semaphore, #tpu.memory_space<semaphore_mem>>)
      %dma_wait3A_134 = arith.constant 0 : i32
      %dma_wait3A_135 = tpu.memref_slice %arg5[%mul3A_103, %dma_wait3A_134] : memref<327680x128xf32, #tpu.memory_space<hbm>> -> memref<128x128xf32, #tpu.memory_space<hbm>>
      %dma_wait3A_136 = arith.constant 0 : i32
      %dma_wait3A_137 = tpu.memref_slice %arg5[%mul3A_103, %dma_wait3A_136] : memref<327680x128xf32, #tpu.memory_space<hbm>> -> memref<128x128xf32, #tpu.memory_space<hbm>>
      tpu.wait_dma2 semaphore(%arg16 : memref<!tpu.dma_semaphore, #tpu.memory_space<semaphore_mem>>) src(%arg11 : memref<128x128xf32, #tpu.memory_space<vmem>>) dst(%dma_wait3A_137 : memref<128x128xf32, #tpu.memory_space<hbm>>)
      %dma_start3A_138 = arith.constant 0 : i32
      %dma_start3A_139 = arith.constant 0 : i32
      %dma_start3A_140 = tpu.memref_slice %arg8[%dma_start3A_138, %dma_start3A_139] : memref<8x128xi32, #tpu.memory_space<vmem>> -> memref<1x128xi32, #tpu.memory_space<vmem>>
      %dma_start3A_141 = tpu.memref_squeeze %dma_start3A_140 : memref<1x128xi32, #tpu.memory_space<vmem>> -> memref<128xi32, #tpu.memory_space<vmem>>
      %dma_start3A_142 = arith.constant 0 : i32
      %dma_start3A_143 = arith.constant 0 : i32
      %dma_start3A_144 = tpu.memref_slice %arg2[%dma_start3A_142, %dma_start3A_143] : memref<10000x128xf32, #tpu.memory_space<hbm>> -> memref<10000x128xf32, #tpu.memory_space<hbm>>
      tpu.enqueue_indirect_dma source(%dma_start3A_144 : memref<10000x128xf32, #tpu.memory_space<hbm>>) target(%arg11 : memref<128x128xf32, #tpu.memory_space<vmem>>) offsets(%dma_start3A_141 : memref<128xi32, #tpu.memory_space<vmem>>) semaphore(%arg15 : memref<!tpu.dma_semaphore, #tpu.memory_space<semaphore_mem>>)
      %dma_wait3A_145 = arith.constant 4 : i32
      %dma_wait3A_146 = arith.constant 0 : i32
      %dma_wait3A_147 = tpu.memref_slice %arg7[%dma_wait3A_145, %dma_wait3A_146] : memref<8x128xi32, #tpu.memory_space<vmem>> -> memref<1x128xi32, #tpu.memory_space<vmem>>
      %dma_wait3A_148 = tpu.memref_squeeze %dma_wait3A_147 : memref<1x128xi32, #tpu.memory_space<vmem>> -> memref<128xi32, #tpu.memory_space<vmem>>
      %dma_wait3A_149 = arith.constant 0 : i32
      %dma_wait3A_150 = arith.constant 0 : i32
      %dma_wait3A_151 = tpu.memref_slice %arg2[%dma_wait3A_149, %dma_wait3A_150] : memref<10000x128xf32, #tpu.memory_space<hbm>> -> memref<10000x128xf32, #tpu.memory_space<hbm>>
      tpu.wait_indirect_dma semaphore(%arg15 : memref<!tpu.dma_semaphore, #tpu.memory_space<semaphore_mem>>) src(%dma_wait3A_151 : memref<10000x128xf32, #tpu.memory_space<hbm>>) dst(%arg13 : memref<128x128xf32, #tpu.memory_space<vmem>>)
      %add3A_152 = arith.constant 4 : i32
      %add3A_153 = arith.addi %add3A_11, %add3A_152 : i32
      %mul3A_154 = arith.constant 128 : i32
      %mul3A_155 = arith.muli %add3A_153, %mul3A_154 : i32
      %dma_start3A_156 = arith.constant 0 : i32
      %dma_start3A_157 = tpu.memref_slice %arg5[%mul3A_155, %dma_start3A_156] : memref<327680x128xf32, #tpu.memory_space<hbm>> -> memref<128x128xf32, #tpu.memory_space<hbm>>
      %dma_start3A_158 = arith.constant 0 : i32
      %dma_start3A_159 = tpu.memref_slice %arg5[%mul3A_155, %dma_start3A_158] : memref<327680x128xf32, #tpu.memory_space<hbm>> -> memref<128x128xf32, #tpu.memory_space<hbm>>
      tpu.enqueue_dma source(%arg13 : memref<128x128xf32, #tpu.memory_space<vmem>>) target(%dma_start3A_159 : memref<128x128xf32, #tpu.memory_space<hbm>>) target_semaphore(%arg16 : memref<!tpu.dma_semaphore, #tpu.memory_space<semaphore_mem>>)
      %dma_wait3A_160 = arith.constant 0 : i32
      %dma_wait3A_161 = tpu.memref_slice %arg5[%mul3A_129, %dma_wait3A_160] : memref<327680x128xf32, #tpu.memory_space<hbm>> -> memref<128x128xf32, #tpu.memory_space<hbm>>
      %dma_wait3A_162 = arith.constant 0 : i32
      %dma_wait3A_163 = tpu.memref_slice %arg5[%mul3A_129, %dma_wait3A_162] : memref<327680x128xf32, #tpu.memory_space<hbm>> -> memref<128x128xf32, #tpu.memory_space<hbm>>
      tpu.wait_dma2 semaphore(%arg16 : memref<!tpu.dma_semaphore, #tpu.memory_space<semaphore_mem>>) src(%arg12 : memref<128x128xf32, #tpu.memory_space<vmem>>) dst(%dma_wait3A_163 : memref<128x128xf32, #tpu.memory_space<hbm>>)
      %dma_start3A_164 = arith.constant 1 : i32
      %dma_start3A_165 = arith.constant 0 : i32
      %dma_start3A_166 = tpu.memref_slice %arg8[%dma_start3A_164, %dma_start3A_165] : memref<8x128xi32, #tpu.memory_space<vmem>> -> memref<1x128xi32, #tpu.memory_space<vmem>>
      %dma_start3A_167 = tpu.memref_squeeze %dma_start3A_166 : memref<1x128xi32, #tpu.memory_space<vmem>> -> memref<128xi32, #tpu.memory_space<vmem>>
      %dma_start3A_168 = arith.constant 0 : i32
      %dma_start3A_169 = arith.constant 0 : i32
      %dma_start3A_170 = tpu.memref_slice %arg2[%dma_start3A_168, %dma_start3A_169] : memref<10000x128xf32, #tpu.memory_space<hbm>> -> memref<10000x128xf32, #tpu.memory_space<hbm>>
      tpu.enqueue_indirect_dma source(%dma_start3A_170 : memref<10000x128xf32, #tpu.memory_space<hbm>>) target(%arg12 : memref<128x128xf32, #tpu.memory_space<vmem>>) offsets(%dma_start3A_167 : memref<128xi32, #tpu.memory_space<vmem>>) semaphore(%arg15 : memref<!tpu.dma_semaphore, #tpu.memory_space<semaphore_mem>>)
      %dma_wait3A_171 = arith.constant 5 : i32
      %dma_wait3A_172 = arith.constant 0 : i32
      %dma_wait3A_173 = tpu.memref_slice %arg7[%dma_wait3A_171, %dma_wait3A_172] : memref<8x128xi32, #tpu.memory_space<vmem>> -> memref<1x128xi32, #tpu.memory_space<vmem>>
      %dma_wait3A_174 = tpu.memref_squeeze %dma_wait3A_173 : memref<1x128xi32, #tpu.memory_space<vmem>> -> memref<128xi32, #tpu.memory_space<vmem>>
      %dma_wait3A_175 = arith.constant 0 : i32
      %dma_wait3A_176 = arith.constant 0 : i32
      %dma_wait3A_177 = tpu.memref_slice %arg2[%dma_wait3A_175, %dma_wait3A_176] : memref<10000x128xf32, #tpu.memory_space<hbm>> -> memref<10000x128xf32, #tpu.memory_space<hbm>>
      tpu.wait_indirect_dma semaphore(%arg15 : memref<!tpu.dma_semaphore, #tpu.memory_space<semaphore_mem>>) src(%dma_wait3A_177 : memref<10000x128xf32, #tpu.memory_space<hbm>>) dst(%arg14 : memref<128x128xf32, #tpu.memory_space<vmem>>)
      %add3A_178 = arith.constant 5 : i32
      %add3A_179 = arith.addi %add3A_11, %add3A_178 : i32
      %mul3A_180 = arith.constant 128 : i32
      %mul3A_181 = arith.muli %add3A_179, %mul3A_180 : i32
      %dma_start3A_182 = arith.constant 0 : i32
      %dma_start3A_183 = tpu.memref_slice %arg5[%mul3A_181, %dma_start3A_182] : memref<327680x128xf32, #tpu.memory_space<hbm>> -> memref<128x128xf32, #tpu.memory_space<hbm>>
      %dma_start3A_184 = arith.constant 0 : i32
      %dma_start3A_185 = tpu.memref_slice %arg5[%mul3A_181, %dma_start3A_184] : memref<327680x128xf32, #tpu.memory_space<hbm>> -> memref<128x128xf32, #tpu.memory_space<hbm>>
      tpu.enqueue_dma source(%arg14 : memref<128x128xf32, #tpu.memory_space<vmem>>) target(%dma_start3A_185 : memref<128x128xf32, #tpu.memory_space<hbm>>) target_semaphore(%arg16 : memref<!tpu.dma_semaphore, #tpu.memory_space<semaphore_mem>>)
      %dma_wait3A_186 = arith.constant 0 : i32
      %dma_wait3A_187 = tpu.memref_slice %arg5[%mul3A_155, %dma_wait3A_186] : memref<327680x128xf32, #tpu.memory_space<hbm>> -> memref<128x128xf32, #tpu.memory_space<hbm>>
      %dma_wait3A_188 = arith.constant 0 : i32
      %dma_wait3A_189 = tpu.memref_slice %arg5[%mul3A_155, %dma_wait3A_188] : memref<327680x128xf32, #tpu.memory_space<hbm>> -> memref<128x128xf32, #tpu.memory_space<hbm>>
      tpu.wait_dma2 semaphore(%arg16 : memref<!tpu.dma_semaphore, #tpu.memory_space<semaphore_mem>>) src(%arg13 : memref<128x128xf32, #tpu.memory_space<vmem>>) dst(%dma_wait3A_189 : memref<128x128xf32, #tpu.memory_space<hbm>>)
      %dma_start3A_190 = arith.constant 2 : i32
      %dma_start3A_191 = arith.constant 0 : i32
      %dma_start3A_192 = tpu.memref_slice %arg8[%dma_start3A_190, %dma_start3A_191] : memref<8x128xi32, #tpu.memory_space<vmem>> -> memref<1x128xi32, #tpu.memory_space<vmem>>
      %dma_start3A_193 = tpu.memref_squeeze %dma_start3A_192 : memref<1x128xi32, #tpu.memory_space<vmem>> -> memref<128xi32, #tpu.memory_space<vmem>>
      %dma_start3A_194 = arith.constant 0 : i32
      %dma_start3A_195 = arith.constant 0 : i32
      %dma_start3A_196 = tpu.memref_slice %arg2[%dma_start3A_194, %dma_start3A_195] : memref<10000x128xf32, #tpu.memory_space<hbm>> -> memref<10000x128xf32, #tpu.memory_space<hbm>>
      tpu.enqueue_indirect_dma source(%dma_start3A_196 : memref<10000x128xf32, #tpu.memory_space<hbm>>) target(%arg13 : memref<128x128xf32, #tpu.memory_space<vmem>>) offsets(%dma_start3A_193 : memref<128xi32, #tpu.memory_space<vmem>>) semaphore(%arg15 : memref<!tpu.dma_semaphore, #tpu.memory_space<semaphore_mem>>)
      %dma_wait3A_197 = arith.constant 6 : i32
      %dma_wait3A_198 = arith.constant 0 : i32
      %dma_wait3A_199 = tpu.memref_slice %arg7[%dma_wait3A_197, %dma_wait3A_198] : memref<8x128xi32, #tpu.memory_space<vmem>> -> memref<1x128xi32, #tpu.memory_space<vmem>>
      %dma_wait3A_200 = tpu.memref_squeeze %dma_wait3A_199 : memref<1x128xi32, #tpu.memory_space<vmem>> -> memref<128xi32, #tpu.memory_space<vmem>>
      %dma_wait3A_201 = arith.constant 0 : i32
      %dma_wait3A_202 = arith.constant 0 : i32
      %dma_wait3A_203 = tpu.memref_slice %arg2[%dma_wait3A_201, %dma_wait3A_202] : memref<10000x128xf32, #tpu.memory_space<hbm>> -> memref<10000x128xf32, #tpu.memory_space<hbm>>
      tpu.wait_indirect_dma semaphore(%arg15 : memref<!tpu.dma_semaphore, #tpu.memory_space<semaphore_mem>>) src(%dma_wait3A_203 : memref<10000x128xf32, #tpu.memory_space<hbm>>) dst(%arg9 : memref<128x128xf32, #tpu.memory_space<vmem>>)
      %add3A_204 = arith.constant 6 : i32
      %add3A_205 = arith.addi %add3A_11, %add3A_204 : i32
      %mul3A_206 = arith.constant 128 : i32
      %mul3A_207 = arith.muli %add3A_205, %mul3A_206 : i32
      %dma_start3A_208 = arith.constant 0 : i32
      %dma_start3A_209 = tpu.memref_slice %arg5[%mul3A_207, %dma_start3A_208] : memref<327680x128xf32, #tpu.memory_space<hbm>> -> memref<128x128xf32, #tpu.memory_space<hbm>>
      %dma_start3A_210 = arith.constant 0 : i32
      %dma_start3A_211 = tpu.memref_slice %arg5[%mul3A_207, %dma_start3A_210] : memref<327680x128xf32, #tpu.memory_space<hbm>> -> memref<128x128xf32, #tpu.memory_space<hbm>>
      tpu.enqueue_dma source(%arg9 : memref<128x128xf32, #tpu.memory_space<vmem>>) target(%dma_start3A_211 : memref<128x128xf32, #tpu.memory_space<hbm>>) target_semaphore(%arg16 : memref<!tpu.dma_semaphore, #tpu.memory_space<semaphore_mem>>)
      %dma_wait3A_212 = arith.constant 0 : i32
      %dma_wait3A_213 = tpu.memref_slice %arg5[%mul3A_181, %dma_wait3A_212] : memref<327680x128xf32, #tpu.memory_space<hbm>> -> memref<128x128xf32, #tpu.memory_space<hbm>>
      %dma_wait3A_214 = arith.constant 0 : i32
      %dma_wait3A_215 = tpu.memref_slice %arg5[%mul3A_181, %dma_wait3A_214] : memref<327680x128xf32, #tpu.memory_space<hbm>> -> memref<128x128xf32, #tpu.memory_space<hbm>>
      tpu.wait_dma2 semaphore(%arg16 : memref<!tpu.dma_semaphore, #tpu.memory_space<semaphore_mem>>) src(%arg14 : memref<128x128xf32, #tpu.memory_space<vmem>>) dst(%dma_wait3A_215 : memref<128x128xf32, #tpu.memory_space<hbm>>)
      %dma_start3A_216 = arith.constant 3 : i32
      %dma_start3A_217 = arith.constant 0 : i32
      %dma_start3A_218 = tpu.memref_slice %arg8[%dma_start3A_216, %dma_start3A_217] : memref<8x128xi32, #tpu.memory_space<vmem>> -> memref<1x128xi32, #tpu.memory_space<vmem>>
      %dma_start3A_219 = tpu.memref_squeeze %dma_start3A_218 : memref<1x128xi32, #tpu.memory_space<vmem>> -> memref<128xi32, #tpu.memory_space<vmem>>
      %dma_start3A_220 = arith.constant 0 : i32
      %dma_start3A_221 = arith.constant 0 : i32
      %dma_start3A_222 = tpu.memref_slice %arg2[%dma_start3A_220, %dma_start3A_221] : memref<10000x128xf32, #tpu.memory_space<hbm>> -> memref<10000x128xf32, #tpu.memory_space<hbm>>
      tpu.enqueue_indirect_dma source(%dma_start3A_222 : memref<10000x128xf32, #tpu.memory_space<hbm>>) target(%arg14 : memref<128x128xf32, #tpu.memory_space<vmem>>) offsets(%dma_start3A_219 : memref<128xi32, #tpu.memory_space<vmem>>) semaphore(%arg15 : memref<!tpu.dma_semaphore, #tpu.memory_space<semaphore_mem>>)
      %dma_wait3A_223 = arith.constant 7 : i32
      %dma_wait3A_224 = arith.constant 0 : i32
      %dma_wait3A_225 = tpu.memref_slice %arg7[%dma_wait3A_223, %dma_wait3A_224] : memref<8x128xi32, #tpu.memory_space<vmem>> -> memref<1x128xi32, #tpu.memory_space<vmem>>
      %dma_wait3A_226 = tpu.memref_squeeze %dma_wait3A_225 : memref<1x128xi32, #tpu.memory_space<vmem>> -> memref<128xi32, #tpu.memory_space<vmem>>
      %dma_wait3A_227 = arith.constant 0 : i32
      %dma_wait3A_228 = arith.constant 0 : i32
      %dma_wait3A_229 = tpu.memref_slice %arg2[%dma_wait3A_227, %dma_wait3A_228] : memref<10000x128xf32, #tpu.memory_space<hbm>> -> memref<10000x128xf32, #tpu.memory_space<hbm>>
      tpu.wait_indirect_dma semaphore(%arg15 : memref<!tpu.dma_semaphore, #tpu.memory_space<semaphore_mem>>) src(%dma_wait3A_229 : memref<10000x128xf32, #tpu.memory_space<hbm>>) dst(%arg10 : memref<128x128xf32, #tpu.memory_space<vmem>>)
      %add3A_230 = arith.constant 7 : i32
      %add3A_231 = arith.addi %add3A_11, %add3A_230 : i32
      %mul3A_232 = arith.constant 128 : i32
      %mul3A_233 = arith.muli %add3A_231, %mul3A_232 : i32
      %dma_start3A_234 = arith.constant 0 : i32
      %dma_start3A_235 = tpu.memref_slice %arg5[%mul3A_233, %dma_start3A_234] : memref<327680x128xf32, #tpu.memory_space<hbm>> -> memref<128x128xf32, #tpu.memory_space<hbm>>
      %dma_start3A_236 = arith.constant 0 : i32
      %dma_start3A_237 = tpu.memref_slice %arg5[%mul3A_233, %dma_start3A_236] : memref<327680x128xf32, #tpu.memory_space<hbm>> -> memref<128x128xf32, #tpu.memory_space<hbm>>
      tpu.enqueue_dma source(%arg10 : memref<128x128xf32, #tpu.memory_space<vmem>>) target(%dma_start3A_237 : memref<128x128xf32, #tpu.memory_space<hbm>>) target_semaphore(%arg16 : memref<!tpu.dma_semaphore, #tpu.memory_space<semaphore_mem>>)
      %dma_wait3A_238 = arith.constant 0 : i32
      %dma_wait3A_239 = tpu.memref_slice %arg5[%mul3A_207, %dma_wait3A_238] : memref<327680x128xf32, #tpu.memory_space<hbm>> -> memref<128x128xf32, #tpu.memory_space<hbm>>
      %dma_wait3A_240 = arith.constant 0 : i32
      %dma_wait3A_241 = tpu.memref_slice %arg5[%mul3A_207, %dma_wait3A_240] : memref<327680x128xf32, #tpu.memory_space<hbm>> -> memref<128x128xf32, #tpu.memory_space<hbm>>
      tpu.wait_dma2 semaphore(%arg16 : memref<!tpu.dma_semaphore, #tpu.memory_space<semaphore_mem>>) src(%arg9 : memref<128x128xf32, #tpu.memory_space<vmem>>) dst(%dma_wait3A_241 : memref<128x128xf32, #tpu.memory_space<hbm>>)
      %dma_start3A_242 = arith.constant 4 : i32
      %dma_start3A_243 = arith.constant 0 : i32
      %dma_start3A_244 = tpu.memref_slice %arg8[%dma_start3A_242, %dma_start3A_243] : memref<8x128xi32, #tpu.memory_space<vmem>> -> memref<1x128xi32, #tpu.memory_space<vmem>>
      %dma_start3A_245 = tpu.memref_squeeze %dma_start3A_244 : memref<1x128xi32, #tpu.memory_space<vmem>> -> memref<128xi32, #tpu.memory_space<vmem>>
      %dma_start3A_246 = arith.constant 0 : i32
      %dma_start3A_247 = arith.constant 0 : i32
      %dma_start3A_248 = tpu.memref_slice %arg2[%dma_start3A_246, %dma_start3A_247] : memref<10000x128xf32, #tpu.memory_space<hbm>> -> memref<10000x128xf32, #tpu.memory_space<hbm>>
      tpu.enqueue_indirect_dma source(%dma_start3A_248 : memref<10000x128xf32, #tpu.memory_space<hbm>>) target(%arg9 : memref<128x128xf32, #tpu.memory_space<vmem>>) offsets(%dma_start3A_245 : memref<128xi32, #tpu.memory_space<vmem>>) semaphore(%arg15 : memref<!tpu.dma_semaphore, #tpu.memory_space<semaphore_mem>>)
      %dma_wait3A_249 = arith.constant 0 : i32
      %dma_wait3A_250 = arith.constant 0 : i32
      %dma_wait3A_251 = tpu.memref_slice %arg8[%dma_wait3A_249, %dma_wait3A_250] : memref<8x128xi32, #tpu.memory_space<vmem>> -> memref<1x128xi32, #tpu.memory_space<vmem>>
      %dma_wait3A_252 = tpu.memref_squeeze %dma_wait3A_251 : memref<1x128xi32, #tpu.memory_space<vmem>> -> memref<128xi32, #tpu.memory_space<vmem>>
      %dma_wait3A_253 = arith.constant 0 : i32
      %dma_wait3A_254 = arith.constant 0 : i32
      %dma_wait3A_255 = tpu.memref_slice %arg2[%dma_wait3A_253, %dma_wait3A_254] : memref<10000x128xf32, #tpu.memory_space<hbm>> -> memref<10000x128xf32, #tpu.memory_space<hbm>>
      tpu.wait_indirect_dma semaphore(%arg15 : memref<!tpu.dma_semaphore, #tpu.memory_space<semaphore_mem>>) src(%dma_wait3A_255 : memref<10000x128xf32, #tpu.memory_space<hbm>>) dst(%arg11 : memref<128x128xf32, #tpu.memory_space<vmem>>)
      %add3A_256 = arith.constant 0 : i32
      %add3A_257 = arith.addi %add3A_11, %add3A_256 : i32
      %mul3A_258 = arith.constant 128 : i32
      %mul3A_259 = arith.muli %add3A_257, %mul3A_258 : i32
      %dma_start3A_260 = arith.constant 0 : i32
      %dma_start3A_261 = tpu.memref_slice %arg6[%mul3A_259, %dma_start3A_260] : memref<327680x128xf32, #tpu.memory_space<hbm>> -> memref<128x128xf32, #tpu.memory_space<hbm>>
      %dma_start3A_262 = arith.constant 0 : i32
      %dma_start3A_263 = tpu.memref_slice %arg6[%mul3A_259, %dma_start3A_262] : memref<327680x128xf32, #tpu.memory_space<hbm>> -> memref<128x128xf32, #tpu.memory_space<hbm>>
      tpu.enqueue_dma source(%arg11 : memref<128x128xf32, #tpu.memory_space<vmem>>) target(%dma_start3A_263 : memref<128x128xf32, #tpu.memory_space<hbm>>) target_semaphore(%arg16 : memref<!tpu.dma_semaphore, #tpu.memory_space<semaphore_mem>>)
      %dma_wait3A_264 = arith.constant 0 : i32
      %dma_wait3A_265 = tpu.memref_slice %arg5[%mul3A_233, %dma_wait3A_264] : memref<327680x128xf32, #tpu.memory_space<hbm>> -> memref<128x128xf32, #tpu.memory_space<hbm>>
      %dma_wait3A_266 = arith.constant 0 : i32
      %dma_wait3A_267 = tpu.memref_slice %arg5[%mul3A_233, %dma_wait3A_266] : memref<327680x128xf32, #tpu.memory_space<hbm>> -> memref<128x128xf32, #tpu.memory_space<hbm>>
      tpu.wait_dma2 semaphore(%arg16 : memref<!tpu.dma_semaphore, #tpu.memory_space<semaphore_mem>>) src(%arg10 : memref<128x128xf32, #tpu.memory_space<vmem>>) dst(%dma_wait3A_267 : memref<128x128xf32, #tpu.memory_space<hbm>>)
      %dma_start3A_268 = arith.constant 5 : i32
      %dma_start3A_269 = arith.constant 0 : i32
      %dma_start3A_270 = tpu.memref_slice %arg8[%dma_start3A_268, %dma_start3A_269] : memref<8x128xi32, #tpu.memory_space<vmem>> -> memref<1x128xi32, #tpu.memory_space<vmem>>
      %dma_start3A_271 = tpu.memref_squeeze %dma_start3A_270 : memref<1x128xi32, #tpu.memory_space<vmem>> -> memref<128xi32, #tpu.memory_space<vmem>>
      %dma_start3A_272 = arith.constant 0 : i32
      %dma_start3A_273 = arith.constant 0 : i32
      %dma_start3A_274 = tpu.memref_slice %arg2[%dma_start3A_272, %dma_start3A_273] : memref<10000x128xf32, #tpu.memory_space<hbm>> -> memref<10000x128xf32, #tpu.memory_space<hbm>>
      tpu.enqueue_indirect_dma source(%dma_start3A_274 : memref<10000x128xf32, #tpu.memory_space<hbm>>) target(%arg10 : memref<128x128xf32, #tpu.memory_space<vmem>>) offsets(%dma_start3A_271 : memref<128xi32, #tpu.memory_space<vmem>>) semaphore(%arg15 : memref<!tpu.dma_semaphore, #tpu.memory_space<semaphore_mem>>)
      %dma_wait3A_275 = arith.constant 1 : i32
      %dma_wait3A_276 = arith.constant 0 : i32
      %dma_wait3A_277 = tpu.memref_slice %arg8[%dma_wait3A_275, %dma_wait3A_276] : memref<8x128xi32, #tpu.memory_space<vmem>> -> memref<1x128xi32, #tpu.memory_space<vmem>>
      %dma_wait3A_278 = tpu.memref_squeeze %dma_wait3A_277 : memref<1x128xi32, #tpu.memory_space<vmem>> -> memref<128xi32, #tpu.memory_space<vmem>>
      %dma_wait3A_279 = arith.constant 0 : i32
      %dma_wait3A_280 = arith.constant 0 : i32
      %dma_wait3A_281 = tpu.memref_slice %arg2[%dma_wait3A_279, %dma_wait3A_280] : memref<10000x128xf32, #tpu.memory_space<hbm>> -> memref<10000x128xf32, #tpu.memory_space<hbm>>
      tpu.wait_indirect_dma semaphore(%arg15 : memref<!tpu.dma_semaphore, #tpu.memory_space<semaphore_mem>>) src(%dma_wait3A_281 : memref<10000x128xf32, #tpu.memory_space<hbm>>) dst(%arg12 : memref<128x128xf32, #tpu.memory_space<vmem>>)
      %add3A_282 = arith.constant 1 : i32
      %add3A_283 = arith.addi %add3A_11, %add3A_282 : i32
      %mul3A_284 = arith.constant 128 : i32
      %mul3A_285 = arith.muli %add3A_283, %mul3A_284 : i32
      %dma_start3A_286 = arith.constant 0 : i32
      %dma_start3A_287 = tpu.memref_slice %arg6[%mul3A_285, %dma_start3A_286] : memref<327680x128xf32, #tpu.memory_space<hbm>> -> memref<128x128xf32, #tpu.memory_space<hbm>>
      %dma_start3A_288 = arith.constant 0 : i32
      %dma_start3A_289 = tpu.memref_slice %arg6[%mul3A_285, %dma_start3A_288] : memref<327680x128xf32, #tpu.memory_space<hbm>> -> memref<128x128xf32, #tpu.memory_space<hbm>>
      tpu.enqueue_dma source(%arg12 : memref<128x128xf32, #tpu.memory_space<vmem>>) target(%dma_start3A_289 : memref<128x128xf32, #tpu.memory_space<hbm>>) target_semaphore(%arg16 : memref<!tpu.dma_semaphore, #tpu.memory_space<semaphore_mem>>)
      %dma_wait3A_290 = arith.constant 0 : i32
      %dma_wait3A_291 = tpu.memref_slice %arg6[%mul3A_259, %dma_wait3A_290] : memref<327680x128xf32, #tpu.memory_space<hbm>> -> memref<128x128xf32, #tpu.memory_space<hbm>>
      %dma_wait3A_292 = arith.constant 0 : i32
      %dma_wait3A_293 = tpu.memref_slice %arg6[%mul3A_259, %dma_wait3A_292] : memref<327680x128xf32, #tpu.memory_space<hbm>> -> memref<128x128xf32, #tpu.memory_space<hbm>>
      tpu.wait_dma2 semaphore(%arg16 : memref<!tpu.dma_semaphore, #tpu.memory_space<semaphore_mem>>) src(%arg11 : memref<128x128xf32, #tpu.memory_space<vmem>>) dst(%dma_wait3A_293 : memref<128x128xf32, #tpu.memory_space<hbm>>)
      %dma_start3A_294 = arith.constant 6 : i32
      %dma_start3A_295 = arith.constant 0 : i32
      %dma_start3A_296 = tpu.memref_slice %arg8[%dma_start3A_294, %dma_start3A_295] : memref<8x128xi32, #tpu.memory_space<vmem>> -> memref<1x128xi32, #tpu.memory_space<vmem>>
      %dma_start3A_297 = tpu.memref_squeeze %dma_start3A_296 : memref<1x128xi32, #tpu.memory_space<vmem>> -> memref<128xi32, #tpu.memory_space<vmem>>
      %dma_start3A_298 = arith.constant 0 : i32
      %dma_start3A_299 = arith.constant 0 : i32
      %dma_start3A_300 = tpu.memref_slice %arg2[%dma_start3A_298, %dma_start3A_299] : memref<10000x128xf32, #tpu.memory_space<hbm>> -> memref<10000x128xf32, #tpu.memory_space<hbm>>
      tpu.enqueue_indirect_dma source(%dma_start3A_300 : memref<10000x128xf32, #tpu.memory_space<hbm>>) target(%arg11 : memref<128x128xf32, #tpu.memory_space<vmem>>) offsets(%dma_start3A_297 : memref<128xi32, #tpu.memory_space<vmem>>) semaphore(%arg15 : memref<!tpu.dma_semaphore, #tpu.memory_space<semaphore_mem>>)
      %dma_wait3A_301 = arith.constant 2 : i32
      %dma_wait3A_302 = arith.constant 0 : i32
      %dma_wait3A_303 = tpu.memref_slice %arg8[%dma_wait3A_301, %dma_wait3A_302] : memref<8x128xi32, #tpu.memory_space<vmem>> -> memref<1x128xi32, #tpu.memory_space<vmem>>
      %dma_wait3A_304 = tpu.memref_squeeze %dma_wait3A_303 : memref<1x128xi32, #tpu.memory_space<vmem>> -> memref<128xi32, #tpu.memory_space<vmem>>
      %dma_wait3A_305 = arith.constant 0 : i32
      %dma_wait3A_306 = arith.constant 0 : i32
      %dma_wait3A_307 = tpu.memref_slice %arg2[%dma_wait3A_305, %dma_wait3A_306] : memref<10000x128xf32, #tpu.memory_space<hbm>> -> memref<10000x128xf32, #tpu.memory_space<hbm>>
      tpu.wait_indirect_dma semaphore(%arg15 : memref<!tpu.dma_semaphore, #tpu.memory_space<semaphore_mem>>) src(%dma_wait3A_307 : memref<10000x128xf32, #tpu.memory_space<hbm>>) dst(%arg13 : memref<128x128xf32, #tpu.memory_space<vmem>>)
      %add3A_308 = arith.constant 2 : i32
      %add3A_309 = arith.addi %add3A_11, %add3A_308 : i32
      %mul3A_310 = arith.constant 128 : i32
      %mul3A_311 = arith.muli %add3A_309, %mul3A_310 : i32
      %dma_start3A_312 = arith.constant 0 : i32
      %dma_start3A_313 = tpu.memref_slice %arg6[%mul3A_311, %dma_start3A_312] : memref<327680x128xf32, #tpu.memory_space<hbm>> -> memref<128x128xf32, #tpu.memory_space<hbm>>
      %dma_start3A_314 = arith.constant 0 : i32
      %dma_start3A_315 = tpu.memref_slice %arg6[%mul3A_311, %dma_start3A_314] : memref<327680x128xf32, #tpu.memory_space<hbm>> -> memref<128x128xf32, #tpu.memory_space<hbm>>
      tpu.enqueue_dma source(%arg13 : memref<128x128xf32, #tpu.memory_space<vmem>>) target(%dma_start3A_315 : memref<128x128xf32, #tpu.memory_space<hbm>>) target_semaphore(%arg16 : memref<!tpu.dma_semaphore, #tpu.memory_space<semaphore_mem>>)
      %dma_wait3A_316 = arith.constant 0 : i32
      %dma_wait3A_317 = tpu.memref_slice %arg6[%mul3A_285, %dma_wait3A_316] : memref<327680x128xf32, #tpu.memory_space<hbm>> -> memref<128x128xf32, #tpu.memory_space<hbm>>
      %dma_wait3A_318 = arith.constant 0 : i32
      %dma_wait3A_319 = tpu.memref_slice %arg6[%mul3A_285, %dma_wait3A_318] : memref<327680x128xf32, #tpu.memory_space<hbm>> -> memref<128x128xf32, #tpu.memory_space<hbm>>
      tpu.wait_dma2 semaphore(%arg16 : memref<!tpu.dma_semaphore, #tpu.memory_space<semaphore_mem>>) src(%arg12 : memref<128x128xf32, #tpu.memory_space<vmem>>) dst(%dma_wait3A_319 : memref<128x128xf32, #tpu.memory_space<hbm>>)
      %dma_start3A_320 = arith.constant 7 : i32
      %dma_start3A_321 = arith.constant 0 : i32
      %dma_start3A_322 = tpu.memref_slice %arg8[%dma_start3A_320, %dma_start3A_321] : memref<8x128xi32, #tpu.memory_space<vmem>> -> memref<1x128xi32, #tpu.memory_space<vmem>>
      %dma_start3A_323 = tpu.memref_squeeze %dma_start3A_322 : memref<1x128xi32, #tpu.memory_space<vmem>> -> memref<128xi32, #tpu.memory_space<vmem>>
      %dma_start3A_324 = arith.constant 0 : i32
      %dma_start3A_325 = arith.constant 0 : i32
      %dma_start3A_326 = tpu.memref_slice %arg2[%dma_start3A_324, %dma_start3A_325] : memref<10000x128xf32, #tpu.memory_space<hbm>> -> memref<10000x128xf32, #tpu.memory_space<hbm>>
      tpu.enqueue_indirect_dma source(%dma_start3A_326 : memref<10000x128xf32, #tpu.memory_space<hbm>>) target(%arg12 : memref<128x128xf32, #tpu.memory_space<vmem>>) offsets(%dma_start3A_323 : memref<128xi32, #tpu.memory_space<vmem>>) semaphore(%arg15 : memref<!tpu.dma_semaphore, #tpu.memory_space<semaphore_mem>>)
      %dma_wait3A_327 = arith.constant 3 : i32
      %dma_wait3A_328 = arith.constant 0 : i32
      %dma_wait3A_329 = tpu.memref_slice %arg8[%dma_wait3A_327, %dma_wait3A_328] : memref<8x128xi32, #tpu.memory_space<vmem>> -> memref<1x128xi32, #tpu.memory_space<vmem>>
      %dma_wait3A_330 = tpu.memref_squeeze %dma_wait3A_329 : memref<1x128xi32, #tpu.memory_space<vmem>> -> memref<128xi32, #tpu.memory_space<vmem>>
      %dma_wait3A_331 = arith.constant 0 : i32
      %dma_wait3A_332 = arith.constant 0 : i32
      %dma_wait3A_333 = tpu.memref_slice %arg2[%dma_wait3A_331, %dma_wait3A_332] : memref<10000x128xf32, #tpu.memory_space<hbm>> -> memref<10000x128xf32, #tpu.memory_space<hbm>>
      tpu.wait_indirect_dma semaphore(%arg15 : memref<!tpu.dma_semaphore, #tpu.memory_space<semaphore_mem>>) src(%dma_wait3A_333 : memref<10000x128xf32, #tpu.memory_space<hbm>>) dst(%arg14 : memref<128x128xf32, #tpu.memory_space<vmem>>)
      %add3A_334 = arith.constant 3 : i32
      %add3A_335 = arith.addi %add3A_11, %add3A_334 : i32
      %mul3A_336 = arith.constant 128 : i32
      %mul3A_337 = arith.muli %add3A_335, %mul3A_336 : i32
      %dma_start3A_338 = arith.constant 0 : i32
      %dma_start3A_339 = tpu.memref_slice %arg6[%mul3A_337, %dma_start3A_338] : memref<327680x128xf32, #tpu.memory_space<hbm>> -> memref<128x128xf32, #tpu.memory_space<hbm>>
      %dma_start3A_340 = arith.constant 0 : i32
      %dma_start3A_341 = tpu.memref_slice %arg6[%mul3A_337, %dma_start3A_340] : memref<327680x128xf32, #tpu.memory_space<hbm>> -> memref<128x128xf32, #tpu.memory_space<hbm>>
      tpu.enqueue_dma source(%arg14 : memref<128x128xf32, #tpu.memory_space<vmem>>) target(%dma_start3A_341 : memref<128x128xf32, #tpu.memory_space<hbm>>) target_semaphore(%arg16 : memref<!tpu.dma_semaphore, #tpu.memory_space<semaphore_mem>>)
      %dma_wait3A_342 = arith.constant 4 : i32
      %dma_wait3A_343 = arith.constant 0 : i32
      %dma_wait3A_344 = tpu.memref_slice %arg8[%dma_wait3A_342, %dma_wait3A_343] : memref<8x128xi32, #tpu.memory_space<vmem>> -> memref<1x128xi32, #tpu.memory_space<vmem>>
      %dma_wait3A_345 = tpu.memref_squeeze %dma_wait3A_344 : memref<1x128xi32, #tpu.memory_space<vmem>> -> memref<128xi32, #tpu.memory_space<vmem>>
      %dma_wait3A_346 = arith.constant 0 : i32
      %dma_wait3A_347 = arith.constant 0 : i32
      %dma_wait3A_348 = tpu.memref_slice %arg2[%dma_wait3A_346, %dma_wait3A_347] : memref<10000x128xf32, #tpu.memory_space<hbm>> -> memref<10000x128xf32, #tpu.memory_space<hbm>>
      tpu.wait_indirect_dma semaphore(%arg15 : memref<!tpu.dma_semaphore, #tpu.memory_space<semaphore_mem>>) src(%dma_wait3A_348 : memref<10000x128xf32, #tpu.memory_space<hbm>>) dst(%arg9 : memref<128x128xf32, #tpu.memory_space<vmem>>)
      %add3A_349 = arith.constant 4 : i32
      %add3A_350 = arith.addi %add3A_11, %add3A_349 : i32
      %mul3A_351 = arith.constant 128 : i32
      %mul3A_352 = arith.muli %add3A_350, %mul3A_351 : i32
      %dma_start3A_353 = arith.constant 0 : i32
      %dma_start3A_354 = tpu.memref_slice %arg6[%mul3A_352, %dma_start3A_353] : memref<327680x128xf32, #tpu.memory_space<hbm>> -> memref<128x128xf32, #tpu.memory_space<hbm>>
      %dma_start3A_355 = arith.constant 0 : i32
      %dma_start3A_356 = tpu.memref_slice %arg6[%mul3A_352, %dma_start3A_355] : memref<327680x128xf32, #tpu.memory_space<hbm>> -> memref<128x128xf32, #tpu.memory_space<hbm>>
      tpu.enqueue_dma source(%arg9 : memref<128x128xf32, #tpu.memory_space<vmem>>) target(%dma_start3A_356 : memref<128x128xf32, #tpu.memory_space<hbm>>) target_semaphore(%arg16 : memref<!tpu.dma_semaphore, #tpu.memory_space<semaphore_mem>>)
      %dma_wait3A_357 = arith.constant 5 : i32
      %dma_wait3A_358 = arith.constant 0 : i32
      %dma_wait3A_359 = tpu.memref_slice %arg8[%dma_wait3A_357, %dma_wait3A_358] : memref<8x128xi32, #tpu.memory_space<vmem>> -> memref<1x128xi32, #tpu.memory_space<vmem>>
      %dma_wait3A_360 = tpu.memref_squeeze %dma_wait3A_359 : memref<1x128xi32, #tpu.memory_space<vmem>> -> memref<128xi32, #tpu.memory_space<vmem>>
      %dma_wait3A_361 = arith.constant 0 : i32
      %dma_wait3A_362 = arith.constant 0 : i32
      %dma_wait3A_363 = tpu.memref_slice %arg2[%dma_wait3A_361, %dma_wait3A_362] : memref<10000x128xf32, #tpu.memory_space<hbm>> -> memref<10000x128xf32, #tpu.memory_space<hbm>>
      tpu.wait_indirect_dma semaphore(%arg15 : memref<!tpu.dma_semaphore, #tpu.memory_space<semaphore_mem>>) src(%dma_wait3A_363 : memref<10000x128xf32, #tpu.memory_space<hbm>>) dst(%arg10 : memref<128x128xf32, #tpu.memory_space<vmem>>)
      %add3A_364 = arith.constant 5 : i32
      %add3A_365 = arith.addi %add3A_11, %add3A_364 : i32
      %mul3A_366 = arith.constant 128 : i32
      %mul3A_367 = arith.muli %add3A_365, %mul3A_366 : i32
      %dma_start3A_368 = arith.constant 0 : i32
      %dma_start3A_369 = tpu.memref_slice %arg6[%mul3A_367, %dma_start3A_368] : memref<327680x128xf32, #tpu.memory_space<hbm>> -> memref<128x128xf32, #tpu.memory_space<hbm>>
      %dma_start3A_370 = arith.constant 0 : i32
      %dma_start3A_371 = tpu.memref_slice %arg6[%mul3A_367, %dma_start3A_370] : memref<327680x128xf32, #tpu.memory_space<hbm>> -> memref<128x128xf32, #tpu.memory_space<hbm>>
      tpu.enqueue_dma source(%arg10 : memref<128x128xf32, #tpu.memory_space<vmem>>) target(%dma_start3A_371 : memref<128x128xf32, #tpu.memory_space<hbm>>) target_semaphore(%arg16 : memref<!tpu.dma_semaphore, #tpu.memory_space<semaphore_mem>>)
      %dma_wait3A_372 = arith.constant 6 : i32
      %dma_wait3A_373 = arith.constant 0 : i32
      %dma_wait3A_374 = tpu.memref_slice %arg8[%dma_wait3A_372, %dma_wait3A_373] : memref<8x128xi32, #tpu.memory_space<vmem>> -> memref<1x128xi32, #tpu.memory_space<vmem>>
      %dma_wait3A_375 = tpu.memref_squeeze %dma_wait3A_374 : memref<1x128xi32, #tpu.memory_space<vmem>> -> memref<128xi32, #tpu.memory_space<vmem>>
      %dma_wait3A_376 = arith.constant 0 : i32
      %dma_wait3A_377 = arith.constant 0 : i32
      %dma_wait3A_378 = tpu.memref_slice %arg2[%dma_wait3A_376, %dma_wait3A_377] : memref<10000x128xf32, #tpu.memory_space<hbm>> -> memref<10000x128xf32, #tpu.memory_space<hbm>>
      tpu.wait_indirect_dma semaphore(%arg15 : memref<!tpu.dma_semaphore, #tpu.memory_space<semaphore_mem>>) src(%dma_wait3A_378 : memref<10000x128xf32, #tpu.memory_space<hbm>>) dst(%arg11 : memref<128x128xf32, #tpu.memory_space<vmem>>)
      %add3A_379 = arith.constant 6 : i32
      %add3A_380 = arith.addi %add3A_11, %add3A_379 : i32
      %mul3A_381 = arith.constant 128 : i32
      %mul3A_382 = arith.muli %add3A_380, %mul3A_381 : i32
      %dma_start3A_383 = arith.constant 0 : i32
      %dma_start3A_384 = tpu.memref_slice %arg6[%mul3A_382, %dma_start3A_383] : memref<327680x128xf32, #tpu.memory_space<hbm>> -> memref<128x128xf32, #tpu.memory_space<hbm>>
      %dma_start3A_385 = arith.constant 0 : i32
      %dma_start3A_386 = tpu.memref_slice %arg6[%mul3A_382, %dma_start3A_385] : memref<327680x128xf32, #tpu.memory_space<hbm>> -> memref<128x128xf32, #tpu.memory_space<hbm>>
      tpu.enqueue_dma source(%arg11 : memref<128x128xf32, #tpu.memory_space<vmem>>) target(%dma_start3A_386 : memref<128x128xf32, #tpu.memory_space<hbm>>) target_semaphore(%arg16 : memref<!tpu.dma_semaphore, #tpu.memory_space<semaphore_mem>>)
      %dma_wait3A_387 = arith.constant 7 : i32
      %dma_wait3A_388 = arith.constant 0 : i32
      %dma_wait3A_389 = tpu.memref_slice %arg8[%dma_wait3A_387, %dma_wait3A_388] : memref<8x128xi32, #tpu.memory_space<vmem>> -> memref<1x128xi32, #tpu.memory_space<vmem>>
      %dma_wait3A_390 = tpu.memref_squeeze %dma_wait3A_389 : memref<1x128xi32, #tpu.memory_space<vmem>> -> memref<128xi32, #tpu.memory_space<vmem>>
      %dma_wait3A_391 = arith.constant 0 : i32
      %dma_wait3A_392 = arith.constant 0 : i32
      %dma_wait3A_393 = tpu.memref_slice %arg2[%dma_wait3A_391, %dma_wait3A_392] : memref<10000x128xf32, #tpu.memory_space<hbm>> -> memref<10000x128xf32, #tpu.memory_space<hbm>>
      tpu.wait_indirect_dma semaphore(%arg15 : memref<!tpu.dma_semaphore, #tpu.memory_space<semaphore_mem>>) src(%dma_wait3A_393 : memref<10000x128xf32, #tpu.memory_space<hbm>>) dst(%arg12 : memref<128x128xf32, #tpu.memory_space<vmem>>)
      %add3A_394 = arith.constant 7 : i32
      %add3A_395 = arith.addi %add3A_11, %add3A_394 : i32
      %mul3A_396 = arith.constant 128 : i32
      %mul3A_397 = arith.muli %add3A_395, %mul3A_396 : i32
      %dma_start3A_398 = arith.constant 0 : i32
      %dma_start3A_399 = tpu.memref_slice %arg6[%mul3A_397, %dma_start3A_398] : memref<327680x128xf32, #tpu.memory_space<hbm>> -> memref<128x128xf32, #tpu.memory_space<hbm>>
      %dma_start3A_400 = arith.constant 0 : i32
      %dma_start3A_401 = tpu.memref_slice %arg6[%mul3A_397, %dma_start3A_400] : memref<327680x128xf32, #tpu.memory_space<hbm>> -> memref<128x128xf32, #tpu.memory_space<hbm>>
      tpu.enqueue_dma source(%arg12 : memref<128x128xf32, #tpu.memory_space<vmem>>) target(%dma_start3A_401 : memref<128x128xf32, #tpu.memory_space<hbm>>) target_semaphore(%arg16 : memref<!tpu.dma_semaphore, #tpu.memory_space<semaphore_mem>>)
      %dma_wait3A_402 = arith.constant 0 : i32
      %dma_wait3A_403 = tpu.memref_slice %arg6[%mul3A_311, %dma_wait3A_402] : memref<327680x128xf32, #tpu.memory_space<hbm>> -> memref<128x128xf32, #tpu.memory_space<hbm>>
      %dma_wait3A_404 = arith.constant 0 : i32
      %dma_wait3A_405 = tpu.memref_slice %arg6[%mul3A_311, %dma_wait3A_404] : memref<327680x128xf32, #tpu.memory_space<hbm>> -> memref<128x128xf32, #tpu.memory_space<hbm>>
      tpu.wait_dma2 semaphore(%arg16 : memref<!tpu.dma_semaphore, #tpu.memory_space<semaphore_mem>>) src(%arg13 : memref<128x128xf32, #tpu.memory_space<vmem>>) dst(%dma_wait3A_405 : memref<128x128xf32, #tpu.memory_space<hbm>>)
      %dma_wait3A_406 = arith.constant 0 : i32
      %dma_wait3A_407 = tpu.memref_slice %arg6[%mul3A_337, %dma_wait3A_406] : memref<327680x128xf32, #tpu.memory_space<hbm>> -> memref<128x128xf32, #tpu.memory_space<hbm>>
      %dma_wait3A_408 = arith.constant 0 : i32
      %dma_wait3A_409 = tpu.memref_slice %arg6[%mul3A_337, %dma_wait3A_408] : memref<327680x128xf32, #tpu.memory_space<hbm>> -> memref<128x128xf32, #tpu.memory_space<hbm>>
      tpu.wait_dma2 semaphore(%arg16 : memref<!tpu.dma_semaphore, #tpu.memory_space<semaphore_mem>>) src(%arg14 : memref<128x128xf32, #tpu.memory_space<vmem>>) dst(%dma_wait3A_409 : memref<128x128xf32, #tpu.memory_space<hbm>>)
      %dma_wait3A_410 = arith.constant 0 : i32
      %dma_wait3A_411 = tpu.memref_slice %arg6[%mul3A_352, %dma_wait3A_410] : memref<327680x128xf32, #tpu.memory_space<hbm>> -> memref<128x128xf32, #tpu.memory_space<hbm>>
      %dma_wait3A_412 = arith.constant 0 : i32
      %dma_wait3A_413 = tpu.memref_slice %arg6[%mul3A_352, %dma_wait3A_412] : memref<327680x128xf32, #tpu.memory_space<hbm>> -> memref<128x128xf32, #tpu.memory_space<hbm>>
      tpu.wait_dma2 semaphore(%arg16 : memref<!tpu.dma_semaphore, #tpu.memory_space<semaphore_mem>>) src(%arg9 : memref<128x128xf32, #tpu.memory_space<vmem>>) dst(%dma_wait3A_413 : memref<128x128xf32, #tpu.memory_space<hbm>>)
      %dma_wait3A_414 = arith.constant 0 : i32
      %dma_wait3A_415 = tpu.memref_slice %arg6[%mul3A_367, %dma_wait3A_414] : memref<327680x128xf32, #tpu.memory_space<hbm>> -> memref<128x128xf32, #tpu.memory_space<hbm>>
      %dma_wait3A_416 = arith.constant 0 : i32
      %dma_wait3A_417 = tpu.memref_slice %arg6[%mul3A_367, %dma_wait3A_416] : memref<327680x128xf32, #tpu.memory_space<hbm>> -> memref<128x128xf32, #tpu.memory_space<hbm>>
      tpu.wait_dma2 semaphore(%arg16 : memref<!tpu.dma_semaphore, #tpu.memory_space<semaphore_mem>>) src(%arg10 : memref<128x128xf32, #tpu.memory_space<vmem>>) dst(%dma_wait3A_417 : memref<128x128xf32, #tpu.memory_space<hbm>>)
      %dma_wait3A_418 = arith.constant 0 : i32
      %dma_wait3A_419 = tpu.memref_slice %arg6[%mul3A_382, %dma_wait3A_418] : memref<327680x128xf32, #tpu.memory_space<hbm>> -> memref<128x128xf32, #tpu.memory_space<hbm>>
      %dma_wait3A_420 = arith.constant 0 : i32
      %dma_wait3A_421 = tpu.memref_slice %arg6[%mul3A_382, %dma_wait3A_420] : memref<327680x128xf32, #tpu.memory_space<hbm>> -> memref<128x128xf32, #tpu.memory_space<hbm>>
      tpu.wait_dma2 semaphore(%arg16 : memref<!tpu.dma_semaphore, #tpu.memory_space<semaphore_mem>>) src(%arg11 : memref<128x128xf32, #tpu.memory_space<vmem>>) dst(%dma_wait3A_421 : memref<128x128xf32, #tpu.memory_space<hbm>>)
      %dma_wait3A_422 = arith.constant 0 : i32
      %dma_wait3A_423 = tpu.memref_slice %arg6[%mul3A_397, %dma_wait3A_422] : memref<327680x128xf32, #tpu.memory_space<hbm>> -> memref<128x128xf32, #tpu.memory_space<hbm>>
      %dma_wait3A_424 = arith.constant 0 : i32
      %dma_wait3A_425 = tpu.memref_slice %arg6[%mul3A_397, %dma_wait3A_424] : memref<327680x128xf32, #tpu.memory_space<hbm>> -> memref<128x128xf32, #tpu.memory_space<hbm>>
      tpu.wait_dma2 semaphore(%arg16 : memref<!tpu.dma_semaphore, #tpu.memory_space<semaphore_mem>>) src(%arg12 : memref<128x128xf32, #tpu.memory_space<vmem>>) dst(%dma_wait3A_425 : memref<128x128xf32, #tpu.memory_space<hbm>>)
    }
    %scan3A_7 = arith.constant 10 : i32
    return
  }
}

#map = affine_map<(d0, d1) -> (0, 0)>
#map1 = affine_map<(d0, d1) -> (0, 0, 0)>
module attributes {stable_mosaic.version = 14 : i64} {
  func.func @_scatter_body(%arg0: i32, %arg1: i32, %arg2: memref<327680x128xf32, #tpu.memory_space<hbm>>, %arg3: memref<327680x16xf32, #tpu.memory_space<hbm>>, %arg4: memref<2560x128xi32, #tpu.memory_space<hbm>>, %arg5: memref<16x8x128xi32, #tpu.memory_space<hbm>>, %arg6: memref<128x128xf32, #tpu.memory_space<hbm>>, %arg7: memref<2x10240x128xf32, #tpu.memory_space<hbm>>, %arg8: memref<2x10240x128xf32, #tpu.memory_space<hbm>>, %arg9: memref<10240x128xf32, #tpu.memory_space<vmem_shared>>, %arg10: memref<8x128xi32, #tpu.memory_space<vmem>>, %arg11: memref<8x128xi32, #tpu.memory_space<vmem>>, %arg12: memref<128x128xf32, #tpu.memory_space<vmem>>, %arg13: memref<128x16xf32, #tpu.memory_space<vmem>>, %arg14: memref<!tpu.dma_semaphore, #tpu.memory_space<semaphore_mem>>) attributes {dimension_semantics = [#tpu.dimension_semantics<core_parallel>, #tpu.dimension_semantics<subcore_parallel>], iteration_bounds = array<i64: 2, 16>, scalar_prefetch = 0 : i64, scratch_operands = 6 : i64, tpu.core_type = #tpu.core_type<sc_vector_subcore>, window_params = [{transform_indices = #map}, {transform_indices = #map}, {transform_indices = #map}, {transform_indices = #map1}, {transform_indices = #map}, {transform_indices = #map1}, {transform_indices = #map1}]} {
    %mul3A = arith.constant 16 : i32
    %mul3A_0 = arith.muli %arg0, %mul3A : i32
    %add3A = arith.addi %mul3A_0, %arg1 : i32
    %mul3A_1 = arith.constant 80 : i32
    %mul3A_2 = arith.muli %add3A, %mul3A_1 : i32
    "tpu.region"() ({
      %run_scoped3A_205 = tpu.sem_alloc : memref<!tpu.dma_semaphore, #tpu.memory_space<semaphore_mem>>
      %dma_start3A_206 = arith.constant 0 : i32
      %dma_start3A_207 = arith.constant 0 : i32
      %dma_start3A_208 = tpu.memref_slice %arg5[%arg1, %dma_start3A_206, %dma_start3A_207] : memref<16x8x128xi32, #tpu.memory_space<hbm>> -> memref<1x8x128xi32, #tpu.memory_space<hbm>>
      %dma_start3A_209 = tpu.memref_squeeze %dma_start3A_208 : memref<1x8x128xi32, #tpu.memory_space<hbm>> -> memref<8x128xi32, #tpu.memory_space<hbm>>
      %dma_start3A_210 = arith.constant 0 : i32
      %dma_start3A_211 = arith.constant 0 : i32
      %dma_start3A_212 = tpu.memref_slice %arg5[%arg1, %dma_start3A_210, %dma_start3A_211] : memref<16x8x128xi32, #tpu.memory_space<hbm>> -> memref<1x8x128xi32, #tpu.memory_space<hbm>>
      %dma_start3A_213 = tpu.memref_squeeze %dma_start3A_212 : memref<1x8x128xi32, #tpu.memory_space<hbm>> -> memref<8x128xi32, #tpu.memory_space<hbm>>
      tpu.enqueue_dma source(%dma_start3A_213 : memref<8x128xi32, #tpu.memory_space<hbm>>) target(%arg10 : memref<8x128xi32, #tpu.memory_space<vmem>>) target_semaphore(%run_scoped3A_205 : memref<!tpu.dma_semaphore, #tpu.memory_space<semaphore_mem>>)
      %dma_wait3A_214 = arith.constant 0 : i32
      %dma_wait3A_215 = arith.constant 0 : i32
      %dma_wait3A_216 = tpu.memref_slice %arg5[%arg1, %dma_wait3A_214, %dma_wait3A_215] : memref<16x8x128xi32, #tpu.memory_space<hbm>> -> memref<1x8x128xi32, #tpu.memory_space<hbm>>
      %dma_wait3A_217 = tpu.memref_squeeze %dma_wait3A_216 : memref<1x8x128xi32, #tpu.memory_space<hbm>> -> memref<8x128xi32, #tpu.memory_space<hbm>>
      %dma_wait3A_218 = arith.constant 0 : i32
      %dma_wait3A_219 = arith.constant 0 : i32
      %dma_wait3A_220 = tpu.memref_slice %arg5[%arg1, %dma_wait3A_218, %dma_wait3A_219] : memref<16x8x128xi32, #tpu.memory_space<hbm>> -> memref<1x8x128xi32, #tpu.memory_space<hbm>>
      %dma_wait3A_221 = tpu.memref_squeeze %dma_wait3A_220 : memref<1x8x128xi32, #tpu.memory_space<hbm>> -> memref<8x128xi32, #tpu.memory_space<hbm>>
      tpu.wait_dma2 semaphore(%run_scoped3A_205 : memref<!tpu.dma_semaphore, #tpu.memory_space<semaphore_mem>>) src(%dma_wait3A_221 : memref<8x128xi32, #tpu.memory_space<hbm>>) dst(%arg10 : memref<8x128xi32, #tpu.memory_space<vmem>>)
      tpu.yield
    }) : () -> ()
    "tpu.region"() ({
      %run_scoped3A_205 = tpu.sem_alloc : memref<!tpu.dma_semaphore, #tpu.memory_space<semaphore_mem>>
      tpu.enqueue_dma source(%arg6 : memref<128x128xf32, #tpu.memory_space<hbm>>) target(%arg12 : memref<128x128xf32, #tpu.memory_space<vmem>>) target_semaphore(%run_scoped3A_205 : memref<!tpu.dma_semaphore, #tpu.memory_space<semaphore_mem>>)
      tpu.wait_dma2 semaphore(%run_scoped3A_205 : memref<!tpu.dma_semaphore, #tpu.memory_space<semaphore_mem>>) src(%arg6 : memref<128x128xf32, #tpu.memory_space<hbm>>) dst(%arg12 : memref<128x128xf32, #tpu.memory_space<vmem>>)
      tpu.yield
    }) : () -> ()
    %run_scoped3A = arith.constant 0 : i32
    "tpu.region"() ({
      %run_scoped3A_205 = tpu.sem_alloc : memref<!tpu.dma_semaphore, #tpu.memory_space<semaphore_mem>>
      %dma_start3A_206 = arith.constant 0 : i32
      %dma_start3A_207 = tpu.memref_slice %arg10[%run_scoped3A, %dma_start3A_206] : memref<8x128xi32, #tpu.memory_space<vmem>> -> memref<1x128xi32, #tpu.memory_space<vmem>>
      %dma_start3A_208 = tpu.memref_squeeze %dma_start3A_207 : memref<1x128xi32, #tpu.memory_space<vmem>> -> memref<128xi32, #tpu.memory_space<vmem>>
      %dma_start3A_209 = arith.constant 0 : i32
      %dma_start3A_210 = arith.constant 0 : i32
      %dma_start3A_211 = tpu.memref_slice %arg9[%dma_start3A_209, %dma_start3A_210] : memref<10240x128xf32, #tpu.memory_space<vmem_shared>> -> memref<10240x128xf32, #tpu.memory_space<vmem_shared>>
      tpu.enqueue_indirect_dma source(%arg12 : memref<128x128xf32, #tpu.memory_space<vmem>>) target(%dma_start3A_211 : memref<10240x128xf32, #tpu.memory_space<vmem_shared>>) offsets(%dma_start3A_208 : memref<128xi32, #tpu.memory_space<vmem>>) semaphore(%run_scoped3A_205 : memref<!tpu.dma_semaphore, #tpu.memory_space<semaphore_mem>>)
      %dma_wait3A_212 = arith.constant 0 : i32
      %dma_wait3A_213 = tpu.memref_slice %arg10[%run_scoped3A, %dma_wait3A_212] : memref<8x128xi32, #tpu.memory_space<vmem>> -> memref<1x128xi32, #tpu.memory_space<vmem>>
      %dma_wait3A_214 = tpu.memref_squeeze %dma_wait3A_213 : memref<1x128xi32, #tpu.memory_space<vmem>> -> memref<128xi32, #tpu.memory_space<vmem>>
      %dma_wait3A_215 = arith.constant 0 : i32
      %dma_wait3A_216 = arith.constant 0 : i32
      %dma_wait3A_217 = tpu.memref_slice %arg9[%dma_wait3A_215, %dma_wait3A_216] : memref<10240x128xf32, #tpu.memory_space<vmem_shared>> -> memref<10240x128xf32, #tpu.memory_space<vmem_shared>>
      tpu.wait_indirect_dma semaphore(%run_scoped3A_205 : memref<!tpu.dma_semaphore, #tpu.memory_space<semaphore_mem>>) src(%arg12 : memref<128x128xf32, #tpu.memory_space<vmem>>) dst(%dma_wait3A_217 : memref<10240x128xf32, #tpu.memory_space<vmem_shared>>)
      tpu.yield
    }) : () -> ()
    %run_scoped3A_3 = arith.constant 1 : i32
    "tpu.region"() ({
      %run_scoped3A_205 = tpu.sem_alloc : memref<!tpu.dma_semaphore, #tpu.memory_space<semaphore_mem>>
      %dma_start3A_206 = arith.constant 0 : i32
      %dma_start3A_207 = tpu.memref_slice %arg10[%run_scoped3A_3, %dma_start3A_206] : memref<8x128xi32, #tpu.memory_space<vmem>> -> memref<1x128xi32, #tpu.memory_space<vmem>>
      %dma_start3A_208 = tpu.memref_squeeze %dma_start3A_207 : memref<1x128xi32, #tpu.memory_space<vmem>> -> memref<128xi32, #tpu.memory_space<vmem>>
      %dma_start3A_209 = arith.constant 0 : i32
      %dma_start3A_210 = arith.constant 0 : i32
      %dma_start3A_211 = tpu.memref_slice %arg9[%dma_start3A_209, %dma_start3A_210] : memref<10240x128xf32, #tpu.memory_space<vmem_shared>> -> memref<10240x128xf32, #tpu.memory_space<vmem_shared>>
      tpu.enqueue_indirect_dma source(%arg12 : memref<128x128xf32, #tpu.memory_space<vmem>>) target(%dma_start3A_211 : memref<10240x128xf32, #tpu.memory_space<vmem_shared>>) offsets(%dma_start3A_208 : memref<128xi32, #tpu.memory_space<vmem>>) semaphore(%run_scoped3A_205 : memref<!tpu.dma_semaphore, #tpu.memory_space<semaphore_mem>>)
      %dma_wait3A_212 = arith.constant 0 : i32
      %dma_wait3A_213 = tpu.memref_slice %arg10[%run_scoped3A_3, %dma_wait3A_212] : memref<8x128xi32, #tpu.memory_space<vmem>> -> memref<1x128xi32, #tpu.memory_space<vmem>>
      %dma_wait3A_214 = tpu.memref_squeeze %dma_wait3A_213 : memref<1x128xi32, #tpu.memory_space<vmem>> -> memref<128xi32, #tpu.memory_space<vmem>>
      %dma_wait3A_215 = arith.constant 0 : i32
      %dma_wait3A_216 = arith.constant 0 : i32
      %dma_wait3A_217 = tpu.memref_slice %arg9[%dma_wait3A_215, %dma_wait3A_216] : memref<10240x128xf32, #tpu.memory_space<vmem_shared>> -> memref<10240x128xf32, #tpu.memory_space<vmem_shared>>
      tpu.wait_indirect_dma semaphore(%run_scoped3A_205 : memref<!tpu.dma_semaphore, #tpu.memory_space<semaphore_mem>>) src(%arg12 : memref<128x128xf32, #tpu.memory_space<vmem>>) dst(%dma_wait3A_217 : memref<10240x128xf32, #tpu.memory_space<vmem_shared>>)
      tpu.yield
    }) : () -> ()
    %run_scoped3A_4 = arith.constant 2 : i32
    "tpu.region"() ({
      %run_scoped3A_205 = tpu.sem_alloc : memref<!tpu.dma_semaphore, #tpu.memory_space<semaphore_mem>>
      %dma_start3A_206 = arith.constant 0 : i32
      %dma_start3A_207 = tpu.memref_slice %arg10[%run_scoped3A_4, %dma_start3A_206] : memref<8x128xi32, #tpu.memory_space<vmem>> -> memref<1x128xi32, #tpu.memory_space<vmem>>
      %dma_start3A_208 = tpu.memref_squeeze %dma_start3A_207 : memref<1x128xi32, #tpu.memory_space<vmem>> -> memref<128xi32, #tpu.memory_space<vmem>>
      %dma_start3A_209 = arith.constant 0 : i32
      %dma_start3A_210 = arith.constant 0 : i32
      %dma_start3A_211 = tpu.memref_slice %arg9[%dma_start3A_209, %dma_start3A_210] : memref<10240x128xf32, #tpu.memory_space<vmem_shared>> -> memref<10240x128xf32, #tpu.memory_space<vmem_shared>>
      tpu.enqueue_indirect_dma source(%arg12 : memref<128x128xf32, #tpu.memory_space<vmem>>) target(%dma_start3A_211 : memref<10240x128xf32, #tpu.memory_space<vmem_shared>>) offsets(%dma_start3A_208 : memref<128xi32, #tpu.memory_space<vmem>>) semaphore(%run_scoped3A_205 : memref<!tpu.dma_semaphore, #tpu.memory_space<semaphore_mem>>)
      %dma_wait3A_212 = arith.constant 0 : i32
      %dma_wait3A_213 = tpu.memref_slice %arg10[%run_scoped3A_4, %dma_wait3A_212] : memref<8x128xi32, #tpu.memory_space<vmem>> -> memref<1x128xi32, #tpu.memory_space<vmem>>
      %dma_wait3A_214 = tpu.memref_squeeze %dma_wait3A_213 : memref<1x128xi32, #tpu.memory_space<vmem>> -> memref<128xi32, #tpu.memory_space<vmem>>
      %dma_wait3A_215 = arith.constant 0 : i32
      %dma_wait3A_216 = arith.constant 0 : i32
      %dma_wait3A_217 = tpu.memref_slice %arg9[%dma_wait3A_215, %dma_wait3A_216] : memref<10240x128xf32, #tpu.memory_space<vmem_shared>> -> memref<10240x128xf32, #tpu.memory_space<vmem_shared>>
      tpu.wait_indirect_dma semaphore(%run_scoped3A_205 : memref<!tpu.dma_semaphore, #tpu.memory_space<semaphore_mem>>) src(%arg12 : memref<128x128xf32, #tpu.memory_space<vmem>>) dst(%dma_wait3A_217 : memref<10240x128xf32, #tpu.memory_space<vmem_shared>>)
      tpu.yield
    }) : () -> ()
    %run_scoped3A_5 = arith.constant 3 : i32
    "tpu.region"() ({
      %run_scoped3A_205 = tpu.sem_alloc : memref<!tpu.dma_semaphore, #tpu.memory_space<semaphore_mem>>
      %dma_start3A_206 = arith.constant 0 : i32
      %dma_start3A_207 = tpu.memref_slice %arg10[%run_scoped3A_5, %dma_start3A_206] : memref<8x128xi32, #tpu.memory_space<vmem>> -> memref<1x128xi32, #tpu.memory_space<vmem>>
      %dma_start3A_208 = tpu.memref_squeeze %dma_start3A_207 : memref<1x128xi32, #tpu.memory_space<vmem>> -> memref<128xi32, #tpu.memory_space<vmem>>
      %dma_start3A_209 = arith.constant 0 : i32
      %dma_start3A_210 = arith.constant 0 : i32
      %dma_start3A_211 = tpu.memref_slice %arg9[%dma_start3A_209, %dma_start3A_210] : memref<10240x128xf32, #tpu.memory_space<vmem_shared>> -> memref<10240x128xf32, #tpu.memory_space<vmem_shared>>
      tpu.enqueue_indirect_dma source(%arg12 : memref<128x128xf32, #tpu.memory_space<vmem>>) target(%dma_start3A_211 : memref<10240x128xf32, #tpu.memory_space<vmem_shared>>) offsets(%dma_start3A_208 : memref<128xi32, #tpu.memory_space<vmem>>) semaphore(%run_scoped3A_205 : memref<!tpu.dma_semaphore, #tpu.memory_space<semaphore_mem>>)
      %dma_wait3A_212 = arith.constant 0 : i32
      %dma_wait3A_213 = tpu.memref_slice %arg10[%run_scoped3A_5, %dma_wait3A_212] : memref<8x128xi32, #tpu.memory_space<vmem>> -> memref<1x128xi32, #tpu.memory_space<vmem>>
      %dma_wait3A_214 = tpu.memref_squeeze %dma_wait3A_213 : memref<1x128xi32, #tpu.memory_space<vmem>> -> memref<128xi32, #tpu.memory_space<vmem>>
      %dma_wait3A_215 = arith.constant 0 : i32
      %dma_wait3A_216 = arith.constant 0 : i32
      %dma_wait3A_217 = tpu.memref_slice %arg9[%dma_wait3A_215, %dma_wait3A_216] : memref<10240x128xf32, #tpu.memory_space<vmem_shared>> -> memref<10240x128xf32, #tpu.memory_space<vmem_shared>>
      tpu.wait_indirect_dma semaphore(%run_scoped3A_205 : memref<!tpu.dma_semaphore, #tpu.memory_space<semaphore_mem>>) src(%arg12 : memref<128x128xf32, #tpu.memory_space<vmem>>) dst(%dma_wait3A_217 : memref<10240x128xf32, #tpu.memory_space<vmem_shared>>)
      tpu.yield
    }) : () -> ()
    %run_scoped3A_6 = arith.constant 4 : i32
    "tpu.region"() ({
      %run_scoped3A_205 = tpu.sem_alloc : memref<!tpu.dma_semaphore, #tpu.memory_space<semaphore_mem>>
      %dma_start3A_206 = arith.constant 0 : i32
      %dma_start3A_207 = tpu.memref_slice %arg10[%run_scoped3A_6, %dma_start3A_206] : memref<8x128xi32, #tpu.memory_space<vmem>> -> memref<1x128xi32, #tpu.memory_space<vmem>>
      %dma_start3A_208 = tpu.memref_squeeze %dma_start3A_207 : memref<1x128xi32, #tpu.memory_space<vmem>> -> memref<128xi32, #tpu.memory_space<vmem>>
      %dma_start3A_209 = arith.constant 0 : i32
      %dma_start3A_210 = arith.constant 0 : i32
      %dma_start3A_211 = tpu.memref_slice %arg9[%dma_start3A_209, %dma_start3A_210] : memref<10240x128xf32, #tpu.memory_space<vmem_shared>> -> memref<10240x128xf32, #tpu.memory_space<vmem_shared>>
      tpu.enqueue_indirect_dma source(%arg12 : memref<128x128xf32, #tpu.memory_space<vmem>>) target(%dma_start3A_211 : memref<10240x128xf32, #tpu.memory_space<vmem_shared>>) offsets(%dma_start3A_208 : memref<128xi32, #tpu.memory_space<vmem>>) semaphore(%run_scoped3A_205 : memref<!tpu.dma_semaphore, #tpu.memory_space<semaphore_mem>>)
      %dma_wait3A_212 = arith.constant 0 : i32
      %dma_wait3A_213 = tpu.memref_slice %arg10[%run_scoped3A_6, %dma_wait3A_212] : memref<8x128xi32, #tpu.memory_space<vmem>> -> memref<1x128xi32, #tpu.memory_space<vmem>>
      %dma_wait3A_214 = tpu.memref_squeeze %dma_wait3A_213 : memref<1x128xi32, #tpu.memory_space<vmem>> -> memref<128xi32, #tpu.memory_space<vmem>>
      %dma_wait3A_215 = arith.constant 0 : i32
      %dma_wait3A_216 = arith.constant 0 : i32
      %dma_wait3A_217 = tpu.memref_slice %arg9[%dma_wait3A_215, %dma_wait3A_216] : memref<10240x128xf32, #tpu.memory_space<vmem_shared>> -> memref<10240x128xf32, #tpu.memory_space<vmem_shared>>
      tpu.wait_indirect_dma semaphore(%run_scoped3A_205 : memref<!tpu.dma_semaphore, #tpu.memory_space<semaphore_mem>>) src(%arg12 : memref<128x128xf32, #tpu.memory_space<vmem>>) dst(%dma_wait3A_217 : memref<10240x128xf32, #tpu.memory_space<vmem_shared>>)
      tpu.yield
    }) : () -> ()
    %barrier3A = arith.constant 0 : index
    tpu.barrier barrier_id(%barrier3A)
    %scan3A = arith.constant 0 : i32
    %scan3A_7 = arith.constant 0 : i32
    %scan3A_8 = arith.constant 10 : i32
    %scan3A_9 = arith.addi %scan3A_7, %scan3A_8 : i32
    %scan3A_10 = arith.constant 1 : i32
    scf.for %scan3A_205 = %scan3A_7 to %scan3A_9 step %scan3A_10  : i32 {
      %mul3A_206 = arith.constant 8 : i32
      %mul3A_207 = arith.muli %scan3A_205, %mul3A_206 : i32
      %add3A_208 = arith.addi %mul3A_2, %mul3A_207 : i32
      "tpu.region"() ({
        %run_scoped3A_249 = tpu.sem_alloc : memref<!tpu.dma_semaphore, #tpu.memory_space<semaphore_mem>>
        %dma_start3A_250 = arith.constant 0 : i32
        %dma_start3A_251 = tpu.memref_slice %arg4[%add3A_208, %dma_start3A_250] : memref<2560x128xi32, #tpu.memory_space<hbm>> -> memref<8x128xi32, #tpu.memory_space<hbm>>
        %dma_start3A_252 = arith.constant 0 : i32
        %dma_start3A_253 = tpu.memref_slice %arg4[%add3A_208, %dma_start3A_252] : memref<2560x128xi32, #tpu.memory_space<hbm>> -> memref<8x128xi32, #tpu.memory_space<hbm>>
        tpu.enqueue_dma source(%dma_start3A_253 : memref<8x128xi32, #tpu.memory_space<hbm>>) target(%arg11 : memref<8x128xi32, #tpu.memory_space<vmem>>) target_semaphore(%run_scoped3A_249 : memref<!tpu.dma_semaphore, #tpu.memory_space<semaphore_mem>>)
        %dma_wait3A_254 = arith.constant 0 : i32
        %dma_wait3A_255 = tpu.memref_slice %arg4[%add3A_208, %dma_wait3A_254] : memref<2560x128xi32, #tpu.memory_space<hbm>> -> memref<8x128xi32, #tpu.memory_space<hbm>>
        %dma_wait3A_256 = arith.constant 0 : i32
        %dma_wait3A_257 = tpu.memref_slice %arg4[%add3A_208, %dma_wait3A_256] : memref<2560x128xi32, #tpu.memory_space<hbm>> -> memref<8x128xi32, #tpu.memory_space<hbm>>
        tpu.wait_dma2 semaphore(%run_scoped3A_249 : memref<!tpu.dma_semaphore, #tpu.memory_space<semaphore_mem>>) src(%dma_wait3A_257 : memref<8x128xi32, #tpu.memory_space<hbm>>) dst(%arg11 : memref<8x128xi32, #tpu.memory_space<vmem>>)
        tpu.yield
      }) : () -> ()
      %add3A_209 = arith.constant 0 : i32
      %add3A_210 = arith.addi %add3A_208, %add3A_209 : i32
      %mul3A_211 = arith.constant 128 : i32
      %mul3A_212 = arith.muli %add3A_210, %mul3A_211 : i32
      "tpu.region"() ({
        %run_scoped3A_249 = tpu.sem_alloc : memref<!tpu.dma_semaphore, #tpu.memory_space<semaphore_mem>>
        %dma_start3A_250 = arith.constant 0 : i32
        %dma_start3A_251 = tpu.memref_slice %arg2[%mul3A_212, %dma_start3A_250] : memref<327680x128xf32, #tpu.memory_space<hbm>> -> memref<128x128xf32, #tpu.memory_space<hbm>>
        %dma_start3A_252 = arith.constant 0 : i32
        %dma_start3A_253 = tpu.memref_slice %arg2[%mul3A_212, %dma_start3A_252] : memref<327680x128xf32, #tpu.memory_space<hbm>> -> memref<128x128xf32, #tpu.memory_space<hbm>>
        tpu.enqueue_dma source(%dma_start3A_253 : memref<128x128xf32, #tpu.memory_space<hbm>>) target(%arg12 : memref<128x128xf32, #tpu.memory_space<vmem>>) target_semaphore(%run_scoped3A_249 : memref<!tpu.dma_semaphore, #tpu.memory_space<semaphore_mem>>)
        %dma_wait3A_254 = arith.constant 0 : i32
        %dma_wait3A_255 = tpu.memref_slice %arg2[%mul3A_212, %dma_wait3A_254] : memref<327680x128xf32, #tpu.memory_space<hbm>> -> memref<128x128xf32, #tpu.memory_space<hbm>>
        %dma_wait3A_256 = arith.constant 0 : i32
        %dma_wait3A_257 = tpu.memref_slice %arg2[%mul3A_212, %dma_wait3A_256] : memref<327680x128xf32, #tpu.memory_space<hbm>> -> memref<128x128xf32, #tpu.memory_space<hbm>>
        tpu.wait_dma2 semaphore(%run_scoped3A_249 : memref<!tpu.dma_semaphore, #tpu.memory_space<semaphore_mem>>) src(%dma_wait3A_257 : memref<128x128xf32, #tpu.memory_space<hbm>>) dst(%arg12 : memref<128x128xf32, #tpu.memory_space<vmem>>)
        tpu.yield
      }) : () -> ()
      %run_scoped3A_213 = arith.constant 0 : i32
      "tpu.region"() ({
        %run_scoped3A_249 = tpu.sem_alloc : memref<!tpu.dma_semaphore, #tpu.memory_space<semaphore_mem>>
        %dma_start3A_250 = arith.constant 0 : i32
        %dma_start3A_251 = tpu.memref_slice %arg11[%run_scoped3A_213, %dma_start3A_250] : memref<8x128xi32, #tpu.memory_space<vmem>> -> memref<1x128xi32, #tpu.memory_space<vmem>>
        %dma_start3A_252 = tpu.memref_squeeze %dma_start3A_251 : memref<1x128xi32, #tpu.memory_space<vmem>> -> memref<128xi32, #tpu.memory_space<vmem>>
        %dma_start3A_253 = arith.constant 0 : i32
        %dma_start3A_254 = arith.constant 0 : i32
        %dma_start3A_255 = tpu.memref_slice %arg9[%dma_start3A_253, %dma_start3A_254] : memref<10240x128xf32, #tpu.memory_space<vmem_shared>> -> memref<10240x128xf32, #tpu.memory_space<vmem_shared>>
        tpu.enqueue_indirect_dma source(%arg12 : memref<128x128xf32, #tpu.memory_space<vmem>>) target(%dma_start3A_255 : memref<10240x128xf32, #tpu.memory_space<vmem_shared>>) offsets(%dma_start3A_252 : memref<128xi32, #tpu.memory_space<vmem>>) semaphore(%run_scoped3A_249 : memref<!tpu.dma_semaphore, #tpu.memory_space<semaphore_mem>>) {add = true}
        %dma_wait3A_256 = arith.constant 0 : i32
        %dma_wait3A_257 = tpu.memref_slice %arg11[%run_scoped3A_213, %dma_wait3A_256] : memref<8x128xi32, #tpu.memory_space<vmem>> -> memref<1x128xi32, #tpu.memory_space<vmem>>
        %dma_wait3A_258 = tpu.memref_squeeze %dma_wait3A_257 : memref<1x128xi32, #tpu.memory_space<vmem>> -> memref<128xi32, #tpu.memory_space<vmem>>
        %dma_wait3A_259 = arith.constant 0 : i32
        %dma_wait3A_260 = arith.constant 0 : i32
        %dma_wait3A_261 = tpu.memref_slice %arg9[%dma_wait3A_259, %dma_wait3A_260] : memref<10240x128xf32, #tpu.memory_space<vmem_shared>> -> memref<10240x128xf32, #tpu.memory_space<vmem_shared>>
        tpu.wait_indirect_dma semaphore(%run_scoped3A_249 : memref<!tpu.dma_semaphore, #tpu.memory_space<semaphore_mem>>) src(%arg12 : memref<128x128xf32, #tpu.memory_space<vmem>>) dst(%dma_wait3A_261 : memref<10240x128xf32, #tpu.memory_space<vmem_shared>>)
        tpu.yield
      }) : () -> ()
      %add3A_214 = arith.constant 1 : i32
      %add3A_215 = arith.addi %add3A_208, %add3A_214 : i32
      %mul3A_216 = arith.constant 128 : i32
      %mul3A_217 = arith.muli %add3A_215, %mul3A_216 : i32
      "tpu.region"() ({
        %run_scoped3A_249 = tpu.sem_alloc : memref<!tpu.dma_semaphore, #tpu.memory_space<semaphore_mem>>
        %dma_start3A_250 = arith.constant 0 : i32
        %dma_start3A_251 = tpu.memref_slice %arg2[%mul3A_217, %dma_start3A_250] : memref<327680x128xf32, #tpu.memory_space<hbm>> -> memref<128x128xf32, #tpu.memory_space<hbm>>
        %dma_start3A_252 = arith.constant 0 : i32
        %dma_start3A_253 = tpu.memref_slice %arg2[%mul3A_217, %dma_start3A_252] : memref<327680x128xf32, #tpu.memory_space<hbm>> -> memref<128x128xf32, #tpu.memory_space<hbm>>
        tpu.enqueue_dma source(%dma_start3A_253 : memref<128x128xf32, #tpu.memory_space<hbm>>) target(%arg12 : memref<128x128xf32, #tpu.memory_space<vmem>>) target_semaphore(%run_scoped3A_249 : memref<!tpu.dma_semaphore, #tpu.memory_space<semaphore_mem>>)
        %dma_wait3A_254 = arith.constant 0 : i32
        %dma_wait3A_255 = tpu.memref_slice %arg2[%mul3A_217, %dma_wait3A_254] : memref<327680x128xf32, #tpu.memory_space<hbm>> -> memref<128x128xf32, #tpu.memory_space<hbm>>
        %dma_wait3A_256 = arith.constant 0 : i32
        %dma_wait3A_257 = tpu.memref_slice %arg2[%mul3A_217, %dma_wait3A_256] : memref<327680x128xf32, #tpu.memory_space<hbm>> -> memref<128x128xf32, #tpu.memory_space<hbm>>
        tpu.wait_dma2 semaphore(%run_scoped3A_249 : memref<!tpu.dma_semaphore, #tpu.memory_space<semaphore_mem>>) src(%dma_wait3A_257 : memref<128x128xf32, #tpu.memory_space<hbm>>) dst(%arg12 : memref<128x128xf32, #tpu.memory_space<vmem>>)
        tpu.yield
      }) : () -> ()
      %run_scoped3A_218 = arith.constant 1 : i32
      "tpu.region"() ({
        %run_scoped3A_249 = tpu.sem_alloc : memref<!tpu.dma_semaphore, #tpu.memory_space<semaphore_mem>>
        %dma_start3A_250 = arith.constant 0 : i32
        %dma_start3A_251 = tpu.memref_slice %arg11[%run_scoped3A_218, %dma_start3A_250] : memref<8x128xi32, #tpu.memory_space<vmem>> -> memref<1x128xi32, #tpu.memory_space<vmem>>
        %dma_start3A_252 = tpu.memref_squeeze %dma_start3A_251 : memref<1x128xi32, #tpu.memory_space<vmem>> -> memref<128xi32, #tpu.memory_space<vmem>>
        %dma_start3A_253 = arith.constant 0 : i32
        %dma_start3A_254 = arith.constant 0 : i32
        %dma_start3A_255 = tpu.memref_slice %arg9[%dma_start3A_253, %dma_start3A_254] : memref<10240x128xf32, #tpu.memory_space<vmem_shared>> -> memref<10240x128xf32, #tpu.memory_space<vmem_shared>>
        tpu.enqueue_indirect_dma source(%arg12 : memref<128x128xf32, #tpu.memory_space<vmem>>) target(%dma_start3A_255 : memref<10240x128xf32, #tpu.memory_space<vmem_shared>>) offsets(%dma_start3A_252 : memref<128xi32, #tpu.memory_space<vmem>>) semaphore(%run_scoped3A_249 : memref<!tpu.dma_semaphore, #tpu.memory_space<semaphore_mem>>) {add = true}
        %dma_wait3A_256 = arith.constant 0 : i32
        %dma_wait3A_257 = tpu.memref_slice %arg11[%run_scoped3A_218, %dma_wait3A_256] : memref<8x128xi32, #tpu.memory_space<vmem>> -> memref<1x128xi32, #tpu.memory_space<vmem>>
        %dma_wait3A_258 = tpu.memref_squeeze %dma_wait3A_257 : memref<1x128xi32, #tpu.memory_space<vmem>> -> memref<128xi32, #tpu.memory_space<vmem>>
        %dma_wait3A_259 = arith.constant 0 : i32
        %dma_wait3A_260 = arith.constant 0 : i32
        %dma_wait3A_261 = tpu.memref_slice %arg9[%dma_wait3A_259, %dma_wait3A_260] : memref<10240x128xf32, #tpu.memory_space<vmem_shared>> -> memref<10240x128xf32, #tpu.memory_space<vmem_shared>>
        tpu.wait_indirect_dma semaphore(%run_scoped3A_249 : memref<!tpu.dma_semaphore, #tpu.memory_space<semaphore_mem>>) src(%arg12 : memref<128x128xf32, #tpu.memory_space<vmem>>) dst(%dma_wait3A_261 : memref<10240x128xf32, #tpu.memory_space<vmem_shared>>)
        tpu.yield
      }) : () -> ()
      %add3A_219 = arith.constant 2 : i32
      %add3A_220 = arith.addi %add3A_208, %add3A_219 : i32
      %mul3A_221 = arith.constant 128 : i32
      %mul3A_222 = arith.muli %add3A_220, %mul3A_221 : i32
      "tpu.region"() ({
        %run_scoped3A_249 = tpu.sem_alloc : memref<!tpu.dma_semaphore, #tpu.memory_space<semaphore_mem>>
        %dma_start3A_250 = arith.constant 0 : i32
        %dma_start3A_251 = tpu.memref_slice %arg2[%mul3A_222, %dma_start3A_250] : memref<327680x128xf32, #tpu.memory_space<hbm>> -> memref<128x128xf32, #tpu.memory_space<hbm>>
        %dma_start3A_252 = arith.constant 0 : i32
        %dma_start3A_253 = tpu.memref_slice %arg2[%mul3A_222, %dma_start3A_252] : memref<327680x128xf32, #tpu.memory_space<hbm>> -> memref<128x128xf32, #tpu.memory_space<hbm>>
        tpu.enqueue_dma source(%dma_start3A_253 : memref<128x128xf32, #tpu.memory_space<hbm>>) target(%arg12 : memref<128x128xf32, #tpu.memory_space<vmem>>) target_semaphore(%run_scoped3A_249 : memref<!tpu.dma_semaphore, #tpu.memory_space<semaphore_mem>>)
        %dma_wait3A_254 = arith.constant 0 : i32
        %dma_wait3A_255 = tpu.memref_slice %arg2[%mul3A_222, %dma_wait3A_254] : memref<327680x128xf32, #tpu.memory_space<hbm>> -> memref<128x128xf32, #tpu.memory_space<hbm>>
        %dma_wait3A_256 = arith.constant 0 : i32
        %dma_wait3A_257 = tpu.memref_slice %arg2[%mul3A_222, %dma_wait3A_256] : memref<327680x128xf32, #tpu.memory_space<hbm>> -> memref<128x128xf32, #tpu.memory_space<hbm>>
        tpu.wait_dma2 semaphore(%run_scoped3A_249 : memref<!tpu.dma_semaphore, #tpu.memory_space<semaphore_mem>>) src(%dma_wait3A_257 : memref<128x128xf32, #tpu.memory_space<hbm>>) dst(%arg12 : memref<128x128xf32, #tpu.memory_space<vmem>>)
        tpu.yield
      }) : () -> ()
      %run_scoped3A_223 = arith.constant 2 : i32
      "tpu.region"() ({
        %run_scoped3A_249 = tpu.sem_alloc : memref<!tpu.dma_semaphore, #tpu.memory_space<semaphore_mem>>
        %dma_start3A_250 = arith.constant 0 : i32
        %dma_start3A_251 = tpu.memref_slice %arg11[%run_scoped3A_223, %dma_start3A_250] : memref<8x128xi32, #tpu.memory_space<vmem>> -> memref<1x128xi32, #tpu.memory_space<vmem>>
        %dma_start3A_252 = tpu.memref_squeeze %dma_start3A_251 : memref<1x128xi32, #tpu.memory_space<vmem>> -> memref<128xi32, #tpu.memory_space<vmem>>
        %dma_start3A_253 = arith.constant 0 : i32
        %dma_start3A_254 = arith.constant 0 : i32
        %dma_start3A_255 = tpu.memref_slice %arg9[%dma_start3A_253, %dma_start3A_254] : memref<10240x128xf32, #tpu.memory_space<vmem_shared>> -> memref<10240x128xf32, #tpu.memory_space<vmem_shared>>
        tpu.enqueue_indirect_dma source(%arg12 : memref<128x128xf32, #tpu.memory_space<vmem>>) target(%dma_start3A_255 : memref<10240x128xf32, #tpu.memory_space<vmem_shared>>) offsets(%dma_start3A_252 : memref<128xi32, #tpu.memory_space<vmem>>) semaphore(%run_scoped3A_249 : memref<!tpu.dma_semaphore, #tpu.memory_space<semaphore_mem>>) {add = true}
        %dma_wait3A_256 = arith.constant 0 : i32
        %dma_wait3A_257 = tpu.memref_slice %arg11[%run_scoped3A_223, %dma_wait3A_256] : memref<8x128xi32, #tpu.memory_space<vmem>> -> memref<1x128xi32, #tpu.memory_space<vmem>>
        %dma_wait3A_258 = tpu.memref_squeeze %dma_wait3A_257 : memref<1x128xi32, #tpu.memory_space<vmem>> -> memref<128xi32, #tpu.memory_space<vmem>>
        %dma_wait3A_259 = arith.constant 0 : i32
        %dma_wait3A_260 = arith.constant 0 : i32
        %dma_wait3A_261 = tpu.memref_slice %arg9[%dma_wait3A_259, %dma_wait3A_260] : memref<10240x128xf32, #tpu.memory_space<vmem_shared>> -> memref<10240x128xf32, #tpu.memory_space<vmem_shared>>
        tpu.wait_indirect_dma semaphore(%run_scoped3A_249 : memref<!tpu.dma_semaphore, #tpu.memory_space<semaphore_mem>>) src(%arg12 : memref<128x128xf32, #tpu.memory_space<vmem>>) dst(%dma_wait3A_261 : memref<10240x128xf32, #tpu.memory_space<vmem_shared>>)
        tpu.yield
      }) : () -> ()
      %add3A_224 = arith.constant 3 : i32
      %add3A_225 = arith.addi %add3A_208, %add3A_224 : i32
      %mul3A_226 = arith.constant 128 : i32
      %mul3A_227 = arith.muli %add3A_225, %mul3A_226 : i32
      "tpu.region"() ({
        %run_scoped3A_249 = tpu.sem_alloc : memref<!tpu.dma_semaphore, #tpu.memory_space<semaphore_mem>>
        %dma_start3A_250 = arith.constant 0 : i32
        %dma_start3A_251 = tpu.memref_slice %arg2[%mul3A_227, %dma_start3A_250] : memref<327680x128xf32, #tpu.memory_space<hbm>> -> memref<128x128xf32, #tpu.memory_space<hbm>>
        %dma_start3A_252 = arith.constant 0 : i32
        %dma_start3A_253 = tpu.memref_slice %arg2[%mul3A_227, %dma_start3A_252] : memref<327680x128xf32, #tpu.memory_space<hbm>> -> memref<128x128xf32, #tpu.memory_space<hbm>>
        tpu.enqueue_dma source(%dma_start3A_253 : memref<128x128xf32, #tpu.memory_space<hbm>>) target(%arg12 : memref<128x128xf32, #tpu.memory_space<vmem>>) target_semaphore(%run_scoped3A_249 : memref<!tpu.dma_semaphore, #tpu.memory_space<semaphore_mem>>)
        %dma_wait3A_254 = arith.constant 0 : i32
        %dma_wait3A_255 = tpu.memref_slice %arg2[%mul3A_227, %dma_wait3A_254] : memref<327680x128xf32, #tpu.memory_space<hbm>> -> memref<128x128xf32, #tpu.memory_space<hbm>>
        %dma_wait3A_256 = arith.constant 0 : i32
        %dma_wait3A_257 = tpu.memref_slice %arg2[%mul3A_227, %dma_wait3A_256] : memref<327680x128xf32, #tpu.memory_space<hbm>> -> memref<128x128xf32, #tpu.memory_space<hbm>>
        tpu.wait_dma2 semaphore(%run_scoped3A_249 : memref<!tpu.dma_semaphore, #tpu.memory_space<semaphore_mem>>) src(%dma_wait3A_257 : memref<128x128xf32, #tpu.memory_space<hbm>>) dst(%arg12 : memref<128x128xf32, #tpu.memory_space<vmem>>)
        tpu.yield
      }) : () -> ()
      %run_scoped3A_228 = arith.constant 3 : i32
      "tpu.region"() ({
        %run_scoped3A_249 = tpu.sem_alloc : memref<!tpu.dma_semaphore, #tpu.memory_space<semaphore_mem>>
        %dma_start3A_250 = arith.constant 0 : i32
        %dma_start3A_251 = tpu.memref_slice %arg11[%run_scoped3A_228, %dma_start3A_250] : memref<8x128xi32, #tpu.memory_space<vmem>> -> memref<1x128xi32, #tpu.memory_space<vmem>>
        %dma_start3A_252 = tpu.memref_squeeze %dma_start3A_251 : memref<1x128xi32, #tpu.memory_space<vmem>> -> memref<128xi32, #tpu.memory_space<vmem>>
        %dma_start3A_253 = arith.constant 0 : i32
        %dma_start3A_254 = arith.constant 0 : i32
        %dma_start3A_255 = tpu.memref_slice %arg9[%dma_start3A_253, %dma_start3A_254] : memref<10240x128xf32, #tpu.memory_space<vmem_shared>> -> memref<10240x128xf32, #tpu.memory_space<vmem_shared>>
        tpu.enqueue_indirect_dma source(%arg12 : memref<128x128xf32, #tpu.memory_space<vmem>>) target(%dma_start3A_255 : memref<10240x128xf32, #tpu.memory_space<vmem_shared>>) offsets(%dma_start3A_252 : memref<128xi32, #tpu.memory_space<vmem>>) semaphore(%run_scoped3A_249 : memref<!tpu.dma_semaphore, #tpu.memory_space<semaphore_mem>>) {add = true}
        %dma_wait3A_256 = arith.constant 0 : i32
        %dma_wait3A_257 = tpu.memref_slice %arg11[%run_scoped3A_228, %dma_wait3A_256] : memref<8x128xi32, #tpu.memory_space<vmem>> -> memref<1x128xi32, #tpu.memory_space<vmem>>
        %dma_wait3A_258 = tpu.memref_squeeze %dma_wait3A_257 : memref<1x128xi32, #tpu.memory_space<vmem>> -> memref<128xi32, #tpu.memory_space<vmem>>
        %dma_wait3A_259 = arith.constant 0 : i32
        %dma_wait3A_260 = arith.constant 0 : i32
        %dma_wait3A_261 = tpu.memref_slice %arg9[%dma_wait3A_259, %dma_wait3A_260] : memref<10240x128xf32, #tpu.memory_space<vmem_shared>> -> memref<10240x128xf32, #tpu.memory_space<vmem_shared>>
        tpu.wait_indirect_dma semaphore(%run_scoped3A_249 : memref<!tpu.dma_semaphore, #tpu.memory_space<semaphore_mem>>) src(%arg12 : memref<128x128xf32, #tpu.memory_space<vmem>>) dst(%dma_wait3A_261 : memref<10240x128xf32, #tpu.memory_space<vmem_shared>>)
        tpu.yield
      }) : () -> ()
      %add3A_229 = arith.constant 4 : i32
      %add3A_230 = arith.addi %add3A_208, %add3A_229 : i32
      %mul3A_231 = arith.constant 128 : i32
      %mul3A_232 = arith.muli %add3A_230, %mul3A_231 : i32
      "tpu.region"() ({
        %run_scoped3A_249 = tpu.sem_alloc : memref<!tpu.dma_semaphore, #tpu.memory_space<semaphore_mem>>
        %dma_start3A_250 = arith.constant 0 : i32
        %dma_start3A_251 = tpu.memref_slice %arg2[%mul3A_232, %dma_start3A_250] : memref<327680x128xf32, #tpu.memory_space<hbm>> -> memref<128x128xf32, #tpu.memory_space<hbm>>
        %dma_start3A_252 = arith.constant 0 : i32
        %dma_start3A_253 = tpu.memref_slice %arg2[%mul3A_232, %dma_start3A_252] : memref<327680x128xf32, #tpu.memory_space<hbm>> -> memref<128x128xf32, #tpu.memory_space<hbm>>
        tpu.enqueue_dma source(%dma_start3A_253 : memref<128x128xf32, #tpu.memory_space<hbm>>) target(%arg12 : memref<128x128xf32, #tpu.memory_space<vmem>>) target_semaphore(%run_scoped3A_249 : memref<!tpu.dma_semaphore, #tpu.memory_space<semaphore_mem>>)
        %dma_wait3A_254 = arith.constant 0 : i32
        %dma_wait3A_255 = tpu.memref_slice %arg2[%mul3A_232, %dma_wait3A_254] : memref<327680x128xf32, #tpu.memory_space<hbm>> -> memref<128x128xf32, #tpu.memory_space<hbm>>
        %dma_wait3A_256 = arith.constant 0 : i32
        %dma_wait3A_257 = tpu.memref_slice %arg2[%mul3A_232, %dma_wait3A_256] : memref<327680x128xf32, #tpu.memory_space<hbm>> -> memref<128x128xf32, #tpu.memory_space<hbm>>
        tpu.wait_dma2 semaphore(%run_scoped3A_249 : memref<!tpu.dma_semaphore, #tpu.memory_space<semaphore_mem>>) src(%dma_wait3A_257 : memref<128x128xf32, #tpu.memory_space<hbm>>) dst(%arg12 : memref<128x128xf32, #tpu.memory_space<vmem>>)
        tpu.yield
      }) : () -> ()
      %run_scoped3A_233 = arith.constant 4 : i32
      "tpu.region"() ({
        %run_scoped3A_249 = tpu.sem_alloc : memref<!tpu.dma_semaphore, #tpu.memory_space<semaphore_mem>>
        %dma_start3A_250 = arith.constant 0 : i32
        %dma_start3A_251 = tpu.memref_slice %arg11[%run_scoped3A_233, %dma_start3A_250] : memref<8x128xi32, #tpu.memory_space<vmem>> -> memref<1x128xi32, #tpu.memory_space<vmem>>
        %dma_start3A_252 = tpu.memref_squeeze %dma_start3A_251 : memref<1x128xi32, #tpu.memory_space<vmem>> -> memref<128xi32, #tpu.memory_space<vmem>>
        %dma_start3A_253 = arith.constant 0 : i32
        %dma_start3A_254 = arith.constant 0 : i32
        %dma_start3A_255 = tpu.memref_slice %arg9[%dma_start3A_253, %dma_start3A_254] : memref<10240x128xf32, #tpu.memory_space<vmem_shared>> -> memref<10240x128xf32, #tpu.memory_space<vmem_shared>>
        tpu.enqueue_indirect_dma source(%arg12 : memref<128x128xf32, #tpu.memory_space<vmem>>) target(%dma_start3A_255 : memref<10240x128xf32, #tpu.memory_space<vmem_shared>>) offsets(%dma_start3A_252 : memref<128xi32, #tpu.memory_space<vmem>>) semaphore(%run_scoped3A_249 : memref<!tpu.dma_semaphore, #tpu.memory_space<semaphore_mem>>) {add = true}
        %dma_wait3A_256 = arith.constant 0 : i32
        %dma_wait3A_257 = tpu.memref_slice %arg11[%run_scoped3A_233, %dma_wait3A_256] : memref<8x128xi32, #tpu.memory_space<vmem>> -> memref<1x128xi32, #tpu.memory_space<vmem>>
        %dma_wait3A_258 = tpu.memref_squeeze %dma_wait3A_257 : memref<1x128xi32, #tpu.memory_space<vmem>> -> memref<128xi32, #tpu.memory_space<vmem>>
        %dma_wait3A_259 = arith.constant 0 : i32
        %dma_wait3A_260 = arith.constant 0 : i32
        %dma_wait3A_261 = tpu.memref_slice %arg9[%dma_wait3A_259, %dma_wait3A_260] : memref<10240x128xf32, #tpu.memory_space<vmem_shared>> -> memref<10240x128xf32, #tpu.memory_space<vmem_shared>>
        tpu.wait_indirect_dma semaphore(%run_scoped3A_249 : memref<!tpu.dma_semaphore, #tpu.memory_space<semaphore_mem>>) src(%arg12 : memref<128x128xf32, #tpu.memory_space<vmem>>) dst(%dma_wait3A_261 : memref<10240x128xf32, #tpu.memory_space<vmem_shared>>)
        tpu.yield
      }) : () -> ()
      %add3A_234 = arith.constant 5 : i32
      %add3A_235 = arith.addi %add3A_208, %add3A_234 : i32
      %mul3A_236 = arith.constant 128 : i32
      %mul3A_237 = arith.muli %add3A_235, %mul3A_236 : i32
      "tpu.region"() ({
        %run_scoped3A_249 = tpu.sem_alloc : memref<!tpu.dma_semaphore, #tpu.memory_space<semaphore_mem>>
        %dma_start3A_250 = arith.constant 0 : i32
        %dma_start3A_251 = tpu.memref_slice %arg2[%mul3A_237, %dma_start3A_250] : memref<327680x128xf32, #tpu.memory_space<hbm>> -> memref<128x128xf32, #tpu.memory_space<hbm>>
        %dma_start3A_252 = arith.constant 0 : i32
        %dma_start3A_253 = tpu.memref_slice %arg2[%mul3A_237, %dma_start3A_252] : memref<327680x128xf32, #tpu.memory_space<hbm>> -> memref<128x128xf32, #tpu.memory_space<hbm>>
        tpu.enqueue_dma source(%dma_start3A_253 : memref<128x128xf32, #tpu.memory_space<hbm>>) target(%arg12 : memref<128x128xf32, #tpu.memory_space<vmem>>) target_semaphore(%run_scoped3A_249 : memref<!tpu.dma_semaphore, #tpu.memory_space<semaphore_mem>>)
        %dma_wait3A_254 = arith.constant 0 : i32
        %dma_wait3A_255 = tpu.memref_slice %arg2[%mul3A_237, %dma_wait3A_254] : memref<327680x128xf32, #tpu.memory_space<hbm>> -> memref<128x128xf32, #tpu.memory_space<hbm>>
        %dma_wait3A_256 = arith.constant 0 : i32
        %dma_wait3A_257 = tpu.memref_slice %arg2[%mul3A_237, %dma_wait3A_256] : memref<327680x128xf32, #tpu.memory_space<hbm>> -> memref<128x128xf32, #tpu.memory_space<hbm>>
        tpu.wait_dma2 semaphore(%run_scoped3A_249 : memref<!tpu.dma_semaphore, #tpu.memory_space<semaphore_mem>>) src(%dma_wait3A_257 : memref<128x128xf32, #tpu.memory_space<hbm>>) dst(%arg12 : memref<128x128xf32, #tpu.memory_space<vmem>>)
        tpu.yield
      }) : () -> ()
      %run_scoped3A_238 = arith.constant 5 : i32
      "tpu.region"() ({
        %run_scoped3A_249 = tpu.sem_alloc : memref<!tpu.dma_semaphore, #tpu.memory_space<semaphore_mem>>
        %dma_start3A_250 = arith.constant 0 : i32
        %dma_start3A_251 = tpu.memref_slice %arg11[%run_scoped3A_238, %dma_start3A_250] : memref<8x128xi32, #tpu.memory_space<vmem>> -> memref<1x128xi32, #tpu.memory_space<vmem>>
        %dma_start3A_252 = tpu.memref_squeeze %dma_start3A_251 : memref<1x128xi32, #tpu.memory_space<vmem>> -> memref<128xi32, #tpu.memory_space<vmem>>
        %dma_start3A_253 = arith.constant 0 : i32
        %dma_start3A_254 = arith.constant 0 : i32
        %dma_start3A_255 = tpu.memref_slice %arg9[%dma_start3A_253, %dma_start3A_254] : memref<10240x128xf32, #tpu.memory_space<vmem_shared>> -> memref<10240x128xf32, #tpu.memory_space<vmem_shared>>
        tpu.enqueue_indirect_dma source(%arg12 : memref<128x128xf32, #tpu.memory_space<vmem>>) target(%dma_start3A_255 : memref<10240x128xf32, #tpu.memory_space<vmem_shared>>) offsets(%dma_start3A_252 : memref<128xi32, #tpu.memory_space<vmem>>) semaphore(%run_scoped3A_249 : memref<!tpu.dma_semaphore, #tpu.memory_space<semaphore_mem>>) {add = true}
        %dma_wait3A_256 = arith.constant 0 : i32
        %dma_wait3A_257 = tpu.memref_slice %arg11[%run_scoped3A_238, %dma_wait3A_256] : memref<8x128xi32, #tpu.memory_space<vmem>> -> memref<1x128xi32, #tpu.memory_space<vmem>>
        %dma_wait3A_258 = tpu.memref_squeeze %dma_wait3A_257 : memref<1x128xi32, #tpu.memory_space<vmem>> -> memref<128xi32, #tpu.memory_space<vmem>>
        %dma_wait3A_259 = arith.constant 0 : i32
        %dma_wait3A_260 = arith.constant 0 : i32
        %dma_wait3A_261 = tpu.memref_slice %arg9[%dma_wait3A_259, %dma_wait3A_260] : memref<10240x128xf32, #tpu.memory_space<vmem_shared>> -> memref<10240x128xf32, #tpu.memory_space<vmem_shared>>
        tpu.wait_indirect_dma semaphore(%run_scoped3A_249 : memref<!tpu.dma_semaphore, #tpu.memory_space<semaphore_mem>>) src(%arg12 : memref<128x128xf32, #tpu.memory_space<vmem>>) dst(%dma_wait3A_261 : memref<10240x128xf32, #tpu.memory_space<vmem_shared>>)
        tpu.yield
      }) : () -> ()
      %add3A_239 = arith.constant 6 : i32
      %add3A_240 = arith.addi %add3A_208, %add3A_239 : i32
      %mul3A_241 = arith.constant 128 : i32
      %mul3A_242 = arith.muli %add3A_240, %mul3A_241 : i32
      "tpu.region"() ({
        %run_scoped3A_249 = tpu.sem_alloc : memref<!tpu.dma_semaphore, #tpu.memory_space<semaphore_mem>>
        %dma_start3A_250 = arith.constant 0 : i32
        %dma_start3A_251 = tpu.memref_slice %arg2[%mul3A_242, %dma_start3A_250] : memref<327680x128xf32, #tpu.memory_space<hbm>> -> memref<128x128xf32, #tpu.memory_space<hbm>>
        %dma_start3A_252 = arith.constant 0 : i32
        %dma_start3A_253 = tpu.memref_slice %arg2[%mul3A_242, %dma_start3A_252] : memref<327680x128xf32, #tpu.memory_space<hbm>> -> memref<128x128xf32, #tpu.memory_space<hbm>>
        tpu.enqueue_dma source(%dma_start3A_253 : memref<128x128xf32, #tpu.memory_space<hbm>>) target(%arg12 : memref<128x128xf32, #tpu.memory_space<vmem>>) target_semaphore(%run_scoped3A_249 : memref<!tpu.dma_semaphore, #tpu.memory_space<semaphore_mem>>)
        %dma_wait3A_254 = arith.constant 0 : i32
        %dma_wait3A_255 = tpu.memref_slice %arg2[%mul3A_242, %dma_wait3A_254] : memref<327680x128xf32, #tpu.memory_space<hbm>> -> memref<128x128xf32, #tpu.memory_space<hbm>>
        %dma_wait3A_256 = arith.constant 0 : i32
        %dma_wait3A_257 = tpu.memref_slice %arg2[%mul3A_242, %dma_wait3A_256] : memref<327680x128xf32, #tpu.memory_space<hbm>> -> memref<128x128xf32, #tpu.memory_space<hbm>>
        tpu.wait_dma2 semaphore(%run_scoped3A_249 : memref<!tpu.dma_semaphore, #tpu.memory_space<semaphore_mem>>) src(%dma_wait3A_257 : memref<128x128xf32, #tpu.memory_space<hbm>>) dst(%arg12 : memref<128x128xf32, #tpu.memory_space<vmem>>)
        tpu.yield
      }) : () -> ()
      %run_scoped3A_243 = arith.constant 6 : i32
      "tpu.region"() ({
        %run_scoped3A_249 = tpu.sem_alloc : memref<!tpu.dma_semaphore, #tpu.memory_space<semaphore_mem>>
        %dma_start3A_250 = arith.constant 0 : i32
        %dma_start3A_251 = tpu.memref_slice %arg11[%run_scoped3A_243, %dma_start3A_250] : memref<8x128xi32, #tpu.memory_space<vmem>> -> memref<1x128xi32, #tpu.memory_space<vmem>>
        %dma_start3A_252 = tpu.memref_squeeze %dma_start3A_251 : memref<1x128xi32, #tpu.memory_space<vmem>> -> memref<128xi32, #tpu.memory_space<vmem>>
        %dma_start3A_253 = arith.constant 0 : i32
        %dma_start3A_254 = arith.constant 0 : i32
        %dma_start3A_255 = tpu.memref_slice %arg9[%dma_start3A_253, %dma_start3A_254] : memref<10240x128xf32, #tpu.memory_space<vmem_shared>> -> memref<10240x128xf32, #tpu.memory_space<vmem_shared>>
        tpu.enqueue_indirect_dma source(%arg12 : memref<128x128xf32, #tpu.memory_space<vmem>>) target(%dma_start3A_255 : memref<10240x128xf32, #tpu.memory_space<vmem_shared>>) offsets(%dma_start3A_252 : memref<128xi32, #tpu.memory_space<vmem>>) semaphore(%run_scoped3A_249 : memref<!tpu.dma_semaphore, #tpu.memory_space<semaphore_mem>>) {add = true}
        %dma_wait3A_256 = arith.constant 0 : i32
        %dma_wait3A_257 = tpu.memref_slice %arg11[%run_scoped3A_243, %dma_wait3A_256] : memref<8x128xi32, #tpu.memory_space<vmem>> -> memref<1x128xi32, #tpu.memory_space<vmem>>
        %dma_wait3A_258 = tpu.memref_squeeze %dma_wait3A_257 : memref<1x128xi32, #tpu.memory_space<vmem>> -> memref<128xi32, #tpu.memory_space<vmem>>
        %dma_wait3A_259 = arith.constant 0 : i32
        %dma_wait3A_260 = arith.constant 0 : i32
        %dma_wait3A_261 = tpu.memref_slice %arg9[%dma_wait3A_259, %dma_wait3A_260] : memref<10240x128xf32, #tpu.memory_space<vmem_shared>> -> memref<10240x128xf32, #tpu.memory_space<vmem_shared>>
        tpu.wait_indirect_dma semaphore(%run_scoped3A_249 : memref<!tpu.dma_semaphore, #tpu.memory_space<semaphore_mem>>) src(%arg12 : memref<128x128xf32, #tpu.memory_space<vmem>>) dst(%dma_wait3A_261 : memref<10240x128xf32, #tpu.memory_space<vmem_shared>>)
        tpu.yield
      }) : () -> ()
      %add3A_244 = arith.constant 7 : i32
      %add3A_245 = arith.addi %add3A_208, %add3A_244 : i32
      %mul3A_246 = arith.constant 128 : i32
      %mul3A_247 = arith.muli %add3A_245, %mul3A_246 : i32
      "tpu.region"() ({
        %run_scoped3A_249 = tpu.sem_alloc : memref<!tpu.dma_semaphore, #tpu.memory_space<semaphore_mem>>
        %dma_start3A_250 = arith.constant 0 : i32
        %dma_start3A_251 = tpu.memref_slice %arg2[%mul3A_247, %dma_start3A_250] : memref<327680x128xf32, #tpu.memory_space<hbm>> -> memref<128x128xf32, #tpu.memory_space<hbm>>
        %dma_start3A_252 = arith.constant 0 : i32
        %dma_start3A_253 = tpu.memref_slice %arg2[%mul3A_247, %dma_start3A_252] : memref<327680x128xf32, #tpu.memory_space<hbm>> -> memref<128x128xf32, #tpu.memory_space<hbm>>
        tpu.enqueue_dma source(%dma_start3A_253 : memref<128x128xf32, #tpu.memory_space<hbm>>) target(%arg12 : memref<128x128xf32, #tpu.memory_space<vmem>>) target_semaphore(%run_scoped3A_249 : memref<!tpu.dma_semaphore, #tpu.memory_space<semaphore_mem>>)
        %dma_wait3A_254 = arith.constant 0 : i32
        %dma_wait3A_255 = tpu.memref_slice %arg2[%mul3A_247, %dma_wait3A_254] : memref<327680x128xf32, #tpu.memory_space<hbm>> -> memref<128x128xf32, #tpu.memory_space<hbm>>
        %dma_wait3A_256 = arith.constant 0 : i32
        %dma_wait3A_257 = tpu.memref_slice %arg2[%mul3A_247, %dma_wait3A_256] : memref<327680x128xf32, #tpu.memory_space<hbm>> -> memref<128x128xf32, #tpu.memory_space<hbm>>
        tpu.wait_dma2 semaphore(%run_scoped3A_249 : memref<!tpu.dma_semaphore, #tpu.memory_space<semaphore_mem>>) src(%dma_wait3A_257 : memref<128x128xf32, #tpu.memory_space<hbm>>) dst(%arg12 : memref<128x128xf32, #tpu.memory_space<vmem>>)
        tpu.yield
      }) : () -> ()
      %run_scoped3A_248 = arith.constant 7 : i32
      "tpu.region"() ({
        %run_scoped3A_249 = tpu.sem_alloc : memref<!tpu.dma_semaphore, #tpu.memory_space<semaphore_mem>>
        %dma_start3A_250 = arith.constant 0 : i32
        %dma_start3A_251 = tpu.memref_slice %arg11[%run_scoped3A_248, %dma_start3A_250] : memref<8x128xi32, #tpu.memory_space<vmem>> -> memref<1x128xi32, #tpu.memory_space<vmem>>
        %dma_start3A_252 = tpu.memref_squeeze %dma_start3A_251 : memref<1x128xi32, #tpu.memory_space<vmem>> -> memref<128xi32, #tpu.memory_space<vmem>>
        %dma_start3A_253 = arith.constant 0 : i32
        %dma_start3A_254 = arith.constant 0 : i32
        %dma_start3A_255 = tpu.memref_slice %arg9[%dma_start3A_253, %dma_start3A_254] : memref<10240x128xf32, #tpu.memory_space<vmem_shared>> -> memref<10240x128xf32, #tpu.memory_space<vmem_shared>>
        tpu.enqueue_indirect_dma source(%arg12 : memref<128x128xf32, #tpu.memory_space<vmem>>) target(%dma_start3A_255 : memref<10240x128xf32, #tpu.memory_space<vmem_shared>>) offsets(%dma_start3A_252 : memref<128xi32, #tpu.memory_space<vmem>>) semaphore(%run_scoped3A_249 : memref<!tpu.dma_semaphore, #tpu.memory_space<semaphore_mem>>) {add = true}
        %dma_wait3A_256 = arith.constant 0 : i32
        %dma_wait3A_257 = tpu.memref_slice %arg11[%run_scoped3A_248, %dma_wait3A_256] : memref<8x128xi32, #tpu.memory_space<vmem>> -> memref<1x128xi32, #tpu.memory_space<vmem>>
        %dma_wait3A_258 = tpu.memref_squeeze %dma_wait3A_257 : memref<1x128xi32, #tpu.memory_space<vmem>> -> memref<128xi32, #tpu.memory_space<vmem>>
        %dma_wait3A_259 = arith.constant 0 : i32
        %dma_wait3A_260 = arith.constant 0 : i32
        %dma_wait3A_261 = tpu.memref_slice %arg9[%dma_wait3A_259, %dma_wait3A_260] : memref<10240x128xf32, #tpu.memory_space<vmem_shared>> -> memref<10240x128xf32, #tpu.memory_space<vmem_shared>>
        tpu.wait_indirect_dma semaphore(%run_scoped3A_249 : memref<!tpu.dma_semaphore, #tpu.memory_space<semaphore_mem>>) src(%arg12 : memref<128x128xf32, #tpu.memory_space<vmem>>) dst(%dma_wait3A_261 : memref<10240x128xf32, #tpu.memory_space<vmem_shared>>)
        tpu.yield
      }) : () -> ()
    }
    %scan3A_11 = arith.constant 10 : i32
    %barrier3A_12 = arith.constant 0 : index
    tpu.barrier barrier_id(%barrier3A_12)
    %mul3A_13 = arith.constant 640 : i32
    %mul3A_14 = arith.muli %arg1, %mul3A_13 : i32
    %add3A_15 = arith.constant 0 : i32
    %add3A_16 = arith.addi %mul3A_14, %add3A_15 : i32
    %dma_start3A = arith.constant 0 : i32
    %dma_start3A_17 = arith.constant 0 : i32
    %dma_start3A_18 = tpu.memref_slice %arg10[%dma_start3A, %dma_start3A_17] : memref<8x128xi32, #tpu.memory_space<vmem>> -> memref<1x128xi32, #tpu.memory_space<vmem>>
    %dma_start3A_19 = tpu.memref_squeeze %dma_start3A_18 : memref<1x128xi32, #tpu.memory_space<vmem>> -> memref<128xi32, #tpu.memory_space<vmem>>
    %dma_start3A_20 = arith.constant 0 : i32
    %dma_start3A_21 = arith.constant 0 : i32
    %dma_start3A_22 = tpu.memref_slice %arg9[%dma_start3A_20, %dma_start3A_21] : memref<10240x128xf32, #tpu.memory_space<vmem_shared>> -> memref<10240x128xf32, #tpu.memory_space<vmem_shared>>
    tpu.enqueue_indirect_dma source(%dma_start3A_22 : memref<10240x128xf32, #tpu.memory_space<vmem_shared>>) target(%arg12 : memref<128x128xf32, #tpu.memory_space<vmem>>) offsets(%dma_start3A_19 : memref<128xi32, #tpu.memory_space<vmem>>) semaphore(%arg14 : memref<!tpu.dma_semaphore, #tpu.memory_space<semaphore_mem>>)
    %dma_wait3A = arith.constant 0 : i32
    %dma_wait3A_23 = arith.constant 0 : i32
    %dma_wait3A_24 = tpu.memref_slice %arg10[%dma_wait3A, %dma_wait3A_23] : memref<8x128xi32, #tpu.memory_space<vmem>> -> memref<1x128xi32, #tpu.memory_space<vmem>>
    %dma_wait3A_25 = tpu.memref_squeeze %dma_wait3A_24 : memref<1x128xi32, #tpu.memory_space<vmem>> -> memref<128xi32, #tpu.memory_space<vmem>>
    %dma_wait3A_26 = arith.constant 0 : i32
    %dma_wait3A_27 = arith.constant 0 : i32
    %dma_wait3A_28 = tpu.memref_slice %arg9[%dma_wait3A_26, %dma_wait3A_27] : memref<10240x128xf32, #tpu.memory_space<vmem_shared>> -> memref<10240x128xf32, #tpu.memory_space<vmem_shared>>
    tpu.wait_indirect_dma semaphore(%arg14 : memref<!tpu.dma_semaphore, #tpu.memory_space<semaphore_mem>>) src(%dma_wait3A_28 : memref<10240x128xf32, #tpu.memory_space<vmem_shared>>) dst(%arg12 : memref<128x128xf32, #tpu.memory_space<vmem>>)
    "tpu.region"() ({
      %run_scoped3A_205 = tpu.sem_alloc : memref<!tpu.dma_semaphore, #tpu.memory_space<semaphore_mem>>
      %dma_start3A_206 = arith.constant 0 : i32
      %dma_start3A_207 = arith.constant 0 : i32
      %dma_start3A_208 = tpu.memref_slice %arg7[%arg0, %dma_start3A_206, %dma_start3A_207] : memref<2x10240x128xf32, #tpu.memory_space<hbm>> -> memref<1x10240x128xf32, #tpu.memory_space<hbm>>
      %dma_start3A_209 = tpu.memref_squeeze %dma_start3A_208 : memref<1x10240x128xf32, #tpu.memory_space<hbm>> -> memref<10240x128xf32, #tpu.memory_space<hbm>>
      %dma_start3A_210 = arith.constant 0 : i32
      %dma_start3A_211 = tpu.memref_slice %dma_start3A_209[%add3A_16, %dma_start3A_210] : memref<10240x128xf32, #tpu.memory_space<hbm>> -> memref<128x128xf32, #tpu.memory_space<hbm>>
      %dma_start3A_212 = arith.constant 0 : i32
      %dma_start3A_213 = arith.constant 0 : i32
      %dma_start3A_214 = tpu.memref_slice %arg7[%arg0, %dma_start3A_212, %dma_start3A_213] : memref<2x10240x128xf32, #tpu.memory_space<hbm>> -> memref<1x10240x128xf32, #tpu.memory_space<hbm>>
      %dma_start3A_215 = tpu.memref_squeeze %dma_start3A_214 : memref<1x10240x128xf32, #tpu.memory_space<hbm>> -> memref<10240x128xf32, #tpu.memory_space<hbm>>
      %dma_start3A_216 = arith.constant 0 : i32
      %dma_start3A_217 = tpu.memref_slice %dma_start3A_215[%add3A_16, %dma_start3A_216] : memref<10240x128xf32, #tpu.memory_space<hbm>> -> memref<128x128xf32, #tpu.memory_space<hbm>>
      tpu.enqueue_dma source(%arg12 : memref<128x128xf32, #tpu.memory_space<vmem>>) target(%dma_start3A_217 : memref<128x128xf32, #tpu.memory_space<hbm>>) target_semaphore(%run_scoped3A_205 : memref<!tpu.dma_semaphore, #tpu.memory_space<semaphore_mem>>)
      %dma_wait3A_218 = arith.constant 0 : i32
      %dma_wait3A_219 = arith.constant 0 : i32
      %dma_wait3A_220 = tpu.memref_slice %arg7[%arg0, %dma_wait3A_218, %dma_wait3A_219] : memref<2x10240x128xf32, #tpu.memory_space<hbm>> -> memref<1x10240x128xf32, #tpu.memory_space<hbm>>
      %dma_wait3A_221 = tpu.memref_squeeze %dma_wait3A_220 : memref<1x10240x128xf32, #tpu.memory_space<hbm>> -> memref<10240x128xf32, #tpu.memory_space<hbm>>
      %dma_wait3A_222 = arith.constant 0 : i32
      %dma_wait3A_223 = tpu.memref_slice %dma_wait3A_221[%add3A_16, %dma_wait3A_222] : memref<10240x128xf32, #tpu.memory_space<hbm>> -> memref<128x128xf32, #tpu.memory_space<hbm>>
      %dma_wait3A_224 = arith.constant 0 : i32
      %dma_wait3A_225 = arith.constant 0 : i32
      %dma_wait3A_226 = tpu.memref_slice %arg7[%arg0, %dma_wait3A_224, %dma_wait3A_225] : memref<2x10240x128xf32, #tpu.memory_space<hbm>> -> memref<1x10240x128xf32, #tpu.memory_space<hbm>>
      %dma_wait3A_227 = tpu.memref_squeeze %dma_wait3A_226 : memref<1x10240x128xf32, #tpu.memory_space<hbm>> -> memref<10240x128xf32, #tpu.memory_space<hbm>>
      %dma_wait3A_228 = arith.constant 0 : i32
      %dma_wait3A_229 = tpu.memref_slice %dma_wait3A_227[%add3A_16, %dma_wait3A_228] : memref<10240x128xf32, #tpu.memory_space<hbm>> -> memref<128x128xf32, #tpu.memory_space<hbm>>
      tpu.wait_dma2 semaphore(%run_scoped3A_205 : memref<!tpu.dma_semaphore, #tpu.memory_space<semaphore_mem>>) src(%arg12 : memref<128x128xf32, #tpu.memory_space<vmem>>) dst(%dma_wait3A_229 : memref<128x128xf32, #tpu.memory_space<hbm>>)
      tpu.yield
    }) : () -> ()
    %mul3A_29 = arith.constant 640 : i32
    %mul3A_30 = arith.muli %arg1, %mul3A_29 : i32
    %add3A_31 = arith.constant 128 : i32
    %add3A_32 = arith.addi %mul3A_30, %add3A_31 : i32
    %dma_start3A_33 = arith.constant 1 : i32
    %dma_start3A_34 = arith.constant 0 : i32
    %dma_start3A_35 = tpu.memref_slice %arg10[%dma_start3A_33, %dma_start3A_34] : memref<8x128xi32, #tpu.memory_space<vmem>> -> memref<1x128xi32, #tpu.memory_space<vmem>>
    %dma_start3A_36 = tpu.memref_squeeze %dma_start3A_35 : memref<1x128xi32, #tpu.memory_space<vmem>> -> memref<128xi32, #tpu.memory_space<vmem>>
    %dma_start3A_37 = arith.constant 0 : i32
    %dma_start3A_38 = arith.constant 0 : i32
    %dma_start3A_39 = tpu.memref_slice %arg9[%dma_start3A_37, %dma_start3A_38] : memref<10240x128xf32, #tpu.memory_space<vmem_shared>> -> memref<10240x128xf32, #tpu.memory_space<vmem_shared>>
    tpu.enqueue_indirect_dma source(%dma_start3A_39 : memref<10240x128xf32, #tpu.memory_space<vmem_shared>>) target(%arg12 : memref<128x128xf32, #tpu.memory_space<vmem>>) offsets(%dma_start3A_36 : memref<128xi32, #tpu.memory_space<vmem>>) semaphore(%arg14 : memref<!tpu.dma_semaphore, #tpu.memory_space<semaphore_mem>>)
    %dma_wait3A_40 = arith.constant 1 : i32
    %dma_wait3A_41 = arith.constant 0 : i32
    %dma_wait3A_42 = tpu.memref_slice %arg10[%dma_wait3A_40, %dma_wait3A_41] : memref<8x128xi32, #tpu.memory_space<vmem>> -> memref<1x128xi32, #tpu.memory_space<vmem>>
    %dma_wait3A_43 = tpu.memref_squeeze %dma_wait3A_42 : memref<1x128xi32, #tpu.memory_space<vmem>> -> memref<128xi32, #tpu.memory_space<vmem>>
    %dma_wait3A_44 = arith.constant 0 : i32
    %dma_wait3A_45 = arith.constant 0 : i32
    %dma_wait3A_46 = tpu.memref_slice %arg9[%dma_wait3A_44, %dma_wait3A_45] : memref<10240x128xf32, #tpu.memory_space<vmem_shared>> -> memref<10240x128xf32, #tpu.memory_space<vmem_shared>>
    tpu.wait_indirect_dma semaphore(%arg14 : memref<!tpu.dma_semaphore, #tpu.memory_space<semaphore_mem>>) src(%dma_wait3A_46 : memref<10240x128xf32, #tpu.memory_space<vmem_shared>>) dst(%arg12 : memref<128x128xf32, #tpu.memory_space<vmem>>)
    "tpu.region"() ({
      %run_scoped3A_205 = tpu.sem_alloc : memref<!tpu.dma_semaphore, #tpu.memory_space<semaphore_mem>>
      %dma_start3A_206 = arith.constant 0 : i32
      %dma_start3A_207 = arith.constant 0 : i32
      %dma_start3A_208 = tpu.memref_slice %arg7[%arg0, %dma_start3A_206, %dma_start3A_207] : memref<2x10240x128xf32, #tpu.memory_space<hbm>> -> memref<1x10240x128xf32, #tpu.memory_space<hbm>>
      %dma_start3A_209 = tpu.memref_squeeze %dma_start3A_208 : memref<1x10240x128xf32, #tpu.memory_space<hbm>> -> memref<10240x128xf32, #tpu.memory_space<hbm>>
      %dma_start3A_210 = arith.constant 0 : i32
      %dma_start3A_211 = tpu.memref_slice %dma_start3A_209[%add3A_32, %dma_start3A_210] : memref<10240x128xf32, #tpu.memory_space<hbm>> -> memref<128x128xf32, #tpu.memory_space<hbm>>
      %dma_start3A_212 = arith.constant 0 : i32
      %dma_start3A_213 = arith.constant 0 : i32
      %dma_start3A_214 = tpu.memref_slice %arg7[%arg0, %dma_start3A_212, %dma_start3A_213] : memref<2x10240x128xf32, #tpu.memory_space<hbm>> -> memref<1x10240x128xf32, #tpu.memory_space<hbm>>
      %dma_start3A_215 = tpu.memref_squeeze %dma_start3A_214 : memref<1x10240x128xf32, #tpu.memory_space<hbm>> -> memref<10240x128xf32, #tpu.memory_space<hbm>>
      %dma_start3A_216 = arith.constant 0 : i32
      %dma_start3A_217 = tpu.memref_slice %dma_start3A_215[%add3A_32, %dma_start3A_216] : memref<10240x128xf32, #tpu.memory_space<hbm>> -> memref<128x128xf32, #tpu.memory_space<hbm>>
      tpu.enqueue_dma source(%arg12 : memref<128x128xf32, #tpu.memory_space<vmem>>) target(%dma_start3A_217 : memref<128x128xf32, #tpu.memory_space<hbm>>) target_semaphore(%run_scoped3A_205 : memref<!tpu.dma_semaphore, #tpu.memory_space<semaphore_mem>>)
      %dma_wait3A_218 = arith.constant 0 : i32
      %dma_wait3A_219 = arith.constant 0 : i32
      %dma_wait3A_220 = tpu.memref_slice %arg7[%arg0, %dma_wait3A_218, %dma_wait3A_219] : memref<2x10240x128xf32, #tpu.memory_space<hbm>> -> memref<1x10240x128xf32, #tpu.memory_space<hbm>>
      %dma_wait3A_221 = tpu.memref_squeeze %dma_wait3A_220 : memref<1x10240x128xf32, #tpu.memory_space<hbm>> -> memref<10240x128xf32, #tpu.memory_space<hbm>>
      %dma_wait3A_222 = arith.constant 0 : i32
      %dma_wait3A_223 = tpu.memref_slice %dma_wait3A_221[%add3A_32, %dma_wait3A_222] : memref<10240x128xf32, #tpu.memory_space<hbm>> -> memref<128x128xf32, #tpu.memory_space<hbm>>
      %dma_wait3A_224 = arith.constant 0 : i32
      %dma_wait3A_225 = arith.constant 0 : i32
      %dma_wait3A_226 = tpu.memref_slice %arg7[%arg0, %dma_wait3A_224, %dma_wait3A_225] : memref<2x10240x128xf32, #tpu.memory_space<hbm>> -> memref<1x10240x128xf32, #tpu.memory_space<hbm>>
      %dma_wait3A_227 = tpu.memref_squeeze %dma_wait3A_226 : memref<1x10240x128xf32, #tpu.memory_space<hbm>> -> memref<10240x128xf32, #tpu.memory_space<hbm>>
      %dma_wait3A_228 = arith.constant 0 : i32
      %dma_wait3A_229 = tpu.memref_slice %dma_wait3A_227[%add3A_32, %dma_wait3A_228] : memref<10240x128xf32, #tpu.memory_space<hbm>> -> memref<128x128xf32, #tpu.memory_space<hbm>>
      tpu.wait_dma2 semaphore(%run_scoped3A_205 : memref<!tpu.dma_semaphore, #tpu.memory_space<semaphore_mem>>) src(%arg12 : memref<128x128xf32, #tpu.memory_space<vmem>>) dst(%dma_wait3A_229 : memref<128x128xf32, #tpu.memory_space<hbm>>)
      tpu.yield
    }) : () -> ()
    %mul3A_47 = arith.constant 640 : i32
    %mul3A_48 = arith.muli %arg1, %mul3A_47 : i32
    %add3A_49 = arith.constant 256 : i32
    %add3A_50 = arith.addi %mul3A_48, %add3A_49 : i32
    %dma_start3A_51 = arith.constant 2 : i32
    %dma_start3A_52 = arith.constant 0 : i32
    %dma_start3A_53 = tpu.memref_slice %arg10[%dma_start3A_51, %dma_start3A_52] : memref<8x128xi32, #tpu.memory_space<vmem>> -> memref<1x128xi32, #tpu.memory_space<vmem>>
    %dma_start3A_54 = tpu.memref_squeeze %dma_start3A_53 : memref<1x128xi32, #tpu.memory_space<vmem>> -> memref<128xi32, #tpu.memory_space<vmem>>
    %dma_start3A_55 = arith.constant 0 : i32
    %dma_start3A_56 = arith.constant 0 : i32
    %dma_start3A_57 = tpu.memref_slice %arg9[%dma_start3A_55, %dma_start3A_56] : memref<10240x128xf32, #tpu.memory_space<vmem_shared>> -> memref<10240x128xf32, #tpu.memory_space<vmem_shared>>
    tpu.enqueue_indirect_dma source(%dma_start3A_57 : memref<10240x128xf32, #tpu.memory_space<vmem_shared>>) target(%arg12 : memref<128x128xf32, #tpu.memory_space<vmem>>) offsets(%dma_start3A_54 : memref<128xi32, #tpu.memory_space<vmem>>) semaphore(%arg14 : memref<!tpu.dma_semaphore, #tpu.memory_space<semaphore_mem>>)
    %dma_wait3A_58 = arith.constant 2 : i32
    %dma_wait3A_59 = arith.constant 0 : i32
    %dma_wait3A_60 = tpu.memref_slice %arg10[%dma_wait3A_58, %dma_wait3A_59] : memref<8x128xi32, #tpu.memory_space<vmem>> -> memref<1x128xi32, #tpu.memory_space<vmem>>
    %dma_wait3A_61 = tpu.memref_squeeze %dma_wait3A_60 : memref<1x128xi32, #tpu.memory_space<vmem>> -> memref<128xi32, #tpu.memory_space<vmem>>
    %dma_wait3A_62 = arith.constant 0 : i32
    %dma_wait3A_63 = arith.constant 0 : i32
    %dma_wait3A_64 = tpu.memref_slice %arg9[%dma_wait3A_62, %dma_wait3A_63] : memref<10240x128xf32, #tpu.memory_space<vmem_shared>> -> memref<10240x128xf32, #tpu.memory_space<vmem_shared>>
    tpu.wait_indirect_dma semaphore(%arg14 : memref<!tpu.dma_semaphore, #tpu.memory_space<semaphore_mem>>) src(%dma_wait3A_64 : memref<10240x128xf32, #tpu.memory_space<vmem_shared>>) dst(%arg12 : memref<128x128xf32, #tpu.memory_space<vmem>>)
    "tpu.region"() ({
      %run_scoped3A_205 = tpu.sem_alloc : memref<!tpu.dma_semaphore, #tpu.memory_space<semaphore_mem>>
      %dma_start3A_206 = arith.constant 0 : i32
      %dma_start3A_207 = arith.constant 0 : i32
      %dma_start3A_208 = tpu.memref_slice %arg7[%arg0, %dma_start3A_206, %dma_start3A_207] : memref<2x10240x128xf32, #tpu.memory_space<hbm>> -> memref<1x10240x128xf32, #tpu.memory_space<hbm>>
      %dma_start3A_209 = tpu.memref_squeeze %dma_start3A_208 : memref<1x10240x128xf32, #tpu.memory_space<hbm>> -> memref<10240x128xf32, #tpu.memory_space<hbm>>
      %dma_start3A_210 = arith.constant 0 : i32
      %dma_start3A_211 = tpu.memref_slice %dma_start3A_209[%add3A_50, %dma_start3A_210] : memref<10240x128xf32, #tpu.memory_space<hbm>> -> memref<128x128xf32, #tpu.memory_space<hbm>>
      %dma_start3A_212 = arith.constant 0 : i32
      %dma_start3A_213 = arith.constant 0 : i32
      %dma_start3A_214 = tpu.memref_slice %arg7[%arg0, %dma_start3A_212, %dma_start3A_213] : memref<2x10240x128xf32, #tpu.memory_space<hbm>> -> memref<1x10240x128xf32, #tpu.memory_space<hbm>>
      %dma_start3A_215 = tpu.memref_squeeze %dma_start3A_214 : memref<1x10240x128xf32, #tpu.memory_space<hbm>> -> memref<10240x128xf32, #tpu.memory_space<hbm>>
      %dma_start3A_216 = arith.constant 0 : i32
      %dma_start3A_217 = tpu.memref_slice %dma_start3A_215[%add3A_50, %dma_start3A_216] : memref<10240x128xf32, #tpu.memory_space<hbm>> -> memref<128x128xf32, #tpu.memory_space<hbm>>
      tpu.enqueue_dma source(%arg12 : memref<128x128xf32, #tpu.memory_space<vmem>>) target(%dma_start3A_217 : memref<128x128xf32, #tpu.memory_space<hbm>>) target_semaphore(%run_scoped3A_205 : memref<!tpu.dma_semaphore, #tpu.memory_space<semaphore_mem>>)
      %dma_wait3A_218 = arith.constant 0 : i32
      %dma_wait3A_219 = arith.constant 0 : i32
      %dma_wait3A_220 = tpu.memref_slice %arg7[%arg0, %dma_wait3A_218, %dma_wait3A_219] : memref<2x10240x128xf32, #tpu.memory_space<hbm>> -> memref<1x10240x128xf32, #tpu.memory_space<hbm>>
      %dma_wait3A_221 = tpu.memref_squeeze %dma_wait3A_220 : memref<1x10240x128xf32, #tpu.memory_space<hbm>> -> memref<10240x128xf32, #tpu.memory_space<hbm>>
      %dma_wait3A_222 = arith.constant 0 : i32
      %dma_wait3A_223 = tpu.memref_slice %dma_wait3A_221[%add3A_50, %dma_wait3A_222] : memref<10240x128xf32, #tpu.memory_space<hbm>> -> memref<128x128xf32, #tpu.memory_space<hbm>>
      %dma_wait3A_224 = arith.constant 0 : i32
      %dma_wait3A_225 = arith.constant 0 : i32
      %dma_wait3A_226 = tpu.memref_slice %arg7[%arg0, %dma_wait3A_224, %dma_wait3A_225] : memref<2x10240x128xf32, #tpu.memory_space<hbm>> -> memref<1x10240x128xf32, #tpu.memory_space<hbm>>
      %dma_wait3A_227 = tpu.memref_squeeze %dma_wait3A_226 : memref<1x10240x128xf32, #tpu.memory_space<hbm>> -> memref<10240x128xf32, #tpu.memory_space<hbm>>
      %dma_wait3A_228 = arith.constant 0 : i32
      %dma_wait3A_229 = tpu.memref_slice %dma_wait3A_227[%add3A_50, %dma_wait3A_228] : memref<10240x128xf32, #tpu.memory_space<hbm>> -> memref<128x128xf32, #tpu.memory_space<hbm>>
      tpu.wait_dma2 semaphore(%run_scoped3A_205 : memref<!tpu.dma_semaphore, #tpu.memory_space<semaphore_mem>>) src(%arg12 : memref<128x128xf32, #tpu.memory_space<vmem>>) dst(%dma_wait3A_229 : memref<128x128xf32, #tpu.memory_space<hbm>>)
      tpu.yield
    }) : () -> ()
    %mul3A_65 = arith.constant 640 : i32
    %mul3A_66 = arith.muli %arg1, %mul3A_65 : i32
    %add3A_67 = arith.constant 384 : i32
    %add3A_68 = arith.addi %mul3A_66, %add3A_67 : i32
    %dma_start3A_69 = arith.constant 3 : i32
    %dma_start3A_70 = arith.constant 0 : i32
    %dma_start3A_71 = tpu.memref_slice %arg10[%dma_start3A_69, %dma_start3A_70] : memref<8x128xi32, #tpu.memory_space<vmem>> -> memref<1x128xi32, #tpu.memory_space<vmem>>
    %dma_start3A_72 = tpu.memref_squeeze %dma_start3A_71 : memref<1x128xi32, #tpu.memory_space<vmem>> -> memref<128xi32, #tpu.memory_space<vmem>>
    %dma_start3A_73 = arith.constant 0 : i32
    %dma_start3A_74 = arith.constant 0 : i32
    %dma_start3A_75 = tpu.memref_slice %arg9[%dma_start3A_73, %dma_start3A_74] : memref<10240x128xf32, #tpu.memory_space<vmem_shared>> -> memref<10240x128xf32, #tpu.memory_space<vmem_shared>>
    tpu.enqueue_indirect_dma source(%dma_start3A_75 : memref<10240x128xf32, #tpu.memory_space<vmem_shared>>) target(%arg12 : memref<128x128xf32, #tpu.memory_space<vmem>>) offsets(%dma_start3A_72 : memref<128xi32, #tpu.memory_space<vmem>>) semaphore(%arg14 : memref<!tpu.dma_semaphore, #tpu.memory_space<semaphore_mem>>)
    %dma_wait3A_76 = arith.constant 3 : i32
    %dma_wait3A_77 = arith.constant 0 : i32
    %dma_wait3A_78 = tpu.memref_slice %arg10[%dma_wait3A_76, %dma_wait3A_77] : memref<8x128xi32, #tpu.memory_space<vmem>> -> memref<1x128xi32, #tpu.memory_space<vmem>>
    %dma_wait3A_79 = tpu.memref_squeeze %dma_wait3A_78 : memref<1x128xi32, #tpu.memory_space<vmem>> -> memref<128xi32, #tpu.memory_space<vmem>>
    %dma_wait3A_80 = arith.constant 0 : i32
    %dma_wait3A_81 = arith.constant 0 : i32
    %dma_wait3A_82 = tpu.memref_slice %arg9[%dma_wait3A_80, %dma_wait3A_81] : memref<10240x128xf32, #tpu.memory_space<vmem_shared>> -> memref<10240x128xf32, #tpu.memory_space<vmem_shared>>
    tpu.wait_indirect_dma semaphore(%arg14 : memref<!tpu.dma_semaphore, #tpu.memory_space<semaphore_mem>>) src(%dma_wait3A_82 : memref<10240x128xf32, #tpu.memory_space<vmem_shared>>) dst(%arg12 : memref<128x128xf32, #tpu.memory_space<vmem>>)
    "tpu.region"() ({
      %run_scoped3A_205 = tpu.sem_alloc : memref<!tpu.dma_semaphore, #tpu.memory_space<semaphore_mem>>
      %dma_start3A_206 = arith.constant 0 : i32
      %dma_start3A_207 = arith.constant 0 : i32
      %dma_start3A_208 = tpu.memref_slice %arg7[%arg0, %dma_start3A_206, %dma_start3A_207] : memref<2x10240x128xf32, #tpu.memory_space<hbm>> -> memref<1x10240x128xf32, #tpu.memory_space<hbm>>
      %dma_start3A_209 = tpu.memref_squeeze %dma_start3A_208 : memref<1x10240x128xf32, #tpu.memory_space<hbm>> -> memref<10240x128xf32, #tpu.memory_space<hbm>>
      %dma_start3A_210 = arith.constant 0 : i32
      %dma_start3A_211 = tpu.memref_slice %dma_start3A_209[%add3A_68, %dma_start3A_210] : memref<10240x128xf32, #tpu.memory_space<hbm>> -> memref<128x128xf32, #tpu.memory_space<hbm>>
      %dma_start3A_212 = arith.constant 0 : i32
      %dma_start3A_213 = arith.constant 0 : i32
      %dma_start3A_214 = tpu.memref_slice %arg7[%arg0, %dma_start3A_212, %dma_start3A_213] : memref<2x10240x128xf32, #tpu.memory_space<hbm>> -> memref<1x10240x128xf32, #tpu.memory_space<hbm>>
      %dma_start3A_215 = tpu.memref_squeeze %dma_start3A_214 : memref<1x10240x128xf32, #tpu.memory_space<hbm>> -> memref<10240x128xf32, #tpu.memory_space<hbm>>
      %dma_start3A_216 = arith.constant 0 : i32
      %dma_start3A_217 = tpu.memref_slice %dma_start3A_215[%add3A_68, %dma_start3A_216] : memref<10240x128xf32, #tpu.memory_space<hbm>> -> memref<128x128xf32, #tpu.memory_space<hbm>>
      tpu.enqueue_dma source(%arg12 : memref<128x128xf32, #tpu.memory_space<vmem>>) target(%dma_start3A_217 : memref<128x128xf32, #tpu.memory_space<hbm>>) target_semaphore(%run_scoped3A_205 : memref<!tpu.dma_semaphore, #tpu.memory_space<semaphore_mem>>)
      %dma_wait3A_218 = arith.constant 0 : i32
      %dma_wait3A_219 = arith.constant 0 : i32
      %dma_wait3A_220 = tpu.memref_slice %arg7[%arg0, %dma_wait3A_218, %dma_wait3A_219] : memref<2x10240x128xf32, #tpu.memory_space<hbm>> -> memref<1x10240x128xf32, #tpu.memory_space<hbm>>
      %dma_wait3A_221 = tpu.memref_squeeze %dma_wait3A_220 : memref<1x10240x128xf32, #tpu.memory_space<hbm>> -> memref<10240x128xf32, #tpu.memory_space<hbm>>
      %dma_wait3A_222 = arith.constant 0 : i32
      %dma_wait3A_223 = tpu.memref_slice %dma_wait3A_221[%add3A_68, %dma_wait3A_222] : memref<10240x128xf32, #tpu.memory_space<hbm>> -> memref<128x128xf32, #tpu.memory_space<hbm>>
      %dma_wait3A_224 = arith.constant 0 : i32
      %dma_wait3A_225 = arith.constant 0 : i32
      %dma_wait3A_226 = tpu.memref_slice %arg7[%arg0, %dma_wait3A_224, %dma_wait3A_225] : memref<2x10240x128xf32, #tpu.memory_space<hbm>> -> memref<1x10240x128xf32, #tpu.memory_space<hbm>>
      %dma_wait3A_227 = tpu.memref_squeeze %dma_wait3A_226 : memref<1x10240x128xf32, #tpu.memory_space<hbm>> -> memref<10240x128xf32, #tpu.memory_space<hbm>>
      %dma_wait3A_228 = arith.constant 0 : i32
      %dma_wait3A_229 = tpu.memref_slice %dma_wait3A_227[%add3A_68, %dma_wait3A_228] : memref<10240x128xf32, #tpu.memory_space<hbm>> -> memref<128x128xf32, #tpu.memory_space<hbm>>
      tpu.wait_dma2 semaphore(%run_scoped3A_205 : memref<!tpu.dma_semaphore, #tpu.memory_space<semaphore_mem>>) src(%arg12 : memref<128x128xf32, #tpu.memory_space<vmem>>) dst(%dma_wait3A_229 : memref<128x128xf32, #tpu.memory_space<hbm>>)
      tpu.yield
    }) : () -> ()
    %mul3A_83 = arith.constant 640 : i32
    %mul3A_84 = arith.muli %arg1, %mul3A_83 : i32
    %add3A_85 = arith.constant 512 : i32
    %add3A_86 = arith.addi %mul3A_84, %add3A_85 : i32
    %dma_start3A_87 = arith.constant 4 : i32
    %dma_start3A_88 = arith.constant 0 : i32
    %dma_start3A_89 = tpu.memref_slice %arg10[%dma_start3A_87, %dma_start3A_88] : memref<8x128xi32, #tpu.memory_space<vmem>> -> memref<1x128xi32, #tpu.memory_space<vmem>>
    %dma_start3A_90 = tpu.memref_squeeze %dma_start3A_89 : memref<1x128xi32, #tpu.memory_space<vmem>> -> memref<128xi32, #tpu.memory_space<vmem>>
    %dma_start3A_91 = arith.constant 0 : i32
    %dma_start3A_92 = arith.constant 0 : i32
    %dma_start3A_93 = tpu.memref_slice %arg9[%dma_start3A_91, %dma_start3A_92] : memref<10240x128xf32, #tpu.memory_space<vmem_shared>> -> memref<10240x128xf32, #tpu.memory_space<vmem_shared>>
    tpu.enqueue_indirect_dma source(%dma_start3A_93 : memref<10240x128xf32, #tpu.memory_space<vmem_shared>>) target(%arg12 : memref<128x128xf32, #tpu.memory_space<vmem>>) offsets(%dma_start3A_90 : memref<128xi32, #tpu.memory_space<vmem>>) semaphore(%arg14 : memref<!tpu.dma_semaphore, #tpu.memory_space<semaphore_mem>>)
    %dma_wait3A_94 = arith.constant 4 : i32
    %dma_wait3A_95 = arith.constant 0 : i32
    %dma_wait3A_96 = tpu.memref_slice %arg10[%dma_wait3A_94, %dma_wait3A_95] : memref<8x128xi32, #tpu.memory_space<vmem>> -> memref<1x128xi32, #tpu.memory_space<vmem>>
    %dma_wait3A_97 = tpu.memref_squeeze %dma_wait3A_96 : memref<1x128xi32, #tpu.memory_space<vmem>> -> memref<128xi32, #tpu.memory_space<vmem>>
    %dma_wait3A_98 = arith.constant 0 : i32
    %dma_wait3A_99 = arith.constant 0 : i32
    %dma_wait3A_100 = tpu.memref_slice %arg9[%dma_wait3A_98, %dma_wait3A_99] : memref<10240x128xf32, #tpu.memory_space<vmem_shared>> -> memref<10240x128xf32, #tpu.memory_space<vmem_shared>>
    tpu.wait_indirect_dma semaphore(%arg14 : memref<!tpu.dma_semaphore, #tpu.memory_space<semaphore_mem>>) src(%dma_wait3A_100 : memref<10240x128xf32, #tpu.memory_space<vmem_shared>>) dst(%arg12 : memref<128x128xf32, #tpu.memory_space<vmem>>)
    "tpu.region"() ({
      %run_scoped3A_205 = tpu.sem_alloc : memref<!tpu.dma_semaphore, #tpu.memory_space<semaphore_mem>>
      %dma_start3A_206 = arith.constant 0 : i32
      %dma_start3A_207 = arith.constant 0 : i32
      %dma_start3A_208 = tpu.memref_slice %arg7[%arg0, %dma_start3A_206, %dma_start3A_207] : memref<2x10240x128xf32, #tpu.memory_space<hbm>> -> memref<1x10240x128xf32, #tpu.memory_space<hbm>>
      %dma_start3A_209 = tpu.memref_squeeze %dma_start3A_208 : memref<1x10240x128xf32, #tpu.memory_space<hbm>> -> memref<10240x128xf32, #tpu.memory_space<hbm>>
      %dma_start3A_210 = arith.constant 0 : i32
      %dma_start3A_211 = tpu.memref_slice %dma_start3A_209[%add3A_86, %dma_start3A_210] : memref<10240x128xf32, #tpu.memory_space<hbm>> -> memref<128x128xf32, #tpu.memory_space<hbm>>
      %dma_start3A_212 = arith.constant 0 : i32
      %dma_start3A_213 = arith.constant 0 : i32
      %dma_start3A_214 = tpu.memref_slice %arg7[%arg0, %dma_start3A_212, %dma_start3A_213] : memref<2x10240x128xf32, #tpu.memory_space<hbm>> -> memref<1x10240x128xf32, #tpu.memory_space<hbm>>
      %dma_start3A_215 = tpu.memref_squeeze %dma_start3A_214 : memref<1x10240x128xf32, #tpu.memory_space<hbm>> -> memref<10240x128xf32, #tpu.memory_space<hbm>>
      %dma_start3A_216 = arith.constant 0 : i32
      %dma_start3A_217 = tpu.memref_slice %dma_start3A_215[%add3A_86, %dma_start3A_216] : memref<10240x128xf32, #tpu.memory_space<hbm>> -> memref<128x128xf32, #tpu.memory_space<hbm>>
      tpu.enqueue_dma source(%arg12 : memref<128x128xf32, #tpu.memory_space<vmem>>) target(%dma_start3A_217 : memref<128x128xf32, #tpu.memory_space<hbm>>) target_semaphore(%run_scoped3A_205 : memref<!tpu.dma_semaphore, #tpu.memory_space<semaphore_mem>>)
      %dma_wait3A_218 = arith.constant 0 : i32
      %dma_wait3A_219 = arith.constant 0 : i32
      %dma_wait3A_220 = tpu.memref_slice %arg7[%arg0, %dma_wait3A_218, %dma_wait3A_219] : memref<2x10240x128xf32, #tpu.memory_space<hbm>> -> memref<1x10240x128xf32, #tpu.memory_space<hbm>>
      %dma_wait3A_221 = tpu.memref_squeeze %dma_wait3A_220 : memref<1x10240x128xf32, #tpu.memory_space<hbm>> -> memref<10240x128xf32, #tpu.memory_space<hbm>>
      %dma_wait3A_222 = arith.constant 0 : i32
      %dma_wait3A_223 = tpu.memref_slice %dma_wait3A_221[%add3A_86, %dma_wait3A_222] : memref<10240x128xf32, #tpu.memory_space<hbm>> -> memref<128x128xf32, #tpu.memory_space<hbm>>
      %dma_wait3A_224 = arith.constant 0 : i32
      %dma_wait3A_225 = arith.constant 0 : i32
      %dma_wait3A_226 = tpu.memref_slice %arg7[%arg0, %dma_wait3A_224, %dma_wait3A_225] : memref<2x10240x128xf32, #tpu.memory_space<hbm>> -> memref<1x10240x128xf32, #tpu.memory_space<hbm>>
      %dma_wait3A_227 = tpu.memref_squeeze %dma_wait3A_226 : memref<1x10240x128xf32, #tpu.memory_space<hbm>> -> memref<10240x128xf32, #tpu.memory_space<hbm>>
      %dma_wait3A_228 = arith.constant 0 : i32
      %dma_wait3A_229 = tpu.memref_slice %dma_wait3A_227[%add3A_86, %dma_wait3A_228] : memref<10240x128xf32, #tpu.memory_space<hbm>> -> memref<128x128xf32, #tpu.memory_space<hbm>>
      tpu.wait_dma2 semaphore(%run_scoped3A_205 : memref<!tpu.dma_semaphore, #tpu.memory_space<semaphore_mem>>) src(%arg12 : memref<128x128xf32, #tpu.memory_space<vmem>>) dst(%dma_wait3A_229 : memref<128x128xf32, #tpu.memory_space<hbm>>)
      tpu.yield
    }) : () -> ()
    %barrier3A_101 = arith.constant 0 : index
    tpu.barrier barrier_id(%barrier3A_101)
    "tpu.region"() ({
      %run_scoped3A_205 = tpu.sem_alloc : memref<!tpu.dma_semaphore, #tpu.memory_space<semaphore_mem>>
      tpu.enqueue_dma source(%arg6 : memref<128x128xf32, #tpu.memory_space<hbm>>) target(%arg12 : memref<128x128xf32, #tpu.memory_space<vmem>>) target_semaphore(%run_scoped3A_205 : memref<!tpu.dma_semaphore, #tpu.memory_space<semaphore_mem>>)
      tpu.wait_dma2 semaphore(%run_scoped3A_205 : memref<!tpu.dma_semaphore, #tpu.memory_space<semaphore_mem>>) src(%arg6 : memref<128x128xf32, #tpu.memory_space<hbm>>) dst(%arg12 : memref<128x128xf32, #tpu.memory_space<vmem>>)
      tpu.yield
    }) : () -> ()
    %run_scoped3A_102 = arith.constant 0 : i32
    "tpu.region"() ({
      %run_scoped3A_205 = tpu.sem_alloc : memref<!tpu.dma_semaphore, #tpu.memory_space<semaphore_mem>>
      %dma_start3A_206 = arith.constant 0 : i32
      %dma_start3A_207 = tpu.memref_slice %arg10[%run_scoped3A_102, %dma_start3A_206] : memref<8x128xi32, #tpu.memory_space<vmem>> -> memref<1x128xi32, #tpu.memory_space<vmem>>
      %dma_start3A_208 = tpu.memref_squeeze %dma_start3A_207 : memref<1x128xi32, #tpu.memory_space<vmem>> -> memref<128xi32, #tpu.memory_space<vmem>>
      %dma_start3A_209 = arith.constant 0 : i32
      %dma_start3A_210 = arith.constant 0 : i32
      %dma_start3A_211 = tpu.memref_slice %arg9[%dma_start3A_209, %dma_start3A_210] : memref<10240x128xf32, #tpu.memory_space<vmem_shared>> -> memref<10240x128xf32, #tpu.memory_space<vmem_shared>>
      tpu.enqueue_indirect_dma source(%arg12 : memref<128x128xf32, #tpu.memory_space<vmem>>) target(%dma_start3A_211 : memref<10240x128xf32, #tpu.memory_space<vmem_shared>>) offsets(%dma_start3A_208 : memref<128xi32, #tpu.memory_space<vmem>>) semaphore(%run_scoped3A_205 : memref<!tpu.dma_semaphore, #tpu.memory_space<semaphore_mem>>)
      %dma_wait3A_212 = arith.constant 0 : i32
      %dma_wait3A_213 = tpu.memref_slice %arg10[%run_scoped3A_102, %dma_wait3A_212] : memref<8x128xi32, #tpu.memory_space<vmem>> -> memref<1x128xi32, #tpu.memory_space<vmem>>
      %dma_wait3A_214 = tpu.memref_squeeze %dma_wait3A_213 : memref<1x128xi32, #tpu.memory_space<vmem>> -> memref<128xi32, #tpu.memory_space<vmem>>
      %dma_wait3A_215 = arith.constant 0 : i32
      %dma_wait3A_216 = arith.constant 0 : i32
      %dma_wait3A_217 = tpu.memref_slice %arg9[%dma_wait3A_215, %dma_wait3A_216] : memref<10240x128xf32, #tpu.memory_space<vmem_shared>> -> memref<10240x128xf32, #tpu.memory_space<vmem_shared>>
      tpu.wait_indirect_dma semaphore(%run_scoped3A_205 : memref<!tpu.dma_semaphore, #tpu.memory_space<semaphore_mem>>) src(%arg12 : memref<128x128xf32, #tpu.memory_space<vmem>>) dst(%dma_wait3A_217 : memref<10240x128xf32, #tpu.memory_space<vmem_shared>>)
      tpu.yield
    }) : () -> ()
    %run_scoped3A_103 = arith.constant 1 : i32
    "tpu.region"() ({
      %run_scoped3A_205 = tpu.sem_alloc : memref<!tpu.dma_semaphore, #tpu.memory_space<semaphore_mem>>
      %dma_start3A_206 = arith.constant 0 : i32
      %dma_start3A_207 = tpu.memref_slice %arg10[%run_scoped3A_103, %dma_start3A_206] : memref<8x128xi32, #tpu.memory_space<vmem>> -> memref<1x128xi32, #tpu.memory_space<vmem>>
      %dma_start3A_208 = tpu.memref_squeeze %dma_start3A_207 : memref<1x128xi32, #tpu.memory_space<vmem>> -> memref<128xi32, #tpu.memory_space<vmem>>
      %dma_start3A_209 = arith.constant 0 : i32
      %dma_start3A_210 = arith.constant 0 : i32
      %dma_start3A_211 = tpu.memref_slice %arg9[%dma_start3A_209, %dma_start3A_210] : memref<10240x128xf32, #tpu.memory_space<vmem_shared>> -> memref<10240x128xf32, #tpu.memory_space<vmem_shared>>
      tpu.enqueue_indirect_dma source(%arg12 : memref<128x128xf32, #tpu.memory_space<vmem>>) target(%dma_start3A_211 : memref<10240x128xf32, #tpu.memory_space<vmem_shared>>) offsets(%dma_start3A_208 : memref<128xi32, #tpu.memory_space<vmem>>) semaphore(%run_scoped3A_205 : memref<!tpu.dma_semaphore, #tpu.memory_space<semaphore_mem>>)
      %dma_wait3A_212 = arith.constant 0 : i32
      %dma_wait3A_213 = tpu.memref_slice %arg10[%run_scoped3A_103, %dma_wait3A_212] : memref<8x128xi32, #tpu.memory_space<vmem>> -> memref<1x128xi32, #tpu.memory_space<vmem>>
      %dma_wait3A_214 = tpu.memref_squeeze %dma_wait3A_213 : memref<1x128xi32, #tpu.memory_space<vmem>> -> memref<128xi32, #tpu.memory_space<vmem>>
      %dma_wait3A_215 = arith.constant 0 : i32
      %dma_wait3A_216 = arith.constant 0 : i32
      %dma_wait3A_217 = tpu.memref_slice %arg9[%dma_wait3A_215, %dma_wait3A_216] : memref<10240x128xf32, #tpu.memory_space<vmem_shared>> -> memref<10240x128xf32, #tpu.memory_space<vmem_shared>>
      tpu.wait_indirect_dma semaphore(%run_scoped3A_205 : memref<!tpu.dma_semaphore, #tpu.memory_space<semaphore_mem>>) src(%arg12 : memref<128x128xf32, #tpu.memory_space<vmem>>) dst(%dma_wait3A_217 : memref<10240x128xf32, #tpu.memory_space<vmem_shared>>)
      tpu.yield
    }) : () -> ()
    %run_scoped3A_104 = arith.constant 2 : i32
    "tpu.region"() ({
      %run_scoped3A_205 = tpu.sem_alloc : memref<!tpu.dma_semaphore, #tpu.memory_space<semaphore_mem>>
      %dma_start3A_206 = arith.constant 0 : i32
      %dma_start3A_207 = tpu.memref_slice %arg10[%run_scoped3A_104, %dma_start3A_206] : memref<8x128xi32, #tpu.memory_space<vmem>> -> memref<1x128xi32, #tpu.memory_space<vmem>>
      %dma_start3A_208 = tpu.memref_squeeze %dma_start3A_207 : memref<1x128xi32, #tpu.memory_space<vmem>> -> memref<128xi32, #tpu.memory_space<vmem>>
      %dma_start3A_209 = arith.constant 0 : i32
      %dma_start3A_210 = arith.constant 0 : i32
      %dma_start3A_211 = tpu.memref_slice %arg9[%dma_start3A_209, %dma_start3A_210] : memref<10240x128xf32, #tpu.memory_space<vmem_shared>> -> memref<10240x128xf32, #tpu.memory_space<vmem_shared>>
      tpu.enqueue_indirect_dma source(%arg12 : memref<128x128xf32, #tpu.memory_space<vmem>>) target(%dma_start3A_211 : memref<10240x128xf32, #tpu.memory_space<vmem_shared>>) offsets(%dma_start3A_208 : memref<128xi32, #tpu.memory_space<vmem>>) semaphore(%run_scoped3A_205 : memref<!tpu.dma_semaphore, #tpu.memory_space<semaphore_mem>>)
      %dma_wait3A_212 = arith.constant 0 : i32
      %dma_wait3A_213 = tpu.memref_slice %arg10[%run_scoped3A_104, %dma_wait3A_212] : memref<8x128xi32, #tpu.memory_space<vmem>> -> memref<1x128xi32, #tpu.memory_space<vmem>>
      %dma_wait3A_214 = tpu.memref_squeeze %dma_wait3A_213 : memref<1x128xi32, #tpu.memory_space<vmem>> -> memref<128xi32, #tpu.memory_space<vmem>>
      %dma_wait3A_215 = arith.constant 0 : i32
      %dma_wait3A_216 = arith.constant 0 : i32
      %dma_wait3A_217 = tpu.memref_slice %arg9[%dma_wait3A_215, %dma_wait3A_216] : memref<10240x128xf32, #tpu.memory_space<vmem_shared>> -> memref<10240x128xf32, #tpu.memory_space<vmem_shared>>
      tpu.wait_indirect_dma semaphore(%run_scoped3A_205 : memref<!tpu.dma_semaphore, #tpu.memory_space<semaphore_mem>>) src(%arg12 : memref<128x128xf32, #tpu.memory_space<vmem>>) dst(%dma_wait3A_217 : memref<10240x128xf32, #tpu.memory_space<vmem_shared>>)
      tpu.yield
    }) : () -> ()
    %run_scoped3A_105 = arith.constant 3 : i32
    "tpu.region"() ({
      %run_scoped3A_205 = tpu.sem_alloc : memref<!tpu.dma_semaphore, #tpu.memory_space<semaphore_mem>>
      %dma_start3A_206 = arith.constant 0 : i32
      %dma_start3A_207 = tpu.memref_slice %arg10[%run_scoped3A_105, %dma_start3A_206] : memref<8x128xi32, #tpu.memory_space<vmem>> -> memref<1x128xi32, #tpu.memory_space<vmem>>
      %dma_start3A_208 = tpu.memref_squeeze %dma_start3A_207 : memref<1x128xi32, #tpu.memory_space<vmem>> -> memref<128xi32, #tpu.memory_space<vmem>>
      %dma_start3A_209 = arith.constant 0 : i32
      %dma_start3A_210 = arith.constant 0 : i32
      %dma_start3A_211 = tpu.memref_slice %arg9[%dma_start3A_209, %dma_start3A_210] : memref<10240x128xf32, #tpu.memory_space<vmem_shared>> -> memref<10240x128xf32, #tpu.memory_space<vmem_shared>>
      tpu.enqueue_indirect_dma source(%arg12 : memref<128x128xf32, #tpu.memory_space<vmem>>) target(%dma_start3A_211 : memref<10240x128xf32, #tpu.memory_space<vmem_shared>>) offsets(%dma_start3A_208 : memref<128xi32, #tpu.memory_space<vmem>>) semaphore(%run_scoped3A_205 : memref<!tpu.dma_semaphore, #tpu.memory_space<semaphore_mem>>)
      %dma_wait3A_212 = arith.constant 0 : i32
      %dma_wait3A_213 = tpu.memref_slice %arg10[%run_scoped3A_105, %dma_wait3A_212] : memref<8x128xi32, #tpu.memory_space<vmem>> -> memref<1x128xi32, #tpu.memory_space<vmem>>
      %dma_wait3A_214 = tpu.memref_squeeze %dma_wait3A_213 : memref<1x128xi32, #tpu.memory_space<vmem>> -> memref<128xi32, #tpu.memory_space<vmem>>
      %dma_wait3A_215 = arith.constant 0 : i32
      %dma_wait3A_216 = arith.constant 0 : i32
      %dma_wait3A_217 = tpu.memref_slice %arg9[%dma_wait3A_215, %dma_wait3A_216] : memref<10240x128xf32, #tpu.memory_space<vmem_shared>> -> memref<10240x128xf32, #tpu.memory_space<vmem_shared>>
      tpu.wait_indirect_dma semaphore(%run_scoped3A_205 : memref<!tpu.dma_semaphore, #tpu.memory_space<semaphore_mem>>) src(%arg12 : memref<128x128xf32, #tpu.memory_space<vmem>>) dst(%dma_wait3A_217 : memref<10240x128xf32, #tpu.memory_space<vmem_shared>>)
      tpu.yield
    }) : () -> ()
    %run_scoped3A_106 = arith.constant 4 : i32
    "tpu.region"() ({
      %run_scoped3A_205 = tpu.sem_alloc : memref<!tpu.dma_semaphore, #tpu.memory_space<semaphore_mem>>
      %dma_start3A_206 = arith.constant 0 : i32
      %dma_start3A_207 = tpu.memref_slice %arg10[%run_scoped3A_106, %dma_start3A_206] : memref<8x128xi32, #tpu.memory_space<vmem>> -> memref<1x128xi32, #tpu.memory_space<vmem>>
      %dma_start3A_208 = tpu.memref_squeeze %dma_start3A_207 : memref<1x128xi32, #tpu.memory_space<vmem>> -> memref<128xi32, #tpu.memory_space<vmem>>
      %dma_start3A_209 = arith.constant 0 : i32
      %dma_start3A_210 = arith.constant 0 : i32
      %dma_start3A_211 = tpu.memref_slice %arg9[%dma_start3A_209, %dma_start3A_210] : memref<10240x128xf32, #tpu.memory_space<vmem_shared>> -> memref<10240x128xf32, #tpu.memory_space<vmem_shared>>
      tpu.enqueue_indirect_dma source(%arg12 : memref<128x128xf32, #tpu.memory_space<vmem>>) target(%dma_start3A_211 : memref<10240x128xf32, #tpu.memory_space<vmem_shared>>) offsets(%dma_start3A_208 : memref<128xi32, #tpu.memory_space<vmem>>) semaphore(%run_scoped3A_205 : memref<!tpu.dma_semaphore, #tpu.memory_space<semaphore_mem>>)
      %dma_wait3A_212 = arith.constant 0 : i32
      %dma_wait3A_213 = tpu.memref_slice %arg10[%run_scoped3A_106, %dma_wait3A_212] : memref<8x128xi32, #tpu.memory_space<vmem>> -> memref<1x128xi32, #tpu.memory_space<vmem>>
      %dma_wait3A_214 = tpu.memref_squeeze %dma_wait3A_213 : memref<1x128xi32, #tpu.memory_space<vmem>> -> memref<128xi32, #tpu.memory_space<vmem>>
      %dma_wait3A_215 = arith.constant 0 : i32
      %dma_wait3A_216 = arith.constant 0 : i32
      %dma_wait3A_217 = tpu.memref_slice %arg9[%dma_wait3A_215, %dma_wait3A_216] : memref<10240x128xf32, #tpu.memory_space<vmem_shared>> -> memref<10240x128xf32, #tpu.memory_space<vmem_shared>>
      tpu.wait_indirect_dma semaphore(%run_scoped3A_205 : memref<!tpu.dma_semaphore, #tpu.memory_space<semaphore_mem>>) src(%arg12 : memref<128x128xf32, #tpu.memory_space<vmem>>) dst(%dma_wait3A_217 : memref<10240x128xf32, #tpu.memory_space<vmem_shared>>)
      tpu.yield
    }) : () -> ()
    %barrier3A_107 = arith.constant 0 : index
    tpu.barrier barrier_id(%barrier3A_107)
    %scan3A_108 = arith.constant 0 : i32
    %scan3A_109 = arith.constant 0 : i32
    %scan3A_110 = arith.constant 10 : i32
    %scan3A_111 = arith.addi %scan3A_109, %scan3A_110 : i32
    %scan3A_112 = arith.constant 1 : i32
    scf.for %scan3A_205 = %scan3A_109 to %scan3A_111 step %scan3A_112  : i32 {
      %mul3A_206 = arith.constant 8 : i32
      %mul3A_207 = arith.muli %scan3A_205, %mul3A_206 : i32
      %add3A_208 = arith.addi %mul3A_2, %mul3A_207 : i32
      "tpu.region"() ({
        %run_scoped3A_297 = tpu.sem_alloc : memref<!tpu.dma_semaphore, #tpu.memory_space<semaphore_mem>>
        %dma_start3A_298 = arith.constant 0 : i32
        %dma_start3A_299 = tpu.memref_slice %arg4[%add3A_208, %dma_start3A_298] : memref<2560x128xi32, #tpu.memory_space<hbm>> -> memref<8x128xi32, #tpu.memory_space<hbm>>
        %dma_start3A_300 = arith.constant 0 : i32
        %dma_start3A_301 = tpu.memref_slice %arg4[%add3A_208, %dma_start3A_300] : memref<2560x128xi32, #tpu.memory_space<hbm>> -> memref<8x128xi32, #tpu.memory_space<hbm>>
        tpu.enqueue_dma source(%dma_start3A_301 : memref<8x128xi32, #tpu.memory_space<hbm>>) target(%arg11 : memref<8x128xi32, #tpu.memory_space<vmem>>) target_semaphore(%run_scoped3A_297 : memref<!tpu.dma_semaphore, #tpu.memory_space<semaphore_mem>>)
        %dma_wait3A_302 = arith.constant 0 : i32
        %dma_wait3A_303 = tpu.memref_slice %arg4[%add3A_208, %dma_wait3A_302] : memref<2560x128xi32, #tpu.memory_space<hbm>> -> memref<8x128xi32, #tpu.memory_space<hbm>>
        %dma_wait3A_304 = arith.constant 0 : i32
        %dma_wait3A_305 = tpu.memref_slice %arg4[%add3A_208, %dma_wait3A_304] : memref<2560x128xi32, #tpu.memory_space<hbm>> -> memref<8x128xi32, #tpu.memory_space<hbm>>
        tpu.wait_dma2 semaphore(%run_scoped3A_297 : memref<!tpu.dma_semaphore, #tpu.memory_space<semaphore_mem>>) src(%dma_wait3A_305 : memref<8x128xi32, #tpu.memory_space<hbm>>) dst(%arg11 : memref<8x128xi32, #tpu.memory_space<vmem>>)
        tpu.yield
      }) : () -> ()
      %add3A_209 = arith.constant 0 : i32
      %add3A_210 = arith.addi %add3A_208, %add3A_209 : i32
      %mul3A_211 = arith.constant 128 : i32
      %mul3A_212 = arith.muli %add3A_210, %mul3A_211 : i32
      "tpu.region"() ({
        %run_scoped3A_297 = tpu.sem_alloc : memref<!tpu.dma_semaphore, #tpu.memory_space<semaphore_mem>>
        %dma_start3A_298 = arith.constant 0 : i32
        %dma_start3A_299 = tpu.memref_slice %arg3[%mul3A_212, %dma_start3A_298] : memref<327680x16xf32, #tpu.memory_space<hbm>> -> memref<128x16xf32, #tpu.memory_space<hbm>>
        %dma_start3A_300 = arith.constant 0 : i32
        %dma_start3A_301 = tpu.memref_slice %arg3[%mul3A_212, %dma_start3A_300] : memref<327680x16xf32, #tpu.memory_space<hbm>> -> memref<128x16xf32, #tpu.memory_space<hbm>>
        tpu.enqueue_dma source(%dma_start3A_301 : memref<128x16xf32, #tpu.memory_space<hbm>>) target(%arg13 : memref<128x16xf32, #tpu.memory_space<vmem>>) target_semaphore(%run_scoped3A_297 : memref<!tpu.dma_semaphore, #tpu.memory_space<semaphore_mem>>)
        %dma_wait3A_302 = arith.constant 0 : i32
        %dma_wait3A_303 = tpu.memref_slice %arg3[%mul3A_212, %dma_wait3A_302] : memref<327680x16xf32, #tpu.memory_space<hbm>> -> memref<128x16xf32, #tpu.memory_space<hbm>>
        %dma_wait3A_304 = arith.constant 0 : i32
        %dma_wait3A_305 = tpu.memref_slice %arg3[%mul3A_212, %dma_wait3A_304] : memref<327680x16xf32, #tpu.memory_space<hbm>> -> memref<128x16xf32, #tpu.memory_space<hbm>>
        tpu.wait_dma2 semaphore(%run_scoped3A_297 : memref<!tpu.dma_semaphore, #tpu.memory_space<semaphore_mem>>) src(%dma_wait3A_305 : memref<128x16xf32, #tpu.memory_space<hbm>>) dst(%arg13 : memref<128x16xf32, #tpu.memory_space<vmem>>)
        tpu.yield
      }) : () -> ()
      %scan3A_213 = arith.constant 0 : i32
      %scan3A_214 = arith.constant 0 : i32
      %scan3A_215 = arith.constant 128 : i32
      %scan3A_216 = arith.addi %scan3A_214, %scan3A_215 : i32
      %scan3A_217 = arith.constant 1 : i32
      scf.for %scan3A_297 = %scan3A_214 to %scan3A_216 step %scan3A_217  : i32 {
        %get3A = arith.index_cast %scan3A_297 : i32 to index
        %get3A_298 = arith.constant 0 : index
        %get3A_299 = tpu.vector_load %arg13[%get3A, %get3A_298] {strides = array<i32>} : memref<128x16xf32, #tpu.memory_space<vmem>>, vector<1x16xf32>,
        %get3A_300 = vector.shape_cast %get3A_299 : vector<1x16xf32> to vector<16xf32>
        %swap3A = arith.index_cast %scan3A_297 : i32 to index
        %swap3A_301 = arith.constant 0 : index
        %swap3A_302 = tpu.vector_load %arg12[%swap3A, %swap3A_301] {strides = array<i32>} : memref<128x128xf32, #tpu.memory_space<vmem>>, vector<1x16xf32>,
        %swap3A_303 = vector.shape_cast %swap3A_302 : vector<1x16xf32> to vector<16xf32>
        %swap3A_304 = vector.shape_cast %get3A_300 : vector<16xf32> to vector<1x16xf32>
        tpu.vector_store %arg12[%swap3A, %swap3A_301], %swap3A_304 {strides = array<i32>} : memref<128x128xf32, #tpu.memory_space<vmem>>, vector<1x16xf32>,
      }
      %scan3A_218 = arith.constant 128 : i32
      %run_scoped3A_219 = arith.constant 0 : i32
      "tpu.region"() ({
        %run_scoped3A_297 = tpu.sem_alloc : memref<!tpu.dma_semaphore, #tpu.memory_space<semaphore_mem>>
        %dma_start3A_298 = arith.constant 0 : i32
        %dma_start3A_299 = tpu.memref_slice %arg11[%run_scoped3A_219, %dma_start3A_298] : memref<8x128xi32, #tpu.memory_space<vmem>> -> memref<1x128xi32, #tpu.memory_space<vmem>>
        %dma_start3A_300 = tpu.memref_squeeze %dma_start3A_299 : memref<1x128xi32, #tpu.memory_space<vmem>> -> memref<128xi32, #tpu.memory_space<vmem>>
        %dma_start3A_301 = arith.constant 0 : i32
        %dma_start3A_302 = arith.constant 0 : i32
        %dma_start3A_303 = tpu.memref_slice %arg9[%dma_start3A_301, %dma_start3A_302] : memref<10240x128xf32, #tpu.memory_space<vmem_shared>> -> memref<10240x128xf32, #tpu.memory_space<vmem_shared>>
        tpu.enqueue_indirect_dma source(%arg12 : memref<128x128xf32, #tpu.memory_space<vmem>>) target(%dma_start3A_303 : memref<10240x128xf32, #tpu.memory_space<vmem_shared>>) offsets(%dma_start3A_300 : memref<128xi32, #tpu.memory_space<vmem>>) semaphore(%run_scoped3A_297 : memref<!tpu.dma_semaphore, #tpu.memory_space<semaphore_mem>>) {add = true}
        %dma_wait3A_304 = arith.constant 0 : i32
        %dma_wait3A_305 = tpu.memref_slice %arg11[%run_scoped3A_219, %dma_wait3A_304] : memref<8x128xi32, #tpu.memory_space<vmem>> -> memref<1x128xi32, #tpu.memory_space<vmem>>
        %dma_wait3A_306 = tpu.memref_squeeze %dma_wait3A_305 : memref<1x128xi32, #tpu.memory_space<vmem>> -> memref<128xi32, #tpu.memory_space<vmem>>
        %dma_wait3A_307 = arith.constant 0 : i32
        %dma_wait3A_308 = arith.constant 0 : i32
        %dma_wait3A_309 = tpu.memref_slice %arg9[%dma_wait3A_307, %dma_wait3A_308] : memref<10240x128xf32, #tpu.memory_space<vmem_shared>> -> memref<10240x128xf32, #tpu.memory_space<vmem_shared>>
        tpu.wait_indirect_dma semaphore(%run_scoped3A_297 : memref<!tpu.dma_semaphore, #tpu.memory_space<semaphore_mem>>) src(%arg12 : memref<128x128xf32, #tpu.memory_space<vmem>>) dst(%dma_wait3A_309 : memref<10240x128xf32, #tpu.memory_space<vmem_shared>>)
        tpu.yield
      }) : () -> ()
      %add3A_220 = arith.constant 1 : i32
      %add3A_221 = arith.addi %add3A_208, %add3A_220 : i32
      %mul3A_222 = arith.constant 128 : i32
      %mul3A_223 = arith.muli %add3A_221, %mul3A_222 : i32
      "tpu.region"() ({
        %run_scoped3A_297 = tpu.sem_alloc : memref<!tpu.dma_semaphore, #tpu.memory_space<semaphore_mem>>
        %dma_start3A_298 = arith.constant 0 : i32
        %dma_start3A_299 = tpu.memref_slice %arg3[%mul3A_223, %dma_start3A_298] : memref<327680x16xf32, #tpu.memory_space<hbm>> -> memref<128x16xf32, #tpu.memory_space<hbm>>
        %dma_start3A_300 = arith.constant 0 : i32
        %dma_start3A_301 = tpu.memref_slice %arg3[%mul3A_223, %dma_start3A_300] : memref<327680x16xf32, #tpu.memory_space<hbm>> -> memref<128x16xf32, #tpu.memory_space<hbm>>
        tpu.enqueue_dma source(%dma_start3A_301 : memref<128x16xf32, #tpu.memory_space<hbm>>) target(%arg13 : memref<128x16xf32, #tpu.memory_space<vmem>>) target_semaphore(%run_scoped3A_297 : memref<!tpu.dma_semaphore, #tpu.memory_space<semaphore_mem>>)
        %dma_wait3A_302 = arith.constant 0 : i32
        %dma_wait3A_303 = tpu.memref_slice %arg3[%mul3A_223, %dma_wait3A_302] : memref<327680x16xf32, #tpu.memory_space<hbm>> -> memref<128x16xf32, #tpu.memory_space<hbm>>
        %dma_wait3A_304 = arith.constant 0 : i32
        %dma_wait3A_305 = tpu.memref_slice %arg3[%mul3A_223, %dma_wait3A_304] : memref<327680x16xf32, #tpu.memory_space<hbm>> -> memref<128x16xf32, #tpu.memory_space<hbm>>
        tpu.wait_dma2 semaphore(%run_scoped3A_297 : memref<!tpu.dma_semaphore, #tpu.memory_space<semaphore_mem>>) src(%dma_wait3A_305 : memref<128x16xf32, #tpu.memory_space<hbm>>) dst(%arg13 : memref<128x16xf32, #tpu.memory_space<vmem>>)
        tpu.yield
      }) : () -> ()
      %scan3A_224 = arith.constant 0 : i32
      %scan3A_225 = arith.constant 0 : i32
      %scan3A_226 = arith.constant 128 : i32
      %scan3A_227 = arith.addi %scan3A_225, %scan3A_226 : i32
      %scan3A_228 = arith.constant 1 : i32
      scf.for %scan3A_297 = %scan3A_225 to %scan3A_227 step %scan3A_228  : i32 {
        %get3A = arith.index_cast %scan3A_297 : i32 to index
        %get3A_298 = arith.constant 0 : index
        %get3A_299 = tpu.vector_load %arg13[%get3A, %get3A_298] {strides = array<i32>} : memref<128x16xf32, #tpu.memory_space<vmem>>, vector<1x16xf32>,
        %get3A_300 = vector.shape_cast %get3A_299 : vector<1x16xf32> to vector<16xf32>
        %swap3A = arith.index_cast %scan3A_297 : i32 to index
        %swap3A_301 = arith.constant 0 : index
        %swap3A_302 = tpu.vector_load %arg12[%swap3A, %swap3A_301] {strides = array<i32>} : memref<128x128xf32, #tpu.memory_space<vmem>>, vector<1x16xf32>,
        %swap3A_303 = vector.shape_cast %swap3A_302 : vector<1x16xf32> to vector<16xf32>
        %swap3A_304 = vector.shape_cast %get3A_300 : vector<16xf32> to vector<1x16xf32>
        tpu.vector_store %arg12[%swap3A, %swap3A_301], %swap3A_304 {strides = array<i32>} : memref<128x128xf32, #tpu.memory_space<vmem>>, vector<1x16xf32>,
      }
      %scan3A_229 = arith.constant 128 : i32
      %run_scoped3A_230 = arith.constant 1 : i32
      "tpu.region"() ({
        %run_scoped3A_297 = tpu.sem_alloc : memref<!tpu.dma_semaphore, #tpu.memory_space<semaphore_mem>>
        %dma_start3A_298 = arith.constant 0 : i32
        %dma_start3A_299 = tpu.memref_slice %arg11[%run_scoped3A_230, %dma_start3A_298] : memref<8x128xi32, #tpu.memory_space<vmem>> -> memref<1x128xi32, #tpu.memory_space<vmem>>
        %dma_start3A_300 = tpu.memref_squeeze %dma_start3A_299 : memref<1x128xi32, #tpu.memory_space<vmem>> -> memref<128xi32, #tpu.memory_space<vmem>>
        %dma_start3A_301 = arith.constant 0 : i32
        %dma_start3A_302 = arith.constant 0 : i32
        %dma_start3A_303 = tpu.memref_slice %arg9[%dma_start3A_301, %dma_start3A_302] : memref<10240x128xf32, #tpu.memory_space<vmem_shared>> -> memref<10240x128xf32, #tpu.memory_space<vmem_shared>>
        tpu.enqueue_indirect_dma source(%arg12 : memref<128x128xf32, #tpu.memory_space<vmem>>) target(%dma_start3A_303 : memref<10240x128xf32, #tpu.memory_space<vmem_shared>>) offsets(%dma_start3A_300 : memref<128xi32, #tpu.memory_space<vmem>>) semaphore(%run_scoped3A_297 : memref<!tpu.dma_semaphore, #tpu.memory_space<semaphore_mem>>) {add = true}
        %dma_wait3A_304 = arith.constant 0 : i32
        %dma_wait3A_305 = tpu.memref_slice %arg11[%run_scoped3A_230, %dma_wait3A_304] : memref<8x128xi32, #tpu.memory_space<vmem>> -> memref<1x128xi32, #tpu.memory_space<vmem>>
        %dma_wait3A_306 = tpu.memref_squeeze %dma_wait3A_305 : memref<1x128xi32, #tpu.memory_space<vmem>> -> memref<128xi32, #tpu.memory_space<vmem>>
        %dma_wait3A_307 = arith.constant 0 : i32
        %dma_wait3A_308 = arith.constant 0 : i32
        %dma_wait3A_309 = tpu.memref_slice %arg9[%dma_wait3A_307, %dma_wait3A_308] : memref<10240x128xf32, #tpu.memory_space<vmem_shared>> -> memref<10240x128xf32, #tpu.memory_space<vmem_shared>>
        tpu.wait_indirect_dma semaphore(%run_scoped3A_297 : memref<!tpu.dma_semaphore, #tpu.memory_space<semaphore_mem>>) src(%arg12 : memref<128x128xf32, #tpu.memory_space<vmem>>) dst(%dma_wait3A_309 : memref<10240x128xf32, #tpu.memory_space<vmem_shared>>)
        tpu.yield
      }) : () -> ()
      %add3A_231 = arith.constant 2 : i32
      %add3A_232 = arith.addi %add3A_208, %add3A_231 : i32
      %mul3A_233 = arith.constant 128 : i32
      %mul3A_234 = arith.muli %add3A_232, %mul3A_233 : i32
      "tpu.region"() ({
        %run_scoped3A_297 = tpu.sem_alloc : memref<!tpu.dma_semaphore, #tpu.memory_space<semaphore_mem>>
        %dma_start3A_298 = arith.constant 0 : i32
        %dma_start3A_299 = tpu.memref_slice %arg3[%mul3A_234, %dma_start3A_298] : memref<327680x16xf32, #tpu.memory_space<hbm>> -> memref<128x16xf32, #tpu.memory_space<hbm>>
        %dma_start3A_300 = arith.constant 0 : i32
        %dma_start3A_301 = tpu.memref_slice %arg3[%mul3A_234, %dma_start3A_300] : memref<327680x16xf32, #tpu.memory_space<hbm>> -> memref<128x16xf32, #tpu.memory_space<hbm>>
        tpu.enqueue_dma source(%dma_start3A_301 : memref<128x16xf32, #tpu.memory_space<hbm>>) target(%arg13 : memref<128x16xf32, #tpu.memory_space<vmem>>) target_semaphore(%run_scoped3A_297 : memref<!tpu.dma_semaphore, #tpu.memory_space<semaphore_mem>>)
        %dma_wait3A_302 = arith.constant 0 : i32
        %dma_wait3A_303 = tpu.memref_slice %arg3[%mul3A_234, %dma_wait3A_302] : memref<327680x16xf32, #tpu.memory_space<hbm>> -> memref<128x16xf32, #tpu.memory_space<hbm>>
        %dma_wait3A_304 = arith.constant 0 : i32
        %dma_wait3A_305 = tpu.memref_slice %arg3[%mul3A_234, %dma_wait3A_304] : memref<327680x16xf32, #tpu.memory_space<hbm>> -> memref<128x16xf32, #tpu.memory_space<hbm>>
        tpu.wait_dma2 semaphore(%run_scoped3A_297 : memref<!tpu.dma_semaphore, #tpu.memory_space<semaphore_mem>>) src(%dma_wait3A_305 : memref<128x16xf32, #tpu.memory_space<hbm>>) dst(%arg13 : memref<128x16xf32, #tpu.memory_space<vmem>>)
        tpu.yield
      }) : () -> ()
      %scan3A_235 = arith.constant 0 : i32
      %scan3A_236 = arith.constant 0 : i32
      %scan3A_237 = arith.constant 128 : i32
      %scan3A_238 = arith.addi %scan3A_236, %scan3A_237 : i32
      %scan3A_239 = arith.constant 1 : i32
      scf.for %scan3A_297 = %scan3A_236 to %scan3A_238 step %scan3A_239  : i32 {
        %get3A = arith.index_cast %scan3A_297 : i32 to index
        %get3A_298 = arith.constant 0 : index
        %get3A_299 = tpu.vector_load %arg13[%get3A, %get3A_298] {strides = array<i32>} : memref<128x16xf32, #tpu.memory_space<vmem>>, vector<1x16xf32>,
        %get3A_300 = vector.shape_cast %get3A_299 : vector<1x16xf32> to vector<16xf32>
        %swap3A = arith.index_cast %scan3A_297 : i32 to index
        %swap3A_301 = arith.constant 0 : index
        %swap3A_302 = tpu.vector_load %arg12[%swap3A, %swap3A_301] {strides = array<i32>} : memref<128x128xf32, #tpu.memory_space<vmem>>, vector<1x16xf32>,
        %swap3A_303 = vector.shape_cast %swap3A_302 : vector<1x16xf32> to vector<16xf32>
        %swap3A_304 = vector.shape_cast %get3A_300 : vector<16xf32> to vector<1x16xf32>
        tpu.vector_store %arg12[%swap3A, %swap3A_301], %swap3A_304 {strides = array<i32>} : memref<128x128xf32, #tpu.memory_space<vmem>>, vector<1x16xf32>,
      }
      %scan3A_240 = arith.constant 128 : i32
      %run_scoped3A_241 = arith.constant 2 : i32
      "tpu.region"() ({
        %run_scoped3A_297 = tpu.sem_alloc : memref<!tpu.dma_semaphore, #tpu.memory_space<semaphore_mem>>
        %dma_start3A_298 = arith.constant 0 : i32
        %dma_start3A_299 = tpu.memref_slice %arg11[%run_scoped3A_241, %dma_start3A_298] : memref<8x128xi32, #tpu.memory_space<vmem>> -> memref<1x128xi32, #tpu.memory_space<vmem>>
        %dma_start3A_300 = tpu.memref_squeeze %dma_start3A_299 : memref<1x128xi32, #tpu.memory_space<vmem>> -> memref<128xi32, #tpu.memory_space<vmem>>
        %dma_start3A_301 = arith.constant 0 : i32
        %dma_start3A_302 = arith.constant 0 : i32
        %dma_start3A_303 = tpu.memref_slice %arg9[%dma_start3A_301, %dma_start3A_302] : memref<10240x128xf32, #tpu.memory_space<vmem_shared>> -> memref<10240x128xf32, #tpu.memory_space<vmem_shared>>
        tpu.enqueue_indirect_dma source(%arg12 : memref<128x128xf32, #tpu.memory_space<vmem>>) target(%dma_start3A_303 : memref<10240x128xf32, #tpu.memory_space<vmem_shared>>) offsets(%dma_start3A_300 : memref<128xi32, #tpu.memory_space<vmem>>) semaphore(%run_scoped3A_297 : memref<!tpu.dma_semaphore, #tpu.memory_space<semaphore_mem>>) {add = true}
        %dma_wait3A_304 = arith.constant 0 : i32
        %dma_wait3A_305 = tpu.memref_slice %arg11[%run_scoped3A_241, %dma_wait3A_304] : memref<8x128xi32, #tpu.memory_space<vmem>> -> memref<1x128xi32, #tpu.memory_space<vmem>>
        %dma_wait3A_306 = tpu.memref_squeeze %dma_wait3A_305 : memref<1x128xi32, #tpu.memory_space<vmem>> -> memref<128xi32, #tpu.memory_space<vmem>>
        %dma_wait3A_307 = arith.constant 0 : i32
        %dma_wait3A_308 = arith.constant 0 : i32
        %dma_wait3A_309 = tpu.memref_slice %arg9[%dma_wait3A_307, %dma_wait3A_308] : memref<10240x128xf32, #tpu.memory_space<vmem_shared>> -> memref<10240x128xf32, #tpu.memory_space<vmem_shared>>
        tpu.wait_indirect_dma semaphore(%run_scoped3A_297 : memref<!tpu.dma_semaphore, #tpu.memory_space<semaphore_mem>>) src(%arg12 : memref<128x128xf32, #tpu.memory_space<vmem>>) dst(%dma_wait3A_309 : memref<10240x128xf32, #tpu.memory_space<vmem_shared>>)
        tpu.yield
      }) : () -> ()
      %add3A_242 = arith.constant 3 : i32
      %add3A_243 = arith.addi %add3A_208, %add3A_242 : i32
      %mul3A_244 = arith.constant 128 : i32
      %mul3A_245 = arith.muli %add3A_243, %mul3A_244 : i32
      "tpu.region"() ({
        %run_scoped3A_297 = tpu.sem_alloc : memref<!tpu.dma_semaphore, #tpu.memory_space<semaphore_mem>>
        %dma_start3A_298 = arith.constant 0 : i32
        %dma_start3A_299 = tpu.memref_slice %arg3[%mul3A_245, %dma_start3A_298] : memref<327680x16xf32, #tpu.memory_space<hbm>> -> memref<128x16xf32, #tpu.memory_space<hbm>>
        %dma_start3A_300 = arith.constant 0 : i32
        %dma_start3A_301 = tpu.memref_slice %arg3[%mul3A_245, %dma_start3A_300] : memref<327680x16xf32, #tpu.memory_space<hbm>> -> memref<128x16xf32, #tpu.memory_space<hbm>>
        tpu.enqueue_dma source(%dma_start3A_301 : memref<128x16xf32, #tpu.memory_space<hbm>>) target(%arg13 : memref<128x16xf32, #tpu.memory_space<vmem>>) target_semaphore(%run_scoped3A_297 : memref<!tpu.dma_semaphore, #tpu.memory_space<semaphore_mem>>)
        %dma_wait3A_302 = arith.constant 0 : i32
        %dma_wait3A_303 = tpu.memref_slice %arg3[%mul3A_245, %dma_wait3A_302] : memref<327680x16xf32, #tpu.memory_space<hbm>> -> memref<128x16xf32, #tpu.memory_space<hbm>>
        %dma_wait3A_304 = arith.constant 0 : i32
        %dma_wait3A_305 = tpu.memref_slice %arg3[%mul3A_245, %dma_wait3A_304] : memref<327680x16xf32, #tpu.memory_space<hbm>> -> memref<128x16xf32, #tpu.memory_space<hbm>>
        tpu.wait_dma2 semaphore(%run_scoped3A_297 : memref<!tpu.dma_semaphore, #tpu.memory_space<semaphore_mem>>) src(%dma_wait3A_305 : memref<128x16xf32, #tpu.memory_space<hbm>>) dst(%arg13 : memref<128x16xf32, #tpu.memory_space<vmem>>)
        tpu.yield
      }) : () -> ()
      %scan3A_246 = arith.constant 0 : i32
      %scan3A_247 = arith.constant 0 : i32
      %scan3A_248 = arith.constant 128 : i32
      %scan3A_249 = arith.addi %scan3A_247, %scan3A_248 : i32
      %scan3A_250 = arith.constant 1 : i32
      scf.for %scan3A_297 = %scan3A_247 to %scan3A_249 step %scan3A_250  : i32 {
        %get3A = arith.index_cast %scan3A_297 : i32 to index
        %get3A_298 = arith.constant 0 : index
        %get3A_299 = tpu.vector_load %arg13[%get3A, %get3A_298] {strides = array<i32>} : memref<128x16xf32, #tpu.memory_space<vmem>>, vector<1x16xf32>,
        %get3A_300 = vector.shape_cast %get3A_299 : vector<1x16xf32> to vector<16xf32>
        %swap3A = arith.index_cast %scan3A_297 : i32 to index
        %swap3A_301 = arith.constant 0 : index
        %swap3A_302 = tpu.vector_load %arg12[%swap3A, %swap3A_301] {strides = array<i32>} : memref<128x128xf32, #tpu.memory_space<vmem>>, vector<1x16xf32>,
        %swap3A_303 = vector.shape_cast %swap3A_302 : vector<1x16xf32> to vector<16xf32>
        %swap3A_304 = vector.shape_cast %get3A_300 : vector<16xf32> to vector<1x16xf32>
        tpu.vector_store %arg12[%swap3A, %swap3A_301], %swap3A_304 {strides = array<i32>} : memref<128x128xf32, #tpu.memory_space<vmem>>, vector<1x16xf32>,
      }
      %scan3A_251 = arith.constant 128 : i32
      %run_scoped3A_252 = arith.constant 3 : i32
      "tpu.region"() ({
        %run_scoped3A_297 = tpu.sem_alloc : memref<!tpu.dma_semaphore, #tpu.memory_space<semaphore_mem>>
        %dma_start3A_298 = arith.constant 0 : i32
        %dma_start3A_299 = tpu.memref_slice %arg11[%run_scoped3A_252, %dma_start3A_298] : memref<8x128xi32, #tpu.memory_space<vmem>> -> memref<1x128xi32, #tpu.memory_space<vmem>>
        %dma_start3A_300 = tpu.memref_squeeze %dma_start3A_299 : memref<1x128xi32, #tpu.memory_space<vmem>> -> memref<128xi32, #tpu.memory_space<vmem>>
        %dma_start3A_301 = arith.constant 0 : i32
        %dma_start3A_302 = arith.constant 0 : i32
        %dma_start3A_303 = tpu.memref_slice %arg9[%dma_start3A_301, %dma_start3A_302] : memref<10240x128xf32, #tpu.memory_space<vmem_shared>> -> memref<10240x128xf32, #tpu.memory_space<vmem_shared>>
        tpu.enqueue_indirect_dma source(%arg12 : memref<128x128xf32, #tpu.memory_space<vmem>>) target(%dma_start3A_303 : memref<10240x128xf32, #tpu.memory_space<vmem_shared>>) offsets(%dma_start3A_300 : memref<128xi32, #tpu.memory_space<vmem>>) semaphore(%run_scoped3A_297 : memref<!tpu.dma_semaphore, #tpu.memory_space<semaphore_mem>>) {add = true}
        %dma_wait3A_304 = arith.constant 0 : i32
        %dma_wait3A_305 = tpu.memref_slice %arg11[%run_scoped3A_252, %dma_wait3A_304] : memref<8x128xi32, #tpu.memory_space<vmem>> -> memref<1x128xi32, #tpu.memory_space<vmem>>
        %dma_wait3A_306 = tpu.memref_squeeze %dma_wait3A_305 : memref<1x128xi32, #tpu.memory_space<vmem>> -> memref<128xi32, #tpu.memory_space<vmem>>
        %dma_wait3A_307 = arith.constant 0 : i32
        %dma_wait3A_308 = arith.constant 0 : i32
        %dma_wait3A_309 = tpu.memref_slice %arg9[%dma_wait3A_307, %dma_wait3A_308] : memref<10240x128xf32, #tpu.memory_space<vmem_shared>> -> memref<10240x128xf32, #tpu.memory_space<vmem_shared>>
        tpu.wait_indirect_dma semaphore(%run_scoped3A_297 : memref<!tpu.dma_semaphore, #tpu.memory_space<semaphore_mem>>) src(%arg12 : memref<128x128xf32, #tpu.memory_space<vmem>>) dst(%dma_wait3A_309 : memref<10240x128xf32, #tpu.memory_space<vmem_shared>>)
        tpu.yield
      }) : () -> ()
      %add3A_253 = arith.constant 4 : i32
      %add3A_254 = arith.addi %add3A_208, %add3A_253 : i32
      %mul3A_255 = arith.constant 128 : i32
      %mul3A_256 = arith.muli %add3A_254, %mul3A_255 : i32
      "tpu.region"() ({
        %run_scoped3A_297 = tpu.sem_alloc : memref<!tpu.dma_semaphore, #tpu.memory_space<semaphore_mem>>
        %dma_start3A_298 = arith.constant 0 : i32
        %dma_start3A_299 = tpu.memref_slice %arg3[%mul3A_256, %dma_start3A_298] : memref<327680x16xf32, #tpu.memory_space<hbm>> -> memref<128x16xf32, #tpu.memory_space<hbm>>
        %dma_start3A_300 = arith.constant 0 : i32
        %dma_start3A_301 = tpu.memref_slice %arg3[%mul3A_256, %dma_start3A_300] : memref<327680x16xf32, #tpu.memory_space<hbm>> -> memref<128x16xf32, #tpu.memory_space<hbm>>
        tpu.enqueue_dma source(%dma_start3A_301 : memref<128x16xf32, #tpu.memory_space<hbm>>) target(%arg13 : memref<128x16xf32, #tpu.memory_space<vmem>>) target_semaphore(%run_scoped3A_297 : memref<!tpu.dma_semaphore, #tpu.memory_space<semaphore_mem>>)
        %dma_wait3A_302 = arith.constant 0 : i32
        %dma_wait3A_303 = tpu.memref_slice %arg3[%mul3A_256, %dma_wait3A_302] : memref<327680x16xf32, #tpu.memory_space<hbm>> -> memref<128x16xf32, #tpu.memory_space<hbm>>
        %dma_wait3A_304 = arith.constant 0 : i32
        %dma_wait3A_305 = tpu.memref_slice %arg3[%mul3A_256, %dma_wait3A_304] : memref<327680x16xf32, #tpu.memory_space<hbm>> -> memref<128x16xf32, #tpu.memory_space<hbm>>
        tpu.wait_dma2 semaphore(%run_scoped3A_297 : memref<!tpu.dma_semaphore, #tpu.memory_space<semaphore_mem>>) src(%dma_wait3A_305 : memref<128x16xf32, #tpu.memory_space<hbm>>) dst(%arg13 : memref<128x16xf32, #tpu.memory_space<vmem>>)
        tpu.yield
      }) : () -> ()
      %scan3A_257 = arith.constant 0 : i32
      %scan3A_258 = arith.constant 0 : i32
      %scan3A_259 = arith.constant 128 : i32
      %scan3A_260 = arith.addi %scan3A_258, %scan3A_259 : i32
      %scan3A_261 = arith.constant 1 : i32
      scf.for %scan3A_297 = %scan3A_258 to %scan3A_260 step %scan3A_261  : i32 {
        %get3A = arith.index_cast %scan3A_297 : i32 to index
        %get3A_298 = arith.constant 0 : index
        %get3A_299 = tpu.vector_load %arg13[%get3A, %get3A_298] {strides = array<i32>} : memref<128x16xf32, #tpu.memory_space<vmem>>, vector<1x16xf32>,
        %get3A_300 = vector.shape_cast %get3A_299 : vector<1x16xf32> to vector<16xf32>
        %swap3A = arith.index_cast %scan3A_297 : i32 to index
        %swap3A_301 = arith.constant 0 : index
        %swap3A_302 = tpu.vector_load %arg12[%swap3A, %swap3A_301] {strides = array<i32>} : memref<128x128xf32, #tpu.memory_space<vmem>>, vector<1x16xf32>,
        %swap3A_303 = vector.shape_cast %swap3A_302 : vector<1x16xf32> to vector<16xf32>
        %swap3A_304 = vector.shape_cast %get3A_300 : vector<16xf32> to vector<1x16xf32>
        tpu.vector_store %arg12[%swap3A, %swap3A_301], %swap3A_304 {strides = array<i32>} : memref<128x128xf32, #tpu.memory_space<vmem>>, vector<1x16xf32>,
      }
      %scan3A_262 = arith.constant 128 : i32
      %run_scoped3A_263 = arith.constant 4 : i32
      "tpu.region"() ({
        %run_scoped3A_297 = tpu.sem_alloc : memref<!tpu.dma_semaphore, #tpu.memory_space<semaphore_mem>>
        %dma_start3A_298 = arith.constant 0 : i32
        %dma_start3A_299 = tpu.memref_slice %arg11[%run_scoped3A_263, %dma_start3A_298] : memref<8x128xi32, #tpu.memory_space<vmem>> -> memref<1x128xi32, #tpu.memory_space<vmem>>
        %dma_start3A_300 = tpu.memref_squeeze %dma_start3A_299 : memref<1x128xi32, #tpu.memory_space<vmem>> -> memref<128xi32, #tpu.memory_space<vmem>>
        %dma_start3A_301 = arith.constant 0 : i32
        %dma_start3A_302 = arith.constant 0 : i32
        %dma_start3A_303 = tpu.memref_slice %arg9[%dma_start3A_301, %dma_start3A_302] : memref<10240x128xf32, #tpu.memory_space<vmem_shared>> -> memref<10240x128xf32, #tpu.memory_space<vmem_shared>>
        tpu.enqueue_indirect_dma source(%arg12 : memref<128x128xf32, #tpu.memory_space<vmem>>) target(%dma_start3A_303 : memref<10240x128xf32, #tpu.memory_space<vmem_shared>>) offsets(%dma_start3A_300 : memref<128xi32, #tpu.memory_space<vmem>>) semaphore(%run_scoped3A_297 : memref<!tpu.dma_semaphore, #tpu.memory_space<semaphore_mem>>) {add = true}
        %dma_wait3A_304 = arith.constant 0 : i32
        %dma_wait3A_305 = tpu.memref_slice %arg11[%run_scoped3A_263, %dma_wait3A_304] : memref<8x128xi32, #tpu.memory_space<vmem>> -> memref<1x128xi32, #tpu.memory_space<vmem>>
        %dma_wait3A_306 = tpu.memref_squeeze %dma_wait3A_305 : memref<1x128xi32, #tpu.memory_space<vmem>> -> memref<128xi32, #tpu.memory_space<vmem>>
        %dma_wait3A_307 = arith.constant 0 : i32
        %dma_wait3A_308 = arith.constant 0 : i32
        %dma_wait3A_309 = tpu.memref_slice %arg9[%dma_wait3A_307, %dma_wait3A_308] : memref<10240x128xf32, #tpu.memory_space<vmem_shared>> -> memref<10240x128xf32, #tpu.memory_space<vmem_shared>>
        tpu.wait_indirect_dma semaphore(%run_scoped3A_297 : memref<!tpu.dma_semaphore, #tpu.memory_space<semaphore_mem>>) src(%arg12 : memref<128x128xf32, #tpu.memory_space<vmem>>) dst(%dma_wait3A_309 : memref<10240x128xf32, #tpu.memory_space<vmem_shared>>)
        tpu.yield
      }) : () -> ()
      %add3A_264 = arith.constant 5 : i32
      %add3A_265 = arith.addi %add3A_208, %add3A_264 : i32
      %mul3A_266 = arith.constant 128 : i32
      %mul3A_267 = arith.muli %add3A_265, %mul3A_266 : i32
      "tpu.region"() ({
        %run_scoped3A_297 = tpu.sem_alloc : memref<!tpu.dma_semaphore, #tpu.memory_space<semaphore_mem>>
        %dma_start3A_298 = arith.constant 0 : i32
        %dma_start3A_299 = tpu.memref_slice %arg3[%mul3A_267, %dma_start3A_298] : memref<327680x16xf32, #tpu.memory_space<hbm>> -> memref<128x16xf32, #tpu.memory_space<hbm>>
        %dma_start3A_300 = arith.constant 0 : i32
        %dma_start3A_301 = tpu.memref_slice %arg3[%mul3A_267, %dma_start3A_300] : memref<327680x16xf32, #tpu.memory_space<hbm>> -> memref<128x16xf32, #tpu.memory_space<hbm>>
        tpu.enqueue_dma source(%dma_start3A_301 : memref<128x16xf32, #tpu.memory_space<hbm>>) target(%arg13 : memref<128x16xf32, #tpu.memory_space<vmem>>) target_semaphore(%run_scoped3A_297 : memref<!tpu.dma_semaphore, #tpu.memory_space<semaphore_mem>>)
        %dma_wait3A_302 = arith.constant 0 : i32
        %dma_wait3A_303 = tpu.memref_slice %arg3[%mul3A_267, %dma_wait3A_302] : memref<327680x16xf32, #tpu.memory_space<hbm>> -> memref<128x16xf32, #tpu.memory_space<hbm>>
        %dma_wait3A_304 = arith.constant 0 : i32
        %dma_wait3A_305 = tpu.memref_slice %arg3[%mul3A_267, %dma_wait3A_304] : memref<327680x16xf32, #tpu.memory_space<hbm>> -> memref<128x16xf32, #tpu.memory_space<hbm>>
        tpu.wait_dma2 semaphore(%run_scoped3A_297 : memref<!tpu.dma_semaphore, #tpu.memory_space<semaphore_mem>>) src(%dma_wait3A_305 : memref<128x16xf32, #tpu.memory_space<hbm>>) dst(%arg13 : memref<128x16xf32, #tpu.memory_space<vmem>>)
        tpu.yield
      }) : () -> ()
      %scan3A_268 = arith.constant 0 : i32
      %scan3A_269 = arith.constant 0 : i32
      %scan3A_270 = arith.constant 128 : i32
      %scan3A_271 = arith.addi %scan3A_269, %scan3A_270 : i32
      %scan3A_272 = arith.constant 1 : i32
      scf.for %scan3A_297 = %scan3A_269 to %scan3A_271 step %scan3A_272  : i32 {
        %get3A = arith.index_cast %scan3A_297 : i32 to index
        %get3A_298 = arith.constant 0 : index
        %get3A_299 = tpu.vector_load %arg13[%get3A, %get3A_298] {strides = array<i32>} : memref<128x16xf32, #tpu.memory_space<vmem>>, vector<1x16xf32>,
        %get3A_300 = vector.shape_cast %get3A_299 : vector<1x16xf32> to vector<16xf32>
        %swap3A = arith.index_cast %scan3A_297 : i32 to index
        %swap3A_301 = arith.constant 0 : index
        %swap3A_302 = tpu.vector_load %arg12[%swap3A, %swap3A_301] {strides = array<i32>} : memref<128x128xf32, #tpu.memory_space<vmem>>, vector<1x16xf32>,
        %swap3A_303 = vector.shape_cast %swap3A_302 : vector<1x16xf32> to vector<16xf32>
        %swap3A_304 = vector.shape_cast %get3A_300 : vector<16xf32> to vector<1x16xf32>
        tpu.vector_store %arg12[%swap3A, %swap3A_301], %swap3A_304 {strides = array<i32>} : memref<128x128xf32, #tpu.memory_space<vmem>>, vector<1x16xf32>,
      }
      %scan3A_273 = arith.constant 128 : i32
      %run_scoped3A_274 = arith.constant 5 : i32
      "tpu.region"() ({
        %run_scoped3A_297 = tpu.sem_alloc : memref<!tpu.dma_semaphore, #tpu.memory_space<semaphore_mem>>
        %dma_start3A_298 = arith.constant 0 : i32
        %dma_start3A_299 = tpu.memref_slice %arg11[%run_scoped3A_274, %dma_start3A_298] : memref<8x128xi32, #tpu.memory_space<vmem>> -> memref<1x128xi32, #tpu.memory_space<vmem>>
        %dma_start3A_300 = tpu.memref_squeeze %dma_start3A_299 : memref<1x128xi32, #tpu.memory_space<vmem>> -> memref<128xi32, #tpu.memory_space<vmem>>
        %dma_start3A_301 = arith.constant 0 : i32
        %dma_start3A_302 = arith.constant 0 : i32
        %dma_start3A_303 = tpu.memref_slice %arg9[%dma_start3A_301, %dma_start3A_302] : memref<10240x128xf32, #tpu.memory_space<vmem_shared>> -> memref<10240x128xf32, #tpu.memory_space<vmem_shared>>
        tpu.enqueue_indirect_dma source(%arg12 : memref<128x128xf32, #tpu.memory_space<vmem>>) target(%dma_start3A_303 : memref<10240x128xf32, #tpu.memory_space<vmem_shared>>) offsets(%dma_start3A_300 : memref<128xi32, #tpu.memory_space<vmem>>) semaphore(%run_scoped3A_297 : memref<!tpu.dma_semaphore, #tpu.memory_space<semaphore_mem>>) {add = true}
        %dma_wait3A_304 = arith.constant 0 : i32
        %dma_wait3A_305 = tpu.memref_slice %arg11[%run_scoped3A_274, %dma_wait3A_304] : memref<8x128xi32, #tpu.memory_space<vmem>> -> memref<1x128xi32, #tpu.memory_space<vmem>>
        %dma_wait3A_306 = tpu.memref_squeeze %dma_wait3A_305 : memref<1x128xi32, #tpu.memory_space<vmem>> -> memref<128xi32, #tpu.memory_space<vmem>>
        %dma_wait3A_307 = arith.constant 0 : i32
        %dma_wait3A_308 = arith.constant 0 : i32
        %dma_wait3A_309 = tpu.memref_slice %arg9[%dma_wait3A_307, %dma_wait3A_308] : memref<10240x128xf32, #tpu.memory_space<vmem_shared>> -> memref<10240x128xf32, #tpu.memory_space<vmem_shared>>
        tpu.wait_indirect_dma semaphore(%run_scoped3A_297 : memref<!tpu.dma_semaphore, #tpu.memory_space<semaphore_mem>>) src(%arg12 : memref<128x128xf32, #tpu.memory_space<vmem>>) dst(%dma_wait3A_309 : memref<10240x128xf32, #tpu.memory_space<vmem_shared>>)
        tpu.yield
      }) : () -> ()
      %add3A_275 = arith.constant 6 : i32
      %add3A_276 = arith.addi %add3A_208, %add3A_275 : i32
      %mul3A_277 = arith.constant 128 : i32
      %mul3A_278 = arith.muli %add3A_276, %mul3A_277 : i32
      "tpu.region"() ({
        %run_scoped3A_297 = tpu.sem_alloc : memref<!tpu.dma_semaphore, #tpu.memory_space<semaphore_mem>>
        %dma_start3A_298 = arith.constant 0 : i32
        %dma_start3A_299 = tpu.memref_slice %arg3[%mul3A_278, %dma_start3A_298] : memref<327680x16xf32, #tpu.memory_space<hbm>> -> memref<128x16xf32, #tpu.memory_space<hbm>>
        %dma_start3A_300 = arith.constant 0 : i32
        %dma_start3A_301 = tpu.memref_slice %arg3[%mul3A_278, %dma_start3A_300] : memref<327680x16xf32, #tpu.memory_space<hbm>> -> memref<128x16xf32, #tpu.memory_space<hbm>>
        tpu.enqueue_dma source(%dma_start3A_301 : memref<128x16xf32, #tpu.memory_space<hbm>>) target(%arg13 : memref<128x16xf32, #tpu.memory_space<vmem>>) target_semaphore(%run_scoped3A_297 : memref<!tpu.dma_semaphore, #tpu.memory_space<semaphore_mem>>)
        %dma_wait3A_302 = arith.constant 0 : i32
        %dma_wait3A_303 = tpu.memref_slice %arg3[%mul3A_278, %dma_wait3A_302] : memref<327680x16xf32, #tpu.memory_space<hbm>> -> memref<128x16xf32, #tpu.memory_space<hbm>>
        %dma_wait3A_304 = arith.constant 0 : i32
        %dma_wait3A_305 = tpu.memref_slice %arg3[%mul3A_278, %dma_wait3A_304] : memref<327680x16xf32, #tpu.memory_space<hbm>> -> memref<128x16xf32, #tpu.memory_space<hbm>>
        tpu.wait_dma2 semaphore(%run_scoped3A_297 : memref<!tpu.dma_semaphore, #tpu.memory_space<semaphore_mem>>) src(%dma_wait3A_305 : memref<128x16xf32, #tpu.memory_space<hbm>>) dst(%arg13 : memref<128x16xf32, #tpu.memory_space<vmem>>)
        tpu.yield
      }) : () -> ()
      %scan3A_279 = arith.constant 0 : i32
      %scan3A_280 = arith.constant 0 : i32
      %scan3A_281 = arith.constant 128 : i32
      %scan3A_282 = arith.addi %scan3A_280, %scan3A_281 : i32
      %scan3A_283 = arith.constant 1 : i32
      scf.for %scan3A_297 = %scan3A_280 to %scan3A_282 step %scan3A_283  : i32 {
        %get3A = arith.index_cast %scan3A_297 : i32 to index
        %get3A_298 = arith.constant 0 : index
        %get3A_299 = tpu.vector_load %arg13[%get3A, %get3A_298] {strides = array<i32>} : memref<128x16xf32, #tpu.memory_space<vmem>>, vector<1x16xf32>,
        %get3A_300 = vector.shape_cast %get3A_299 : vector<1x16xf32> to vector<16xf32>
        %swap3A = arith.index_cast %scan3A_297 : i32 to index
        %swap3A_301 = arith.constant 0 : index
        %swap3A_302 = tpu.vector_load %arg12[%swap3A, %swap3A_301] {strides = array<i32>} : memref<128x128xf32, #tpu.memory_space<vmem>>, vector<1x16xf32>,
        %swap3A_303 = vector.shape_cast %swap3A_302 : vector<1x16xf32> to vector<16xf32>
        %swap3A_304 = vector.shape_cast %get3A_300 : vector<16xf32> to vector<1x16xf32>
        tpu.vector_store %arg12[%swap3A, %swap3A_301], %swap3A_304 {strides = array<i32>} : memref<128x128xf32, #tpu.memory_space<vmem>>, vector<1x16xf32>,
      }
      %scan3A_284 = arith.constant 128 : i32
      %run_scoped3A_285 = arith.constant 6 : i32
      "tpu.region"() ({
        %run_scoped3A_297 = tpu.sem_alloc : memref<!tpu.dma_semaphore, #tpu.memory_space<semaphore_mem>>
        %dma_start3A_298 = arith.constant 0 : i32
        %dma_start3A_299 = tpu.memref_slice %arg11[%run_scoped3A_285, %dma_start3A_298] : memref<8x128xi32, #tpu.memory_space<vmem>> -> memref<1x128xi32, #tpu.memory_space<vmem>>
        %dma_start3A_300 = tpu.memref_squeeze %dma_start3A_299 : memref<1x128xi32, #tpu.memory_space<vmem>> -> memref<128xi32, #tpu.memory_space<vmem>>
        %dma_start3A_301 = arith.constant 0 : i32
        %dma_start3A_302 = arith.constant 0 : i32
        %dma_start3A_303 = tpu.memref_slice %arg9[%dma_start3A_301, %dma_start3A_302] : memref<10240x128xf32, #tpu.memory_space<vmem_shared>> -> memref<10240x128xf32, #tpu.memory_space<vmem_shared>>
        tpu.enqueue_indirect_dma source(%arg12 : memref<128x128xf32, #tpu.memory_space<vmem>>) target(%dma_start3A_303 : memref<10240x128xf32, #tpu.memory_space<vmem_shared>>) offsets(%dma_start3A_300 : memref<128xi32, #tpu.memory_space<vmem>>) semaphore(%run_scoped3A_297 : memref<!tpu.dma_semaphore, #tpu.memory_space<semaphore_mem>>) {add = true}
        %dma_wait3A_304 = arith.constant 0 : i32
        %dma_wait3A_305 = tpu.memref_slice %arg11[%run_scoped3A_285, %dma_wait3A_304] : memref<8x128xi32, #tpu.memory_space<vmem>> -> memref<1x128xi32, #tpu.memory_space<vmem>>
        %dma_wait3A_306 = tpu.memref_squeeze %dma_wait3A_305 : memref<1x128xi32, #tpu.memory_space<vmem>> -> memref<128xi32, #tpu.memory_space<vmem>>
        %dma_wait3A_307 = arith.constant 0 : i32
        %dma_wait3A_308 = arith.constant 0 : i32
        %dma_wait3A_309 = tpu.memref_slice %arg9[%dma_wait3A_307, %dma_wait3A_308] : memref<10240x128xf32, #tpu.memory_space<vmem_shared>> -> memref<10240x128xf32, #tpu.memory_space<vmem_shared>>
        tpu.wait_indirect_dma semaphore(%run_scoped3A_297 : memref<!tpu.dma_semaphore, #tpu.memory_space<semaphore_mem>>) src(%arg12 : memref<128x128xf32, #tpu.memory_space<vmem>>) dst(%dma_wait3A_309 : memref<10240x128xf32, #tpu.memory_space<vmem_shared>>)
        tpu.yield
      }) : () -> ()
      %add3A_286 = arith.constant 7 : i32
      %add3A_287 = arith.addi %add3A_208, %add3A_286 : i32
      %mul3A_288 = arith.constant 128 : i32
      %mul3A_289 = arith.muli %add3A_287, %mul3A_288 : i32
      "tpu.region"() ({
        %run_scoped3A_297 = tpu.sem_alloc : memref<!tpu.dma_semaphore, #tpu.memory_space<semaphore_mem>>
        %dma_start3A_298 = arith.constant 0 : i32
        %dma_start3A_299 = tpu.memref_slice %arg3[%mul3A_289, %dma_start3A_298] : memref<327680x16xf32, #tpu.memory_space<hbm>> -> memref<128x16xf32, #tpu.memory_space<hbm>>
        %dma_start3A_300 = arith.constant 0 : i32
        %dma_start3A_301 = tpu.memref_slice %arg3[%mul3A_289, %dma_start3A_300] : memref<327680x16xf32, #tpu.memory_space<hbm>> -> memref<128x16xf32, #tpu.memory_space<hbm>>
        tpu.enqueue_dma source(%dma_start3A_301 : memref<128x16xf32, #tpu.memory_space<hbm>>) target(%arg13 : memref<128x16xf32, #tpu.memory_space<vmem>>) target_semaphore(%run_scoped3A_297 : memref<!tpu.dma_semaphore, #tpu.memory_space<semaphore_mem>>)
        %dma_wait3A_302 = arith.constant 0 : i32
        %dma_wait3A_303 = tpu.memref_slice %arg3[%mul3A_289, %dma_wait3A_302] : memref<327680x16xf32, #tpu.memory_space<hbm>> -> memref<128x16xf32, #tpu.memory_space<hbm>>
        %dma_wait3A_304 = arith.constant 0 : i32
        %dma_wait3A_305 = tpu.memref_slice %arg3[%mul3A_289, %dma_wait3A_304] : memref<327680x16xf32, #tpu.memory_space<hbm>> -> memref<128x16xf32, #tpu.memory_space<hbm>>
        tpu.wait_dma2 semaphore(%run_scoped3A_297 : memref<!tpu.dma_semaphore, #tpu.memory_space<semaphore_mem>>) src(%dma_wait3A_305 : memref<128x16xf32, #tpu.memory_space<hbm>>) dst(%arg13 : memref<128x16xf32, #tpu.memory_space<vmem>>)
        tpu.yield
      }) : () -> ()
      %scan3A_290 = arith.constant 0 : i32
      %scan3A_291 = arith.constant 0 : i32
      %scan3A_292 = arith.constant 128 : i32
      %scan3A_293 = arith.addi %scan3A_291, %scan3A_292 : i32
      %scan3A_294 = arith.constant 1 : i32
      scf.for %scan3A_297 = %scan3A_291 to %scan3A_293 step %scan3A_294  : i32 {
        %get3A = arith.index_cast %scan3A_297 : i32 to index
        %get3A_298 = arith.constant 0 : index
        %get3A_299 = tpu.vector_load %arg13[%get3A, %get3A_298] {strides = array<i32>} : memref<128x16xf32, #tpu.memory_space<vmem>>, vector<1x16xf32>,
        %get3A_300 = vector.shape_cast %get3A_299 : vector<1x16xf32> to vector<16xf32>
        %swap3A = arith.index_cast %scan3A_297 : i32 to index
        %swap3A_301 = arith.constant 0 : index
        %swap3A_302 = tpu.vector_load %arg12[%swap3A, %swap3A_301] {strides = array<i32>} : memref<128x128xf32, #tpu.memory_space<vmem>>, vector<1x16xf32>,
        %swap3A_303 = vector.shape_cast %swap3A_302 : vector<1x16xf32> to vector<16xf32>
        %swap3A_304 = vector.shape_cast %get3A_300 : vector<16xf32> to vector<1x16xf32>
        tpu.vector_store %arg12[%swap3A, %swap3A_301], %swap3A_304 {strides = array<i32>} : memref<128x128xf32, #tpu.memory_space<vmem>>, vector<1x16xf32>,
      }
      %scan3A_295 = arith.constant 128 : i32
      %run_scoped3A_296 = arith.constant 7 : i32
      "tpu.region"() ({
        %run_scoped3A_297 = tpu.sem_alloc : memref<!tpu.dma_semaphore, #tpu.memory_space<semaphore_mem>>
        %dma_start3A_298 = arith.constant 0 : i32
        %dma_start3A_299 = tpu.memref_slice %arg11[%run_scoped3A_296, %dma_start3A_298] : memref<8x128xi32, #tpu.memory_space<vmem>> -> memref<1x128xi32, #tpu.memory_space<vmem>>
        %dma_start3A_300 = tpu.memref_squeeze %dma_start3A_299 : memref<1x128xi32, #tpu.memory_space<vmem>> -> memref<128xi32, #tpu.memory_space<vmem>>
        %dma_start3A_301 = arith.constant 0 : i32
        %dma_start3A_302 = arith.constant 0 : i32
        %dma_start3A_303 = tpu.memref_slice %arg9[%dma_start3A_301, %dma_start3A_302] : memref<10240x128xf32, #tpu.memory_space<vmem_shared>> -> memref<10240x128xf32, #tpu.memory_space<vmem_shared>>
        tpu.enqueue_indirect_dma source(%arg12 : memref<128x128xf32, #tpu.memory_space<vmem>>) target(%dma_start3A_303 : memref<10240x128xf32, #tpu.memory_space<vmem_shared>>) offsets(%dma_start3A_300 : memref<128xi32, #tpu.memory_space<vmem>>) semaphore(%run_scoped3A_297 : memref<!tpu.dma_semaphore, #tpu.memory_space<semaphore_mem>>) {add = true}
        %dma_wait3A_304 = arith.constant 0 : i32
        %dma_wait3A_305 = tpu.memref_slice %arg11[%run_scoped3A_296, %dma_wait3A_304] : memref<8x128xi32, #tpu.memory_space<vmem>> -> memref<1x128xi32, #tpu.memory_space<vmem>>
        %dma_wait3A_306 = tpu.memref_squeeze %dma_wait3A_305 : memref<1x128xi32, #tpu.memory_space<vmem>> -> memref<128xi32, #tpu.memory_space<vmem>>
        %dma_wait3A_307 = arith.constant 0 : i32
        %dma_wait3A_308 = arith.constant 0 : i32
        %dma_wait3A_309 = tpu.memref_slice %arg9[%dma_wait3A_307, %dma_wait3A_308] : memref<10240x128xf32, #tpu.memory_space<vmem_shared>> -> memref<10240x128xf32, #tpu.memory_space<vmem_shared>>
        tpu.wait_indirect_dma semaphore(%run_scoped3A_297 : memref<!tpu.dma_semaphore, #tpu.memory_space<semaphore_mem>>) src(%arg12 : memref<128x128xf32, #tpu.memory_space<vmem>>) dst(%dma_wait3A_309 : memref<10240x128xf32, #tpu.memory_space<vmem_shared>>)
        tpu.yield
      }) : () -> ()
    }
    %scan3A_113 = arith.constant 10 : i32
    %barrier3A_114 = arith.constant 0 : index
    tpu.barrier barrier_id(%barrier3A_114)
    %mul3A_115 = arith.constant 640 : i32
    %mul3A_116 = arith.muli %arg1, %mul3A_115 : i32
    %add3A_117 = arith.constant 0 : i32
    %add3A_118 = arith.addi %mul3A_116, %add3A_117 : i32
    %dma_start3A_119 = arith.constant 0 : i32
    %dma_start3A_120 = arith.constant 0 : i32
    %dma_start3A_121 = tpu.memref_slice %arg10[%dma_start3A_119, %dma_start3A_120] : memref<8x128xi32, #tpu.memory_space<vmem>> -> memref<1x128xi32, #tpu.memory_space<vmem>>
    %dma_start3A_122 = tpu.memref_squeeze %dma_start3A_121 : memref<1x128xi32, #tpu.memory_space<vmem>> -> memref<128xi32, #tpu.memory_space<vmem>>
    %dma_start3A_123 = arith.constant 0 : i32
    %dma_start3A_124 = arith.constant 0 : i32
    %dma_start3A_125 = tpu.memref_slice %arg9[%dma_start3A_123, %dma_start3A_124] : memref<10240x128xf32, #tpu.memory_space<vmem_shared>> -> memref<10240x128xf32, #tpu.memory_space<vmem_shared>>
    tpu.enqueue_indirect_dma source(%dma_start3A_125 : memref<10240x128xf32, #tpu.memory_space<vmem_shared>>) target(%arg12 : memref<128x128xf32, #tpu.memory_space<vmem>>) offsets(%dma_start3A_122 : memref<128xi32, #tpu.memory_space<vmem>>) semaphore(%arg14 : memref<!tpu.dma_semaphore, #tpu.memory_space<semaphore_mem>>)
    %dma_wait3A_126 = arith.constant 0 : i32
    %dma_wait3A_127 = arith.constant 0 : i32
    %dma_wait3A_128 = tpu.memref_slice %arg10[%dma_wait3A_126, %dma_wait3A_127] : memref<8x128xi32, #tpu.memory_space<vmem>> -> memref<1x128xi32, #tpu.memory_space<vmem>>
    %dma_wait3A_129 = tpu.memref_squeeze %dma_wait3A_128 : memref<1x128xi32, #tpu.memory_space<vmem>> -> memref<128xi32, #tpu.memory_space<vmem>>
    %dma_wait3A_130 = arith.constant 0 : i32
    %dma_wait3A_131 = arith.constant 0 : i32
    %dma_wait3A_132 = tpu.memref_slice %arg9[%dma_wait3A_130, %dma_wait3A_131] : memref<10240x128xf32, #tpu.memory_space<vmem_shared>> -> memref<10240x128xf32, #tpu.memory_space<vmem_shared>>
    tpu.wait_indirect_dma semaphore(%arg14 : memref<!tpu.dma_semaphore, #tpu.memory_space<semaphore_mem>>) src(%dma_wait3A_132 : memref<10240x128xf32, #tpu.memory_space<vmem_shared>>) dst(%arg12 : memref<128x128xf32, #tpu.memory_space<vmem>>)
    "tpu.region"() ({
      %run_scoped3A_205 = tpu.sem_alloc : memref<!tpu.dma_semaphore, #tpu.memory_space<semaphore_mem>>
      %dma_start3A_206 = arith.constant 0 : i32
      %dma_start3A_207 = arith.constant 0 : i32
      %dma_start3A_208 = tpu.memref_slice %arg8[%arg0, %dma_start3A_206, %dma_start3A_207] : memref<2x10240x128xf32, #tpu.memory_space<hbm>> -> memref<1x10240x128xf32, #tpu.memory_space<hbm>>
      %dma_start3A_209 = tpu.memref_squeeze %dma_start3A_208 : memref<1x10240x128xf32, #tpu.memory_space<hbm>> -> memref<10240x128xf32, #tpu.memory_space<hbm>>
      %dma_start3A_210 = arith.constant 0 : i32
      %dma_start3A_211 = tpu.memref_slice %dma_start3A_209[%add3A_118, %dma_start3A_210] : memref<10240x128xf32, #tpu.memory_space<hbm>> -> memref<128x128xf32, #tpu.memory_space<hbm>>
      %dma_start3A_212 = arith.constant 0 : i32
      %dma_start3A_213 = arith.constant 0 : i32
      %dma_start3A_214 = tpu.memref_slice %arg8[%arg0, %dma_start3A_212, %dma_start3A_213] : memref<2x10240x128xf32, #tpu.memory_space<hbm>> -> memref<1x10240x128xf32, #tpu.memory_space<hbm>>
      %dma_start3A_215 = tpu.memref_squeeze %dma_start3A_214 : memref<1x10240x128xf32, #tpu.memory_space<hbm>> -> memref<10240x128xf32, #tpu.memory_space<hbm>>
      %dma_start3A_216 = arith.constant 0 : i32
      %dma_start3A_217 = tpu.memref_slice %dma_start3A_215[%add3A_118, %dma_start3A_216] : memref<10240x128xf32, #tpu.memory_space<hbm>> -> memref<128x128xf32, #tpu.memory_space<hbm>>
      tpu.enqueue_dma source(%arg12 : memref<128x128xf32, #tpu.memory_space<vmem>>) target(%dma_start3A_217 : memref<128x128xf32, #tpu.memory_space<hbm>>) target_semaphore(%run_scoped3A_205 : memref<!tpu.dma_semaphore, #tpu.memory_space<semaphore_mem>>)
      %dma_wait3A_218 = arith.constant 0 : i32
      %dma_wait3A_219 = arith.constant 0 : i32
      %dma_wait3A_220 = tpu.memref_slice %arg8[%arg0, %dma_wait3A_218, %dma_wait3A_219] : memref<2x10240x128xf32, #tpu.memory_space<hbm>> -> memref<1x10240x128xf32, #tpu.memory_space<hbm>>
      %dma_wait3A_221 = tpu.memref_squeeze %dma_wait3A_220 : memref<1x10240x128xf32, #tpu.memory_space<hbm>> -> memref<10240x128xf32, #tpu.memory_space<hbm>>
      %dma_wait3A_222 = arith.constant 0 : i32
      %dma_wait3A_223 = tpu.memref_slice %dma_wait3A_221[%add3A_118, %dma_wait3A_222] : memref<10240x128xf32, #tpu.memory_space<hbm>> -> memref<128x128xf32, #tpu.memory_space<hbm>>
      %dma_wait3A_224 = arith.constant 0 : i32
      %dma_wait3A_225 = arith.constant 0 : i32
      %dma_wait3A_226 = tpu.memref_slice %arg8[%arg0, %dma_wait3A_224, %dma_wait3A_225] : memref<2x10240x128xf32, #tpu.memory_space<hbm>> -> memref<1x10240x128xf32, #tpu.memory_space<hbm>>
      %dma_wait3A_227 = tpu.memref_squeeze %dma_wait3A_226 : memref<1x10240x128xf32, #tpu.memory_space<hbm>> -> memref<10240x128xf32, #tpu.memory_space<hbm>>
      %dma_wait3A_228 = arith.constant 0 : i32
      %dma_wait3A_229 = tpu.memref_slice %dma_wait3A_227[%add3A_118, %dma_wait3A_228] : memref<10240x128xf32, #tpu.memory_space<hbm>> -> memref<128x128xf32, #tpu.memory_space<hbm>>
      tpu.wait_dma2 semaphore(%run_scoped3A_205 : memref<!tpu.dma_semaphore, #tpu.memory_space<semaphore_mem>>) src(%arg12 : memref<128x128xf32, #tpu.memory_space<vmem>>) dst(%dma_wait3A_229 : memref<128x128xf32, #tpu.memory_space<hbm>>)
      tpu.yield
    }) : () -> ()
    %mul3A_133 = arith.constant 640 : i32
    %mul3A_134 = arith.muli %arg1, %mul3A_133 : i32
    %add3A_135 = arith.constant 128 : i32
    %add3A_136 = arith.addi %mul3A_134, %add3A_135 : i32
    %dma_start3A_137 = arith.constant 1 : i32
    %dma_start3A_138 = arith.constant 0 : i32
    %dma_start3A_139 = tpu.memref_slice %arg10[%dma_start3A_137, %dma_start3A_138] : memref<8x128xi32, #tpu.memory_space<vmem>> -> memref<1x128xi32, #tpu.memory_space<vmem>>
    %dma_start3A_140 = tpu.memref_squeeze %dma_start3A_139 : memref<1x128xi32, #tpu.memory_space<vmem>> -> memref<128xi32, #tpu.memory_space<vmem>>
    %dma_start3A_141 = arith.constant 0 : i32
    %dma_start3A_142 = arith.constant 0 : i32
    %dma_start3A_143 = tpu.memref_slice %arg9[%dma_start3A_141, %dma_start3A_142] : memref<10240x128xf32, #tpu.memory_space<vmem_shared>> -> memref<10240x128xf32, #tpu.memory_space<vmem_shared>>
    tpu.enqueue_indirect_dma source(%dma_start3A_143 : memref<10240x128xf32, #tpu.memory_space<vmem_shared>>) target(%arg12 : memref<128x128xf32, #tpu.memory_space<vmem>>) offsets(%dma_start3A_140 : memref<128xi32, #tpu.memory_space<vmem>>) semaphore(%arg14 : memref<!tpu.dma_semaphore, #tpu.memory_space<semaphore_mem>>)
    %dma_wait3A_144 = arith.constant 1 : i32
    %dma_wait3A_145 = arith.constant 0 : i32
    %dma_wait3A_146 = tpu.memref_slice %arg10[%dma_wait3A_144, %dma_wait3A_145] : memref<8x128xi32, #tpu.memory_space<vmem>> -> memref<1x128xi32, #tpu.memory_space<vmem>>
    %dma_wait3A_147 = tpu.memref_squeeze %dma_wait3A_146 : memref<1x128xi32, #tpu.memory_space<vmem>> -> memref<128xi32, #tpu.memory_space<vmem>>
    %dma_wait3A_148 = arith.constant 0 : i32
    %dma_wait3A_149 = arith.constant 0 : i32
    %dma_wait3A_150 = tpu.memref_slice %arg9[%dma_wait3A_148, %dma_wait3A_149] : memref<10240x128xf32, #tpu.memory_space<vmem_shared>> -> memref<10240x128xf32, #tpu.memory_space<vmem_shared>>
    tpu.wait_indirect_dma semaphore(%arg14 : memref<!tpu.dma_semaphore, #tpu.memory_space<semaphore_mem>>) src(%dma_wait3A_150 : memref<10240x128xf32, #tpu.memory_space<vmem_shared>>) dst(%arg12 : memref<128x128xf32, #tpu.memory_space<vmem>>)
    "tpu.region"() ({
      %run_scoped3A_205 = tpu.sem_alloc : memref<!tpu.dma_semaphore, #tpu.memory_space<semaphore_mem>>
      %dma_start3A_206 = arith.constant 0 : i32
      %dma_start3A_207 = arith.constant 0 : i32
      %dma_start3A_208 = tpu.memref_slice %arg8[%arg0, %dma_start3A_206, %dma_start3A_207] : memref<2x10240x128xf32, #tpu.memory_space<hbm>> -> memref<1x10240x128xf32, #tpu.memory_space<hbm>>
      %dma_start3A_209 = tpu.memref_squeeze %dma_start3A_208 : memref<1x10240x128xf32, #tpu.memory_space<hbm>> -> memref<10240x128xf32, #tpu.memory_space<hbm>>
      %dma_start3A_210 = arith.constant 0 : i32
      %dma_start3A_211 = tpu.memref_slice %dma_start3A_209[%add3A_136, %dma_start3A_210] : memref<10240x128xf32, #tpu.memory_space<hbm>> -> memref<128x128xf32, #tpu.memory_space<hbm>>
      %dma_start3A_212 = arith.constant 0 : i32
      %dma_start3A_213 = arith.constant 0 : i32
      %dma_start3A_214 = tpu.memref_slice %arg8[%arg0, %dma_start3A_212, %dma_start3A_213] : memref<2x10240x128xf32, #tpu.memory_space<hbm>> -> memref<1x10240x128xf32, #tpu.memory_space<hbm>>
      %dma_start3A_215 = tpu.memref_squeeze %dma_start3A_214 : memref<1x10240x128xf32, #tpu.memory_space<hbm>> -> memref<10240x128xf32, #tpu.memory_space<hbm>>
      %dma_start3A_216 = arith.constant 0 : i32
      %dma_start3A_217 = tpu.memref_slice %dma_start3A_215[%add3A_136, %dma_start3A_216] : memref<10240x128xf32, #tpu.memory_space<hbm>> -> memref<128x128xf32, #tpu.memory_space<hbm>>
      tpu.enqueue_dma source(%arg12 : memref<128x128xf32, #tpu.memory_space<vmem>>) target(%dma_start3A_217 : memref<128x128xf32, #tpu.memory_space<hbm>>) target_semaphore(%run_scoped3A_205 : memref<!tpu.dma_semaphore, #tpu.memory_space<semaphore_mem>>)
      %dma_wait3A_218 = arith.constant 0 : i32
      %dma_wait3A_219 = arith.constant 0 : i32
      %dma_wait3A_220 = tpu.memref_slice %arg8[%arg0, %dma_wait3A_218, %dma_wait3A_219] : memref<2x10240x128xf32, #tpu.memory_space<hbm>> -> memref<1x10240x128xf32, #tpu.memory_space<hbm>>
      %dma_wait3A_221 = tpu.memref_squeeze %dma_wait3A_220 : memref<1x10240x128xf32, #tpu.memory_space<hbm>> -> memref<10240x128xf32, #tpu.memory_space<hbm>>
      %dma_wait3A_222 = arith.constant 0 : i32
      %dma_wait3A_223 = tpu.memref_slice %dma_wait3A_221[%add3A_136, %dma_wait3A_222] : memref<10240x128xf32, #tpu.memory_space<hbm>> -> memref<128x128xf32, #tpu.memory_space<hbm>>
      %dma_wait3A_224 = arith.constant 0 : i32
      %dma_wait3A_225 = arith.constant 0 : i32
      %dma_wait3A_226 = tpu.memref_slice %arg8[%arg0, %dma_wait3A_224, %dma_wait3A_225] : memref<2x10240x128xf32, #tpu.memory_space<hbm>> -> memref<1x10240x128xf32, #tpu.memory_space<hbm>>
      %dma_wait3A_227 = tpu.memref_squeeze %dma_wait3A_226 : memref<1x10240x128xf32, #tpu.memory_space<hbm>> -> memref<10240x128xf32, #tpu.memory_space<hbm>>
      %dma_wait3A_228 = arith.constant 0 : i32
      %dma_wait3A_229 = tpu.memref_slice %dma_wait3A_227[%add3A_136, %dma_wait3A_228] : memref<10240x128xf32, #tpu.memory_space<hbm>> -> memref<128x128xf32, #tpu.memory_space<hbm>>
      tpu.wait_dma2 semaphore(%run_scoped3A_205 : memref<!tpu.dma_semaphore, #tpu.memory_space<semaphore_mem>>) src(%arg12 : memref<128x128xf32, #tpu.memory_space<vmem>>) dst(%dma_wait3A_229 : memref<128x128xf32, #tpu.memory_space<hbm>>)
      tpu.yield
    }) : () -> ()
    %mul3A_151 = arith.constant 640 : i32
    %mul3A_152 = arith.muli %arg1, %mul3A_151 : i32
    %add3A_153 = arith.constant 256 : i32
    %add3A_154 = arith.addi %mul3A_152, %add3A_153 : i32
    %dma_start3A_155 = arith.constant 2 : i32
    %dma_start3A_156 = arith.constant 0 : i32
    %dma_start3A_157 = tpu.memref_slice %arg10[%dma_start3A_155, %dma_start3A_156] : memref<8x128xi32, #tpu.memory_space<vmem>> -> memref<1x128xi32, #tpu.memory_space<vmem>>
    %dma_start3A_158 = tpu.memref_squeeze %dma_start3A_157 : memref<1x128xi32, #tpu.memory_space<vmem>> -> memref<128xi32, #tpu.memory_space<vmem>>
    %dma_start3A_159 = arith.constant 0 : i32
    %dma_start3A_160 = arith.constant 0 : i32
    %dma_start3A_161 = tpu.memref_slice %arg9[%dma_start3A_159, %dma_start3A_160] : memref<10240x128xf32, #tpu.memory_space<vmem_shared>> -> memref<10240x128xf32, #tpu.memory_space<vmem_shared>>
    tpu.enqueue_indirect_dma source(%dma_start3A_161 : memref<10240x128xf32, #tpu.memory_space<vmem_shared>>) target(%arg12 : memref<128x128xf32, #tpu.memory_space<vmem>>) offsets(%dma_start3A_158 : memref<128xi32, #tpu.memory_space<vmem>>) semaphore(%arg14 : memref<!tpu.dma_semaphore, #tpu.memory_space<semaphore_mem>>)
    %dma_wait3A_162 = arith.constant 2 : i32
    %dma_wait3A_163 = arith.constant 0 : i32
    %dma_wait3A_164 = tpu.memref_slice %arg10[%dma_wait3A_162, %dma_wait3A_163] : memref<8x128xi32, #tpu.memory_space<vmem>> -> memref<1x128xi32, #tpu.memory_space<vmem>>
    %dma_wait3A_165 = tpu.memref_squeeze %dma_wait3A_164 : memref<1x128xi32, #tpu.memory_space<vmem>> -> memref<128xi32, #tpu.memory_space<vmem>>
    %dma_wait3A_166 = arith.constant 0 : i32
    %dma_wait3A_167 = arith.constant 0 : i32
    %dma_wait3A_168 = tpu.memref_slice %arg9[%dma_wait3A_166, %dma_wait3A_167] : memref<10240x128xf32, #tpu.memory_space<vmem_shared>> -> memref<10240x128xf32, #tpu.memory_space<vmem_shared>>
    tpu.wait_indirect_dma semaphore(%arg14 : memref<!tpu.dma_semaphore, #tpu.memory_space<semaphore_mem>>) src(%dma_wait3A_168 : memref<10240x128xf32, #tpu.memory_space<vmem_shared>>) dst(%arg12 : memref<128x128xf32, #tpu.memory_space<vmem>>)
    "tpu.region"() ({
      %run_scoped3A_205 = tpu.sem_alloc : memref<!tpu.dma_semaphore, #tpu.memory_space<semaphore_mem>>
      %dma_start3A_206 = arith.constant 0 : i32
      %dma_start3A_207 = arith.constant 0 : i32
      %dma_start3A_208 = tpu.memref_slice %arg8[%arg0, %dma_start3A_206, %dma_start3A_207] : memref<2x10240x128xf32, #tpu.memory_space<hbm>> -> memref<1x10240x128xf32, #tpu.memory_space<hbm>>
      %dma_start3A_209 = tpu.memref_squeeze %dma_start3A_208 : memref<1x10240x128xf32, #tpu.memory_space<hbm>> -> memref<10240x128xf32, #tpu.memory_space<hbm>>
      %dma_start3A_210 = arith.constant 0 : i32
      %dma_start3A_211 = tpu.memref_slice %dma_start3A_209[%add3A_154, %dma_start3A_210] : memref<10240x128xf32, #tpu.memory_space<hbm>> -> memref<128x128xf32, #tpu.memory_space<hbm>>
      %dma_start3A_212 = arith.constant 0 : i32
      %dma_start3A_213 = arith.constant 0 : i32
      %dma_start3A_214 = tpu.memref_slice %arg8[%arg0, %dma_start3A_212, %dma_start3A_213] : memref<2x10240x128xf32, #tpu.memory_space<hbm>> -> memref<1x10240x128xf32, #tpu.memory_space<hbm>>
      %dma_start3A_215 = tpu.memref_squeeze %dma_start3A_214 : memref<1x10240x128xf32, #tpu.memory_space<hbm>> -> memref<10240x128xf32, #tpu.memory_space<hbm>>
      %dma_start3A_216 = arith.constant 0 : i32
      %dma_start3A_217 = tpu.memref_slice %dma_start3A_215[%add3A_154, %dma_start3A_216] : memref<10240x128xf32, #tpu.memory_space<hbm>> -> memref<128x128xf32, #tpu.memory_space<hbm>>
      tpu.enqueue_dma source(%arg12 : memref<128x128xf32, #tpu.memory_space<vmem>>) target(%dma_start3A_217 : memref<128x128xf32, #tpu.memory_space<hbm>>) target_semaphore(%run_scoped3A_205 : memref<!tpu.dma_semaphore, #tpu.memory_space<semaphore_mem>>)
      %dma_wait3A_218 = arith.constant 0 : i32
      %dma_wait3A_219 = arith.constant 0 : i32
      %dma_wait3A_220 = tpu.memref_slice %arg8[%arg0, %dma_wait3A_218, %dma_wait3A_219] : memref<2x10240x128xf32, #tpu.memory_space<hbm>> -> memref<1x10240x128xf32, #tpu.memory_space<hbm>>
      %dma_wait3A_221 = tpu.memref_squeeze %dma_wait3A_220 : memref<1x10240x128xf32, #tpu.memory_space<hbm>> -> memref<10240x128xf32, #tpu.memory_space<hbm>>
      %dma_wait3A_222 = arith.constant 0 : i32
      %dma_wait3A_223 = tpu.memref_slice %dma_wait3A_221[%add3A_154, %dma_wait3A_222] : memref<10240x128xf32, #tpu.memory_space<hbm>> -> memref<128x128xf32, #tpu.memory_space<hbm>>
      %dma_wait3A_224 = arith.constant 0 : i32
      %dma_wait3A_225 = arith.constant 0 : i32
      %dma_wait3A_226 = tpu.memref_slice %arg8[%arg0, %dma_wait3A_224, %dma_wait3A_225] : memref<2x10240x128xf32, #tpu.memory_space<hbm>> -> memref<1x10240x128xf32, #tpu.memory_space<hbm>>
      %dma_wait3A_227 = tpu.memref_squeeze %dma_wait3A_226 : memref<1x10240x128xf32, #tpu.memory_space<hbm>> -> memref<10240x128xf32, #tpu.memory_space<hbm>>
      %dma_wait3A_228 = arith.constant 0 : i32
      %dma_wait3A_229 = tpu.memref_slice %dma_wait3A_227[%add3A_154, %dma_wait3A_228] : memref<10240x128xf32, #tpu.memory_space<hbm>> -> memref<128x128xf32, #tpu.memory_space<hbm>>
      tpu.wait_dma2 semaphore(%run_scoped3A_205 : memref<!tpu.dma_semaphore, #tpu.memory_space<semaphore_mem>>) src(%arg12 : memref<128x128xf32, #tpu.memory_space<vmem>>) dst(%dma_wait3A_229 : memref<128x128xf32, #tpu.memory_space<hbm>>)
      tpu.yield
    }) : () -> ()
    %mul3A_169 = arith.constant 640 : i32
    %mul3A_170 = arith.muli %arg1, %mul3A_169 : i32
    %add3A_171 = arith.constant 384 : i32
    %add3A_172 = arith.addi %mul3A_170, %add3A_171 : i32
    %dma_start3A_173 = arith.constant 3 : i32
    %dma_start3A_174 = arith.constant 0 : i32
    %dma_start3A_175 = tpu.memref_slice %arg10[%dma_start3A_173, %dma_start3A_174] : memref<8x128xi32, #tpu.memory_space<vmem>> -> memref<1x128xi32, #tpu.memory_space<vmem>>
    %dma_start3A_176 = tpu.memref_squeeze %dma_start3A_175 : memref<1x128xi32, #tpu.memory_space<vmem>> -> memref<128xi32, #tpu.memory_space<vmem>>
    %dma_start3A_177 = arith.constant 0 : i32
    %dma_start3A_178 = arith.constant 0 : i32
    %dma_start3A_179 = tpu.memref_slice %arg9[%dma_start3A_177, %dma_start3A_178] : memref<10240x128xf32, #tpu.memory_space<vmem_shared>> -> memref<10240x128xf32, #tpu.memory_space<vmem_shared>>
    tpu.enqueue_indirect_dma source(%dma_start3A_179 : memref<10240x128xf32, #tpu.memory_space<vmem_shared>>) target(%arg12 : memref<128x128xf32, #tpu.memory_space<vmem>>) offsets(%dma_start3A_176 : memref<128xi32, #tpu.memory_space<vmem>>) semaphore(%arg14 : memref<!tpu.dma_semaphore, #tpu.memory_space<semaphore_mem>>)
    %dma_wait3A_180 = arith.constant 3 : i32
    %dma_wait3A_181 = arith.constant 0 : i32
    %dma_wait3A_182 = tpu.memref_slice %arg10[%dma_wait3A_180, %dma_wait3A_181] : memref<8x128xi32, #tpu.memory_space<vmem>> -> memref<1x128xi32, #tpu.memory_space<vmem>>
    %dma_wait3A_183 = tpu.memref_squeeze %dma_wait3A_182 : memref<1x128xi32, #tpu.memory_space<vmem>> -> memref<128xi32, #tpu.memory_space<vmem>>
    %dma_wait3A_184 = arith.constant 0 : i32
    %dma_wait3A_185 = arith.constant 0 : i32
    %dma_wait3A_186 = tpu.memref_slice %arg9[%dma_wait3A_184, %dma_wait3A_185] : memref<10240x128xf32, #tpu.memory_space<vmem_shared>> -> memref<10240x128xf32, #tpu.memory_space<vmem_shared>>
    tpu.wait_indirect_dma semaphore(%arg14 : memref<!tpu.dma_semaphore, #tpu.memory_space<semaphore_mem>>) src(%dma_wait3A_186 : memref<10240x128xf32, #tpu.memory_space<vmem_shared>>) dst(%arg12 : memref<128x128xf32, #tpu.memory_space<vmem>>)
    "tpu.region"() ({
      %run_scoped3A_205 = tpu.sem_alloc : memref<!tpu.dma_semaphore, #tpu.memory_space<semaphore_mem>>
      %dma_start3A_206 = arith.constant 0 : i32
      %dma_start3A_207 = arith.constant 0 : i32
      %dma_start3A_208 = tpu.memref_slice %arg8[%arg0, %dma_start3A_206, %dma_start3A_207] : memref<2x10240x128xf32, #tpu.memory_space<hbm>> -> memref<1x10240x128xf32, #tpu.memory_space<hbm>>
      %dma_start3A_209 = tpu.memref_squeeze %dma_start3A_208 : memref<1x10240x128xf32, #tpu.memory_space<hbm>> -> memref<10240x128xf32, #tpu.memory_space<hbm>>
      %dma_start3A_210 = arith.constant 0 : i32
      %dma_start3A_211 = tpu.memref_slice %dma_start3A_209[%add3A_172, %dma_start3A_210] : memref<10240x128xf32, #tpu.memory_space<hbm>> -> memref<128x128xf32, #tpu.memory_space<hbm>>
      %dma_start3A_212 = arith.constant 0 : i32
      %dma_start3A_213 = arith.constant 0 : i32
      %dma_start3A_214 = tpu.memref_slice %arg8[%arg0, %dma_start3A_212, %dma_start3A_213] : memref<2x10240x128xf32, #tpu.memory_space<hbm>> -> memref<1x10240x128xf32, #tpu.memory_space<hbm>>
      %dma_start3A_215 = tpu.memref_squeeze %dma_start3A_214 : memref<1x10240x128xf32, #tpu.memory_space<hbm>> -> memref<10240x128xf32, #tpu.memory_space<hbm>>
      %dma_start3A_216 = arith.constant 0 : i32
      %dma_start3A_217 = tpu.memref_slice %dma_start3A_215[%add3A_172, %dma_start3A_216] : memref<10240x128xf32, #tpu.memory_space<hbm>> -> memref<128x128xf32, #tpu.memory_space<hbm>>
      tpu.enqueue_dma source(%arg12 : memref<128x128xf32, #tpu.memory_space<vmem>>) target(%dma_start3A_217 : memref<128x128xf32, #tpu.memory_space<hbm>>) target_semaphore(%run_scoped3A_205 : memref<!tpu.dma_semaphore, #tpu.memory_space<semaphore_mem>>)
      %dma_wait3A_218 = arith.constant 0 : i32
      %dma_wait3A_219 = arith.constant 0 : i32
      %dma_wait3A_220 = tpu.memref_slice %arg8[%arg0, %dma_wait3A_218, %dma_wait3A_219] : memref<2x10240x128xf32, #tpu.memory_space<hbm>> -> memref<1x10240x128xf32, #tpu.memory_space<hbm>>
      %dma_wait3A_221 = tpu.memref_squeeze %dma_wait3A_220 : memref<1x10240x128xf32, #tpu.memory_space<hbm>> -> memref<10240x128xf32, #tpu.memory_space<hbm>>
      %dma_wait3A_222 = arith.constant 0 : i32
      %dma_wait3A_223 = tpu.memref_slice %dma_wait3A_221[%add3A_172, %dma_wait3A_222] : memref<10240x128xf32, #tpu.memory_space<hbm>> -> memref<128x128xf32, #tpu.memory_space<hbm>>
      %dma_wait3A_224 = arith.constant 0 : i32
      %dma_wait3A_225 = arith.constant 0 : i32
      %dma_wait3A_226 = tpu.memref_slice %arg8[%arg0, %dma_wait3A_224, %dma_wait3A_225] : memref<2x10240x128xf32, #tpu.memory_space<hbm>> -> memref<1x10240x128xf32, #tpu.memory_space<hbm>>
      %dma_wait3A_227 = tpu.memref_squeeze %dma_wait3A_226 : memref<1x10240x128xf32, #tpu.memory_space<hbm>> -> memref<10240x128xf32, #tpu.memory_space<hbm>>
      %dma_wait3A_228 = arith.constant 0 : i32
      %dma_wait3A_229 = tpu.memref_slice %dma_wait3A_227[%add3A_172, %dma_wait3A_228] : memref<10240x128xf32, #tpu.memory_space<hbm>> -> memref<128x128xf32, #tpu.memory_space<hbm>>
      tpu.wait_dma2 semaphore(%run_scoped3A_205 : memref<!tpu.dma_semaphore, #tpu.memory_space<semaphore_mem>>) src(%arg12 : memref<128x128xf32, #tpu.memory_space<vmem>>) dst(%dma_wait3A_229 : memref<128x128xf32, #tpu.memory_space<hbm>>)
      tpu.yield
    }) : () -> ()
    %mul3A_187 = arith.constant 640 : i32
    %mul3A_188 = arith.muli %arg1, %mul3A_187 : i32
    %add3A_189 = arith.constant 512 : i32
    %add3A_190 = arith.addi %mul3A_188, %add3A_189 : i32
    %dma_start3A_191 = arith.constant 4 : i32
    %dma_start3A_192 = arith.constant 0 : i32
    %dma_start3A_193 = tpu.memref_slice %arg10[%dma_start3A_191, %dma_start3A_192] : memref<8x128xi32, #tpu.memory_space<vmem>> -> memref<1x128xi32, #tpu.memory_space<vmem>>
    %dma_start3A_194 = tpu.memref_squeeze %dma_start3A_193 : memref<1x128xi32, #tpu.memory_space<vmem>> -> memref<128xi32, #tpu.memory_space<vmem>>
    %dma_start3A_195 = arith.constant 0 : i32
    %dma_start3A_196 = arith.constant 0 : i32
    %dma_start3A_197 = tpu.memref_slice %arg9[%dma_start3A_195, %dma_start3A_196] : memref<10240x128xf32, #tpu.memory_space<vmem_shared>> -> memref<10240x128xf32, #tpu.memory_space<vmem_shared>>
    tpu.enqueue_indirect_dma source(%dma_start3A_197 : memref<10240x128xf32, #tpu.memory_space<vmem_shared>>) target(%arg12 : memref<128x128xf32, #tpu.memory_space<vmem>>) offsets(%dma_start3A_194 : memref<128xi32, #tpu.memory_space<vmem>>) semaphore(%arg14 : memref<!tpu.dma_semaphore, #tpu.memory_space<semaphore_mem>>)
    %dma_wait3A_198 = arith.constant 4 : i32
    %dma_wait3A_199 = arith.constant 0 : i32
    %dma_wait3A_200 = tpu.memref_slice %arg10[%dma_wait3A_198, %dma_wait3A_199] : memref<8x128xi32, #tpu.memory_space<vmem>> -> memref<1x128xi32, #tpu.memory_space<vmem>>
    %dma_wait3A_201 = tpu.memref_squeeze %dma_wait3A_200 : memref<1x128xi32, #tpu.memory_space<vmem>> -> memref<128xi32, #tpu.memory_space<vmem>>
    %dma_wait3A_202 = arith.constant 0 : i32
    %dma_wait3A_203 = arith.constant 0 : i32
    %dma_wait3A_204 = tpu.memref_slice %arg9[%dma_wait3A_202, %dma_wait3A_203] : memref<10240x128xf32, #tpu.memory_space<vmem_shared>> -> memref<10240x128xf32, #tpu.memory_space<vmem_shared>>
    tpu.wait_indirect_dma semaphore(%arg14 : memref<!tpu.dma_semaphore, #tpu.memory_space<semaphore_mem>>) src(%dma_wait3A_204 : memref<10240x128xf32, #tpu.memory_space<vmem_shared>>) dst(%arg12 : memref<128x128xf32, #tpu.memory_space<vmem>>)
    "tpu.region"() ({
      %run_scoped3A_205 = tpu.sem_alloc : memref<!tpu.dma_semaphore, #tpu.memory_space<semaphore_mem>>
      %dma_start3A_206 = arith.constant 0 : i32
      %dma_start3A_207 = arith.constant 0 : i32
      %dma_start3A_208 = tpu.memref_slice %arg8[%arg0, %dma_start3A_206, %dma_start3A_207] : memref<2x10240x128xf32, #tpu.memory_space<hbm>> -> memref<1x10240x128xf32, #tpu.memory_space<hbm>>
      %dma_start3A_209 = tpu.memref_squeeze %dma_start3A_208 : memref<1x10240x128xf32, #tpu.memory_space<hbm>> -> memref<10240x128xf32, #tpu.memory_space<hbm>>
      %dma_start3A_210 = arith.constant 0 : i32
      %dma_start3A_211 = tpu.memref_slice %dma_start3A_209[%add3A_190, %dma_start3A_210] : memref<10240x128xf32, #tpu.memory_space<hbm>> -> memref<128x128xf32, #tpu.memory_space<hbm>>
      %dma_start3A_212 = arith.constant 0 : i32
      %dma_start3A_213 = arith.constant 0 : i32
      %dma_start3A_214 = tpu.memref_slice %arg8[%arg0, %dma_start3A_212, %dma_start3A_213] : memref<2x10240x128xf32, #tpu.memory_space<hbm>> -> memref<1x10240x128xf32, #tpu.memory_space<hbm>>
      %dma_start3A_215 = tpu.memref_squeeze %dma_start3A_214 : memref<1x10240x128xf32, #tpu.memory_space<hbm>> -> memref<10240x128xf32, #tpu.memory_space<hbm>>
      %dma_start3A_216 = arith.constant 0 : i32
      %dma_start3A_217 = tpu.memref_slice %dma_start3A_215[%add3A_190, %dma_start3A_216] : memref<10240x128xf32, #tpu.memory_space<hbm>> -> memref<128x128xf32, #tpu.memory_space<hbm>>
      tpu.enqueue_dma source(%arg12 : memref<128x128xf32, #tpu.memory_space<vmem>>) target(%dma_start3A_217 : memref<128x128xf32, #tpu.memory_space<hbm>>) target_semaphore(%run_scoped3A_205 : memref<!tpu.dma_semaphore, #tpu.memory_space<semaphore_mem>>)
      %dma_wait3A_218 = arith.constant 0 : i32
      %dma_wait3A_219 = arith.constant 0 : i32
      %dma_wait3A_220 = tpu.memref_slice %arg8[%arg0, %dma_wait3A_218, %dma_wait3A_219] : memref<2x10240x128xf32, #tpu.memory_space<hbm>> -> memref<1x10240x128xf32, #tpu.memory_space<hbm>>
      %dma_wait3A_221 = tpu.memref_squeeze %dma_wait3A_220 : memref<1x10240x128xf32, #tpu.memory_space<hbm>> -> memref<10240x128xf32, #tpu.memory_space<hbm>>
      %dma_wait3A_222 = arith.constant 0 : i32
      %dma_wait3A_223 = tpu.memref_slice %dma_wait3A_221[%add3A_190, %dma_wait3A_222] : memref<10240x128xf32, #tpu.memory_space<hbm>> -> memref<128x128xf32, #tpu.memory_space<hbm>>
      %dma_wait3A_224 = arith.constant 0 : i32
      %dma_wait3A_225 = arith.constant 0 : i32
      %dma_wait3A_226 = tpu.memref_slice %arg8[%arg0, %dma_wait3A_224, %dma_wait3A_225] : memref<2x10240x128xf32, #tpu.memory_space<hbm>> -> memref<1x10240x128xf32, #tpu.memory_space<hbm>>
      %dma_wait3A_227 = tpu.memref_squeeze %dma_wait3A_226 : memref<1x10240x128xf32, #tpu.memory_space<hbm>> -> memref<10240x128xf32, #tpu.memory_space<hbm>>
      %dma_wait3A_228 = arith.constant 0 : i32
      %dma_wait3A_229 = tpu.memref_slice %dma_wait3A_227[%add3A_190, %dma_wait3A_228] : memref<10240x128xf32, #tpu.memory_space<hbm>> -> memref<128x128xf32, #tpu.memory_space<hbm>>
      tpu.wait_dma2 semaphore(%run_scoped3A_205 : memref<!tpu.dma_semaphore, #tpu.memory_space<semaphore_mem>>) src(%arg12 : memref<128x128xf32, #tpu.memory_space<vmem>>) dst(%dma_wait3A_229 : memref<128x128xf32, #tpu.memory_space<hbm>>)
      tpu.yield
    }) : () -> ()
    return
  }
}

module attributes {stable_mosaic.version = 14 : i64} {
  func.func @_edge_body(%arg0: i32, %arg1: memref<2048x128xf32, #tpu.memory_space<vmem>>, %arg2: memref<2048x128xf32, #tpu.memory_space<vmem>>, %arg3: memref<2048x1xf32, #tpu.memory_space<vmem>>, %arg4: memref<1x16xf32, #tpu.memory_space<vmem>>, %arg5: memref<1x16xf32, #tpu.memory_space<vmem>>, %arg6: memref<16x16xf32, #tpu.memory_space<vmem>>, %arg7: memref<1x16xf32, #tpu.memory_space<vmem>>, %arg8: memref<64x128xbf16, #tpu.memory_space<vmem>>, %arg9: memref<64x128xbf16, #tpu.memory_space<vmem>>, %arg10: memref<64x128xbf16, #tpu.memory_space<vmem>>, %arg11: memref<64x128xbf16, #tpu.memory_space<vmem>>, %arg12: memref<16x128xf32, #tpu.memory_space<vmem>>, %arg13: memref<1x128xf32, #tpu.memory_space<vmem>>, %arg14: memref<128x128xbf16, #tpu.memory_space<vmem>>, %arg15: memref<1x128xf32, #tpu.memory_space<vmem>>, %arg16: memref<64x128xbf16, #tpu.memory_space<vmem>>, %arg17: memref<64x128xbf16, #tpu.memory_space<vmem>>, %arg18: memref<64x128xbf16, #tpu.memory_space<vmem>>, %arg19: memref<64x128xbf16, #tpu.memory_space<vmem>>, %arg20: memref<16x128xf32, #tpu.memory_space<vmem>>, %arg21: memref<1x128xf32, #tpu.memory_space<vmem>>, %arg22: memref<128x1xf32, #tpu.memory_space<vmem>>, %arg23: memref<2048x128xf32, #tpu.memory_space<vmem>>, %arg24: memref<2048x16xf32, #tpu.memory_space<vmem>>) attributes {dimension_semantics = [#tpu.dimension_semantics<arbitrary>], iteration_bounds = array<i64: 160>, scalar_prefetch = 0 : i64, scratch_operands = 0 : i64, tpu.core_type = #tpu.core_type<tc>, window_params = [{transform_indices = @transform_0, window_bounds = array<i64: 2048, 128>}, {transform_indices = @transform_1, window_bounds = array<i64: 2048, 128>}, {transform_indices = @transform_2, window_bounds = array<i64: 2048, 1>}, {pipeline_mode = #tpu.pipeline_mode<synchronous>, transform_indices = @transform_3, window_bounds = array<i64: 1, 16>}, {pipeline_mode = #tpu.pipeline_mode<synchronous>, transform_indices = @transform_4, window_bounds = array<i64: 1, 16>}, {pipeline_mode = #tpu.pipeline_mode<synchronous>, transform_indices = @transform_5, window_bounds = array<i64: 16, 16>}, {pipeline_mode = #tpu.pipeline_mode<synchronous>, transform_indices = @transform_6, window_bounds = array<i64: 1, 16>}, {pipeline_mode = #tpu.pipeline_mode<synchronous>, transform_indices = @transform_7, window_bounds = array<i64: 64, 128>}, {pipeline_mode = #tpu.pipeline_mode<synchronous>, transform_indices = @transform_8, window_bounds = array<i64: 64, 128>}, {pipeline_mode = #tpu.pipeline_mode<synchronous>, transform_indices = @transform_9, window_bounds = array<i64: 64, 128>}, {pipeline_mode = #tpu.pipeline_mode<synchronous>, transform_indices = @transform_10, window_bounds = array<i64: 64, 128>}, {pipeline_mode = #tpu.pipeline_mode<synchronous>, transform_indices = @transform_11, window_bounds = array<i64: 16, 128>}, {pipeline_mode = #tpu.pipeline_mode<synchronous>, transform_indices = @transform_12, window_bounds = array<i64: 1, 128>}, {pipeline_mode = #tpu.pipeline_mode<synchronous>, transform_indices = @transform_13, window_bounds = array<i64: 128, 128>}, {pipeline_mode = #tpu.pipeline_mode<synchronous>, transform_indices = @transform_14, window_bounds = array<i64: 1, 128>}, {pipeline_mode = #tpu.pipeline_mode<synchronous>, transform_indices = @transform_15, window_bounds = array<i64: 64, 128>}, {pipeline_mode = #tpu.pipeline_mode<synchronous>, transform_indices = @transform_16, window_bounds = array<i64: 64, 128>}, {pipeline_mode = #tpu.pipeline_mode<synchronous>, transform_indices = @transform_17, window_bounds = array<i64: 64, 128>}, {pipeline_mode = #tpu.pipeline_mode<synchronous>, transform_indices = @transform_18, window_bounds = array<i64: 64, 128>}, {pipeline_mode = #tpu.pipeline_mode<synchronous>, transform_indices = @transform_19, window_bounds = array<i64: 16, 128>}, {pipeline_mode = #tpu.pipeline_mode<synchronous>, transform_indices = @transform_20, window_bounds = array<i64: 1, 128>}, {pipeline_mode = #tpu.pipeline_mode<synchronous>, transform_indices = @transform_21, window_bounds = array<i64: 128, 1>}, {transform_indices = @transform_22, window_bounds = array<i64: 2048, 128>}, {transform_indices = @transform_23, window_bounds = array<i64: 2048, 16>}]} {
    %get3A = arith.constant 0 : index
    %get3A_0 = arith.constant 0 : index
    %get3A_1 = vector.load %arg1[%get3A, %get3A_0] : memref<2048x128xf32, #tpu.memory_space<vmem>>, vector<2048x128xf32>
    %get3A_2 = arith.constant 0 : index
    %get3A_3 = arith.constant 0 : index
    %get3A_4 = vector.load %arg2[%get3A_2, %get3A_3] : memref<2048x128xf32, #tpu.memory_space<vmem>>, vector<2048x128xf32>
    %slice3A = vector.extract_strided_slice %get3A_1 {offsets = [0, 0], sizes = [2048, 64], strides = [1, 1]} : vector<2048x128xf32> to vector<2048x64xf32>
    %bitcast_convert_type3A = tpu.bitcast %slice3A : vector<2048x64xf32> -> vector<2048x64xi32>
    %shift_left3A = arith.constant 16 : i32
    %shift_left3A_5 = vector.broadcast %shift_left3A : i32 to vector<2048x64xi32>
    %shift_left3A_6 = arith.shli %bitcast_convert_type3A, %shift_left3A_5 : vector<2048x64xi32>
    %bitcast_convert_type3A_7 = tpu.bitcast %shift_left3A_6 : vector<2048x64xi32> -> vector<2048x64xf32>
    %and3A = arith.constant -65536 : i32
    %and3A_8 = vector.broadcast %and3A : i32 to vector<2048x64xi32>
    %and3A_9 = arith.andi %bitcast_convert_type3A, %and3A_8 : vector<2048x64xi32>
    %bitcast_convert_type3A_10 = tpu.bitcast %and3A_9 : vector<2048x64xi32> -> vector<2048x64xf32>
    %convert_element_type3A = arith.truncf %bitcast_convert_type3A_7 : vector<2048x64xf32> to vector<2048x64xbf16>
    %convert_element_type3A_11 = arith.truncf %bitcast_convert_type3A_10 : vector<2048x64xf32> to vector<2048x64xbf16>
    %slice3A_12 = vector.extract_strided_slice %get3A_4 {offsets = [0, 0], sizes = [2048, 64], strides = [1, 1]} : vector<2048x128xf32> to vector<2048x64xf32>
    %bitcast_convert_type3A_13 = tpu.bitcast %slice3A_12 : vector<2048x64xf32> -> vector<2048x64xi32>
    %shift_left3A_14 = arith.constant 16 : i32
    %shift_left3A_15 = vector.broadcast %shift_left3A_14 : i32 to vector<2048x64xi32>
    %shift_left3A_16 = arith.shli %bitcast_convert_type3A_13, %shift_left3A_15 : vector<2048x64xi32>
    %bitcast_convert_type3A_17 = tpu.bitcast %shift_left3A_16 : vector<2048x64xi32> -> vector<2048x64xf32>
    %and3A_18 = arith.constant -65536 : i32
    %and3A_19 = vector.broadcast %and3A_18 : i32 to vector<2048x64xi32>
    %and3A_20 = arith.andi %bitcast_convert_type3A_13, %and3A_19 : vector<2048x64xi32>
    %bitcast_convert_type3A_21 = tpu.bitcast %and3A_20 : vector<2048x64xi32> -> vector<2048x64xf32>
    %convert_element_type3A_22 = arith.truncf %bitcast_convert_type3A_17 : vector<2048x64xf32> to vector<2048x64xbf16>
    %convert_element_type3A_23 = arith.truncf %bitcast_convert_type3A_21 : vector<2048x64xf32> to vector<2048x64xbf16>
    %slice3A_24 = vector.extract_strided_slice %get3A_1 {offsets = [0, 64], sizes = [2048, 16], strides = [1, 1]} : vector<2048x128xf32> to vector<2048x16xf32>
    %slice3A_25 = vector.extract_strided_slice %get3A_4 {offsets = [0, 64], sizes = [2048, 16], strides = [1, 1]} : vector<2048x128xf32> to vector<2048x16xf32>
    %get3A_26 = arith.constant 0 : index
    %get3A_27 = arith.constant 0 : index
    %get3A_28 = vector.load %arg3[%get3A_26, %get3A_27] : memref<2048x1xf32, #tpu.memory_space<vmem>>, vector<2048x1xf32>
    %get3A_29 = arith.constant 0 : index
    %get3A_30 = arith.constant 0 : index
    %get3A_31 = vector.load %arg4[%get3A_29, %get3A_30] : memref<1x16xf32, #tpu.memory_space<vmem>>, vector<1x16xf32>
    %mul3A = vector.broadcast %get3A_28 : vector<2048x1xf32> to vector<2048x16xf32>
    %mul3A_32 = vector.broadcast %get3A_31 : vector<1x16xf32> to vector<2048x16xf32>
    %mul3A_33 = arith.mulf %mul3A, %mul3A_32 : vector<2048x16xf32>
    %get3A_34 = arith.constant 0 : index
    %get3A_35 = arith.constant 0 : index
    %get3A_36 = vector.load %arg5[%get3A_34, %get3A_35] : memref<1x16xf32, #tpu.memory_space<vmem>>, vector<1x16xf32>
    %add3A = vector.broadcast %get3A_36 : vector<1x16xf32> to vector<2048x16xf32>
    %add3A_37 = arith.addf %mul3A_33, %add3A : vector<2048x16xf32>
    %logistic3A = arith.negf %add3A_37 : vector<2048x16xf32>
    %logistic3A_38 = math.exp %logistic3A : vector<2048x16xf32>
    %logistic3A_39 = arith.constant 1.000000e+00 : f32
    %logistic3A_40 = vector.broadcast %logistic3A_39 : f32 to vector<2048x16xf32>
    %logistic3A_41 = arith.addf %logistic3A_40, %logistic3A_38 : vector<2048x16xf32>
    %logistic3A_42 = arith.divf %logistic3A_40, %logistic3A_41 : vector<2048x16xf32>
    %mul3A_43 = arith.mulf %add3A_37, %logistic3A_42 : vector<2048x16xf32>
    %get3A_44 = arith.constant 0 : index
    %get3A_45 = arith.constant 0 : index
    %get3A_46 = vector.load %arg6[%get3A_44, %get3A_45] : memref<16x16xf32, #tpu.memory_space<vmem>>, vector<16x16xf32>
    %dot_general3A = arith.constant dense<0.000000e+00> : vector<2048x16xf32>
    %dot_general3A_47 = tpu.matmul %mul3A_43, %get3A_46, %dot_general3A {dimension_numbers = #tpu.dot_dimension_numbers<[1], [0], [0], [1], [0, 0, 1, 1], [], []>, transpose_lhs_hint = false} : vector<2048x16xf32>, vector<16x16xf32>, vector<2048x16xf32> -> vector<2048x16xf32>
    %get3A_48 = arith.constant 0 : index
    %get3A_49 = arith.constant 0 : index
    %get3A_50 = vector.load %arg7[%get3A_48, %get3A_49] : memref<1x16xf32, #tpu.memory_space<vmem>>, vector<1x16xf32>
    %add3A_51 = vector.broadcast %get3A_50 : vector<1x16xf32> to vector<2048x16xf32>
    %add3A_52 = arith.addf %dot_general3A_47, %add3A_51 : vector<2048x16xf32>
    %get3A_53 = arith.constant 0 : index
    %get3A_54 = arith.constant 0 : index
    %get3A_55 = vector.load %arg8[%get3A_53, %get3A_54] : memref<64x128xbf16, #tpu.memory_space<vmem>>, vector<64x128xbf16>
    %dot_general3A_56 = arith.constant dense<0.000000e+00> : vector<2048x128xf32>
    %dot_general3A_57 = tpu.matmul %convert_element_type3A, %get3A_55, %dot_general3A_56 {dimension_numbers = #tpu.dot_dimension_numbers<[1], [0], [0], [1], [0, 0, 1, 1], [], []>, transpose_lhs_hint = false} : vector<2048x64xbf16>, vector<64x128xbf16>, vector<2048x128xf32> -> vector<2048x128xf32>
    %get3A_58 = arith.constant 0 : index
    %get3A_59 = arith.constant 0 : index
    %get3A_60 = vector.load %arg9[%get3A_58, %get3A_59] : memref<64x128xbf16, #tpu.memory_space<vmem>>, vector<64x128xbf16>
    %dot_general3A_61 = arith.constant dense<0.000000e+00> : vector<2048x128xf32>
    %dot_general3A_62 = tpu.matmul %convert_element_type3A_11, %get3A_60, %dot_general3A_61 {dimension_numbers = #tpu.dot_dimension_numbers<[1], [0], [0], [1], [0, 0, 1, 1], [], []>, transpose_lhs_hint = false} : vector<2048x64xbf16>, vector<64x128xbf16>, vector<2048x128xf32> -> vector<2048x128xf32>
    %add3A_63 = arith.addf %dot_general3A_57, %dot_general3A_62 : vector<2048x128xf32>
    %get3A_64 = arith.constant 0 : index
    %get3A_65 = arith.constant 0 : index
    %get3A_66 = vector.load %arg10[%get3A_64, %get3A_65] : memref<64x128xbf16, #tpu.memory_space<vmem>>, vector<64x128xbf16>
    %dot_general3A_67 = arith.constant dense<0.000000e+00> : vector<2048x128xf32>
    %dot_general3A_68 = tpu.matmul %convert_element_type3A_22, %get3A_66, %dot_general3A_67 {dimension_numbers = #tpu.dot_dimension_numbers<[1], [0], [0], [1], [0, 0, 1, 1], [], []>, transpose_lhs_hint = false} : vector<2048x64xbf16>, vector<64x128xbf16>, vector<2048x128xf32> -> vector<2048x128xf32>
    %add3A_69 = arith.addf %add3A_63, %dot_general3A_68 : vector<2048x128xf32>
    %get3A_70 = arith.constant 0 : index
    %get3A_71 = arith.constant 0 : index
    %get3A_72 = vector.load %arg11[%get3A_70, %get3A_71] : memref<64x128xbf16, #tpu.memory_space<vmem>>, vector<64x128xbf16>
    %dot_general3A_73 = arith.constant dense<0.000000e+00> : vector<2048x128xf32>
    %dot_general3A_74 = tpu.matmul %convert_element_type3A_23, %get3A_72, %dot_general3A_73 {dimension_numbers = #tpu.dot_dimension_numbers<[1], [0], [0], [1], [0, 0, 1, 1], [], []>, transpose_lhs_hint = false} : vector<2048x64xbf16>, vector<64x128xbf16>, vector<2048x128xf32> -> vector<2048x128xf32>
    %add3A_75 = arith.addf %add3A_69, %dot_general3A_74 : vector<2048x128xf32>
    %get3A_76 = arith.constant 0 : index
    %get3A_77 = arith.constant 0 : index
    %get3A_78 = vector.load %arg12[%get3A_76, %get3A_77] : memref<16x128xf32, #tpu.memory_space<vmem>>, vector<16x128xf32>
    %dot_general3A_79 = arith.constant dense<0.000000e+00> : vector<2048x128xf32>
    %dot_general3A_80 = tpu.matmul %add3A_52, %get3A_78, %dot_general3A_79 {dimension_numbers = #tpu.dot_dimension_numbers<[1], [0], [0], [1], [0, 0, 1, 1], [], []>, transpose_lhs_hint = false} : vector<2048x16xf32>, vector<16x128xf32>, vector<2048x128xf32> -> vector<2048x128xf32>
    %add3A_81 = arith.addf %add3A_75, %dot_general3A_80 : vector<2048x128xf32>
    %get3A_82 = arith.constant 0 : index
    %get3A_83 = arith.constant 0 : index
    %get3A_84 = vector.load %arg13[%get3A_82, %get3A_83] : memref<1x128xf32, #tpu.memory_space<vmem>>, vector<1x128xf32>
    %add3A_85 = vector.broadcast %get3A_84 : vector<1x128xf32> to vector<2048x128xf32>
    %add3A_86 = arith.addf %add3A_81, %add3A_85 : vector<2048x128xf32>
    %logistic3A_87 = arith.negf %add3A_86 : vector<2048x128xf32>
    %logistic3A_88 = math.exp %logistic3A_87 : vector<2048x128xf32>
    %logistic3A_89 = arith.constant 1.000000e+00 : f32
    %logistic3A_90 = vector.broadcast %logistic3A_89 : f32 to vector<2048x128xf32>
    %logistic3A_91 = arith.addf %logistic3A_90, %logistic3A_88 : vector<2048x128xf32>
    %logistic3A_92 = arith.divf %logistic3A_90, %logistic3A_91 : vector<2048x128xf32>
    %mul3A_93 = arith.mulf %add3A_86, %logistic3A_92 : vector<2048x128xf32>
    %convert_element_type3A_94 = arith.truncf %mul3A_93 : vector<2048x128xf32> to vector<2048x128xbf16>
    %get3A_95 = arith.constant 0 : index
    %get3A_96 = arith.constant 0 : index
    %get3A_97 = vector.load %arg14[%get3A_95, %get3A_96] : memref<128x128xbf16, #tpu.memory_space<vmem>>, vector<128x128xbf16>
    %dot_general3A_98 = arith.constant dense<0.000000e+00> : vector<2048x128xf32>
    %dot_general3A_99 = tpu.matmul %convert_element_type3A_94, %get3A_97, %dot_general3A_98 {dimension_numbers = #tpu.dot_dimension_numbers<[1], [0], [0], [1], [0, 0, 1, 1], [], []>, transpose_lhs_hint = false} : vector<2048x128xbf16>, vector<128x128xbf16>, vector<2048x128xf32> -> vector<2048x128xf32>
    %get3A_100 = arith.constant 0 : index
    %get3A_101 = arith.constant 0 : index
    %get3A_102 = vector.load %arg15[%get3A_100, %get3A_101] : memref<1x128xf32, #tpu.memory_space<vmem>>, vector<1x128xf32>
    %add3A_103 = vector.broadcast %get3A_102 : vector<1x128xf32> to vector<2048x128xf32>
    %add3A_104 = arith.addf %dot_general3A_99, %add3A_103 : vector<2048x128xf32>
    %swap3A = arith.constant 0 : index
    %swap3A_105 = arith.constant 0 : index
    %swap3A_106 = vector.load %arg23[%swap3A, %swap3A_105] : memref<2048x128xf32, #tpu.memory_space<vmem>>, vector<2048x128xf32>
    tpu.vector_store %arg23[%swap3A, %swap3A_105], %add3A_104 {strides = array<i32>} : memref<2048x128xf32, #tpu.memory_space<vmem>>, vector<2048x128xf32>,
    %get3A_107 = arith.constant 0 : index
    %get3A_108 = arith.constant 0 : index
    %get3A_109 = vector.load %arg16[%get3A_107, %get3A_108] : memref<64x128xbf16, #tpu.memory_space<vmem>>, vector<64x128xbf16>
    %dot_general3A_110 = arith.constant dense<0.000000e+00> : vector<2048x128xf32>
    %dot_general3A_111 = tpu.matmul %convert_element_type3A, %get3A_109, %dot_general3A_110 {dimension_numbers = #tpu.dot_dimension_numbers<[1], [0], [0], [1], [0, 0, 1, 1], [], []>, transpose_lhs_hint = false} : vector<2048x64xbf16>, vector<64x128xbf16>, vector<2048x128xf32> -> vector<2048x128xf32>
    %get3A_112 = arith.constant 0 : index
    %get3A_113 = arith.constant 0 : index
    %get3A_114 = vector.load %arg17[%get3A_112, %get3A_113] : memref<64x128xbf16, #tpu.memory_space<vmem>>, vector<64x128xbf16>
    %dot_general3A_115 = arith.constant dense<0.000000e+00> : vector<2048x128xf32>
    %dot_general3A_116 = tpu.matmul %convert_element_type3A_11, %get3A_114, %dot_general3A_115 {dimension_numbers = #tpu.dot_dimension_numbers<[1], [0], [0], [1], [0, 0, 1, 1], [], []>, transpose_lhs_hint = false} : vector<2048x64xbf16>, vector<64x128xbf16>, vector<2048x128xf32> -> vector<2048x128xf32>
    %add3A_117 = arith.addf %dot_general3A_111, %dot_general3A_116 : vector<2048x128xf32>
    %get3A_118 = arith.constant 0 : index
    %get3A_119 = arith.constant 0 : index
    %get3A_120 = vector.load %arg18[%get3A_118, %get3A_119] : memref<64x128xbf16, #tpu.memory_space<vmem>>, vector<64x128xbf16>
    %dot_general3A_121 = arith.constant dense<0.000000e+00> : vector<2048x128xf32>
    %dot_general3A_122 = tpu.matmul %convert_element_type3A_22, %get3A_120, %dot_general3A_121 {dimension_numbers = #tpu.dot_dimension_numbers<[1], [0], [0], [1], [0, 0, 1, 1], [], []>, transpose_lhs_hint = false} : vector<2048x64xbf16>, vector<64x128xbf16>, vector<2048x128xf32> -> vector<2048x128xf32>
    %add3A_123 = arith.addf %add3A_117, %dot_general3A_122 : vector<2048x128xf32>
    %get3A_124 = arith.constant 0 : index
    %get3A_125 = arith.constant 0 : index
    %get3A_126 = vector.load %arg19[%get3A_124, %get3A_125] : memref<64x128xbf16, #tpu.memory_space<vmem>>, vector<64x128xbf16>
    %dot_general3A_127 = arith.constant dense<0.000000e+00> : vector<2048x128xf32>
    %dot_general3A_128 = tpu.matmul %convert_element_type3A_23, %get3A_126, %dot_general3A_127 {dimension_numbers = #tpu.dot_dimension_numbers<[1], [0], [0], [1], [0, 0, 1, 1], [], []>, transpose_lhs_hint = false} : vector<2048x64xbf16>, vector<64x128xbf16>, vector<2048x128xf32> -> vector<2048x128xf32>
    %add3A_129 = arith.addf %add3A_123, %dot_general3A_128 : vector<2048x128xf32>
    %get3A_130 = arith.constant 0 : index
    %get3A_131 = arith.constant 0 : index
    %get3A_132 = vector.load %arg20[%get3A_130, %get3A_131] : memref<16x128xf32, #tpu.memory_space<vmem>>, vector<16x128xf32>
    %dot_general3A_133 = arith.constant dense<0.000000e+00> : vector<2048x128xf32>
    %dot_general3A_134 = tpu.matmul %add3A_52, %get3A_132, %dot_general3A_133 {dimension_numbers = #tpu.dot_dimension_numbers<[1], [0], [0], [1], [0, 0, 1, 1], [], []>, transpose_lhs_hint = false} : vector<2048x16xf32>, vector<16x128xf32>, vector<2048x128xf32> -> vector<2048x128xf32>
    %add3A_135 = arith.addf %add3A_129, %dot_general3A_134 : vector<2048x128xf32>
    %get3A_136 = arith.constant 0 : index
    %get3A_137 = arith.constant 0 : index
    %get3A_138 = vector.load %arg21[%get3A_136, %get3A_137] : memref<1x128xf32, #tpu.memory_space<vmem>>, vector<1x128xf32>
    %add3A_139 = vector.broadcast %get3A_138 : vector<1x128xf32> to vector<2048x128xf32>
    %add3A_140 = arith.addf %add3A_135, %add3A_139 : vector<2048x128xf32>
    %logistic3A_141 = arith.negf %add3A_140 : vector<2048x128xf32>
    %logistic3A_142 = math.exp %logistic3A_141 : vector<2048x128xf32>
    %logistic3A_143 = arith.constant 1.000000e+00 : f32
    %logistic3A_144 = vector.broadcast %logistic3A_143 : f32 to vector<2048x128xf32>
    %logistic3A_145 = arith.addf %logistic3A_144, %logistic3A_142 : vector<2048x128xf32>
    %logistic3A_146 = arith.divf %logistic3A_144, %logistic3A_145 : vector<2048x128xf32>
    %mul3A_147 = arith.mulf %add3A_140, %logistic3A_146 : vector<2048x128xf32>
    %get3A_148 = arith.constant 0 : index
    %get3A_149 = arith.constant 0 : index
    %get3A_150 = vector.load %arg22[%get3A_148, %get3A_149] : memref<128x1xf32, #tpu.memory_space<vmem>>, vector<128x1xf32>
    %dot_general3A_151 = arith.constant dense<0.000000e+00> : vector<2048x1xf32>
    %dot_general3A_152 = tpu.matmul %mul3A_147, %get3A_150, %dot_general3A_151 {dimension_numbers = #tpu.dot_dimension_numbers<[1], [0], [0], [1], [0, 0, 1, 1], [], []>, transpose_lhs_hint = false} : vector<2048x128xf32>, vector<128x1xf32>, vector<2048x1xf32> -> vector<2048x1xf32>
    %sub3A = arith.subf %slice3A_24, %slice3A_25 : vector<2048x16xf32>
    %mul3A_153 = arith.mulf %sub3A, %sub3A : vector<2048x16xf32>
    %reduce_sum3A = arith.constant dense<0.000000e+00> : vector<2048xf32>
    %reduce_sum3A_154 = vector.multi_reduction <add>, %mul3A_153, %reduce_sum3A [1] : vector<2048x16xf32> to vector<2048xf32>
    %broadcast_in_dim3A = vector.shape_cast %reduce_sum3A_154 : vector<2048xf32> to vector<2048x1xf32>
    %sqrt3A = math.sqrt %broadcast_in_dim3A : vector<2048x1xf32>
    %max3A = arith.constant 9.99999993E-9 : f32
    %max3A_155 = vector.broadcast %max3A : f32 to vector<2048x1xf32>
    %max3A_156 = arith.maximumf %sqrt3A, %max3A_155 : vector<2048x1xf32>
    %div3A = arith.divf %dot_general3A_152, %max3A_156 : vector<2048x1xf32>
    %mul3A_157 = vector.broadcast %div3A : vector<2048x1xf32> to vector<2048x16xf32>
    %mul3A_158 = arith.mulf %mul3A_157, %sub3A : vector<2048x16xf32>
    %swap3A_159 = arith.constant 0 : index
    %swap3A_160 = arith.constant 0 : index
    %swap3A_161 = vector.load %arg24[%swap3A_159, %swap3A_160] : memref<2048x16xf32, #tpu.memory_space<vmem>>, vector<2048x16xf32>
    tpu.vector_store %arg24[%swap3A_159, %swap3A_160], %mul3A_158 {strides = array<i32>} : memref<2048x16xf32, #tpu.memory_space<vmem>>, vector<2048x16xf32>,
    return
  }
  func.func @transform_0(%arg0: i32) -> (i32, i32) {
    %c0_i32 = arith.constant 0 : i32
    %c0_i32_0 = arith.constant 0 : i32
    return %arg0, %c0_i32 : i32, i32
  }
  func.func @transform_1(%arg0: i32) -> (i32, i32) {
    %c0_i32 = arith.constant 0 : i32
    %c0_i32_0 = arith.constant 0 : i32
    return %arg0, %c0_i32 : i32, i32
  }
  func.func @transform_2(%arg0: i32) -> (i32, i32) {
    %c0_i32 = arith.constant 0 : i32
    %c0_i32_0 = arith.constant 0 : i32
    return %arg0, %c0_i32 : i32, i32
  }
  func.func @transform_3(%arg0: i32) -> (i32, i32) {
    %c0_i32 = arith.constant 0 : i32
    %c0_i32_0 = arith.constant 0 : i32
    %c0_i32_1 = arith.constant 0 : i32
    return %c0_i32, %c0_i32_0 : i32, i32
  }
  func.func @transform_4(%arg0: i32) -> (i32, i32) {
    %c0_i32 = arith.constant 0 : i32
    %c0_i32_0 = arith.constant 0 : i32
    %c0_i32_1 = arith.constant 0 : i32
    return %c0_i32, %c0_i32_0 : i32, i32
  }
  func.func @transform_5(%arg0: i32) -> (i32, i32) {
    %c0_i32 = arith.constant 0 : i32
    %c0_i32_0 = arith.constant 0 : i32
    %c0_i32_1 = arith.constant 0 : i32
    return %c0_i32, %c0_i32_0 : i32, i32
  }
  func.func @transform_6(%arg0: i32) -> (i32, i32) {
    %c0_i32 = arith.constant 0 : i32
    %c0_i32_0 = arith.constant 0 : i32
    %c0_i32_1 = arith.constant 0 : i32
    return %c0_i32, %c0_i32_0 : i32, i32
  }
  func.func @transform_7(%arg0: i32) -> (i32, i32) {
    %c0_i32 = arith.constant 0 : i32
    %c0_i32_0 = arith.constant 0 : i32
    %c0_i32_1 = arith.constant 0 : i32
    return %c0_i32, %c0_i32_0 : i32, i32
  }
  func.func @transform_8(%arg0: i32) -> (i32, i32) {
    %c0_i32 = arith.constant 0 : i32
    %c0_i32_0 = arith.constant 0 : i32
    %c0_i32_1 = arith.constant 0 : i32
    return %c0_i32, %c0_i32_0 : i32, i32
  }
  func.func @transform_9(%arg0: i32) -> (i32, i32) {
    %c0_i32 = arith.constant 0 : i32
    %c0_i32_0 = arith.constant 0 : i32
    %c0_i32_1 = arith.constant 0 : i32
    return %c0_i32, %c0_i32_0 : i32, i32
  }
  func.func @transform_10(%arg0: i32) -> (i32, i32) {
    %c0_i32 = arith.constant 0 : i32
    %c0_i32_0 = arith.constant 0 : i32
    %c0_i32_1 = arith.constant 0 : i32
    return %c0_i32, %c0_i32_0 : i32, i32
  }
  func.func @transform_11(%arg0: i32) -> (i32, i32) {
    %c0_i32 = arith.constant 0 : i32
    %c0_i32_0 = arith.constant 0 : i32
    %c0_i32_1 = arith.constant 0 : i32
    return %c0_i32, %c0_i32_0 : i32, i32
  }
  func.func @transform_12(%arg0: i32) -> (i32, i32) {
    %c0_i32 = arith.constant 0 : i32
    %c0_i32_0 = arith.constant 0 : i32
    %c0_i32_1 = arith.constant 0 : i32
    return %c0_i32, %c0_i32_0 : i32, i32
  }
  func.func @transform_13(%arg0: i32) -> (i32, i32) {
    %c0_i32 = arith.constant 0 : i32
    %c0_i32_0 = arith.constant 0 : i32
    %c0_i32_1 = arith.constant 0 : i32
    return %c0_i32, %c0_i32_0 : i32, i32
  }
  func.func @transform_14(%arg0: i32) -> (i32, i32) {
    %c0_i32 = arith.constant 0 : i32
    %c0_i32_0 = arith.constant 0 : i32
    %c0_i32_1 = arith.constant 0 : i32
    return %c0_i32, %c0_i32_0 : i32, i32
  }
  func.func @transform_15(%arg0: i32) -> (i32, i32) {
    %c0_i32 = arith.constant 0 : i32
    %c0_i32_0 = arith.constant 0 : i32
    %c0_i32_1 = arith.constant 0 : i32
    return %c0_i32, %c0_i32_0 : i32, i32
  }
  func.func @transform_16(%arg0: i32) -> (i32, i32) {
    %c0_i32 = arith.constant 0 : i32
    %c0_i32_0 = arith.constant 0 : i32
    %c0_i32_1 = arith.constant 0 : i32
    return %c0_i32, %c0_i32_0 : i32, i32
  }
  func.func @transform_17(%arg0: i32) -> (i32, i32) {
    %c0_i32 = arith.constant 0 : i32
    %c0_i32_0 = arith.constant 0 : i32
    %c0_i32_1 = arith.constant 0 : i32
    return %c0_i32, %c0_i32_0 : i32, i32
  }
  func.func @transform_18(%arg0: i32) -> (i32, i32) {
    %c0_i32 = arith.constant 0 : i32
    %c0_i32_0 = arith.constant 0 : i32
    %c0_i32_1 = arith.constant 0 : i32
    return %c0_i32, %c0_i32_0 : i32, i32
  }
  func.func @transform_19(%arg0: i32) -> (i32, i32) {
    %c0_i32 = arith.constant 0 : i32
    %c0_i32_0 = arith.constant 0 : i32
    %c0_i32_1 = arith.constant 0 : i32
    return %c0_i32, %c0_i32_0 : i32, i32
  }
  func.func @transform_20(%arg0: i32) -> (i32, i32) {
    %c0_i32 = arith.constant 0 : i32
    %c0_i32_0 = arith.constant 0 : i32
    %c0_i32_1 = arith.constant 0 : i32
    return %c0_i32, %c0_i32_0 : i32, i32
  }
  func.func @transform_21(%arg0: i32) -> (i32, i32) {
    %c0_i32 = arith.constant 0 : i32
    %c0_i32_0 = arith.constant 0 : i32
    %c0_i32_1 = arith.constant 0 : i32
    return %c0_i32, %c0_i32_0 : i32, i32
  }
  func.func @transform_22(%arg0: i32) -> (i32, i32) {
    %c0_i32 = arith.constant 0 : i32
    %c0_i32_0 = arith.constant 0 : i32
    return %arg0, %c0_i32 : i32, i32
  }
  func.func @transform_23(%arg0: i32) -> (i32, i32) {
    %c0_i32 = arith.constant 0 : i32
    %c0_i32_0 = arith.constant 0 : i32
    return %arg0, %c0_i32 : i32, i32
  }
}

module attributes {stable_mosaic.version = 14 : i64} {
  func.func @_combine_body(%arg0: memref<10000x128xf32, #tpu.memory_space<vmem>>, %arg1: memref<10000x128xf32, #tpu.memory_space<vmem>>, %arg2: memref<10000x128xf32, #tpu.memory_space<vmem>>, %arg3: memref<10000x3xf32, #tpu.memory_space<vmem>>, %arg4: memref<10000x128xf32, #tpu.memory_space<vmem>>, %arg5: memref<10000x128xf32, #tpu.memory_space<vmem>>, %arg6: memref<10000x128xf32, #tpu.memory_space<vmem>>, %arg7: memref<10000x3xf32, #tpu.memory_space<vmem>>) attributes {dimension_semantics = [], scalar_prefetch = 0 : i64, scratch_operands = 0 : i64, tpu.core_type = #tpu.core_type<tc>} {
    %get3A = arith.constant 0 : index
    %get3A_0 = arith.constant 0 : index
    %get3A_1 = vector.load %arg0[%get3A, %get3A_0] : memref<10000x128xf32, #tpu.memory_space<vmem>>, vector<10000x128xf32>
    %get3A_2 = arith.constant 0 : index
    %get3A_3 = arith.constant 0 : index
    %get3A_4 = vector.load %arg1[%get3A_2, %get3A_3] : memref<10000x128xf32, #tpu.memory_space<vmem>>, vector<10000x128xf32>
    %add3A = arith.addf %get3A_1, %get3A_4 : vector<10000x128xf32>
    %get3A_5 = arith.constant 0 : index
    %get3A_6 = arith.constant 0 : index
    %get3A_7 = vector.load %arg2[%get3A_5, %get3A_6] : memref<10000x128xf32, #tpu.memory_space<vmem>>, vector<10000x128xf32>
    %add3A_8 = arith.addf %add3A, %get3A_7 : vector<10000x128xf32>
    %swap3A = arith.constant 0 : index
    %swap3A_9 = arith.constant 0 : index
    %swap3A_10 = vector.load %arg6[%swap3A, %swap3A_9] : memref<10000x128xf32, #tpu.memory_space<vmem>>, vector<10000x128xf32>
    tpu.vector_store %arg6[%swap3A, %swap3A_9], %add3A_8 {strides = array<i32>} : memref<10000x128xf32, #tpu.memory_space<vmem>>, vector<10000x128xf32>,
    %get3A_11 = arith.constant 0 : index
    %get3A_12 = arith.constant 0 : index
    %get3A_13 = vector.load %arg4[%get3A_11, %get3A_12] : memref<10000x128xf32, #tpu.memory_space<vmem>>, vector<10000x128xf32>
    %get3A_14 = arith.constant 0 : index
    %get3A_15 = arith.constant 0 : index
    %get3A_16 = vector.load %arg5[%get3A_14, %get3A_15] : memref<10000x128xf32, #tpu.memory_space<vmem>>, vector<10000x128xf32>
    %add3A_17 = arith.addf %get3A_13, %get3A_16 : vector<10000x128xf32>
    %get3A_18 = arith.constant 0 : index
    %get3A_19 = arith.constant 0 : index
    %get3A_20 = vector.load %arg3[%get3A_18, %get3A_19] : memref<10000x3xf32, #tpu.memory_space<vmem>>, vector<10000x3xf32>
    %slice3A = vector.extract_strided_slice %add3A_17 {offsets = [0, 0], sizes = [10000, 3], strides = [1, 1]} : vector<10000x128xf32> to vector<10000x3xf32>
    %add3A_21 = arith.addf %get3A_20, %slice3A : vector<10000x3xf32>
    %swap3A_22 = arith.constant 0 : index
    %swap3A_23 = arith.constant 0 : index
    %swap3A_24 = vector.load %arg7[%swap3A_22, %swap3A_23] : memref<10000x3xf32, #tpu.memory_space<vmem>>, vector<10000x3xf32>
    tpu.vector_store %arg7[%swap3A_22, %swap3A_23], %add3A_21 {strides = array<i32>} : memref<10000x3xf32, #tpu.memory_space<vmem>>, vector<10000x3xf32>,
    return
  }
}

</mosaic_0001>

<sc_bundles>
// kernel: kernel.6.cloned.1.call-start
scs
__scs_entry_jumppad:
0x0: {  	(pc) =	sbr.rel $0x88, $3  }
0x1: {  	(tag) =	ssettag $0x0;
	lr =	simm.s32 $0x1  }
0x2: {  	[smem:$0x3F92] =	sst lr;
	_ =	strace $0xD0000000  }
0x3: {  	_ = 	snop  }
0x4: {  	_ = 	snop  }
0x5: {  	_ = 	snop  }
0x6: {  	_ = 	snop  }
0x7: {  	_ = 	snop  }
__scs_overlays_trampoline_lowered:
0x8: {  	[smem:$0x3FA1] =	sst s0  }
0x9: {  	[smem:$0x3FA2] =	sst s1  }
0xa: {  	[smem:$0x3FA3] =	sst s2  }
0xb: {  	[smem:$0x3FA4] =	sst s3  }
0xc: {  	[smem:$0x3FA5] =	sst s4  }
0xd: {  	[smem:$0x3FA6] =	sst s5  }
0xe: {  	[smem:$0x3FA7] =	sst s6  }
0xf: {  	[smem:$0x3FA8] =	sst s7  }
0x10: {  	[smem:$0x3FA9] =	sst s8  }
0x11: {  	[smem:$0x3FAA] =	sst s9;
	s0 =	simm.s32 @!p0 $0x0  }
0x12: {  	s1 =	sld [smem:$0x3F90];
	s0 =	simm.s32 @p0 $0x1  }
0x13: {  	[smem:$0x3FAB] =	sst s0;
	s0 =	simm.s32 @!p1 $0x0  }
0x14: {  	s2 =	sld [smem:$0x3F8F];
	s0 =	simm.s32 @p1 $0x1  }
0x15: {  	[smem:$0x3FAC] =	sst s0;
	s0 =	simm.s32 @!p2 $0x0  }
0x16: {  	s3 =	sld [smem:$0x3FDB];
	s0 =	simm.s32 @p2 $0x1  }
0x17: {  	s4 =	simm.s32 $0x1BF5;
	[smem:$0x3FAE] =	sst s0  }
0x18: {  	s0 =	sld [smem:$0x3F91];
	_ =	swait.ge [sflag:s4], $0x0  }
0x19: {  	s7 =	sld [smem:$0x3F92]  }
0x1a: {  	s8 =	sadd.s32 $0xFFFFE003, lr  }
0x1b: {  	s9 =	sadd.s32 $0xFFFFFEF7, lr;
	s5 =	simm.s32 $0xFFFFFFFF;
	p2 =	slt.u32 s8, $0xFFFFF086  }
0x1c: {  	p1 =	slt.u32 s9, $0xF7A;
	s5 =	simm.s32 @!p2 $0x0  }
0x1d: {  	s5 =	simm.s32 @p1 $0x1;
	p0 =	seq.s32 s7, s2  }
0x1e: {  	s7 =	smul.u32 @!p0 $0xF7A, s2;
	p2 =	seq.s32 @!p0 s5, $0x0  }
0x1f: {  	s9 =	smul.u32 $0xF7A, s1;
	s8 =	simm.s32 @!p0 $0x1BF5;
	p2 =	por !p2, p0  }
0x20: {  	[sflag:s8] =	ssyncset.s32 @!p0 $0xFFFFF086;
	s6 =	sadd.s32 @!p0 s3, s7;
	s7 =	simm.s32 @!p0 $0x108  }
0x21: {  	s3 =	sadd.s32 s3, s9;
	s6 =	sadd.s32 @!p0 $0x88, s6;
	s7 =	simm.s32 @p2 $0x1082  }
0x22: {  	[simem:s7], [sflag:s8] =	dma.local @!p0 [hbm:s6], $0xF7A  }
0x23: {  	s9 =	sor.u32 $0xD0000000, s2;
	s6 =	simm.s32 $0x108;
	_ =	swait.ge @!p0 [sflag:s8], $0x0  }
0x24: {  	s3 =	sadd.s32 $0x88, s3;
	s6 =	simm.s32 @!p1 $0x1082;
	[sflag:s4] =	ssyncset.s32 $0xFFFFF086  }
0x25: {  	[simem:s6], [sflag:s4] =	dma.local [hbm:s3], $0xF7A  }
0x26: {  	[smem:$0x3F92] =	sst s1;
	(tag) =	ssettag s2;
	_ =	strace s9  }
0x27: {  	s1 =	sld [smem:$0x3FA2]  }
0x28: {  	s2 =	sld [smem:$0x3FA3]  }
0x29: {  	s4 =	sld [smem:$0x3FA5]  }
0x2a: {  	p0 =	seq.s32 s5, $0x0;
	s5 =	sld [smem:$0x3FA6]  }
0x2b: {  	s6 =	sld [smem:$0x3FA7]  }
0x2c: {  	s7 =	sld [smem:$0x3FA8]  }
0x2d: {  	s3 =	simm.s32 $0x108;
	s8 =	sld [smem:$0x3FA9]  }
0x2e: {  	s3 =	simm.s32 @!p0 $0x1082;
	s9 =	sld [smem:$0x3FAA]  }
0x2f: {  	lr =	sadd.s32 s0, s3;
	s0 =	sld [smem:$0x3FA1]  }
0x30: {  	s3 =	sld [smem:$0x3FA4]  }
0x31: {  	[smem:$0x3FAD] =	sst s10  }
0x32: {  	s10 =	sld [smem:$0x3FAB];
	_ =	sdelay $0x3  }
0x33: {  	p0 =	seq.s32 s10, $0x1;
	s10 =	sld [smem:$0x3FAD];
	_ =	sdelay $0x3  }
0x34: {  	[smem:$0x3FAD] =	sst s10  }
0x35: {  	s10 =	sld [smem:$0x3FAC];
	_ =	sdelay $0x3  }
0x36: {  	p1 =	seq.s32 s10, $0x1;
	s10 =	sld [smem:$0x3FAD];
	_ =	sdelay $0x3  }
0x37: {  	[smem:$0x3FAD] =	sst s10  }
0x38: {  	s10 =	sld [smem:$0x3FAE]  }
0x39: {  	_ = 	snop;
	(pc) =	sbr.ind lr, $3  }
0x3a: {  	_ = 	snop  }
0x3b: {  	_ = 	snop  }
0x3c: {  	p2 =	seq.s32 s10, $0x1;
	s10 =	sld [smem:$0x3FAD]  }
0x3d: {  	_ =	shalt  }
0x3e: {  	_ =	shalt  }
0x3f: {  	_ =	shalt  }
0x40: {  	_ =	shalt  }
0x41: {  	_ =	shalt  }
0x42: {  	_ =	shalt  }
0x43: {  	_ =	shalt  }
0x44: {  	_ =	shalt  }
0x45: {  	_ =	shalt  }
0x46: {  	_ =	shalt  }
0x47: {  	_ =	shalt  }
0x48: {  	_ =	shalt  }
0x49: {  	_ =	shalt  }
0x4a: {  	_ =	shalt  }
0x4b: {  	_ =	shalt  }
0x4c: {  	_ =	shalt  }
0x4d: {  	_ =	shalt  }
0x4e: {  	_ =	shalt  }
0x4f: {  	_ =	shalt  }
0x50: {  	_ =	shalt  }
0x51: {  	_ =	shalt  }
0x52: {  	_ =	shalt  }
0x53: {  	_ =	shalt  }
0x54: {  	_ =	shalt  }
0x55: {  	_ =	shalt  }
0x56: {  	_ =	shalt  }
0x57: {  	_ =	shalt  }
0x58: {  	_ =	shalt  }
0x59: {  	_ =	shalt  }
0x5a: {  	_ =	shalt  }
0x5b: {  	_ =	shalt  }
0x5c: {  	_ =	shalt  }
0x5d: {  	_ =	shalt  }
0x5e: {  	_ =	shalt  }
0x5f: {  	_ =	shalt  }
0x60: {  	_ =	shalt  }
0x61: {  	_ =	shalt  }
0x62: {  	_ =	shalt  }
0x63: {  	_ =	shalt  }
0x64: {  	_ =	shalt  }
0x65: {  	_ =	shalt  }
0x66: {  	_ =	shalt  }
0x67: {  	_ =	shalt  }
0x68: {  	_ =	shalt  }
0x69: {  	_ =	shalt  }
0x6a: {  	_ =	shalt  }
0x6b: {  	_ =	shalt  }
0x6c: {  	_ =	shalt  }
0x6d: {  	_ =	shalt  }
0x6e: {  	_ =	shalt  }
0x6f: {  	_ =	shalt  }
0x70: {  	_ =	shalt  }
0x71: {  	_ =	shalt  }
0x72: {  	_ =	shalt  }
0x73: {  	_ =	shalt  }
0x74: {  	_ =	shalt  }
0x75: {  	_ =	shalt  }
0x76: {  	_ =	shalt  }
0x77: {  	_ =	shalt  }
0x78: {  	_ =	shalt  }
0x79: {  	_ =	shalt  }
0x7a: {  	_ =	shalt  }
0x7b: {  	_ =	shalt  }
0x7c: {  	_ =	shalt  }
0x7d: {  	_ =	shalt  }
0x7e: {  	_ =	shalt  }
0x7f: {  	_ =	shalt  }
0x80: {  	_ =	shalt  }
0x81: {  	_ =	shalt  }
0x82: {  	_ =	shalt  }
0x83: {  	_ =	shalt  }
0x84: {  	_ =	shalt  }
0x85: {  	_ =	shalt  }
0x86: {  	_ =	shalt  }
0x87: {  	_ =	shalt  }
.Lfunc_end0:
.L_simem_size_0:
called_computation_lowered:
.L_overlay_start_0:
0x88: {  	s2 =	sld [smem:$0x3FD9]  }
0x89: {  	s3 =	sld [smem:$0x3FFE];
	_ =	sdelay $0x1  }
0x8a: {  	s1 =	srdreg.scid  }
0x8b: {  	s0 =	sand.u32 $0x1, s1  }
0x8c: {  	s14 =	sshll.u32 s0, $0xA;
	s2 =	sadd.s32 s3, s2  }
0x8d: {  	s2 =	sadd.s32 s2, s14  }
0x8e: {  	[smem:$0x3FB9] =	sst s2  }
0x8f: {  	_ = 	snop  }
0x90: {  	s2 =	sld [smem:$0x3FD0];
	_ =	sdelay $0x2  }
0x91: {  	s15 =	simm.s32 $0xA;
	s4 =	simm.s32 $0x10  }
0x92: {  	[smem:s4], [sflag:s15] =	dma.local [hbm:s2], $0x1  }
0x93: {  	_ =	swait.eq [sflag:s15], $0x1  }
0x94: {  	[sflag:s15] =	ssyncset.done $0x0  }
0x95: {  	[sflag:s15] =	ssyncadd.s32 $0xFFFFFFFF  }
0x96: {  	s16 =	sld [smem:$0x10];
	(tm) =	ssettm $0x1  }
0x97: {  	s17 =	sld [smem:$0x3FFB];
	_ =	sdelay $0x3  }
0x98: {  	_ =	strace s17  }
0x99: {  	s3 =	sld [smem:$0x3FFC];
	_ =	sdelay $0x3  }
0x9a: {  	_ =	strace s3  }
0x9b: {  	s3 =	sld [smem:$0x3FFD];
	_ =	sdelay $0x3  }
0x9c: {  	_ =	strace s3  }
0x9d: {  	_ =	strace $0x8FFFFFFF  }
0x9e: {  	s18 =	sld [smem:$0x3FDB];
	_ =	sdelay $0x1  }
0x9f: {  	s19 =	simm.s32 $_scs_section_size  }
0xa0: {  	s5 =	simm.s32 $_size__tile_overlayer_lowered;
	s6 =	simm.s32 $_tile_overlayer_lowered  }
0xa1: {  	s22 =	simm.s32 $0x1BFF;
	s21 =	sshll.u32 s6, $0x1;
	s3 =	sadd.s32 s19, s18  }
0xa2: {  	s7 =	simm.s32 $0x0;
	s20 =	sshll.u32 s5, $0x1;
	s5 =	sadd.s32 s21, s3  }
0xa3: {  	[timem:s7], [sflag:s22] =	dma.local [hbm:s5], s20  }
0xa4: {  	_ =	swait.ge [sflag:s22], s20  }
0xa5: {  	s4 =	ssub.s32 $0x0, s20;
	[sflag:s22] =	ssyncset.done $0x0  }
0xa6: {  	[sflag:s22] =	ssyncadd.s32 s4;
	_ =	sdelay $0x1  }
0xa7: {  	s23 =	simm.s32 $0x1B8B  }
0xa8: {  	_ =	swait.ge [sflag:s23], $0x1  }
0xa9: {  	[sflag:s23] =	ssyncset.done $0x0  }
0xaa: {  	s25 =	simm.s32 $0x1B8E;
	s24 =	sld [smem:$0x3FFE];
	[sflag:s23] =	ssyncadd.s32 $0xFFFFFFFF  }
0xab: {  	s26 =	simm.s32 $execute0_lowered;
	[smem:$0x3FD2] =	sst s25  }
0xac: {  	s5 =	sshll.u32 s26, $0x1;
	_ =	strace $0x80000046;
	[dreg:$0x1] =	wrdreg $0xFFFFFFFF  }
0xad: {  	s28 =	simm.s32 $_size_execute0_lowered;
	s3 =	sadd.s32 s3, s5;
	[dreg:$0x0] =	wrdreg $0x0  }
0xae: {  	s5 =	sshll.u32 s28, $0x1;
	[dreg:$0x2] =	wrdreg s3  }
0xaf: {  	[dreg:$0x3] =	wrdreg s5  }
0xb0: {  	[dreg:$0x4] =	wrdreg $0xC0  }
0xb1: {  	_ =	task [dreg:s7], $0x5FFFF  }
0xb2: {  	[dreg:$0x1] =	wrdreg $0xFFFFFFFF  }
0xb3: {  	[dreg:$0x0] =	wrdreg $0x60  }
0xb4: {  	[dreg:$0x2] =	wrdreg s16  }
0xb5: {  	[dreg:$0x3] =	wrdreg s24  }
0xb6: {  	[dreg:$0x4] =	wrdreg $0x9  }
0xb7: {  	_ =	task.clear_ibuf [dreg:s7], $0x5FFFF;
	_ =	strace $0x90000046  }
0xb8: {  	s29 =	simm.s32 $0x9;
	_ =	strace $0x80000048  }
0xb9: {  	_ =	swait.ge [sflag:s29], $0x1  }
0xba: {  	[sflag:s29] =	ssyncadd.s32 $0xFFFFFFFF  }
0xbb: {  	_ =	strace $0x90000048  }
0xbc: {  	_ =	sfence  }
0xbd: {  	s30 =	sld [smem:$0x0];
	_ =	sdelay $0x2  }
0xbe: {  	s31 =	sshll.u32 s1, $0xD;
	s1 =	sshrl.u32 s1, $0x2  }
0xbf: {  	s3 =	sand.u32 $0x4000, s31;
	s1 =	sadd.s32 s1, s30  }
0xc0: {  	s0 =	sor.u32 s3, s0;
	s1 =	sshll.u32 s1, $0x11  }
0xc1: {  	s0 =	sor.u32 s1, s0  }
0xc2: {  	s0 =	sadd.s32 $0x8F2B, s0  }
0xc3: {  	[sflag:s0] =	ssyncadd.remote.s32 $0x1  }
0xc4: {  	_ =	sfence.sel $0xFFFF  }
0xc5: {  	[dreg:$0x0] =	wrdreg $0xFFFFFFFF;
	(pc) =	sbr.abs _section_cstart, $3  }
0xc6: {  	[dreg:$0x1] =	wrdreg $0xFFFFFFFF  }
0xc7: {  	_ =	task.clear_ibuf [dreg:s7], $0x2FFFF;
	_ =	strace $0x9FFFFFFF  }
0xc8: {  	(tm) =	ssettm $0x7FFFFFFF  }
0xc9: {  	_ =	shalt  }
tec
execute0_lowered:
.L_overlay_start_1:
0x0: {  	(tag) =	ssettag $0x1  }
0x1: {  	s1 =	rddreg [dreg:$0x0];
	s0 =	srdreg.scid  }
0x2: {  	s4 =	rddreg [dreg:$0x1];
	s3 =	simm.s32 $0x0;
	s2 =	stileid.u32  }
0x3: {  	s29 =	simm.s32 $0x100;
	s5 =	sand.u32 $0x1, s0;
	s0 =	rddreg [dreg:$0x2]  }
0x4: {  	s30 =	simm.s32 $0x180;
	s31 =	simm.s32 $0x200;
	[smem:$0x7FF] =	sst s3  }
0x5: {  	s9 =	simm.s32 $0x280;
	_ =	strace $0x80000047;
	[dreg:$0x5] =	wrdreg s29  }
0x6: {  	s10 =	simm.s32 $0x300;
	s11 =	simm.s32 $0x380;
	[dreg:$0x6] =	wrdreg s30  }
0x7: {  	s12 =	simm.s32 $0x480;
	s13 =	simm.s32 $0x500;
	[dreg:$0x7] =	wrdreg s31  }
0x8: {  	s14 =	simm.s32 $0x580;
	s15 =	simm.s32 $0x600;
	[dreg:$0x8] =	wrdreg s9  }
0x9: {  	s16 =	simm.s32 $0x680;
	s8 =	smul.u32 $0x28000, s2;
	[dreg:$0x9] =	wrdreg s10  }
0xa: {  	s17 =	simm.s32 $0x700;
	s26 =	smul.u32 $0x500, s2;
	[dreg:$0xa] =	wrdreg s11  }
0xb: {  	s18 =	simm.s32 $0x780;
	s6 =	smul.u32 $0x5000, s5;
	[dreg:$0xb] =	wrdreg s12  }
0xc: {  	s7 =	smul.u32 $0x280000, s5;
	s5 =	ssub.s32 $0x2, s5;
	[dreg:$0xc] =	wrdreg s13  }
0xd: {  	s9 =	simm.s32 $0x80;
	s10 =	simm.s32 $0x800;
	[dreg:$0xd] =	wrdreg s14  }
0xe: {  	s11 =	simm.s32 $0x4800;
	s12 =	simm.s32 $0x8800;
	[dreg:$0xe] =	wrdreg s15  }
0xf: {  	s13 =	simm.s32 $0xC800;
	s14 =	simm.s32 $0x10800;
	[dreg:$0xf] =	wrdreg s16  }
0x10: {  	s15 =	simm.s32 $0x1;
	s16 =	simm.s32 $0x14800;
	[dreg:$0x10] =	wrdreg s17  }
0x11: {  	s17 =	simm.s32 $0x2;
	[dreg:$0x11] =	wrdreg s18;
	s24 =	sshrl.u32 s5, $0x1  }
0x12: {  	s7 =	sadd.s32 s7, s4;
	s6 =	sadd.s32 s6, s4;
	s4 =	ssub.s32 s5, s24  }
0x13: {  	s18 =	simm.s32 $0x0;
	s7 =	sadd.s32 s8, s7;
	s4 =	smax.u32 s4, $0x1  }
0x14: {  	s6 =	sadd.s32 s26, s6;
	s8 =	simm.s32 $0x400;
	s25 =	sadd.s32 $0x53EA00, s7  }
0x15: {  	s28 =	sadd.s32 $0x3EA00, s7;
	s5 =	sadd.s32 $0x2AA00, s6;
	[dreg:$0x3] =	wrdreg s25  }
0x16: {  	s6 =	sadd.s32 $0x34A00, s6;
	s7 =	simm.s32 $0x3;
	[dreg:$0x4] =	wrdreg s28  }
.LBB2_1:
0x17: {  	[tilespmem:s3], [sflag:$0x3] =	stream.linear.gather [hbm4b:s5+s3], $0x400, $0x38;
	[tilespmem:$0x18800] =	vst v63  }
0x18: {  	_ =	swait.ge [sflag:s7], $0x400  }
0x19: {  	[sflag:s7] =	ssyncset.done $0x0  }
0x1a: {  	[sflag:s7] =	ssyncadd.s32 $0xFFFFFC00  }
0x1b: {  	[tilespmem:s8], [sflag:$0x3] =	stream.linear.gather [hbm4b:s6+s3], $0x400, $0x38;
	[tilespmem:$0x18800] =	vst v63  }
0x1c: {  	_ =	swait.ge [sflag:s7], $0x400  }
0x1d: {  	[sflag:s7] =	ssyncset.done $0x0  }
0x1e: {  	[sflag:s7] =	ssyncadd.s32 $0xFFFFFC00  }
0x1f: {  	[tilespmem:s10], [sflag:$0x1] =	stream.indirect.gather [hbm4b:s1+s9], $0x80, s3, s9, $0xb8;
	[tilespmem:$0x18800] =	vst v63  }
0x20: {  	_ = 	snop  }
0x21: {  	[tilespmem:s11], [sflag:$0x1] =	stream.indirect.gather [hbm4b:s1+s9], $0x80, s9, s9, $0xb8;
	[tilespmem:$0x18800] =	vst v63  }
0x22: {  	s19 =	rddreg [dreg:$0x5]  }
0x23: {  	[tilespmem:s12], [sflag:$0x1] =	stream.indirect.gather [hbm4b:s1+s9], $0x80, s19, s9, $0xb8;
	[tilespmem:$0x18800] =	vst v63  }
0x24: {  	s20 =	rddreg [dreg:$0x6]  }
0x25: {  	[tilespmem:s13], [sflag:$0x1] =	stream.indirect.gather [hbm4b:s1+s9], $0x80, s20, s9, $0xb8;
	[tilespmem:$0x18800] =	vst v63  }
0x26: {  	s28 =	rddreg [dreg:$0x7]  }
0x27: {  	[tilespmem:s14], [sflag:$0x1] =	stream.indirect.gather [hbm4b:s1+s9], $0x80, s28, s9, $0xb8;
	[tilespmem:$0x18800] =	vst v63  }
0x28: {  	_ =	swait.ge [sflag:s15], $0x4000  }
0x29: {  	s29 =	rddreg [dreg:$0x4];
	[sflag:s15] =	ssyncset.done $0x0  }
0x2a: {  	[sflag:s15] =	ssyncadd.s32 $0xFFFFC000;
	s19 =	sadd.s32 $0x0, s29  }
0x2b: {  	[hbm4b:s19+s3] =	stream.linear.scatter [tilespmem:s10], [sflag:$0x2], $0x4000, $0x38;
	[tilespmem:$0x18800] =	vst v63  }
0x2c: {  	s30 =	rddreg [dreg:$0x8]  }
0x2d: {  	[tilespmem:s16], [sflag:$0x1] =	stream.indirect.gather [hbm4b:s1+s9], $0x80, s30, s9, $0xb8;
	[tilespmem:$0x18800] =	vst v63  }
0x2e: {  	_ =	swait.ge [sflag:s15], $0x4000  }
0x2f: {  	[sflag:s15] =	ssyncset.done $0x0  }
0x30: {  	s31 =	sadd.s32 $0x800, s19;
	[sflag:s15] =	ssyncadd.s32 $0xFFFFC000  }
0x31: {  	[hbm4b:s31+s3] =	stream.linear.scatter [tilespmem:s11], [sflag:$0x2], $0x4000, $0x38;
	[tilespmem:$0x18800] =	vst v63  }
0x32: {  	_ =	swait.ge [sflag:s17], $0x4000  }
0x33: {  	[sflag:s17] =	ssyncset.done $0x0  }
0x34: {  	s21 =	rddreg [dreg:$0x9];
	[sflag:s17] =	ssyncadd.s32 $0xFFFFC000  }
0x35: {  	[tilespmem:s10], [sflag:$0x1] =	stream.indirect.gather [hbm4b:s1+s9], $0x80, s21, s9, $0xb8;
	[tilespmem:$0x18800] =	vst v63  }
0x36: {  	_ =	swait.ge [sflag:s15], $0x4000  }
0x37: {  	[sflag:s15] =	ssyncset.done $0x0  }
0x38: {  	s22 =	sadd.s32 $0x1000, s19;
	[sflag:s15] =	ssyncadd.s32 $0xFFFFC000  }
0x39: {  	[hbm4b:s22+s3] =	stream.linear.scatter [tilespmem:s12], [sflag:$0x2], $0x4000, $0x38;
	[tilespmem:$0x18800] =	vst v63  }
0x3a: {  	_ =	swait.ge [sflag:s17], $0x4000  }
0x3b: {  	[sflag:s17] =	ssyncset.done $0x0  }
0x3c: {  	s23 =	rddreg [dreg:$0xa];
	[sflag:s17] =	ssyncadd.s32 $0xFFFFC000  }
0x3d: {  	[tilespmem:s11], [sflag:$0x1] =	stream.indirect.gather [hbm4b:s1+s9], $0x80, s23, s9, $0xb8;
	[tilespmem:$0x18800] =	vst v63  }
0x3e: {  	_ =	swait.ge [sflag:s15], $0x4000  }
0x3f: {  	[sflag:s15] =	ssyncset.done $0x0  }
0x40: {  	s24 =	sadd.s32 $0x1800, s19;
	[sflag:s15] =	ssyncadd.s32 $0xFFFFC000  }
0x41: {  	[hbm4b:s24+s3] =	stream.linear.scatter [tilespmem:s13], [sflag:$0x2], $0x4000, $0x38;
	[tilespmem:$0x18800] =	vst v63  }
0x42: {  	_ =	swait.ge [sflag:s17], $0x4000  }
0x43: {  	[sflag:s17] =	ssyncset.done $0x0  }
0x44: {  	[sflag:s17] =	ssyncadd.s32 $0xFFFFC000  }
0x45: {  	[tilespmem:s12], [sflag:$0x1] =	stream.indirect.gather [hbm4b:s1+s9], $0x80, s8, s9, $0xb8;
	[tilespmem:$0x18800] =	vst v63  }
0x46: {  	_ =	swait.ge [sflag:s15], $0x4000  }
0x47: {  	[sflag:s15] =	ssyncset.done $0x0  }
0x48: {  	s25 =	sadd.s32 $0x2000, s19;
	[sflag:s15] =	ssyncadd.s32 $0xFFFFC000  }
0x49: {  	[hbm4b:s25+s3] =	stream.linear.scatter [tilespmem:s14], [sflag:$0x2], $0x4000, $0x38;
	[tilespmem:$0x18800] =	vst v63  }
0x4a: {  	_ =	swait.ge [sflag:s17], $0x4000  }
0x4b: {  	[sflag:s17] =	ssyncset.done $0x0  }
0x4c: {  	s26 =	rddreg [dreg:$0xb];
	[sflag:s17] =	ssyncadd.s32 $0xFFFFC000  }
0x4d: {  	[tilespmem:s13], [sflag:$0x1] =	stream.indirect.gather [hbm4b:s1+s9], $0x80, s26, s9, $0xb8;
	[tilespmem:$0x18800] =	vst v63  }
0x4e: {  	_ =	swait.ge [sflag:s15], $0x4000  }
0x4f: {  	[sflag:s15] =	ssyncset.done $0x0  }
0x50: {  	s28 =	sadd.s32 $0x2800, s19;
	[sflag:s15] =	ssyncadd.s32 $0xFFFFC000  }
0x51: {  	[hbm4b:s28+s3] =	stream.linear.scatter [tilespmem:s16], [sflag:$0x2], $0x4000, $0x38;
	[tilespmem:$0x18800] =	vst v63  }
0x52: {  	_ =	swait.ge [sflag:s17], $0x4000  }
0x53: {  	[sflag:s17] =	ssyncset.done $0x0  }
0x54: {  	s29 =	rddreg [dreg:$0xc];
	[sflag:s17] =	ssyncadd.s32 $0xFFFFC000  }
0x55: {  	[tilespmem:s14], [sflag:$0x1] =	stream.indirect.gather [hbm4b:s1+s9], $0x80, s29, s9, $0xb8;
	[tilespmem:$0x18800] =	vst v63  }
0x56: {  	_ =	swait.ge [sflag:s15], $0x4000  }
0x57: {  	[sflag:s15] =	ssyncset.done $0x0  }
0x58: {  	s30 =	sadd.s32 $0x3000, s19;
	[sflag:s15] =	ssyncadd.s32 $0xFFFFC000  }
0x59: {  	[hbm4b:s30+s3] =	stream.linear.scatter [tilespmem:s10], [sflag:$0x2], $0x4000, $0x38;
	[tilespmem:$0x18800] =	vst v63  }
0x5a: {  	_ =	swait.ge [sflag:s17], $0x4000  }
0x5b: {  	[sflag:s17] =	ssyncset.done $0x0  }
0x5c: {  	s31 =	rddreg [dreg:$0xd];
	[sflag:s17] =	ssyncadd.s32 $0xFFFFC000  }
0x5d: {  	[tilespmem:s16], [sflag:$0x1] =	stream.indirect.gather [hbm4b:s1+s9], $0x80, s31, s9, $0xb8;
	[tilespmem:$0x18800] =	vst v63  }
0x5e: {  	_ =	swait.ge [sflag:s15], $0x4000  }
0x5f: {  	[sflag:s15] =	ssyncset.done $0x0  }
0x60: {  	s19 =	sadd.s32 $0x3800, s19;
	[sflag:s15] =	ssyncadd.s32 $0xFFFFC000  }
0x61: {  	[hbm4b:s19+s3] =	stream.linear.scatter [tilespmem:s11], [sflag:$0x2], $0x4000, $0x38;
	[tilespmem:$0x18800] =	vst v63  }
0x62: {  	_ =	swait.ge [sflag:s17], $0x4000  }
0x63: {  	[sflag:s17] =	ssyncset.done $0x0  }
0x64: {  	s20 =	rddreg [dreg:$0xe];
	[sflag:s17] =	ssyncadd.s32 $0xFFFFC000  }
0x65: {  	[tilespmem:s10], [sflag:$0x1] =	stream.indirect.gather [hbm4b:s1+s9], $0x80, s20, s9, $0xb8;
	[tilespmem:$0x18800] =	vst v63  }
0x66: {  	_ =	swait.ge [sflag:s15], $0x4000  }
0x67: {  	s21 =	rddreg [dreg:$0x3];
	[sflag:s15] =	ssyncset.done $0x0  }
0x68: {  	[sflag:s15] =	ssyncadd.s32 $0xFFFFC000;
	s19 =	sadd.s32 $0x0, s21  }
0x69: {  	[hbm4b:s19+s3] =	stream.linear.scatter [tilespmem:s12], [sflag:$0x2], $0x4000, $0x38;
	[tilespmem:$0x18800] =	vst v63  }
0x6a: {  	_ =	swait.ge [sflag:s17], $0x4000  }
0x6b: {  	[sflag:s17] =	ssyncset.done $0x0  }
0x6c: {  	s22 =	rddreg [dreg:$0xf];
	[sflag:s17] =	ssyncadd.s32 $0xFFFFC000  }
0x6d: {  	[tilespmem:s11], [sflag:$0x1] =	stream.indirect.gather [hbm4b:s1+s9], $0x80, s22, s9, $0xb8;
	[tilespmem:$0x18800] =	vst v63  }
0x6e: {  	_ =	swait.ge [sflag:s15], $0x4000  }
0x6f: {  	[sflag:s15] =	ssyncset.done $0x0  }
0x70: {  	s23 =	sadd.s32 $0x800, s19;
	[sflag:s15] =	ssyncadd.s32 $0xFFFFC000  }
0x71: {  	[hbm4b:s23+s3] =	stream.linear.scatter [tilespmem:s13], [sflag:$0x2], $0x4000, $0x38;
	[tilespmem:$0x18800] =	vst v63  }
0x72: {  	_ =	swait.ge [sflag:s17], $0x4000  }
0x73: {  	[sflag:s17] =	ssyncset.done $0x0  }
0x74: {  	s24 =	rddreg [dreg:$0x10];
	[sflag:s17] =	ssyncadd.s32 $0xFFFFC000  }
0x75: {  	[tilespmem:s12], [sflag:$0x1] =	stream.indirect.gather [hbm4b:s1+s9], $0x80, s24, s9, $0xb8;
	[tilespmem:$0x18800] =	vst v63  }
0x76: {  	_ =	swait.ge [sflag:s15], $0x4000  }
0x77: {  	[sflag:s15] =	ssyncset.done $0x0  }
0x78: {  	s25 =	sadd.s32 $0x1000, s19;
	[sflag:s15] =	ssyncadd.s32 $0xFFFFC000  }
0x79: {  	[hbm4b:s25+s3] =	stream.linear.scatter [tilespmem:s14], [sflag:$0x2], $0x4000, $0x38;
	[tilespmem:$0x18800] =	vst v63  }
0x7a: {  	_ =	swait.ge [sflag:s17], $0x4000  }
0x7b: {  	[sflag:s17] =	ssyncset.done $0x0  }
0x7c: {  	s26 =	rddreg [dreg:$0x11];
	[sflag:s17] =	ssyncadd.s32 $0xFFFFC000  }
0x7d: {  	[tilespmem:s13], [sflag:$0x1] =	stream.indirect.gather [hbm4b:s1+s9], $0x80, s26, s9, $0xb8;
	[tilespmem:$0x18800] =	vst v63  }
0x7e: {  	_ =	swait.ge [sflag:s15], $0x4000  }
0x7f: {  	[sflag:s15] =	ssyncset.done $0x0  }
0x80: {  	s28 =	sadd.s32 $0x1800, s19;
	[sflag:s15] =	ssyncadd.s32 $0xFFFFC000  }
0x81: {  	[hbm4b:s28+s3] =	stream.linear.scatter [tilespmem:s16], [sflag:$0x2], $0x4000, $0x38;
	[tilespmem:$0x18800] =	vst v63  }
0x82: {  	_ =	swait.ge [sflag:s15], $0x4000  }
0x83: {  	[sflag:s15] =	ssyncset.done $0x0  }
0x84: {  	s29 =	sadd.s32 $0x2000, s19;
	[sflag:s15] =	ssyncadd.s32 $0xFFFFC000  }
0x85: {  	[hbm4b:s29+s3] =	stream.linear.scatter [tilespmem:s10], [sflag:$0x2], $0x4000, $0x38;
	[tilespmem:$0x18800] =	vst v63  }
0x86: {  	_ =	swait.ge [sflag:s15], $0x4000  }
0x87: {  	[sflag:s15] =	ssyncset.done $0x0  }
0x88: {  	s30 =	sadd.s32 $0x2800, s19;
	[sflag:s15] =	ssyncadd.s32 $0xFFFFC000  }
0x89: {  	[hbm4b:s30+s3] =	stream.linear.scatter [tilespmem:s11], [sflag:$0x2], $0x4000, $0x38;
	[tilespmem:$0x18800] =	vst v63  }
0x8a: {  	_ =	swait.ge [sflag:s15], $0x4000  }
0x8b: {  	[sflag:s15] =	ssyncset.done $0x0  }
0x8c: {  	s31 =	sadd.s32 $0x3000, s19;
	[sflag:s15] =	ssyncadd.s32 $0xFFFFC000  }
0x8d: {  	[hbm4b:s31+s3] =	stream.linear.scatter [tilespmem:s12], [sflag:$0x2], $0x4000, $0x38;
	[tilespmem:$0x18800] =	vst v63  }
0x8e: {  	_ =	swait.ge [sflag:s15], $0x4000  }
0x8f: {  	[sflag:s15] =	ssyncset.done $0x0  }
0x90: {  	s19 =	sadd.s32 $0x3800, s19;
	[sflag:s15] =	ssyncadd.s32 $0xFFFFC000  }
0x91: {  	[hbm4b:s19+s3] =	stream.linear.scatter [tilespmem:s13], [sflag:$0x2], $0x4000, $0x38;
	[tilespmem:$0x18800] =	vst v63  }
0x92: {  	_ =	swait.ge [sflag:s17], $0x4000  }
0x93: {  	[sflag:s17] =	ssyncset.done $0x0  }
0x94: {  	[sflag:s17] =	ssyncadd.s32 $0xFFFFC000  }
0x95: {  	_ =	swait.ge [sflag:s17], $0x4000  }
0x96: {  	[sflag:s17] =	ssyncset.done $0x0  }
0x97: {  	[sflag:s17] =	ssyncadd.s32 $0xFFFFC000  }
0x98: {  	_ =	swait.ge [sflag:s17], $0x4000  }
0x99: {  	[sflag:s17] =	ssyncset.done $0x0  }
0x9a: {  	[sflag:s17] =	ssyncadd.s32 $0xFFFFC000  }
0x9b: {  	_ =	swait.ge [sflag:s17], $0x4000  }
0x9c: {  	[sflag:s17] =	ssyncset.done $0x0  }
0x9d: {  	[sflag:s17] =	ssyncadd.s32 $0xFFFFC000  }
0x9e: {  	_ =	swait.ge [sflag:s17], $0x4000  }
0x9f: {  	[sflag:s17] =	ssyncset.done $0x0  }
0xa0: {  	[sflag:s17] =	ssyncadd.s32 $0xFFFFC000  }
0xa1: {  	s20 =	smov.u32 s5;
	_ =	swait.ge [sflag:s17], $0x4000  }
0xa2: {  	s21 =	smov.u32 s6;
	s19 =	simm.s32 $0x4000;
	[sflag:s17] =	ssyncset.done $0x0  }
.LBB2_2:
0xa3: {  	[sflag:s17] =	ssyncadd.s32 $0xFFFFC000;
	s20 =	sadd.s32 $0x80, s20  }
0xa4: {  	[tilespmem:s3], [sflag:$0x3] =	stream.linear.gather [hbm4b:s20+s3], $0x400, $0x38;
	[tilespmem:$0x18800] =	vst v63  }
0xa5: {  	_ =	swait.ge [sflag:s7], $0x400  }
0xa6: {  	[sflag:s7] =	ssyncset.done $0x0  }
0xa7: {  	s21 =	sadd.s32 $0x80, s21;
	[sflag:s7] =	ssyncadd.s32 $0xFFFFFC00  }
0xa8: {  	[tilespmem:s8], [sflag:$0x3] =	stream.linear.gather [hbm4b:s21+s3], $0x400, $0x38;
	[tilespmem:$0x18800] =	vst v63  }
0xa9: {  	_ =	swait.ge [sflag:s7], $0x400  }
0xaa: {  	[sflag:s7] =	ssyncset.done $0x0  }
0xab: {  	[sflag:s7] =	ssyncadd.s32 $0xFFFFFC00  }
0xac: {  	[tilespmem:s10], [sflag:$0x1] =	stream.indirect.gather [hbm4b:s1+s9], $0x80, s3, s9, $0xb8;
	[tilespmem:$0x18800] =	vst v63  }
0xad: {  	_ = 	snop  }
0xae: {  	[tilespmem:s11], [sflag:$0x1] =	stream.indirect.gather [hbm4b:s1+s9], $0x80, s9, s9, $0xb8;
	[tilespmem:$0x18800] =	vst v63  }
0xaf: {  	s23 =	rddreg [dreg:$0x5]  }
0xb0: {  	[tilespmem:s12], [sflag:$0x1] =	stream.indirect.gather [hbm4b:s1+s9], $0x80, s23, s9, $0xb8;
	[tilespmem:$0x18800] =	vst v63  }
0xb1: {  	s24 =	rddreg [dreg:$0x6]  }
0xb2: {  	[tilespmem:s13], [sflag:$0x1] =	stream.indirect.gather [hbm4b:s1+s9], $0x80, s24, s9, $0xb8;
	[tilespmem:$0x18800] =	vst v63  }
0xb3: {  	s25 =	rddreg [dreg:$0x7]  }
0xb4: {  	[tilespmem:s14], [sflag:$0x1] =	stream.indirect.gather [hbm4b:s1+s9], $0x80, s25, s9, $0xb8;
	[tilespmem:$0x18800] =	vst v63  }
0xb5: {  	_ =	swait.ge [sflag:s15], $0x4000  }
0xb6: {  	s22 =	smov.u32 s19;
	s26 =	rddreg [dreg:$0x4];
	[sflag:s15] =	ssyncset.done $0x0  }
0xb7: {  	[sflag:s15] =	ssyncadd.s32 $0xFFFFC000;
	s23 =	sadd.s32 s22, s26  }
0xb8: {  	[hbm4b:s23+s3] =	stream.linear.scatter [tilespmem:s10], [sflag:$0x2], $0x4000, $0x38;
	[tilespmem:$0x18800] =	vst v63  }
0xb9: {  	s28 =	rddreg [dreg:$0x8]  }
0xba: {  	[tilespmem:s16], [sflag:$0x1] =	stream.indirect.gather [hbm4b:s1+s9], $0x80, s28, s9, $0xb8;
	[tilespmem:$0x18800] =	vst v63  }
0xbb: {  	_ =	swait.ge [sflag:s15], $0x4000  }
0xbc: {  	[sflag:s15] =	ssyncset.done $0x0  }
0xbd: {  	s29 =	sadd.s32 $0x800, s23;
	[sflag:s15] =	ssyncadd.s32 $0xFFFFC000  }
0xbe: {  	[hbm4b:s29+s3] =	stream.linear.scatter [tilespmem:s11], [sflag:$0x2], $0x4000, $0x38;
	[tilespmem:$0x18800] =	vst v63  }
0xbf: {  	_ =	swait.ge [sflag:s17], $0x4000  }
0xc0: {  	[sflag:s17] =	ssyncset.done $0x0  }
0xc1: {  	s30 =	rddreg [dreg:$0x9];
	[sflag:s17] =	ssyncadd.s32 $0xFFFFC000  }
0xc2: {  	[tilespmem:s10], [sflag:$0x1] =	stream.indirect.gather [hbm4b:s1+s9], $0x80, s30, s9, $0xb8;
	[tilespmem:$0x18800] =	vst v63  }
0xc3: {  	_ =	swait.ge [sflag:s15], $0x4000  }
0xc4: {  	[sflag:s15] =	ssyncset.done $0x0  }
0xc5: {  	s31 =	sadd.s32 $0x1000, s23;
	[sflag:s15] =	ssyncadd.s32 $0xFFFFC000  }
0xc6: {  	[hbm4b:s31+s3] =	stream.linear.scatter [tilespmem:s12], [sflag:$0x2], $0x4000, $0x38;
	[tilespmem:$0x18800] =	vst v63  }
0xc7: {  	_ =	swait.ge [sflag:s17], $0x4000  }
0xc8: {  	[sflag:s17] =	ssyncset.done $0x0  }
0xc9: {  	s25 =	rddreg [dreg:$0xa];
	[sflag:s17] =	ssyncadd.s32 $0xFFFFC000  }
0xca: {  	[tilespmem:s11], [sflag:$0x1] =	stream.indirect.gather [hbm4b:s1+s9], $0x80, s25, s9, $0xb8;
	[tilespmem:$0x18800] =	vst v63  }
0xcb: {  	_ =	swait.ge [sflag:s15], $0x4000  }
0xcc: {  	[sflag:s15] =	ssyncset.done $0x0  }
0xcd: {  	s26 =	sadd.s32 $0x1800, s23;
	[sflag:s15] =	ssyncadd.s32 $0xFFFFC000  }
0xce: {  	[hbm4b:s26+s3] =	stream.linear.scatter [tilespmem:s13], [sflag:$0x2], $0x4000, $0x38;
	[tilespmem:$0x18800] =	vst v63  }
0xcf: {  	_ =	swait.ge [sflag:s17], $0x4000  }
0xd0: {  	[sflag:s17] =	ssyncset.done $0x0  }
0xd1: {  	[sflag:s17] =	ssyncadd.s32 $0xFFFFC000  }
0xd2: {  	[tilespmem:s12], [sflag:$0x1] =	stream.indirect.gather [hbm4b:s1+s9], $0x80, s8, s9, $0xb8;
	[tilespmem:$0x18800] =	vst v63  }
0xd3: {  	_ =	swait.ge [sflag:s15], $0x4000  }
0xd4: {  	[sflag:s15] =	ssyncset.done $0x0  }
0xd5: {  	s28 =	sadd.s32 $0x2000, s23;
	[sflag:s15] =	ssyncadd.s32 $0xFFFFC000  }
0xd6: {  	[hbm4b:s28+s3] =	stream.linear.scatter [tilespmem:s14], [sflag:$0x2], $0x4000, $0x38;
	[tilespmem:$0x18800] =	vst v63  }
0xd7: {  	_ =	swait.ge [sflag:s17], $0x4000  }
0xd8: {  	[sflag:s17] =	ssyncset.done $0x0  }
0xd9: {  	s29 =	rddreg [dreg:$0xb];
	[sflag:s17] =	ssyncadd.s32 $0xFFFFC000  }
0xda: {  	[tilespmem:s13], [sflag:$0x1] =	stream.indirect.gather [hbm4b:s1+s9], $0x80, s29, s9, $0xb8;
	[tilespmem:$0x18800] =	vst v63  }
0xdb: {  	_ =	swait.ge [sflag:s15], $0x4000  }
0xdc: {  	[sflag:s15] =	ssyncset.done $0x0  }
0xdd: {  	s30 =	sadd.s32 $0x2800, s23;
	[sflag:s15] =	ssyncadd.s32 $0xFFFFC000  }
0xde: {  	[hbm4b:s30+s3] =	stream.linear.scatter [tilespmem:s16], [sflag:$0x2], $0x4000, $0x38;
	[tilespmem:$0x18800] =	vst v63  }
0xdf: {  	_ =	swait.ge [sflag:s17], $0x4000  }
0xe0: {  	[sflag:s17] =	ssyncset.done $0x0  }
0xe1: {  	s31 =	rddreg [dreg:$0xc];
	[sflag:s17] =	ssyncadd.s32 $0xFFFFC000  }
0xe2: {  	[tilespmem:s14], [sflag:$0x1] =	stream.indirect.gather [hbm4b:s1+s9], $0x80, s31, s9, $0xb8;
	[tilespmem:$0x18800] =	vst v63  }
0xe3: {  	_ =	swait.ge [sflag:s15], $0x4000  }
0xe4: {  	[sflag:s15] =	ssyncset.done $0x0  }
0xe5: {  	s25 =	sadd.s32 $0x3000, s23;
	[sflag:s15] =	ssyncadd.s32 $0xFFFFC000  }
0xe6: {  	[hbm4b:s25+s3] =	stream.linear.scatter [tilespmem:s10], [sflag:$0x2], $0x4000, $0x38;
	[tilespmem:$0x18800] =	vst v63  }
0xe7: {  	_ =	swait.ge [sflag:s17], $0x4000  }
0xe8: {  	[sflag:s17] =	ssyncset.done $0x0  }
0xe9: {  	s26 =	rddreg [dreg:$0xd];
	[sflag:s17] =	ssyncadd.s32 $0xFFFFC000  }
0xea: {  	[tilespmem:s16], [sflag:$0x1] =	stream.indirect.gather [hbm4b:s1+s9], $0x80, s26, s9, $0xb8;
	[tilespmem:$0x18800] =	vst v63  }
0xeb: {  	_ =	swait.ge [sflag:s15], $0x4000  }
0xec: {  	[sflag:s15] =	ssyncset.done $0x0  }
0xed: {  	s23 =	sadd.s32 $0x3800, s23;
	[sflag:s15] =	ssyncadd.s32 $0xFFFFC000  }
0xee: {  	[hbm4b:s23+s3] =	stream.linear.scatter [tilespmem:s11], [sflag:$0x2], $0x4000, $0x38;
	[tilespmem:$0x18800] =	vst v63  }
0xef: {  	_ =	swait.ge [sflag:s17], $0x4000  }
0xf0: {  	[sflag:s17] =	ssyncset.done $0x0  }
0xf1: {  	s28 =	rddreg [dreg:$0xe];
	[sflag:s17] =	ssyncadd.s32 $0xFFFFC000  }
0xf2: {  	[tilespmem:s10], [sflag:$0x1] =	stream.indirect.gather [hbm4b:s1+s9], $0x80, s28, s9, $0xb8;
	[tilespmem:$0x18800] =	vst v63  }
0xf3: {  	_ =	swait.ge [sflag:s15], $0x4000  }
0xf4: {  	s29 =	rddreg [dreg:$0x3];
	[sflag:s15] =	ssyncset.done $0x0  }
0xf5: {  	[sflag:s15] =	ssyncadd.s32 $0xFFFFC000;
	s22 =	sadd.s32 s22, s29  }
0xf6: {  	[hbm4b:s22+s3] =	stream.linear.scatter [tilespmem:s12], [sflag:$0x2], $0x4000, $0x38;
	[tilespmem:$0x18800] =	vst v63  }
0xf7: {  	_ =	swait.ge [sflag:s17], $0x4000  }
0xf8: {  	[sflag:s17] =	ssyncset.done $0x0  }
0xf9: {  	s30 =	rddreg [dreg:$0xf];
	[sflag:s17] =	ssyncadd.s32 $0xFFFFC000  }
0xfa: {  	[tilespmem:s11], [sflag:$0x1] =	stream.indirect.gather [hbm4b:s1+s9], $0x80, s30, s9, $0xb8;
	[tilespmem:$0x18800] =	vst v63  }
0xfb: {  	_ =	swait.ge [sflag:s15], $0x4000  }
0xfc: {  	[sflag:s15] =	ssyncset.done $0x0  }
0xfd: {  	s31 =	sadd.s32 $0x800, s22;
	[sflag:s15] =	ssyncadd.s32 $0xFFFFC000  }
0xfe: {  	[hbm4b:s31+s3] =	stream.linear.scatter [tilespmem:s13], [sflag:$0x2], $0x4000, $0x38;
	[tilespmem:$0x18800] =	vst v63  }
0xff: {  	_ =	swait.ge [sflag:s17], $0x4000  }
0x100: {  	[sflag:s17] =	ssyncset.done $0x0  }
0x101: {  	s24 =	rddreg [dreg:$0x10];
	[sflag:s17] =	ssyncadd.s32 $0xFFFFC000  }
0x102: {  	[tilespmem:s12], [sflag:$0x1] =	stream.indirect.gather [hbm4b:s1+s9], $0x80, s24, s9, $0xb8;
	[tilespmem:$0x18800] =	vst v63  }
0x103: {  	_ =	swait.ge [sflag:s15], $0x4000  }
0x104: {  	[sflag:s15] =	ssyncset.done $0x0  }
0x105: {  	s25 =	sadd.s32 $0x1000, s22;
	[sflag:s15] =	ssyncadd.s32 $0xFFFFC000  }
0x106: {  	[hbm4b:s25+s3] =	stream.linear.scatter [tilespmem:s14], [sflag:$0x2], $0x4000, $0x38;
	[tilespmem:$0x18800] =	vst v63  }
0x107: {  	_ =	swait.ge [sflag:s17], $0x4000  }
0x108: {  	[sflag:s17] =	ssyncset.done $0x0  }
0x109: {  	s26 =	rddreg [dreg:$0x11];
	[sflag:s17] =	ssyncadd.s32 $0xFFFFC000  }
0x10a: {  	[tilespmem:s13], [sflag:$0x1] =	stream.indirect.gather [hbm4b:s1+s9], $0x80, s26, s9, $0xb8;
	[tilespmem:$0x18800] =	vst v63  }
0x10b: {  	_ =	swait.ge [sflag:s15], $0x4000  }
0x10c: {  	[sflag:s15] =	ssyncset.done $0x0  }
0x10d: {  	s28 =	sadd.s32 $0x1800, s22;
	[sflag:s15] =	ssyncadd.s32 $0xFFFFC000  }
0x10e: {  	[hbm4b:s28+s3] =	stream.linear.scatter [tilespmem:s16], [sflag:$0x2], $0x4000, $0x38;
	[tilespmem:$0x18800] =	vst v63  }
0x10f: {  	_ =	swait.ge [sflag:s15], $0x4000  }
0x110: {  	[sflag:s15] =	ssyncset.done $0x0  }
0x111: {  	s29 =	sadd.s32 $0x2000, s22;
	[sflag:s15] =	ssyncadd.s32 $0xFFFFC000  }
0x112: {  	[hbm4b:s29+s3] =	stream.linear.scatter [tilespmem:s10], [sflag:$0x2], $0x4000, $0x38;
	[tilespmem:$0x18800] =	vst v63  }
0x113: {  	_ =	swait.ge [sflag:s15], $0x4000  }
0x114: {  	[sflag:s15] =	ssyncset.done $0x0  }
0x115: {  	s30 =	sadd.s32 $0x2800, s22;
	[sflag:s15] =	ssyncadd.s32 $0xFFFFC000  }
0x116: {  	[hbm4b:s30+s3] =	stream.linear.scatter [tilespmem:s11], [sflag:$0x2], $0x4000, $0x38;
	[tilespmem:$0x18800] =	vst v63  }
0x117: {  	_ =	swait.ge [sflag:s15], $0x4000  }
0x118: {  	[sflag:s15] =	ssyncset.done $0x0  }
0x119: {  	s31 =	sadd.s32 $0x3000, s22;
	[sflag:s15] =	ssyncadd.s32 $0xFFFFC000  }
0x11a: {  	[hbm4b:s31+s3] =	stream.linear.scatter [tilespmem:s12], [sflag:$0x2], $0x4000, $0x38;
	[tilespmem:$0x18800] =	vst v63  }
0x11b: {  	_ =	swait.ge [sflag:s15], $0x4000  }
0x11c: {  	[sflag:s15] =	ssyncset.done $0x0  }
0x11d: {  	s22 =	sadd.s32 $0x3800, s22;
	[sflag:s15] =	ssyncadd.s32 $0xFFFFC000  }
0x11e: {  	[hbm4b:s22+s3] =	stream.linear.scatter [tilespmem:s13], [sflag:$0x2], $0x4000, $0x38;
	[tilespmem:$0x18800] =	vst v63  }
0x11f: {  	_ =	swait.ge [sflag:s17], $0x4000  }
0x120: {  	[sflag:s17] =	ssyncset.done $0x0  }
0x121: {  	[sflag:s17] =	ssyncadd.s32 $0xFFFFC000  }
0x122: {  	_ =	swait.ge [sflag:s17], $0x4000  }
0x123: {  	[sflag:s17] =	ssyncset.done $0x0  }
0x124: {  	[sflag:s17] =	ssyncadd.s32 $0xFFFFC000  }
0x125: {  	_ =	swait.ge [sflag:s17], $0x4000  }
0x126: {  	[sflag:s17] =	ssyncset.done $0x0  }
0x127: {  	[sflag:s17] =	ssyncadd.s32 $0xFFFFC000  }
0x128: {  	_ =	swait.ge [sflag:s17], $0x4000  }
0x129: {  	[sflag:s17] =	ssyncset.done $0x0  }
0x12a: {  	p0 =	sne.s32 s19, $0x24000;
	[sflag:s17] =	ssyncadd.s32 $0xFFFFC000  }
.Ltmp0:
0x12b: {  	_ =	swait.ge [sflag:s17], $0x4000;
	(pc) =	sbr.rel @p0 .LBB2_2-.Ltmp0, $4  }
0x12c: {  	[sflag:s17] =	ssyncset.done $0x0  }
0x12d: {  	[sflag:s17] =	ssyncadd.s32 $0xFFFFC000  }
0x12e: {  	_ =	swait.ge [sflag:s17], $0x4000  }
0x12f: {  	s19 =	sadd.s32 $0x4000, s19;
	[sflag:s17] =	ssyncset.done $0x0  }
0x130: {  	s18 =	sadd.s32 $0x1, s18  }
0x131: {  	p0 =	sne.s32 s18, s4  }
.Ltmp1:
0x132: {  	_ = 	snop;
	(pc) =	sbr.rel @p0 .LBB2_1-.Ltmp1, $2  }
0x133: {  	_ =	sdelay $0x2  }
0x134: {  	[sflag:s17] =	ssyncadd.s32 $0xFFFFC000  }
0x135: {  	_ =	sfence.sel $0x180000  }
0x136: {  	[bflag:$0x0] =	sbarrier.arrive $0xFFFF  }
0x137: {  	p0 =	sne.s32 s2, $0x0;
	_ =	strace $0x90000047  }
0x138: {  	s0 =	sadd.s32 @!p0 $0x100000, s0;
	[bflag:$0x2] =	sbarrier.arrive $0xFFFF  }
0x139: {  	[sflag:s0] =	ssyncadd.tile.s32 @!p0 $0x1;
	_ =	shalt  }
.Lfunc_end2:
_tile_overlayer_lowered:
.L_overlay_start_2:
0x13a: {  	(tag) =	ssettag $0x2  }
0x13b: {  	s0 =	rddreg [dreg:$0x0];
	s2 =	stileid.u32  }
0x13c: {  	s1 =	rddreg [dreg:$0x1];
	p0 =	sne.s32 s2, $0x0  }
0x13d: {  	s3 =	rddreg [dreg:$0x2];
	[bflag:$0x3] =	sbarrier.arrive $0xFFFF;
	s2 =	simm.s32 @!p0 $0x1C03  }
0x13e: {  	[timem:s3], [sflag:s2] =	dma.local @!p0 [hbm:s0], s1  }
0x13f: {  	s0 =	simm.s32 @!p0 $0x3  }
0x140: {  	_ =	swait.ge @!p0 [sflag:s0], s1  }
0x141: {  	s1 =	ssub.s32 @!p0 $0x0, s1;
	[sflag:s0] =	ssyncset.done @!p0 $0x0  }
0x142: {  	[sflag:s0] =	ssyncadd.s32 @!p0 s1  }
0x143: {  	[bflag:$0x3] =	sbarrier.arrive $0xFFFF  }
0x144: {  	_ =	shalt  }

// kernel: kernel.9.cloned.1.call-start
scs
__scs_entry_jumppad:
0x0: {  	(pc) =	sbr.rel $0x88, $3  }
0x1: {  	(tag) =	ssettag $0x0;
	lr =	simm.s32 $0x1  }
0x2: {  	[smem:$0x3F92] =	sst lr;
	_ =	strace $0xD0000000  }
0x3: {  	_ = 	snop  }
0x4: {  	_ = 	snop  }
0x5: {  	_ = 	snop  }
0x6: {  	_ = 	snop  }
0x7: {  	_ = 	snop  }
__scs_overlays_trampoline_lowered:
0x8: {  	[smem:$0x3FA1] =	sst s0  }
0x9: {  	[smem:$0x3FA2] =	sst s1  }
0xa: {  	[smem:$0x3FA3] =	sst s2  }
0xb: {  	[smem:$0x3FA4] =	sst s3  }
0xc: {  	[smem:$0x3FA5] =	sst s4  }
0xd: {  	[smem:$0x3FA6] =	sst s5  }
0xe: {  	[smem:$0x3FA7] =	sst s6  }
0xf: {  	[smem:$0x3FA8] =	sst s7  }
0x10: {  	[smem:$0x3FA9] =	sst s8  }
0x11: {  	[smem:$0x3FAA] =	sst s9;
	s0 =	simm.s32 @!p0 $0x0  }
0x12: {  	s1 =	sld [smem:$0x3F90];
	s0 =	simm.s32 @p0 $0x1  }
0x13: {  	[smem:$0x3FAB] =	sst s0;
	s0 =	simm.s32 @!p1 $0x0  }
0x14: {  	s2 =	sld [smem:$0x3F8F];
	s0 =	simm.s32 @p1 $0x1  }
0x15: {  	[smem:$0x3FAC] =	sst s0;
	s0 =	simm.s32 @!p2 $0x0  }
0x16: {  	s3 =	sld [smem:$0x3FDB];
	s0 =	simm.s32 @p2 $0x1  }
0x17: {  	s4 =	simm.s32 $0x1BF5;
	[smem:$0x3FAE] =	sst s0  }
0x18: {  	s0 =	sld [smem:$0x3F91];
	_ =	swait.ge [sflag:s4], $0x0  }
0x19: {  	s7 =	sld [smem:$0x3F92]  }
0x1a: {  	s8 =	sadd.s32 $0xFFFFE003, lr  }
0x1b: {  	s9 =	sadd.s32 $0xFFFFFEF7, lr;
	s5 =	simm.s32 $0xFFFFFFFF;
	p2 =	slt.u32 s8, $0xFFFFF086  }
0x1c: {  	p1 =	slt.u32 s9, $0xF7A;
	s5 =	simm.s32 @!p2 $0x0  }
0x1d: {  	s5 =	simm.s32 @p1 $0x1;
	p0 =	seq.s32 s7, s2  }
0x1e: {  	s7 =	smul.u32 @!p0 $0xF7A, s2;
	p2 =	seq.s32 @!p0 s5, $0x0  }
0x1f: {  	s9 =	smul.u32 $0xF7A, s1;
	s8 =	simm.s32 @!p0 $0x1BF5;
	p2 =	por !p2, p0  }
0x20: {  	[sflag:s8] =	ssyncset.s32 @!p0 $0xFFFFF086;
	s6 =	sadd.s32 @!p0 s3, s7;
	s7 =	simm.s32 @!p0 $0x108  }
0x21: {  	s3 =	sadd.s32 s3, s9;
	s6 =	sadd.s32 @!p0 $0x88, s6;
	s7 =	simm.s32 @p2 $0x1082  }
0x22: {  	[simem:s7], [sflag:s8] =	dma.local @!p0 [hbm:s6], $0xF7A  }
0x23: {  	s9 =	sor.u32 $0xD0000000, s2;
	s6 =	simm.s32 $0x108;
	_ =	swait.ge @!p0 [sflag:s8], $0x0  }
0x24: {  	s3 =	sadd.s32 $0x88, s3;
	s6 =	simm.s32 @!p1 $0x1082;
	[sflag:s4] =	ssyncset.s32 $0xFFFFF086  }
0x25: {  	[simem:s6], [sflag:s4] =	dma.local [hbm:s3], $0xF7A  }
0x26: {  	[smem:$0x3F92] =	sst s1;
	(tag) =	ssettag s2;
	_ =	strace s9  }
0x27: {  	s1 =	sld [smem:$0x3FA2]  }
0x28: {  	s2 =	sld [smem:$0x3FA3]  }
0x29: {  	s4 =	sld [smem:$0x3FA5]  }
0x2a: {  	p0 =	seq.s32 s5, $0x0;
	s5 =	sld [smem:$0x3FA6]  }
0x2b: {  	s6 =	sld [smem:$0x3FA7]  }
0x2c: {  	s7 =	sld [smem:$0x3FA8]  }
0x2d: {  	s3 =	simm.s32 $0x108;
	s8 =	sld [smem:$0x3FA9]  }
0x2e: {  	s3 =	simm.s32 @!p0 $0x1082;
	s9 =	sld [smem:$0x3FAA]  }
0x2f: {  	lr =	sadd.s32 s0, s3;
	s0 =	sld [smem:$0x3FA1]  }
0x30: {  	s3 =	sld [smem:$0x3FA4]  }
0x31: {  	[smem:$0x3FAD] =	sst s10  }
0x32: {  	s10 =	sld [smem:$0x3FAB];
	_ =	sdelay $0x3  }
0x33: {  	p0 =	seq.s32 s10, $0x1;
	s10 =	sld [smem:$0x3FAD];
	_ =	sdelay $0x3  }
0x34: {  	[smem:$0x3FAD] =	sst s10  }
0x35: {  	s10 =	sld [smem:$0x3FAC];
	_ =	sdelay $0x3  }
0x36: {  	p1 =	seq.s32 s10, $0x1;
	s10 =	sld [smem:$0x3FAD];
	_ =	sdelay $0x3  }
0x37: {  	[smem:$0x3FAD] =	sst s10  }
0x38: {  	s10 =	sld [smem:$0x3FAE]  }
0x39: {  	_ = 	snop;
	(pc) =	sbr.ind lr, $3  }
0x3a: {  	_ = 	snop  }
0x3b: {  	_ = 	snop  }
0x3c: {  	p2 =	seq.s32 s10, $0x1;
	s10 =	sld [smem:$0x3FAD]  }
0x3d: {  	_ =	shalt  }
0x3e: {  	_ =	shalt  }
0x3f: {  	_ =	shalt  }
0x40: {  	_ =	shalt  }
0x41: {  	_ =	shalt  }
0x42: {  	_ =	shalt  }
0x43: {  	_ =	shalt  }
0x44: {  	_ =	shalt  }
0x45: {  	_ =	shalt  }
0x46: {  	_ =	shalt  }
0x47: {  	_ =	shalt  }
0x48: {  	_ =	shalt  }
0x49: {  	_ =	shalt  }
0x4a: {  	_ =	shalt  }
0x4b: {  	_ =	shalt  }
0x4c: {  	_ =	shalt  }
0x4d: {  	_ =	shalt  }
0x4e: {  	_ =	shalt  }
0x4f: {  	_ =	shalt  }
0x50: {  	_ =	shalt  }
0x51: {  	_ =	shalt  }
0x52: {  	_ =	shalt  }
0x53: {  	_ =	shalt  }
0x54: {  	_ =	shalt  }
0x55: {  	_ =	shalt  }
0x56: {  	_ =	shalt  }
0x57: {  	_ =	shalt  }
0x58: {  	_ =	shalt  }
0x59: {  	_ =	shalt  }
0x5a: {  	_ =	shalt  }
0x5b: {  	_ =	shalt  }
0x5c: {  	_ =	shalt  }
0x5d: {  	_ =	shalt  }
0x5e: {  	_ =	shalt  }
0x5f: {  	_ =	shalt  }
0x60: {  	_ =	shalt  }
0x61: {  	_ =	shalt  }
0x62: {  	_ =	shalt  }
0x63: {  	_ =	shalt  }
0x64: {  	_ =	shalt  }
0x65: {  	_ =	shalt  }
0x66: {  	_ =	shalt  }
0x67: {  	_ =	shalt  }
0x68: {  	_ =	shalt  }
0x69: {  	_ =	shalt  }
0x6a: {  	_ =	shalt  }
0x6b: {  	_ =	shalt  }
0x6c: {  	_ =	shalt  }
0x6d: {  	_ =	shalt  }
0x6e: {  	_ =	shalt  }
0x6f: {  	_ =	shalt  }
0x70: {  	_ =	shalt  }
0x71: {  	_ =	shalt  }
0x72: {  	_ =	shalt  }
0x73: {  	_ =	shalt  }
0x74: {  	_ =	shalt  }
0x75: {  	_ =	shalt  }
0x76: {  	_ =	shalt  }
0x77: {  	_ =	shalt  }
0x78: {  	_ =	shalt  }
0x79: {  	_ =	shalt  }
0x7a: {  	_ =	shalt  }
0x7b: {  	_ =	shalt  }
0x7c: {  	_ =	shalt  }
0x7d: {  	_ =	shalt  }
0x7e: {  	_ =	shalt  }
0x7f: {  	_ =	shalt  }
0x80: {  	_ =	shalt  }
0x81: {  	_ =	shalt  }
0x82: {  	_ =	shalt  }
0x83: {  	_ =	shalt  }
0x84: {  	_ =	shalt  }
0x85: {  	_ =	shalt  }
0x86: {  	_ =	shalt  }
0x87: {  	_ =	shalt  }
.Lfunc_end0:
.L_simem_size_0:
called_computation.1_lowered:
.L_overlay_start_0:
0x88: {  	s2 =	sld [smem:$0x3FD9]  }
0x89: {  	s3 =	sld [smem:$0x3FFE];
	_ =	sdelay $0x1  }
0x8a: {  	s1 =	srdreg.scid  }
0x8b: {  	s0 =	sand.u32 $0x1, s1  }
0x8c: {  	s14 =	sshll.u32 s0, $0xA;
	s2 =	sadd.s32 s3, s2  }
0x8d: {  	s2 =	sadd.s32 s2, s14  }
0x8e: {  	[smem:$0x3FB9] =	sst s2  }
0x8f: {  	_ = 	snop  }
0x90: {  	s2 =	sld [smem:$0x3FD0];
	_ =	sdelay $0x2  }
0x91: {  	s15 =	simm.s32 $0xA;
	s4 =	simm.s32 $0x10  }
0x92: {  	[smem:s4], [sflag:s15] =	dma.local [hbm:s2], $0x1  }
0x93: {  	_ =	swait.eq [sflag:s15], $0x1  }
0x94: {  	[sflag:s15] =	ssyncset.done $0x0  }
0x95: {  	s16 =	sld [smem:$0x10];
	[sflag:s15] =	ssyncadd.s32 $0xFFFFFFFF  }
0x96: {  	s17 =	sld [smem:$0x11];
	(tm) =	ssettm $0x1  }
0x97: {  	s18 =	sld [smem:$0x3FFB];
	_ =	sdelay $0x3  }
0x98: {  	_ =	strace s18  }
0x99: {  	s4 =	sld [smem:$0x3FFC];
	_ =	sdelay $0x3  }
0x9a: {  	_ =	strace s4  }
0x9b: {  	s4 =	sld [smem:$0x3FFD];
	_ =	sdelay $0x3  }
0x9c: {  	_ =	strace s4  }
0x9d: {  	_ =	strace $0x8FFFFFFF  }
0x9e: {  	s19 =	sld [smem:$0x3FDB];
	_ =	sdelay $0x1  }
0x9f: {  	s5 =	simm.s32 $_scs_section_size  }
0xa0: {  	s6 =	simm.s32 $_size__tile_overlayer_lowered;
	s7 =	simm.s32 $_tile_overlayer_lowered  }
0xa1: {  	s22 =	simm.s32 $0x1BFF;
	s21 =	sshll.u32 s7, $0x1;
	s4 =	sadd.s32 s5, s19  }
0xa2: {  	s8 =	simm.s32 $0x0;
	s20 =	sshll.u32 s6, $0x1;
	s6 =	sadd.s32 s21, s4  }
0xa3: {  	[timem:s8], [sflag:s22] =	dma.local [hbm:s6], s20  }
0xa4: {  	_ =	swait.ge [sflag:s22], s20  }
0xa5: {  	s5 =	ssub.s32 $0x0, s20;
	[sflag:s22] =	ssyncset.done $0x0  }
0xa6: {  	[sflag:s22] =	ssyncadd.s32 s5;
	_ =	sdelay $0x1  }
0xa7: {  	s23 =	simm.s32 $0x1B8B  }
0xa8: {  	_ =	swait.ge [sflag:s23], $0x1  }
0xa9: {  	[sflag:s23] =	ssyncset.done $0x0  }
0xaa: {  	s25 =	simm.s32 $0x1B8E;
	s24 =	sld [smem:$0x3FFE];
	[sflag:s23] =	ssyncadd.s32 $0xFFFFFFFF  }
0xab: {  	s26 =	simm.s32 $execute0_lowered;
	[smem:$0x3FD2] =	sst s25  }
0xac: {  	s6 =	sshll.u32 s26, $0x1;
	_ =	strace $0x80000049;
	[dreg:$0x1] =	wrdreg $0xFFFFFFFF  }
0xad: {  	s28 =	simm.s32 $_size_execute0_lowered;
	s4 =	sadd.s32 s4, s6;
	[dreg:$0x0] =	wrdreg $0x0  }
0xae: {  	s6 =	sshll.u32 s28, $0x1;
	[dreg:$0x2] =	wrdreg s4  }
0xaf: {  	[dreg:$0x3] =	wrdreg s6  }
0xb0: {  	[dreg:$0x4] =	wrdreg $0xC0  }
0xb1: {  	_ =	task [dreg:s8], $0x5FFFF  }
0xb2: {  	[dreg:$0x1] =	wrdreg $0xFFFFFFFF  }
0xb3: {  	[dreg:$0x0] =	wrdreg $0x60  }
0xb4: {  	[dreg:$0x2] =	wrdreg s24  }
0xb5: {  	[dreg:$0x3] =	wrdreg s17  }
0xb6: {  	[dreg:$0x4] =	wrdreg s16  }
0xb7: {  	[dreg:$0x5] =	wrdreg $0x0  }
0xb8: {  	[dreg:$0x6] =	wrdreg $0x9  }
0xb9: {  	_ =	task.clear_ibuf [dreg:s8], $0x7FFFF;
	_ =	strace $0x90000049  }
0xba: {  	s29 =	simm.s32 $0x9;
	_ =	strace $0x8000004B  }
0xbb: {  	_ =	swait.ge [sflag:s29], $0x1  }
0xbc: {  	[sflag:s29] =	ssyncadd.s32 $0xFFFFFFFF  }
0xbd: {  	_ =	strace $0x9000004B  }
0xbe: {  	_ =	sfence  }
0xbf: {  	s30 =	sld [smem:$0x0];
	_ =	sdelay $0x2  }
0xc0: {  	s31 =	sshll.u32 s1, $0xD;
	s1 =	sshrl.u32 s1, $0x2  }
0xc1: {  	s3 =	sand.u32 $0x4000, s31;
	s1 =	sadd.s32 s1, s30  }
0xc2: {  	s0 =	sor.u32 s3, s0;
	s1 =	sshll.u32 s1, $0x11  }
0xc3: {  	s0 =	sor.u32 s1, s0  }
0xc4: {  	s0 =	sadd.s32 $0x8F2B, s0  }
0xc5: {  	[sflag:s0] =	ssyncadd.remote.s32 $0x1  }
0xc6: {  	_ =	sfence.sel $0xFFFF  }
0xc7: {  	[dreg:$0x0] =	wrdreg $0xFFFFFFFF;
	(pc) =	sbr.abs _section_cstart, $3  }
0xc8: {  	[dreg:$0x1] =	wrdreg $0xFFFFFFFF  }
0xc9: {  	_ =	task.clear_ibuf [dreg:s8], $0x2FFFF;
	_ =	strace $0x9FFFFFFF  }
0xca: {  	(tm) =	ssettm $0x7FFFFFFF  }
0xcb: {  	_ =	shalt  }
tec
execute0_lowered:
.L_overlay_start_1:
0x0: {  	(tag) =	ssettag $0x1  }
0x1: {  	s0 =	rddreg [dreg:$0x0]  }
0x2: {  	s1 =	rddreg [dreg:$0x1]  }
0x3: {  	s6 =	rddreg [dreg:$0x2];
	s3 =	srdreg.scid  }
0x4: {  	s2 =	rddreg [dreg:$0x3];
	s16 =	stileid.u32  }
0x5: {  	s28 =	simm.s32 $0x2;
	s29 =	simm.s32 $0x14800;
	s13 =	smul.u32 $0x14000, s16  }
0x6: {  	s30 =	simm.s32 $0x80;
	s31 =	simm.s32 $0x14200;
	s17 =	smul.u32 $0x2800, s16  }
0x7: {  	s4 =	sand.u32 $0x1, s3;
	s3 =	simm.s32 $0x0;
	s22 =	smul.u32 $0x500, s16  }
0x8: {  	s25 =	sadd.s32 $0x143EA00, s0;
	s26 =	sadd.s32 $0x34A00, s0;
	s23 =	smul.u32 $0x28000, s16  }
0x9: {  	s12 =	sshll.u32 s16, $0x7;
	s5 =	smul.u32 $0x280000, s4;
	[smem:$0x7FF] =	sst s3  }
0xa: {  	s7 =	smul.u32 $0x28000, s4;
	s14 =	ssub.s32 $0x2, s4;
	s11 =	sshll.u32 s4, $0x4  }
0xb: {  	s1 =	sadd.s32 s1, s12;
	_ =	strace $0x8000004A;
	[dreg:$0xf] =	wrdreg s25  }
0xc: {  	s4 =	smul.u32 $0x5000, s4;
	s12 =	simm.s32 $0x14600;
	[dreg:$0x5] =	wrdreg s1  }
0xd: {  	s10 =	sshrl.u32 s14, $0x1;
	s11 =	sor.u32 s16, s11;
	[dreg:$0x7] =	wrdreg s17  }
0xe: {  	s18 =	sshrl.u32 s13, $0x3;
	[dreg:$0x11] =	wrdreg s26;
	s16 =	sadd.s32 $0x1440200, s0  }
0xf: {  	s17 =	sadd.s32 $0x1440A00, s0;
	s13 =	simm.s32 $0x14680;
	s8 =	sadd.s32 s5, s0  }
0x10: {  	s9 =	sadd.s32 s7, s0;
	s10 =	ssub.s32 s14, s10;
	s7 =	smul.u32 $0x50, s11  }
0x11: {  	s19 =	sadd.s32 $0x800, s18;
	s20 =	sadd.s32 $0x1000, s18;
	s21 =	sadd.s32 $0x1800, s18  }
0x12: {  	s14 =	sadd.s32 $0x143F200, s0;
	s4 =	sadd.s32 s4, s26;
	s1 =	sadd.s32 $0x2000, s18  }
0x13: {  	s11 =	simm.s32 $0x14580;
	s18 =	simm.s32 $0x14780;
	[dreg:$0x8] =	wrdreg s19  }
0x14: {  	s5 =	simm.s32 $0x0;
	s15 =	sadd.s32 $0x8EA00, s9;
	[dreg:$0x9] =	wrdreg s20  }
0x15: {  	[dreg:$0xa] =	wrdreg s21;
	s4 =	sadd.s32 s22, s4;
	s19 =	sadd.s32 $0x1441200, s0  }
0x16: {  	s24 =	sadd.s32 s23, s8;
	s20 =	sadd.s32 $0x1441A00, s0;
	[dreg:$0xc] =	wrdreg s1  }
0x17: {  	s22 =	sadd.s32 $0x1442200, s0;
	s25 =	sadd.s32 $0x3EA00, s9;
	s26 =	smax.u32 s10, $0x1  }
0x18: {  	s9 =	simm.s32 $0x14000;
	s23 =	simm.s32 $0x14180;
	[dreg:$0x6] =	wrdreg s15  }
0x19: {  	s8 =	simm.s32 $0x14400;
	s10 =	simm.s32 $0x14500;
	[dreg:$0xb] =	wrdreg s4  }
0x1a: {  	s21 =	simm.s32 $0x14700;
	s15 =	sadd.s32 $0x143FA00, s0;
	[dreg:$0xd] =	wrdreg s25  }
0x1b: {  	[dreg:$0xe] =	wrdreg s26;
	s25 =	sadd.s32 $0xF3EA00, s24;
	s26 =	simm.s32 $0x14080  }
0x1c: {  	s4 =	simm.s32 $0x14100;
	s24 =	simm.s32 $0x14480;
	s0 =	simm.s32 $0x18800  }
.LBB2_1:
0x1d: {  	[dreg:$0x10] =	wrdreg s5  }
0x1e: {  	s1 =	rddreg [dreg:$0x5]  }
0x1f: {  	[tilespmem:s9], [sflag:$0x2] =	stream.linear.gather [hbm4b:s1+s3], $0x400, $0x38;
	[tilespmem:$0x1C800] =	vst v63  }
0x20: {  	_ =	swait.ge [sflag:s28], $0x400  }
0x21: {  	[sflag:s28] =	ssyncset.done $0x0  }
0x22: {  	[sflag:s28] =	ssyncadd.s32 $0xFFFFFC00  }
0x23: {  	[tilespmem:s29], [sflag:$0x2] =	stream.linear.gather [hbm4b:s6+s3], $0x4000, $0x38;
	[tilespmem:$0x1C800] =	vst v63  }
0x24: {  	_ =	swait.ge [sflag:s28], $0x4000  }
0x25: {  	[sflag:s28] =	ssyncset.done $0x0  }
0x26: {  	[sflag:s28] =	ssyncadd.s32 $0xFFFFC000  }
0x27: {  	[spmem:s2] =	stream.indirect.scatter [tilespmem:s29], [sflag:$0x2], $0x80, s9, s30, $0xb8;
	[tilespmem:$0x1C800] =	vst v63  }
0x28: {  	_ =	swait.ge [sflag:s28], $0x4000  }
0x29: {  	[sflag:s28] =	ssyncset.done $0x0  }
0x2a: {  	[sflag:s28] =	ssyncadd.s32 $0xFFFFC000  }
0x2b: {  	[spmem:s2] =	stream.indirect.scatter [tilespmem:s29], [sflag:$0x2], $0x80, s26, s30, $0xb8;
	[tilespmem:$0x1C800] =	vst v63  }
0x2c: {  	_ =	swait.ge [sflag:s28], $0x4000  }
0x2d: {  	[sflag:s28] =	ssyncset.done $0x0  }
0x2e: {  	[sflag:s28] =	ssyncadd.s32 $0xFFFFC000  }
0x2f: {  	[spmem:s2] =	stream.indirect.scatter [tilespmem:s29], [sflag:$0x2], $0x80, s4, s30, $0xb8;
	[tilespmem:$0x1C800] =	vst v63  }
0x30: {  	_ =	swait.ge [sflag:s28], $0x4000  }
0x31: {  	[sflag:s28] =	ssyncset.done $0x0  }
0x32: {  	[sflag:s28] =	ssyncadd.s32 $0xFFFFC000  }
0x33: {  	[spmem:s2] =	stream.indirect.scatter [tilespmem:s29], [sflag:$0x2], $0x80, s23, s30, $0xb8;
	[tilespmem:$0x1C800] =	vst v63  }
0x34: {  	_ =	swait.ge [sflag:s28], $0x4000  }
0x35: {  	[sflag:s28] =	ssyncset.done $0x0  }
0x36: {  	[sflag:s28] =	ssyncadd.s32 $0xFFFFC000  }
0x37: {  	[spmem:s2] =	stream.indirect.scatter [tilespmem:s29], [sflag:$0x2], $0x80, s31, s30, $0xb8;
	[tilespmem:$0x1C800] =	vst v63  }
0x38: {  	_ =	swait.ge [sflag:s28], $0x4000  }
0x39: {  	[sflag:s28] =	ssyncset.done $0x0  }
0x3a: {  	[sflag:s28] =	ssyncadd.s32 $0xFFFFC000  }
0x3b: {  	[bflag:$0x0] =	sbarrier.arrive $0xFFFF  }
0x3c: {  	s9 =	rddreg [dreg:$0xb]  }
0x3d: {  	[tilespmem:s8], [sflag:$0x2] =	stream.linear.gather [hbm4b:s9+s3], $0x400, $0x38;
	[tilespmem:$0x1C800] =	vst v63  }
0x3e: {  	_ =	swait.ge [sflag:s28], $0x400  }
0x3f: {  	[sflag:s28] =	ssyncset.done $0x0  }
0x40: {  	s1 =	sadd.s32 $0x0, s25;
	[sflag:s28] =	ssyncadd.s32 $0xFFFFFC00  }
0x41: {  	[tilespmem:s29], [sflag:$0x2] =	stream.linear.gather [hbm4b:s1+s3], $0x4000, $0x38;
	[tilespmem:$0x1C800] =	vst v63  }
0x42: {  	_ =	swait.ge [sflag:s28], $0x4000  }
0x43: {  	[sflag:s28] =	ssyncset.done $0x0  }
0x44: {  	[sflag:s28] =	ssyncadd.s32 $0xFFFFC000  }
0x45: {  	[spmem:s2] =	stream.indirect.scatter.add.f32 [tilespmem:s29], [sflag:$0x2], $0x80, s8, s30, $0xb8;
	[tilespmem:$0x1C800] =	vst v63  }
0x46: {  	_ =	swait.ge [sflag:s28], $0x4000  }
0x47: {  	[sflag:s28] =	ssyncset.done $0x0  }
0x48: {  	s31 =	sadd.s32 $0x800, s1;
	[sflag:s28] =	ssyncadd.s32 $0xFFFFC000  }
0x49: {  	[tilespmem:s29], [sflag:$0x2] =	stream.linear.gather [hbm4b:s31+s3], $0x4000, $0x38;
	[tilespmem:$0x1C800] =	vst v63  }
0x4a: {  	_ =	swait.ge [sflag:s28], $0x4000  }
0x4b: {  	[sflag:s28] =	ssyncset.done $0x0  }
0x4c: {  	[sflag:s28] =	ssyncadd.s32 $0xFFFFC000  }
0x4d: {  	[spmem:s2] =	stream.indirect.scatter.add.f32 [tilespmem:s29], [sflag:$0x2], $0x80, s24, s30, $0xb8;
	[tilespmem:$0x1C800] =	vst v63  }
0x4e: {  	_ =	swait.ge [sflag:s28], $0x4000  }
0x4f: {  	[sflag:s28] =	ssyncset.done $0x0  }
0x50: {  	s5 =	sadd.s32 $0x1000, s1;
	[sflag:s28] =	ssyncadd.s32 $0xFFFFC000  }
0x51: {  	[tilespmem:s29], [sflag:$0x2] =	stream.linear.gather [hbm4b:s5+s3], $0x4000, $0x38;
	[tilespmem:$0x1C800] =	vst v63  }
0x52: {  	_ =	swait.ge [sflag:s28], $0x4000  }
0x53: {  	[sflag:s28] =	ssyncset.done $0x0  }
0x54: {  	[sflag:s28] =	ssyncadd.s32 $0xFFFFC000  }
0x55: {  	[spmem:s2] =	stream.indirect.scatter.add.f32 [tilespmem:s29], [sflag:$0x2], $0x80, s10, s30, $0xb8;
	[tilespmem:$0x1C800] =	vst v63  }
0x56: {  	_ =	swait.ge [sflag:s28], $0x4000  }
0x57: {  	[sflag:s28] =	ssyncset.done $0x0  }
0x58: {  	s6 =	sadd.s32 $0x1800, s1;
	[sflag:s28] =	ssyncadd.s32 $0xFFFFC000  }
0x59: {  	[tilespmem:s29], [sflag:$0x2] =	stream.linear.gather [hbm4b:s6+s3], $0x4000, $0x38;
	[tilespmem:$0x1C800] =	vst v63  }
0x5a: {  	_ =	swait.ge [sflag:s28], $0x4000  }
0x5b: {  	[sflag:s28] =	ssyncset.done $0x0  }
0x5c: {  	[sflag:s28] =	ssyncadd.s32 $0xFFFFC000  }
0x5d: {  	[spmem:s2] =	stream.indirect.scatter.add.f32 [tilespmem:s29], [sflag:$0x2], $0x80, s11, s30, $0xb8;
	[tilespmem:$0x1C800] =	vst v63  }
0x5e: {  	_ =	swait.ge [sflag:s28], $0x4000  }
0x5f: {  	[sflag:s28] =	ssyncset.done $0x0  }
0x60: {  	s23 =	sadd.s32 $0x2000, s1;
	[sflag:s28] =	ssyncadd.s32 $0xFFFFC000  }
0x61: {  	[tilespmem:s29], [sflag:$0x2] =	stream.linear.gather [hbm4b:s23+s3], $0x4000, $0x38;
	[tilespmem:$0x1C800] =	vst v63  }
0x62: {  	_ =	swait.ge [sflag:s28], $0x4000  }
0x63: {  	[sflag:s28] =	ssyncset.done $0x0  }
0x64: {  	[sflag:s28] =	ssyncadd.s32 $0xFFFFC000  }
0x65: {  	[spmem:s2] =	stream.indirect.scatter.add.f32 [tilespmem:s29], [sflag:$0x2], $0x80, s12, s30, $0xb8;
	[tilespmem:$0x1C800] =	vst v63  }
0x66: {  	_ =	swait.ge [sflag:s28], $0x4000  }
0x67: {  	[sflag:s28] =	ssyncset.done $0x0  }
0x68: {  	s26 =	sadd.s32 $0x2800, s1;
	[sflag:s28] =	ssyncadd.s32 $0xFFFFC000  }
0x69: {  	[tilespmem:s29], [sflag:$0x2] =	stream.linear.gather [hbm4b:s26+s3], $0x4000, $0x38;
	[tilespmem:$0x1C800] =	vst v63  }
0x6a: {  	_ =	swait.ge [sflag:s28], $0x4000  }
0x6b: {  	[sflag:s28] =	ssyncset.done $0x0  }
0x6c: {  	[sflag:s28] =	ssyncadd.s32 $0xFFFFC000  }
0x6d: {  	[spmem:s2] =	stream.indirect.scatter.add.f32 [tilespmem:s29], [sflag:$0x2], $0x80, s13, s30, $0xb8;
	[tilespmem:$0x1C800] =	vst v63  }
0x6e: {  	_ =	swait.ge [sflag:s28], $0x4000  }
0x6f: {  	[sflag:s28] =	ssyncset.done $0x0  }
0x70: {  	s31 =	sadd.s32 $0x3000, s1;
	[sflag:s28] =	ssyncadd.s32 $0xFFFFC000  }
0x71: {  	[tilespmem:s29], [sflag:$0x2] =	stream.linear.gather [hbm4b:s31+s3], $0x4000, $0x38;
	[tilespmem:$0x1C800] =	vst v63  }
0x72: {  	_ =	swait.ge [sflag:s28], $0x4000  }
0x73: {  	[sflag:s28] =	ssyncset.done $0x0  }
0x74: {  	[sflag:s28] =	ssyncadd.s32 $0xFFFFC000  }
0x75: {  	[spmem:s2] =	stream.indirect.scatter.add.f32 [tilespmem:s29], [sflag:$0x2], $0x80, s21, s30, $0xb8;
	[tilespmem:$0x1C800] =	vst v63  }
0x76: {  	_ =	swait.ge [sflag:s28], $0x4000  }
0x77: {  	[sflag:s28] =	ssyncset.done $0x0  }
0x78: {  	s1 =	sadd.s32 $0x3800, s1;
	[sflag:s28] =	ssyncadd.s32 $0xFFFFC000  }
0x79: {  	[tilespmem:s29], [sflag:$0x2] =	stream.linear.gather [hbm4b:s1+s3], $0x4000, $0x38;
	[tilespmem:$0x1C800] =	vst v63  }
0x7a: {  	_ =	swait.ge [sflag:s28], $0x4000  }
0x7b: {  	[sflag:s28] =	ssyncset.done $0x0  }
0x7c: {  	[sflag:s28] =	ssyncadd.s32 $0xFFFFC000  }
0x7d: {  	[spmem:s2] =	stream.indirect.scatter.add.f32 [tilespmem:s29], [sflag:$0x2], $0x80, s18, s30, $0xb8;
	[tilespmem:$0x1C800] =	vst v63  }
0x7e: {  	_ =	swait.ge [sflag:s28], $0x4000  }
0x7f: {  	s1 =	simm.s32 $0x4000;
	[sflag:s28] =	ssyncset.done $0x0  }
.LBB2_2:
0x80: {  	p0 =	sne.s32 s1, $0x24000;
	[sflag:s28] =	ssyncadd.s32 $0xFFFFC000;
	s9 =	sadd.s32 $0x80, s9  }
0x81: {  	[tilespmem:s8], [sflag:$0x2] =	stream.linear.gather [hbm4b:s9+s3], $0x400, $0x38;
	[tilespmem:$0x1C800] =	vst v63  }
0x82: {  	s4 =	smov.u32 s1;
	s1 =	sadd.s32 $0x4000, s1;
	_ =	swait.ge [sflag:s28], $0x400  }
0x83: {  	[sflag:s28] =	ssyncset.done $0x0  }
0x84: {  	s26 =	sadd.s32 s4, s25;
	[sflag:s28] =	ssyncadd.s32 $0xFFFFFC00  }
0x85: {  	[tilespmem:s29], [sflag:$0x2] =	stream.linear.gather [hbm4b:s26+s3], $0x4000, $0x38;
	[tilespmem:$0x1C800] =	vst v63  }
0x86: {  	_ =	swait.ge [sflag:s28], $0x4000  }
0x87: {  	[sflag:s28] =	ssyncset.done $0x0  }
0x88: {  	[sflag:s28] =	ssyncadd.s32 $0xFFFFC000  }
0x89: {  	[spmem:s2] =	stream.indirect.scatter.add.f32 [tilespmem:s29], [sflag:$0x2], $0x80, s8, s30, $0xb8;
	[tilespmem:$0x1C800] =	vst v63  }
0x8a: {  	_ =	swait.ge [sflag:s28], $0x4000  }
0x8b: {  	[sflag:s28] =	ssyncset.done $0x0  }
0x8c: {  	s4 =	sadd.s32 $0x800, s26;
	[sflag:s28] =	ssyncadd.s32 $0xFFFFC000  }
0x8d: {  	[tilespmem:s29], [sflag:$0x2] =	stream.linear.gather [hbm4b:s4+s3], $0x4000, $0x38;
	[tilespmem:$0x1C800] =	vst v63  }
0x8e: {  	_ =	swait.ge [sflag:s28], $0x4000  }
0x8f: {  	[sflag:s28] =	ssyncset.done $0x0  }
0x90: {  	[sflag:s28] =	ssyncadd.s32 $0xFFFFC000  }
0x91: {  	[spmem:s2] =	stream.indirect.scatter.add.f32 [tilespmem:s29], [sflag:$0x2], $0x80, s24, s30, $0xb8;
	[tilespmem:$0x1C800] =	vst v63  }
0x92: {  	_ =	swait.ge [sflag:s28], $0x4000  }
0x93: {  	[sflag:s28] =	ssyncset.done $0x0  }
0x94: {  	s4 =	sadd.s32 $0x1000, s26;
	[sflag:s28] =	ssyncadd.s32 $0xFFFFC000  }
0x95: {  	[tilespmem:s29], [sflag:$0x2] =	stream.linear.gather [hbm4b:s4+s3], $0x4000, $0x38;
	[tilespmem:$0x1C800] =	vst v63  }
0x96: {  	_ =	swait.ge [sflag:s28], $0x4000  }
0x97: {  	[sflag:s28] =	ssyncset.done $0x0  }
0x98: {  	[sflag:s28] =	ssyncadd.s32 $0xFFFFC000  }
0x99: {  	[spmem:s2] =	stream.indirect.scatter.add.f32 [tilespmem:s29], [sflag:$0x2], $0x80, s10, s30, $0xb8;
	[tilespmem:$0x1C800] =	vst v63  }
0x9a: {  	_ =	swait.ge [sflag:s28], $0x4000  }
0x9b: {  	[sflag:s28] =	ssyncset.done $0x0  }
0x9c: {  	s4 =	sadd.s32 $0x1800, s26;
	[sflag:s28] =	ssyncadd.s32 $0xFFFFC000  }
0x9d: {  	[tilespmem:s29], [sflag:$0x2] =	stream.linear.gather [hbm4b:s4+s3], $0x4000, $0x38;
	[tilespmem:$0x1C800] =	vst v63  }
0x9e: {  	_ =	swait.ge [sflag:s28], $0x4000  }
0x9f: {  	[sflag:s28] =	ssyncset.done $0x0  }
0xa0: {  	[sflag:s28] =	ssyncadd.s32 $0xFFFFC000  }
0xa1: {  	[spmem:s2] =	stream.indirect.scatter.add.f32 [tilespmem:s29], [sflag:$0x2], $0x80, s11, s30, $0xb8;
	[tilespmem:$0x1C800] =	vst v63  }
0xa2: {  	_ =	swait.ge [sflag:s28], $0x4000  }
0xa3: {  	[sflag:s28] =	ssyncset.done $0x0  }
0xa4: {  	s4 =	sadd.s32 $0x2000, s26;
	[sflag:s28] =	ssyncadd.s32 $0xFFFFC000  }
0xa5: {  	[tilespmem:s29], [sflag:$0x2] =	stream.linear.gather [hbm4b:s4+s3], $0x4000, $0x38;
	[tilespmem:$0x1C800] =	vst v63  }
0xa6: {  	_ =	swait.ge [sflag:s28], $0x4000  }
0xa7: {  	[sflag:s28] =	ssyncset.done $0x0  }
0xa8: {  	[sflag:s28] =	ssyncadd.s32 $0xFFFFC000  }
0xa9: {  	[spmem:s2] =	stream.indirect.scatter.add.f32 [tilespmem:s29], [sflag:$0x2], $0x80, s12, s30, $0xb8;
	[tilespmem:$0x1C800] =	vst v63  }
0xaa: {  	_ =	swait.ge [sflag:s28], $0x4000  }
0xab: {  	[sflag:s28] =	ssyncset.done $0x0  }
0xac: {  	s4 =	sadd.s32 $0x2800, s26;
	[sflag:s28] =	ssyncadd.s32 $0xFFFFC000  }
0xad: {  	[tilespmem:s29], [sflag:$0x2] =	stream.linear.gather [hbm4b:s4+s3], $0x4000, $0x38;
	[tilespmem:$0x1C800] =	vst v63  }
0xae: {  	_ =	swait.ge [sflag:s28], $0x4000  }
0xaf: {  	[sflag:s28] =	ssyncset.done $0x0  }
0xb0: {  	[sflag:s28] =	ssyncadd.s32 $0xFFFFC000  }
0xb1: {  	[spmem:s2] =	stream.indirect.scatter.add.f32 [tilespmem:s29], [sflag:$0x2], $0x80, s13, s30, $0xb8;
	[tilespmem:$0x1C800] =	vst v63  }
0xb2: {  	_ =	swait.ge [sflag:s28], $0x4000  }
0xb3: {  	[sflag:s28] =	ssyncset.done $0x0  }
0xb4: {  	s4 =	sadd.s32 $0x3000, s26;
	[sflag:s28] =	ssyncadd.s32 $0xFFFFC000  }
0xb5: {  	[tilespmem:s29], [sflag:$0x2] =	stream.linear.gather [hbm4b:s4+s3], $0x4000, $0x38;
	[tilespmem:$0x1C800] =	vst v63  }
0xb6: {  	_ =	swait.ge [sflag:s28], $0x4000  }
0xb7: {  	[sflag:s28] =	ssyncset.done $0x0  }
0xb8: {  	[sflag:s28] =	ssyncadd.s32 $0xFFFFC000  }
0xb9: {  	[spmem:s2] =	stream.indirect.scatter.add.f32 [tilespmem:s29], [sflag:$0x2], $0x80, s21, s30, $0xb8;
	[tilespmem:$0x1C800] =	vst v63  }
0xba: {  	_ =	swait.ge [sflag:s28], $0x4000  }
0xbb: {  	[sflag:s28] =	ssyncset.done $0x0  }
0xbc: {  	s4 =	sadd.s32 $0x3800, s26;
	[sflag:s28] =	ssyncadd.s32 $0xFFFFC000  }
0xbd: {  	[tilespmem:s29], [sflag:$0x2] =	stream.linear.gather [hbm4b:s4+s3], $0x4000, $0x38;
	[tilespmem:$0x1C800] =	vst v63  }
0xbe: {  	_ =	swait.ge [sflag:s28], $0x4000  }
.Ltmp0:
0xbf: {  	[sflag:s28] =	ssyncset.done $0x0;
	(pc) =	sbr.rel @p0 .LBB2_2-.Ltmp0, $4  }
0xc0: {  	[sflag:s28] =	ssyncadd.s32 $0xFFFFC000  }
0xc1: {  	[spmem:s2] =	stream.indirect.scatter.add.f32 [tilespmem:s29], [sflag:$0x2], $0x80, s18, s30, $0xb8;
	[tilespmem:$0x1C800] =	vst v63  }
0xc2: {  	_ =	swait.ge [sflag:s28], $0x4000  }
0xc3: {  	[sflag:s28] =	ssyncset.done $0x0  }
0xc4: {  	[sflag:s28] =	ssyncadd.s32 $0xFFFFC000  }
0xc5: {  	s6 =	simm.s32 $0x14000;
	s5 =	simm.s32 $0x1;
	[bflag:$0x0] =	sbarrier.arrive $0xFFFF  }
0xc6: {  	[tilespmem:s29], [sflag:$0x1] =	stream.indirect.gather [spmem:s2], $0x80, s6, s30, $0xb8;
	[tilespmem:$0x1C800] =	vst v63  }
0xc7: {  	_ =	swait.ge [sflag:s5], $0x4000  }
0xc8: {  	s9 =	rddreg [dreg:$0x6]  }
0xc9: {  	[sflag:s5] =	ssyncset.done $0x0;
	s1 =	rddreg [dreg:$0x7]  }
0xca: {  	[sflag:s5] =	ssyncadd.s32 $0xFFFFC000;
	s4 =	sadd.s32 s1, s9;
	s1 =	simm.s32 $0x0  }
0xcb: {  	[hbm4b:s4+s1] =	stream.linear.scatter [tilespmem:s29], [sflag:$0x2], $0x4000, $0x38;
	[tilespmem:$0x1C800] =	vst v63  }
0xcc: {  	_ =	swait.ge [sflag:s28], $0x4000  }
0xcd: {  	[sflag:s28] =	ssyncset.done $0x0  }
0xce: {  	s26 =	simm.s32 $0x14080;
	[sflag:s28] =	ssyncadd.s32 $0xFFFFC000  }
0xcf: {  	[tilespmem:s29], [sflag:$0x1] =	stream.indirect.gather [spmem:s2], $0x80, s26, s30, $0xb8;
	[tilespmem:$0x1C800] =	vst v63  }
0xd0: {  	_ =	swait.ge [sflag:s5], $0x4000  }
0xd1: {  	[sflag:s5] =	ssyncset.done $0x0;
	s31 =	rddreg [dreg:$0x8]  }
0xd2: {  	[sflag:s5] =	ssyncadd.s32 $0xFFFFC000;
	s4 =	sadd.s32 s31, s9  }
0xd3: {  	[hbm4b:s4+s1] =	stream.linear.scatter [tilespmem:s29], [sflag:$0x2], $0x4000, $0x38;
	[tilespmem:$0x1C800] =	vst v63  }
0xd4: {  	_ =	swait.ge [sflag:s28], $0x4000  }
0xd5: {  	[sflag:s28] =	ssyncset.done $0x0  }
0xd6: {  	s26 =	simm.s32 $0x14100;
	[sflag:s28] =	ssyncadd.s32 $0xFFFFC000  }
0xd7: {  	[tilespmem:s29], [sflag:$0x1] =	stream.indirect.gather [spmem:s2], $0x80, s26, s30, $0xb8;
	[tilespmem:$0x1C800] =	vst v63  }
0xd8: {  	_ =	swait.ge [sflag:s5], $0x4000  }
0xd9: {  	[sflag:s5] =	ssyncset.done $0x0;
	s23 =	rddreg [dreg:$0x9]  }
0xda: {  	[sflag:s5] =	ssyncadd.s32 $0xFFFFC000;
	s4 =	sadd.s32 s23, s9  }
0xdb: {  	[hbm4b:s4+s1] =	stream.linear.scatter [tilespmem:s29], [sflag:$0x2], $0x4000, $0x38;
	[tilespmem:$0x1C800] =	vst v63  }
0xdc: {  	_ =	swait.ge [sflag:s28], $0x4000  }
0xdd: {  	[sflag:s28] =	ssyncset.done $0x0  }
0xde: {  	s23 =	simm.s32 $0x14180;
	[sflag:s28] =	ssyncadd.s32 $0xFFFFC000  }
0xdf: {  	[tilespmem:s29], [sflag:$0x1] =	stream.indirect.gather [spmem:s2], $0x80, s23, s30, $0xb8;
	[tilespmem:$0x1C800] =	vst v63  }
0xe0: {  	_ =	swait.ge [sflag:s5], $0x4000  }
0xe1: {  	[sflag:s5] =	ssyncset.done $0x0;
	s31 =	rddreg [dreg:$0xa]  }
0xe2: {  	[sflag:s5] =	ssyncadd.s32 $0xFFFFC000;
	s4 =	sadd.s32 s31, s9  }
0xe3: {  	[hbm4b:s4+s1] =	stream.linear.scatter [tilespmem:s29], [sflag:$0x2], $0x4000, $0x38;
	[tilespmem:$0x1C800] =	vst v63  }
0xe4: {  	_ =	swait.ge [sflag:s28], $0x4000  }
0xe5: {  	[sflag:s28] =	ssyncset.done $0x0  }
0xe6: {  	s31 =	simm.s32 $0x14200;
	[sflag:s28] =	ssyncadd.s32 $0xFFFFC000  }
0xe7: {  	[tilespmem:s29], [sflag:$0x1] =	stream.indirect.gather [spmem:s2], $0x80, s31, s30, $0xb8;
	[tilespmem:$0x1C800] =	vst v63  }
0xe8: {  	_ =	swait.ge [sflag:s5], $0x4000  }
0xe9: {  	[sflag:s5] =	ssyncset.done $0x0  }
0xea: {  	[sflag:s5] =	ssyncadd.s32 $0xFFFFC000;
	s5 =	rddreg [dreg:$0xc]  }
0xeb: {  	s4 =	sadd.s32 s5, s9  }
0xec: {  	[hbm4b:s4+s1] =	stream.linear.scatter [tilespmem:s29], [sflag:$0x2], $0x4000, $0x38;
	[tilespmem:$0x1C800] =	vst v63  }
0xed: {  	_ =	swait.ge [sflag:s28], $0x4000  }
0xee: {  	[sflag:s28] =	ssyncset.done $0x0  }
0xef: {  	[sflag:s28] =	ssyncadd.s32 $0xFFFFC000  }
0xf0: {  	[bflag:$0x0] =	sbarrier.arrive $0xFFFF  }
0xf1: {  	s5 =	rddreg [dreg:$0x2]  }
0xf2: {  	[tilespmem:s29], [sflag:$0x2] =	stream.linear.gather [hbm4b:s5+s1], $0x4000, $0x38;
	[tilespmem:$0x1C800] =	vst v63  }
0xf3: {  	_ =	swait.ge [sflag:s28], $0x4000  }
0xf4: {  	[sflag:s28] =	ssyncset.done $0x0  }
0xf5: {  	[sflag:s28] =	ssyncadd.s32 $0xFFFFC000  }
0xf6: {  	[spmem:s2] =	stream.indirect.scatter [tilespmem:s29], [sflag:$0x2], $0x80, s6, s30, $0xb8;
	[tilespmem:$0x1C800] =	vst v63  }
0xf7: {  	_ =	swait.ge [sflag:s28], $0x4000  }
0xf8: {  	[sflag:s28] =	ssyncset.done $0x0  }
0xf9: {  	s9 =	simm.s32 $0x14080;
	[sflag:s28] =	ssyncadd.s32 $0xFFFFC000  }
0xfa: {  	[spmem:s2] =	stream.indirect.scatter [tilespmem:s29], [sflag:$0x2], $0x80, s9, s30, $0xb8;
	[tilespmem:$0x1C800] =	vst v63  }
0xfb: {  	_ =	swait.ge [sflag:s28], $0x4000  }
0xfc: {  	[sflag:s28] =	ssyncset.done $0x0  }
0xfd: {  	[sflag:s28] =	ssyncadd.s32 $0xFFFFC000  }
0xfe: {  	[spmem:s2] =	stream.indirect.scatter [tilespmem:s29], [sflag:$0x2], $0x80, s26, s30, $0xb8;
	[tilespmem:$0x1C800] =	vst v63  }
0xff: {  	_ =	swait.ge [sflag:s28], $0x4000  }
0x100: {  	[sflag:s28] =	ssyncset.done $0x0  }
0x101: {  	[sflag:s28] =	ssyncadd.s32 $0xFFFFC000  }
0x102: {  	[spmem:s2] =	stream.indirect.scatter [tilespmem:s29], [sflag:$0x2], $0x80, s23, s30, $0xb8;
	[tilespmem:$0x1C800] =	vst v63  }
0x103: {  	_ =	swait.ge [sflag:s28], $0x4000  }
0x104: {  	[sflag:s28] =	ssyncset.done $0x0  }
0x105: {  	[sflag:s28] =	ssyncadd.s32 $0xFFFFC000  }
0x106: {  	[spmem:s2] =	stream.indirect.scatter [tilespmem:s29], [sflag:$0x2], $0x80, s31, s30, $0xb8;
	[tilespmem:$0x1C800] =	vst v63  }
0x107: {  	_ =	swait.ge [sflag:s28], $0x4000  }
0x108: {  	[sflag:s28] =	ssyncset.done $0x0  }
0x109: {  	[sflag:s28] =	ssyncadd.s32 $0xFFFFC000  }
0x10a: {  	[bflag:$0x0] =	sbarrier.arrive $0xFFFF  }
0x10b: {  	s5 =	rddreg [dreg:$0xf]  }
0x10c: {  	s26 =	simm.s32 $0x0;
	s6 =	rddreg [dreg:$0x11]  }
.LBB2_4:
0x10d: {  	s4 =	sshll.u32 s26, $0x3  }
0x10e: {  	s4 =	sadd.s32 s7, s4  }
0x10f: {  	s9 =	sshll.u32 s4, $0x4  }
0x110: {  	s9 =	sadd.s32 s6, s9  }
0x111: {  	[tilespmem:s8], [sflag:$0x2] =	stream.linear.gather [hbm4b:s9+s1], $0x400, $0x38;
	[tilespmem:$0x1C800] =	vst v63  }
0x112: {  	_ =	swait.ge [sflag:s28], $0x400  }
0x113: {  	s9 =	sshll.u32 s4, $0xB;
	[sflag:s28] =	ssyncset.done $0x0  }
0x114: {  	s4 =	sadd.s32 s5, s9;
	[sflag:s28] =	ssyncadd.s32 $0xFFFFFC00  }
0x115: {  	[tilespmem:s0], [sflag:$0x2] =	stream.linear.gather [hbm4b:s4+s1], $0x4000, $0x38;
	[tilespmem:$0x1C800] =	vst v63  }
0x116: {  	_ =	swait.ge [sflag:s28], $0x4000  }
0x117: {  	[sflag:s28] =	ssyncset.done $0x0  }
0x118: {  	s23 =	simm.s32 $0x0;
	[sflag:s28] =	ssyncadd.s32 $0xFFFFC000  }
0x119: {  	s4 =	simm.s32 $0x200;
	v0 =	vld [tilespmem:s23+$0x18800]  }
.LBB2_5:
0x11a: {  	p0 =	sne.s32 s4, $0xFE00  }
.Ltmp1:
0x11b: {  	_ = 	snop;
	(pc) =	sbr.rel @p0 .LBB2_5-.Ltmp1, $3  }
0x11c: {  	_ =	sdelay $0x1  }
0x11d: {  	[tilespmem:s23+$0x14800] =	vst v0;
	s23 =	sshra.s32 s4, $0x2;
	s4 =	sadd.s32 $0x200, s4  }
0x11e: {  	v0 =	vld [tilespmem:s23+$0x18800]  }
0x11f: {  	_ =	sdelay $0x3  }
0x120: {  	[tilespmem:s23+$0x14800] =	vst v0  }
0x121: {  	[spmem:s2] =	stream.indirect.scatter.add.f32 [tilespmem:s29], [sflag:$0x2], $0x80, s8, s30, $0xb8;
	[tilespmem:$0x1C800] =	vst v63  }
0x122: {  	_ =	swait.ge [sflag:s28], $0x4000  }
0x123: {  	[sflag:s28] =	ssyncset.done $0x0  }
0x124: {  	s4 =	sadd.s32 s9, s14;
	s31 =	simm.s32 $0x0;
	[sflag:s28] =	ssyncadd.s32 $0xFFFFC000  }
0x125: {  	[tilespmem:s0], [sflag:$0x2] =	stream.linear.gather [hbm4b:s4+s31], $0x4000, $0x38;
	[tilespmem:$0x1C800] =	vst v63  }
0x126: {  	_ =	swait.ge [sflag:s28], $0x4000  }
0x127: {  	[sflag:s28] =	ssyncset.done $0x0  }
0x128: {  	s23 =	simm.s32 $0x0;
	[sflag:s28] =	ssyncadd.s32 $0xFFFFC000  }
0x129: {  	s4 =	simm.s32 $0x200;
	v0 =	vld [tilespmem:s23+$0x18800]  }
.LBB2_7:
0x12a: {  	p0 =	sne.s32 s4, $0xFE00  }
.Ltmp2:
0x12b: {  	_ = 	snop;
	(pc) =	sbr.rel @p0 .LBB2_7-.Ltmp2, $3  }
0x12c: {  	_ =	sdelay $0x1  }
0x12d: {  	[tilespmem:s23+$0x14800] =	vst v0;
	s23 =	sshra.s32 s4, $0x2;
	s4 =	sadd.s32 $0x200, s4  }
0x12e: {  	v0 =	vld [tilespmem:s23+$0x18800]  }
0x12f: {  	_ =	sdelay $0x3  }
0x130: {  	[tilespmem:s23+$0x14800] =	vst v0  }
0x131: {  	[spmem:s2] =	stream.indirect.scatter.add.f32 [tilespmem:s29], [sflag:$0x2], $0x80, s24, s30, $0xb8;
	[tilespmem:$0x1C800] =	vst v63  }
0x132: {  	_ =	swait.ge [sflag:s28], $0x4000  }
0x133: {  	[sflag:s28] =	ssyncset.done $0x0  }
0x134: {  	s4 =	sadd.s32 s9, s15;
	s31 =	simm.s32 $0x0;
	[sflag:s28] =	ssyncadd.s32 $0xFFFFC000  }
0x135: {  	[tilespmem:s0], [sflag:$0x2] =	stream.linear.gather [hbm4b:s4+s31], $0x4000, $0x38;
	[tilespmem:$0x1C800] =	vst v63  }
0x136: {  	_ =	swait.ge [sflag:s28], $0x4000  }
0x137: {  	[sflag:s28] =	ssyncset.done $0x0  }
0x138: {  	s23 =	simm.s32 $0x0;
	[sflag:s28] =	ssyncadd.s32 $0xFFFFC000  }
0x139: {  	s4 =	simm.s32 $0x200;
	v0 =	vld [tilespmem:s23+$0x18800]  }
.LBB2_9:
0x13a: {  	p0 =	sne.s32 s4, $0xFE00  }
.Ltmp3:
0x13b: {  	_ = 	snop;
	(pc) =	sbr.rel @p0 .LBB2_9-.Ltmp3, $3  }
0x13c: {  	_ =	sdelay $0x1  }
0x13d: {  	[tilespmem:s23+$0x14800] =	vst v0;
	s23 =	sshra.s32 s4, $0x2;
	s4 =	sadd.s32 $0x200, s4  }
0x13e: {  	v0 =	vld [tilespmem:s23+$0x18800]  }
0x13f: {  	_ =	sdelay $0x3  }
0x140: {  	[tilespmem:s23+$0x14800] =	vst v0  }
0x141: {  	[spmem:s2] =	stream.indirect.scatter.add.f32 [tilespmem:s29], [sflag:$0x2], $0x80, s10, s30, $0xb8;
	[tilespmem:$0x1C800] =	vst v63  }
0x142: {  	_ =	swait.ge [sflag:s28], $0x4000  }
0x143: {  	[sflag:s28] =	ssyncset.done $0x0  }
0x144: {  	s4 =	sadd.s32 s9, s16;
	s31 =	simm.s32 $0x0;
	[sflag:s28] =	ssyncadd.s32 $0xFFFFC000  }
0x145: {  	[tilespmem:s0], [sflag:$0x2] =	stream.linear.gather [hbm4b:s4+s31], $0x4000, $0x38;
	[tilespmem:$0x1C800] =	vst v63  }
0x146: {  	_ =	swait.ge [sflag:s28], $0x4000  }
0x147: {  	[sflag:s28] =	ssyncset.done $0x0  }
0x148: {  	s23 =	simm.s32 $0x0;
	[sflag:s28] =	ssyncadd.s32 $0xFFFFC000  }
0x149: {  	s4 =	simm.s32 $0x200;
	v0 =	vld [tilespmem:s23+$0x18800]  }
.LBB2_11:
0x14a: {  	p0 =	sne.s32 s4, $0xFE00  }
.Ltmp4:
0x14b: {  	_ = 	snop;
	(pc) =	sbr.rel @p0 .LBB2_11-.Ltmp4, $3  }
0x14c: {  	_ =	sdelay $0x1  }
0x14d: {  	[tilespmem:s23+$0x14800] =	vst v0;
	s23 =	sshra.s32 s4, $0x2;
	s4 =	sadd.s32 $0x200, s4  }
0x14e: {  	v0 =	vld [tilespmem:s23+$0x18800]  }
0x14f: {  	_ =	sdelay $0x3  }
0x150: {  	[tilespmem:s23+$0x14800] =	vst v0  }
0x151: {  	[spmem:s2] =	stream.indirect.scatter.add.f32 [tilespmem:s29], [sflag:$0x2], $0x80, s11, s30, $0xb8;
	[tilespmem:$0x1C800] =	vst v63  }
0x152: {  	_ =	swait.ge [sflag:s28], $0x4000  }
0x153: {  	[sflag:s28] =	ssyncset.done $0x0  }
0x154: {  	s4 =	sadd.s32 s9, s17;
	s31 =	simm.s32 $0x0;
	[sflag:s28] =	ssyncadd.s32 $0xFFFFC000  }
0x155: {  	[tilespmem:s0], [sflag:$0x2] =	stream.linear.gather [hbm4b:s4+s31], $0x4000, $0x38;
	[tilespmem:$0x1C800] =	vst v63  }
0x156: {  	_ =	swait.ge [sflag:s28], $0x4000  }
0x157: {  	[sflag:s28] =	ssyncset.done $0x0  }
0x158: {  	s23 =	simm.s32 $0x0;
	[sflag:s28] =	ssyncadd.s32 $0xFFFFC000  }
0x159: {  	s4 =	simm.s32 $0x200;
	v0 =	vld [tilespmem:s23+$0x18800]  }
.LBB2_13:
0x15a: {  	p0 =	sne.s32 s4, $0xFE00  }
.Ltmp5:
0x15b: {  	_ = 	snop;
	(pc) =	sbr.rel @p0 .LBB2_13-.Ltmp5, $3  }
0x15c: {  	_ =	sdelay $0x1  }
0x15d: {  	[tilespmem:s23+$0x14800] =	vst v0;
	s23 =	sshra.s32 s4, $0x2;
	s4 =	sadd.s32 $0x200, s4  }
0x15e: {  	v0 =	vld [tilespmem:s23+$0x18800]  }
0x15f: {  	_ =	sdelay $0x3  }
0x160: {  	[tilespmem:s23+$0x14800] =	vst v0  }
0x161: {  	[spmem:s2] =	stream.indirect.scatter.add.f32 [tilespmem:s29], [sflag:$0x2], $0x80, s12, s30, $0xb8;
	[tilespmem:$0x1C800] =	vst v63  }
0x162: {  	_ =	swait.ge [sflag:s28], $0x4000  }
0x163: {  	[sflag:s28] =	ssyncset.done $0x0  }
0x164: {  	s4 =	sadd.s32 s9, s19;
	s31 =	simm.s32 $0x0;
	[sflag:s28] =	ssyncadd.s32 $0xFFFFC000  }
0x165: {  	[tilespmem:s0], [sflag:$0x2] =	stream.linear.gather [hbm4b:s4+s31], $0x4000, $0x38;
	[tilespmem:$0x1C800] =	vst v63  }
0x166: {  	_ =	swait.ge [sflag:s28], $0x4000  }
0x167: {  	[sflag:s28] =	ssyncset.done $0x0  }
0x168: {  	s23 =	simm.s32 $0x0;
	[sflag:s28] =	ssyncadd.s32 $0xFFFFC000  }
0x169: {  	s4 =	simm.s32 $0x200;
	v0 =	vld [tilespmem:s23+$0x18800]  }
.LBB2_15:
0x16a: {  	p0 =	sne.s32 s4, $0xFE00  }
.Ltmp6:
0x16b: {  	_ = 	snop;
	(pc) =	sbr.rel @p0 .LBB2_15-.Ltmp6, $3  }
0x16c: {  	_ =	sdelay $0x1  }
0x16d: {  	[tilespmem:s23+$0x14800] =	vst v0;
	s23 =	sshra.s32 s4, $0x2;
	s4 =	sadd.s32 $0x200, s4  }
0x16e: {  	v0 =	vld [tilespmem:s23+$0x18800]  }
0x16f: {  	_ =	sdelay $0x3  }
0x170: {  	[tilespmem:s23+$0x14800] =	vst v0  }
0x171: {  	[spmem:s2] =	stream.indirect.scatter.add.f32 [tilespmem:s29], [sflag:$0x2], $0x80, s13, s30, $0xb8;
	[tilespmem:$0x1C800] =	vst v63  }
0x172: {  	_ =	swait.ge [sflag:s28], $0x4000  }
0x173: {  	[sflag:s28] =	ssyncset.done $0x0  }
0x174: {  	s4 =	sadd.s32 s9, s20;
	s31 =	simm.s32 $0x0;
	[sflag:s28] =	ssyncadd.s32 $0xFFFFC000  }
0x175: {  	[tilespmem:s0], [sflag:$0x2] =	stream.linear.gather [hbm4b:s4+s31], $0x4000, $0x38;
	[tilespmem:$0x1C800] =	vst v63  }
0x176: {  	_ =	swait.ge [sflag:s28], $0x4000  }
0x177: {  	[sflag:s28] =	ssyncset.done $0x0  }
0x178: {  	s23 =	simm.s32 $0x0;
	[sflag:s28] =	ssyncadd.s32 $0xFFFFC000  }
0x179: {  	s4 =	simm.s32 $0x200;
	v0 =	vld [tilespmem:s23+$0x18800]  }
.LBB2_17:
0x17a: {  	p0 =	sne.s32 s4, $0xFE00  }
.Ltmp7:
0x17b: {  	_ = 	snop;
	(pc) =	sbr.rel @p0 .LBB2_17-.Ltmp7, $3  }
0x17c: {  	_ =	sdelay $0x1  }
0x17d: {  	[tilespmem:s23+$0x14800] =	vst v0;
	s23 =	sshra.s32 s4, $0x2;
	s4 =	sadd.s32 $0x200, s4  }
0x17e: {  	v0 =	vld [tilespmem:s23+$0x18800]  }
0x17f: {  	_ =	sdelay $0x3  }
0x180: {  	[tilespmem:s23+$0x14800] =	vst v0  }
0x181: {  	[spmem:s2] =	stream.indirect.scatter.add.f32 [tilespmem:s29], [sflag:$0x2], $0x80, s21, s30, $0xb8;
	[tilespmem:$0x1C800] =	vst v63  }
0x182: {  	_ =	swait.ge [sflag:s28], $0x4000  }
0x183: {  	[sflag:s28] =	ssyncset.done $0x0  }
0x184: {  	s4 =	sadd.s32 s9, s22;
	s31 =	simm.s32 $0x0;
	[sflag:s28] =	ssyncadd.s32 $0xFFFFC000  }
0x185: {  	[tilespmem:s0], [sflag:$0x2] =	stream.linear.gather [hbm4b:s4+s31], $0x4000, $0x38;
	[tilespmem:$0x1C800] =	vst v63  }
0x186: {  	_ =	swait.ge [sflag:s28], $0x4000  }
0x187: {  	[sflag:s28] =	ssyncset.done $0x0  }
0x188: {  	s9 =	simm.s32 $0x0;
	[sflag:s28] =	ssyncadd.s32 $0xFFFFC000  }
0x189: {  	s4 =	simm.s32 $0x200;
	v0 =	vld [tilespmem:s9+$0x18800]  }
.LBB2_19:
0x18a: {  	p0 =	sne.s32 s4, $0xFE00  }
.Ltmp8:
0x18b: {  	_ = 	snop;
	(pc) =	sbr.rel @p0 .LBB2_19-.Ltmp8, $3  }
0x18c: {  	_ =	sdelay $0x1  }
0x18d: {  	[tilespmem:s9+$0x14800] =	vst v0;
	s9 =	sshra.s32 s4, $0x2;
	s4 =	sadd.s32 $0x200, s4  }
0x18e: {  	v0 =	vld [tilespmem:s9+$0x18800]  }
0x18f: {  	_ =	sdelay $0x1  }
0x190: {  	s26 =	sadd.s32 $0x1, s26  }
0x191: {  	p0 =	sne.s32 s26, $0xA  }
.Ltmp9:
0x192: {  	[tilespmem:s9+$0x14800] =	vst v0;
	(pc) =	sbr.rel @p0 .LBB2_4-.Ltmp9, $4  }
0x193: {  	[spmem:s2] =	stream.indirect.scatter.add.f32 [tilespmem:s29], [sflag:$0x2], $0x80, s18, s30, $0xb8;
	[tilespmem:$0x1C800] =	vst v63  }
0x194: {  	_ =	swait.ge [sflag:s28], $0x4000  }
0x195: {  	[sflag:s28] =	ssyncset.done $0x0  }
0x196: {  	[sflag:s28] =	ssyncadd.s32 $0xFFFFC000  }
0x197: {  	[bflag:$0x0] =	sbarrier.arrive $0xFFFF;
	s9 =	simm.s32 $0x14000;
	s5 =	simm.s32 $0x1  }
0x198: {  	[tilespmem:s29], [sflag:$0x1] =	stream.indirect.gather [spmem:s2], $0x80, s9, s30, $0xb8;
	[tilespmem:$0x1C800] =	vst v63  }
0x199: {  	_ =	swait.ge [sflag:s5], $0x4000  }
0x19a: {  	s1 =	rddreg [dreg:$0x7]  }
0x19b: {  	[sflag:s5] =	ssyncset.done $0x0;
	s4 =	rddreg [dreg:$0xd]  }
0x19c: {  	[sflag:s5] =	ssyncadd.s32 $0xFFFFC000;
	s1 =	sadd.s32 s1, s4  }
0x19d: {  	[hbm4b:s1+s3] =	stream.linear.scatter [tilespmem:s29], [sflag:$0x2], $0x4000, $0x38;
	[tilespmem:$0x1C800] =	vst v63  }
0x19e: {  	_ =	swait.ge [sflag:s28], $0x4000  }
0x19f: {  	[sflag:s28] =	ssyncset.done $0x0  }
0x1a0: {  	s26 =	simm.s32 $0x14080;
	[sflag:s28] =	ssyncadd.s32 $0xFFFFC000  }
0x1a1: {  	[tilespmem:s29], [sflag:$0x1] =	stream.indirect.gather [spmem:s2], $0x80, s26, s30, $0xb8;
	[tilespmem:$0x1C800] =	vst v63  }
0x1a2: {  	_ =	swait.ge [sflag:s5], $0x4000  }
0x1a3: {  	[sflag:s5] =	ssyncset.done $0x0;
	s23 =	rddreg [dreg:$0x8]  }
0x1a4: {  	[sflag:s5] =	ssyncadd.s32 $0xFFFFC000;
	s1 =	sadd.s32 s23, s4  }
0x1a5: {  	[hbm4b:s1+s3] =	stream.linear.scatter [tilespmem:s29], [sflag:$0x2], $0x4000, $0x38;
	[tilespmem:$0x1C800] =	vst v63  }
0x1a6: {  	_ =	swait.ge [sflag:s28], $0x4000  }
0x1a7: {  	[sflag:s28] =	ssyncset.done $0x0  }
0x1a8: {  	s6 =	simm.s32 $0x14100;
	[sflag:s28] =	ssyncadd.s32 $0xFFFFC000  }
0x1a9: {  	[tilespmem:s29], [sflag:$0x1] =	stream.indirect.gather [spmem:s2], $0x80, s6, s30, $0xb8;
	[tilespmem:$0x1C800] =	vst v63  }
0x1aa: {  	_ =	swait.ge [sflag:s5], $0x4000  }
0x1ab: {  	[sflag:s5] =	ssyncset.done $0x0;
	s23 =	rddreg [dreg:$0x9]  }
0x1ac: {  	[sflag:s5] =	ssyncadd.s32 $0xFFFFC000;
	s1 =	sadd.s32 s23, s4  }
0x1ad: {  	[hbm4b:s1+s3] =	stream.linear.scatter [tilespmem:s29], [sflag:$0x2], $0x4000, $0x38;
	[tilespmem:$0x1C800] =	vst v63  }
0x1ae: {  	_ =	swait.ge [sflag:s28], $0x4000  }
0x1af: {  	[sflag:s28] =	ssyncset.done $0x0  }
0x1b0: {  	s6 =	simm.s32 $0x14180;
	[sflag:s28] =	ssyncadd.s32 $0xFFFFC000  }
0x1b1: {  	[tilespmem:s29], [sflag:$0x1] =	stream.indirect.gather [spmem:s2], $0x80, s6, s30, $0xb8;
	[tilespmem:$0x1C800] =	vst v63  }
0x1b2: {  	_ =	swait.ge [sflag:s5], $0x4000  }
0x1b3: {  	[sflag:s5] =	ssyncset.done $0x0;
	s23 =	rddreg [dreg:$0xa]  }
0x1b4: {  	[sflag:s5] =	ssyncadd.s32 $0xFFFFC000;
	s1 =	sadd.s32 s23, s4  }
0x1b5: {  	[hbm4b:s1+s3] =	stream.linear.scatter [tilespmem:s29], [sflag:$0x2], $0x4000, $0x38;
	[tilespmem:$0x1C800] =	vst v63  }
0x1b6: {  	_ =	swait.ge [sflag:s28], $0x4000  }
0x1b7: {  	[sflag:s28] =	ssyncset.done $0x0  }
0x1b8: {  	s31 =	simm.s32 $0x14200;
	[sflag:s28] =	ssyncadd.s32 $0xFFFFC000  }
0x1b9: {  	[tilespmem:s29], [sflag:$0x1] =	stream.indirect.gather [spmem:s2], $0x80, s31, s30, $0xb8;
	[tilespmem:$0x1C800] =	vst v63  }
0x1ba: {  	_ =	swait.ge [sflag:s5], $0x4000  }
0x1bb: {  	[sflag:s5] =	ssyncset.done $0x0  }
0x1bc: {  	[sflag:s5] =	ssyncadd.s32 $0xFFFFC000;
	s5 =	rddreg [dreg:$0xc]  }
0x1bd: {  	s1 =	sadd.s32 s5, s4  }
0x1be: {  	[hbm4b:s1+s3] =	stream.linear.scatter [tilespmem:s29], [sflag:$0x2], $0x4000, $0x38;
	[tilespmem:$0x1C800] =	vst v63  }
0x1bf: {  	_ =	swait.ge [sflag:s28], $0x4000  }
0x1c0: {  	s6 =	rddreg [dreg:$0x10]  }
0x1c1: {  	s23 =	rddreg [dreg:$0xe];
	s5 =	sadd.s32 $0x1, s6  }
0x1c2: {  	p0 =	sne.s32 s5, s23  }
.Ltmp10:
0x1c3: {  	_ = 	snop;
	(pc) =	sbr.rel @p0 .LBB2_1-.Ltmp10, $4  }
0x1c4: {  	_ = 	snop  }
0x1c5: {  	[sflag:s28] =	ssyncset.done $0x0  }
0x1c6: {  	[sflag:s28] =	ssyncadd.s32 $0xFFFFC000  }
0x1c7: {  	s4 =	simm.s32 $0x14100;
	s6 =	rddreg [dreg:$0x2];
	s23 =	simm.s32 $0x14180  }
0x1c8: {  	_ =	sfence.sel $0x180000  }
0x1c9: {  	[bflag:$0x0] =	sbarrier.arrive $0xFFFF  }
0x1ca: {  	_ =	strace $0x9000004A  }
0x1cb: {  	s0 =	stileid.u32;
	[bflag:$0x2] =	sbarrier.arrive $0xFFFF  }
0x1cc: {  	p0 =	sne.s32 s0, $0x0;
	s0 =	rddreg [dreg:$0x4]  }
0x1cd: {  	s0 =	sadd.s32 @!p0 $0x100000, s0  }
0x1ce: {  	[sflag:s0] =	ssyncadd.tile.s32 @!p0 $0x1;
	_ =	shalt  }
.Lfunc_end2:
_tile_overlayer_lowered:
.L_overlay_start_2:
0x1cf: {  	(tag) =	ssettag $0x2  }
0x1d0: {  	s0 =	rddreg [dreg:$0x0];
	s2 =	stileid.u32  }
0x1d1: {  	s1 =	rddreg [dreg:$0x1];
	p0 =	sne.s32 s2, $0x0  }
0x1d2: {  	s3 =	rddreg [dreg:$0x2];
	[bflag:$0x3] =	sbarrier.arrive $0xFFFF;
	s2 =	simm.s32 @!p0 $0x1C02  }
0x1d3: {  	[timem:s3], [sflag:s2] =	dma.local @!p0 [hbm:s0], s1  }
0x1d4: {  	s0 =	simm.s32 @!p0 $0x2  }
0x1d5: {  	_ =	swait.ge @!p0 [sflag:s0], s1  }
0x1d6: {  	s1 =	ssub.s32 @!p0 $0x0, s1;
	[sflag:s0] =	ssyncset.done @!p0 $0x0  }
0x1d7: {  	[sflag:s0] =	ssyncadd.s32 @!p0 s1  }
0x1d8: {  	[bflag:$0x3] =	sbarrier.arrive $0xFFFF  }
0x1d9: {  	_ =	shalt  }

</sc_bundles>
